<compile_context>
chip_gen: v7x
topology: tpu7x:2x2x1
jax: 0.10.2.dev20260603
libtpu: 0.0.44.dev20260713+nightly
codegen_flags: <defaults>
</compile_context>

<pallas_src>
import functools

import jax
import jax.numpy as jnp
from jax import lax
from jax.experimental import pallas as pl
from jax.experimental.pallas import tpu as pltpu
from jax.experimental.pallas import tpu_sc as plsc

EMB = 128
NC, NS = 2, 16
NW = NC * NS
C = 128
NBUF = 5


def _fused_body(re_ref, se_ref, out_ref):
    out_ref[...] = re_ref[...][:, None, :] + se_ref[...][None, :, :]


def _make_sc_gather(n):
    assert n % (NW * C) == 0
    n_per_w = n // NW
    nch = n_per_w // C
    assert nch % NBUF == 0 and nch >= 3 * NBUF

    mesh = plsc.VectorSubcoreMesh(
        core_axis_name="c", subcore_axis_name="s",
        num_cores=NC, num_subcores=NS)

    @functools.partial(
        pl.kernel,
        out_type=jax.ShapeDtypeStruct((n, EMB), jnp.float32),
        mesh=mesh,
        scratch_types=[
            pltpu.VMEM((NBUF, C), jnp.int32),
            pltpu.VMEM((NBUF, C), jnp.int32),
            pltpu.VMEM((NBUF, C), jnp.int32),
            pltpu.VMEM((NBUF, C, EMB), jnp.float32),
            pltpu.VMEM_SHARED((75, EMB), jnp.float32),
            pltpu.SemaphoreType.DMA((NBUF,)),
            pltpu.SemaphoreType.DMA((NBUF,)),
            pltpu.SemaphoreType.DMA((NBUF,)),
        ],
    )
    def sc_gather(rank_h, suit_h, fused_h, out_h,
                  rankv, suitv, combv, rowsv, sharedv, isem, gsem, ssem):
        sid = lax.axis_index("s")
        wid = sid * NC + lax.axis_index("c")
        base = wid * n_per_w

        @pl.when(sid == 0)
        def _stage():
            pltpu.sync_copy(fused_h, sharedv)
        plsc.subcore_barrier()

        def fire_idx(ch, b):
            off = base + ch * C
            pltpu.async_copy(rank_h.at[pl.ds(off, C)], rankv.at[b], isem.at[b])
            pltpu.async_copy(suit_h.at[pl.ds(off, C)], suitv.at[b], isem.at[b])

        def do_comb(b):
            pltpu.make_async_copy(
                rank_h.at[pl.ds(base, C)], rankv.at[b], isem.at[b]).wait()
            pltpu.make_async_copy(
                suit_h.at[pl.ds(base, C)], suitv.at[b], isem.at[b]).wait()
            for t in range(C // 16):
                sl = pl.ds(t * 16, 16)
                combv[b, sl] = rankv[b, sl] * 5 + suitv[b, sl] - 1

        def fire_gather(b, wait_scatter):
            if wait_scatter:
                pltpu.make_async_copy(
                    rowsv.at[b], out_h.at[pl.ds(base, C)], ssem.at[b]).wait()
            pltpu.async_copy(sharedv.at[combv.at[b]], rowsv.at[b], gsem.at[b])

        def do_out(ch, b):
            pltpu.make_async_copy(
                sharedv.at[combv.at[b]], rowsv.at[b], gsem.at[b]).wait()
            off = base + ch * C
            pltpu.async_copy(rowsv.at[b], out_h.at[pl.ds(off, C)], ssem.at[b])

        for ch in range(NBUF):
            fire_idx(ch, ch)
        for ch in range(3):
            do_comb(ch)
        for ch in range(2):
            fire_gather(ch, False)
        for i in range(NBUF):
            do_out(i, i)
            fire_idx(i + NBUF, i)
            do_comb((i + 3) % NBUF)
            fire_gather((i + 2) % NBUF, i + 2 >= NBUF)

        @pl.loop(NBUF, nch - NBUF, step=NBUF)
        def _steady(i0):
            for k in range(NBUF):
                i = i0 + k
                do_out(i, k)
                fire_idx(i + NBUF, k)
                do_comb((k + 3) % NBUF)
                fire_gather((k + 2) % NBUF, True)

        nb = nch - NBUF
        for i in range(nb, nch):
            do_out(i, i % NBUF)
            if i + 3 < nch:
                do_comb((i + 3) % NBUF)
            if i + 2 < nch:
                fire_gather((i + 2) % NBUF, True)
        for b in range(NBUF):
            pltpu.make_async_copy(
                rowsv.at[b], out_h.at[pl.ds(base, C)], ssem.at[b]).wait()

    return sc_gather


def kernel(rank, suit, rank_emb, suit_emb):
    bb, ll = rank.shape
    n = bb * ll
    rank_f = rank.reshape(n).astype(jnp.int32)
    suit_f = suit.reshape(n).astype(jnp.int32)
    fused3 = pl.pallas_call(
        _fused_body,
        out_shape=jax.ShapeDtypeStruct((15, 5, EMB), jnp.float32),
    )(rank_emb, suit_emb)
    fused = fused3.reshape(75, EMB)
    out = _make_sc_gather(n)(rank_f, suit_f, fused)
    return out.reshape(bb, ll, EMB)

# --- scband reference (transcript-rebuilt; emitter-appended) ---
"""Pipeline reference for scband-card-embedding-43164421325510 (READ-ONLY COPY).

The authoritative reference and input builder live on the scoring server;
editing this copy changes nothing except your own understanding.
"""

import jax, jax.numpy as jnp
import numpy as np

EMB_DIM = 128
B, L = 16384, 200

def setup_inputs(seed: int = 0) -> dict:
    key = jax.random.key(seed)
    k1, k2, k3, k4 = jax.random.split(key, 4)
    rank = jax.random.randint(k1, (B, L), 0, 15, dtype=jnp.int64) if jax.config.jax_enable_x64 else jax.random.randint(k1, (B, L), 0, 15).astype(jnp.int32)
    # suit values are in [1, 5) to match the module's expectation (suit - 1 indexes a 5-row table)
    suit = jax.random.randint(k2, (B, L), 1, 5).astype(rank.dtype)
    rank_emb = jax.random.normal(k3, (15, EMB_DIM), dtype=jnp.float32)
    suit_emb = jax.random.normal(k4, (5, EMB_DIM), dtype=jnp.float32)
    return {"rank": rank, "suit": suit, "rank_emb": rank_emb, "suit_emb": suit_emb}

def reference(rank, suit, rank_emb, suit_emb):
    rank_id = rank
    suit_id = suit - 1
    r = jnp.take(rank_emb, rank_id, axis=0)
    s = jnp.take(suit_emb, suit_id, axis=0)
    return r + s

if __name__ == "__main__":
    import jax
    _d = setup_inputs()
    print(jax.jit(kernel)(*tuple(_d.values())))

</pallas_src>

<mosaic_0001>
#map = affine_map<(d0, d1) -> (0)>
#map1 = affine_map<(d0, d1) -> (0, 0)>
module attributes {stable_mosaic.version = 14 : i64} {
  func.func @sc_gather(%arg0: i32, %arg1: i32, %arg2: memref<3276800xi32, #tpu.memory_space<hbm>>, %arg3: memref<3276800xi32, #tpu.memory_space<hbm>>, %arg4: memref<75x128xf32, #tpu.memory_space<hbm>>, %arg5: memref<3276800x128xf32, #tpu.memory_space<hbm>>, %arg6: memref<5x128xi32, #tpu.memory_space<vmem>>, %arg7: memref<5x128xi32, #tpu.memory_space<vmem>>, %arg8: memref<5x128xi32, #tpu.memory_space<vmem>>, %arg9: memref<5x128x128xf32, #tpu.memory_space<vmem>>, %arg10: memref<75x128xf32, #tpu.memory_space<vmem_shared>>, %arg11: memref<5x!tpu.dma_semaphore, #tpu.memory_space<semaphore_mem>>, %arg12: memref<5x!tpu.dma_semaphore, #tpu.memory_space<semaphore_mem>>, %arg13: memref<5x!tpu.dma_semaphore, #tpu.memory_space<semaphore_mem>>) attributes {dimension_semantics = [#tpu.dimension_semantics<core_parallel>, #tpu.dimension_semantics<subcore_parallel>], iteration_bounds = array<i64: 2, 16>, scalar_prefetch = 0 : i64, scratch_operands = 8 : i64, tpu.core_type = #tpu.core_type<sc_vector_subcore>, window_params = [{transform_indices = #map}, {transform_indices = #map}, {transform_indices = #map1}, {transform_indices = #map1}]} {
    %mul3A = arith.constant 2 : i32
    %mul3A_0 = arith.muli %arg1, %mul3A : i32
    %add3A = arith.addi %mul3A_0, %arg0 : i32
    %mul3A_1 = arith.constant 102400 : i32
    %mul3A_2 = arith.muli %add3A, %mul3A_1 : i32
    %eq3A = arith.constant 0 : i32
    %eq3A_3 = arith.cmpi eq, %arg1, %eq3A : i32
    %convert_element_type3A = arith.extui %eq3A_3 : i1 to i32
    %cond3A = arith.constant 0 : i32
    %cond3A_4 = arith.cmpi ne, %convert_element_type3A, %cond3A : i32
    scf.if %cond3A_4 {
      "tpu.region"() ({
        %run_scoped3A = tpu.sem_alloc : memref<!tpu.dma_semaphore, #tpu.memory_space<semaphore_mem>>
        tpu.enqueue_dma source(%arg4 : memref<75x128xf32, #tpu.memory_space<hbm>>) target(%arg10 : memref<75x128xf32, #tpu.memory_space<vmem_shared>>) target_semaphore(%run_scoped3A : memref<!tpu.dma_semaphore, #tpu.memory_space<semaphore_mem>>)
        tpu.wait_dma2 semaphore(%run_scoped3A : memref<!tpu.dma_semaphore, #tpu.memory_space<semaphore_mem>>) src(%arg4 : memref<75x128xf32, #tpu.memory_space<hbm>>) dst(%arg10 : memref<75x128xf32, #tpu.memory_space<vmem_shared>>)
        tpu.yield
      }) : () -> ()
    } else {
    }
    %barrier3A = arith.constant 0 : index
    tpu.barrier barrier_id(%barrier3A)
    %add3A_5 = arith.constant 0 : i32
    %add3A_6 = arith.addi %mul3A_2, %add3A_5 : i32
    %dma_start3A = arith.constant 0 : i32
    %dma_start3A_7 = arith.constant 0 : i32
    %dma_start3A_8 = arith.constant 0 : i32
    %dma_start3A_9 = tpu.memref_slice %arg6[%dma_start3A, %dma_start3A_8] : memref<5x128xi32, #tpu.memory_space<vmem>> -> memref<1x128xi32, #tpu.memory_space<vmem>>
    %dma_start3A_10 = tpu.memref_squeeze %dma_start3A_9 : memref<1x128xi32, #tpu.memory_space<vmem>> -> memref<128xi32, #tpu.memory_space<vmem>>
    %dma_start3A_11 = tpu.memref_slice %arg2[%add3A_6] : memref<3276800xi32, #tpu.memory_space<hbm>> -> memref<128xi32, #tpu.memory_space<hbm>>
    %dma_start3A_12 = tpu.memref_slice %arg11[%dma_start3A_7] : memref<5x!tpu.dma_semaphore, #tpu.memory_space<semaphore_mem>> -> memref<1x!tpu.dma_semaphore, #tpu.memory_space<semaphore_mem>>
    %dma_start3A_13 = tpu.memref_squeeze %dma_start3A_12 : memref<1x!tpu.dma_semaphore, #tpu.memory_space<semaphore_mem>> -> memref<!tpu.dma_semaphore, #tpu.memory_space<semaphore_mem>>
    %dma_start3A_14 = arith.constant 0 : i32
    %dma_start3A_15 = tpu.memref_slice %arg6[%dma_start3A, %dma_start3A_14] : memref<5x128xi32, #tpu.memory_space<vmem>> -> memref<1x128xi32, #tpu.memory_space<vmem>>
    %dma_start3A_16 = tpu.memref_squeeze %dma_start3A_15 : memref<1x128xi32, #tpu.memory_space<vmem>> -> memref<128xi32, #tpu.memory_space<vmem>>
    %dma_start3A_17 = tpu.memref_slice %arg2[%add3A_6] : memref<3276800xi32, #tpu.memory_space<hbm>> -> memref<128xi32, #tpu.memory_space<hbm>>
    tpu.enqueue_dma source(%dma_start3A_17 : memref<128xi32, #tpu.memory_space<hbm>>) target(%dma_start3A_16 : memref<128xi32, #tpu.memory_space<vmem>>) target_semaphore(%dma_start3A_13 : memref<!tpu.dma_semaphore, #tpu.memory_space<semaphore_mem>>)
    %dma_start3A_18 = arith.constant 0 : i32
    %dma_start3A_19 = arith.constant 0 : i32
    %dma_start3A_20 = arith.constant 0 : i32
    %dma_start3A_21 = tpu.memref_slice %arg7[%dma_start3A_18, %dma_start3A_20] : memref<5x128xi32, #tpu.memory_space<vmem>> -> memref<1x128xi32, #tpu.memory_space<vmem>>
    %dma_start3A_22 = tpu.memref_squeeze %dma_start3A_21 : memref<1x128xi32, #tpu.memory_space<vmem>> -> memref<128xi32, #tpu.memory_space<vmem>>
    %dma_start3A_23 = tpu.memref_slice %arg3[%add3A_6] : memref<3276800xi32, #tpu.memory_space<hbm>> -> memref<128xi32, #tpu.memory_space<hbm>>
    %dma_start3A_24 = tpu.memref_slice %arg11[%dma_start3A_19] : memref<5x!tpu.dma_semaphore, #tpu.memory_space<semaphore_mem>> -> memref<1x!tpu.dma_semaphore, #tpu.memory_space<semaphore_mem>>
    %dma_start3A_25 = tpu.memref_squeeze %dma_start3A_24 : memref<1x!tpu.dma_semaphore, #tpu.memory_space<semaphore_mem>> -> memref<!tpu.dma_semaphore, #tpu.memory_space<semaphore_mem>>
    %dma_start3A_26 = arith.constant 0 : i32
    %dma_start3A_27 = tpu.memref_slice %arg7[%dma_start3A_18, %dma_start3A_26] : memref<5x128xi32, #tpu.memory_space<vmem>> -> memref<1x128xi32, #tpu.memory_space<vmem>>
    %dma_start3A_28 = tpu.memref_squeeze %dma_start3A_27 : memref<1x128xi32, #tpu.memory_space<vmem>> -> memref<128xi32, #tpu.memory_space<vmem>>
    %dma_start3A_29 = tpu.memref_slice %arg3[%add3A_6] : memref<3276800xi32, #tpu.memory_space<hbm>> -> memref<128xi32, #tpu.memory_space<hbm>>
    tpu.enqueue_dma source(%dma_start3A_29 : memref<128xi32, #tpu.memory_space<hbm>>) target(%dma_start3A_28 : memref<128xi32, #tpu.memory_space<vmem>>) target_semaphore(%dma_start3A_25 : memref<!tpu.dma_semaphore, #tpu.memory_space<semaphore_mem>>)
    %add3A_30 = arith.constant 128 : i32
    %add3A_31 = arith.addi %mul3A_2, %add3A_30 : i32
    %dma_start3A_32 = arith.constant 1 : i32
    %dma_start3A_33 = arith.constant 1 : i32
    %dma_start3A_34 = arith.constant 0 : i32
    %dma_start3A_35 = tpu.memref_slice %arg6[%dma_start3A_32, %dma_start3A_34] : memref<5x128xi32, #tpu.memory_space<vmem>> -> memref<1x128xi32, #tpu.memory_space<vmem>>
    %dma_start3A_36 = tpu.memref_squeeze %dma_start3A_35 : memref<1x128xi32, #tpu.memory_space<vmem>> -> memref<128xi32, #tpu.memory_space<vmem>>
    %dma_start3A_37 = tpu.memref_slice %arg2[%add3A_31] : memref<3276800xi32, #tpu.memory_space<hbm>> -> memref<128xi32, #tpu.memory_space<hbm>>
    %dma_start3A_38 = tpu.memref_slice %arg11[%dma_start3A_33] : memref<5x!tpu.dma_semaphore, #tpu.memory_space<semaphore_mem>> -> memref<1x!tpu.dma_semaphore, #tpu.memory_space<semaphore_mem>>
    %dma_start3A_39 = tpu.memref_squeeze %dma_start3A_38 : memref<1x!tpu.dma_semaphore, #tpu.memory_space<semaphore_mem>> -> memref<!tpu.dma_semaphore, #tpu.memory_space<semaphore_mem>>
    %dma_start3A_40 = arith.constant 0 : i32
    %dma_start3A_41 = tpu.memref_slice %arg6[%dma_start3A_32, %dma_start3A_40] : memref<5x128xi32, #tpu.memory_space<vmem>> -> memref<1x128xi32, #tpu.memory_space<vmem>>
    %dma_start3A_42 = tpu.memref_squeeze %dma_start3A_41 : memref<1x128xi32, #tpu.memory_space<vmem>> -> memref<128xi32, #tpu.memory_space<vmem>>
    %dma_start3A_43 = tpu.memref_slice %arg2[%add3A_31] : memref<3276800xi32, #tpu.memory_space<hbm>> -> memref<128xi32, #tpu.memory_space<hbm>>
    tpu.enqueue_dma source(%dma_start3A_43 : memref<128xi32, #tpu.memory_space<hbm>>) target(%dma_start3A_42 : memref<128xi32, #tpu.memory_space<vmem>>) target_semaphore(%dma_start3A_39 : memref<!tpu.dma_semaphore, #tpu.memory_space<semaphore_mem>>)
    %dma_start3A_44 = arith.constant 1 : i32
    %dma_start3A_45 = arith.constant 1 : i32
    %dma_start3A_46 = arith.constant 0 : i32
    %dma_start3A_47 = tpu.memref_slice %arg7[%dma_start3A_44, %dma_start3A_46] : memref<5x128xi32, #tpu.memory_space<vmem>> -> memref<1x128xi32, #tpu.memory_space<vmem>>
    %dma_start3A_48 = tpu.memref_squeeze %dma_start3A_47 : memref<1x128xi32, #tpu.memory_space<vmem>> -> memref<128xi32, #tpu.memory_space<vmem>>
    %dma_start3A_49 = tpu.memref_slice %arg3[%add3A_31] : memref<3276800xi32, #tpu.memory_space<hbm>> -> memref<128xi32, #tpu.memory_space<hbm>>
    %dma_start3A_50 = tpu.memref_slice %arg11[%dma_start3A_45] : memref<5x!tpu.dma_semaphore, #tpu.memory_space<semaphore_mem>> -> memref<1x!tpu.dma_semaphore, #tpu.memory_space<semaphore_mem>>
    %dma_start3A_51 = tpu.memref_squeeze %dma_start3A_50 : memref<1x!tpu.dma_semaphore, #tpu.memory_space<semaphore_mem>> -> memref<!tpu.dma_semaphore, #tpu.memory_space<semaphore_mem>>
    %dma_start3A_52 = arith.constant 0 : i32
    %dma_start3A_53 = tpu.memref_slice %arg7[%dma_start3A_44, %dma_start3A_52] : memref<5x128xi32, #tpu.memory_space<vmem>> -> memref<1x128xi32, #tpu.memory_space<vmem>>
    %dma_start3A_54 = tpu.memref_squeeze %dma_start3A_53 : memref<1x128xi32, #tpu.memory_space<vmem>> -> memref<128xi32, #tpu.memory_space<vmem>>
    %dma_start3A_55 = tpu.memref_slice %arg3[%add3A_31] : memref<3276800xi32, #tpu.memory_space<hbm>> -> memref<128xi32, #tpu.memory_space<hbm>>
    tpu.enqueue_dma source(%dma_start3A_55 : memref<128xi32, #tpu.memory_space<hbm>>) target(%dma_start3A_54 : memref<128xi32, #tpu.memory_space<vmem>>) target_semaphore(%dma_start3A_51 : memref<!tpu.dma_semaphore, #tpu.memory_space<semaphore_mem>>)
    %add3A_56 = arith.constant 256 : i32
    %add3A_57 = arith.addi %mul3A_2, %add3A_56 : i32
    %dma_start3A_58 = arith.constant 2 : i32
    %dma_start3A_59 = arith.constant 2 : i32
    %dma_start3A_60 = arith.constant 0 : i32
    %dma_start3A_61 = tpu.memref_slice %arg6[%dma_start3A_58, %dma_start3A_60] : memref<5x128xi32, #tpu.memory_space<vmem>> -> memref<1x128xi32, #tpu.memory_space<vmem>>
    %dma_start3A_62 = tpu.memref_squeeze %dma_start3A_61 : memref<1x128xi32, #tpu.memory_space<vmem>> -> memref<128xi32, #tpu.memory_space<vmem>>
    %dma_start3A_63 = tpu.memref_slice %arg2[%add3A_57] : memref<3276800xi32, #tpu.memory_space<hbm>> -> memref<128xi32, #tpu.memory_space<hbm>>
    %dma_start3A_64 = tpu.memref_slice %arg11[%dma_start3A_59] : memref<5x!tpu.dma_semaphore, #tpu.memory_space<semaphore_mem>> -> memref<1x!tpu.dma_semaphore, #tpu.memory_space<semaphore_mem>>
    %dma_start3A_65 = tpu.memref_squeeze %dma_start3A_64 : memref<1x!tpu.dma_semaphore, #tpu.memory_space<semaphore_mem>> -> memref<!tpu.dma_semaphore, #tpu.memory_space<semaphore_mem>>
    %dma_start3A_66 = arith.constant 0 : i32
    %dma_start3A_67 = tpu.memref_slice %arg6[%dma_start3A_58, %dma_start3A_66] : memref<5x128xi32, #tpu.memory_space<vmem>> -> memref<1x128xi32, #tpu.memory_space<vmem>>
    %dma_start3A_68 = tpu.memref_squeeze %dma_start3A_67 : memref<1x128xi32, #tpu.memory_space<vmem>> -> memref<128xi32, #tpu.memory_space<vmem>>
    %dma_start3A_69 = tpu.memref_slice %arg2[%add3A_57] : memref<3276800xi32, #tpu.memory_space<hbm>> -> memref<128xi32, #tpu.memory_space<hbm>>
    tpu.enqueue_dma source(%dma_start3A_69 : memref<128xi32, #tpu.memory_space<hbm>>) target(%dma_start3A_68 : memref<128xi32, #tpu.memory_space<vmem>>) target_semaphore(%dma_start3A_65 : memref<!tpu.dma_semaphore, #tpu.memory_space<semaphore_mem>>)
    %dma_start3A_70 = arith.constant 2 : i32
    %dma_start3A_71 = arith.constant 2 : i32
    %dma_start3A_72 = arith.constant 0 : i32
    %dma_start3A_73 = tpu.memref_slice %arg7[%dma_start3A_70, %dma_start3A_72] : memref<5x128xi32, #tpu.memory_space<vmem>> -> memref<1x128xi32, #tpu.memory_space<vmem>>
    %dma_start3A_74 = tpu.memref_squeeze %dma_start3A_73 : memref<1x128xi32, #tpu.memory_space<vmem>> -> memref<128xi32, #tpu.memory_space<vmem>>
    %dma_start3A_75 = tpu.memref_slice %arg3[%add3A_57] : memref<3276800xi32, #tpu.memory_space<hbm>> -> memref<128xi32, #tpu.memory_space<hbm>>
    %dma_start3A_76 = tpu.memref_slice %arg11[%dma_start3A_71] : memref<5x!tpu.dma_semaphore, #tpu.memory_space<semaphore_mem>> -> memref<1x!tpu.dma_semaphore, #tpu.memory_space<semaphore_mem>>
    %dma_start3A_77 = tpu.memref_squeeze %dma_start3A_76 : memref<1x!tpu.dma_semaphore, #tpu.memory_space<semaphore_mem>> -> memref<!tpu.dma_semaphore, #tpu.memory_space<semaphore_mem>>
    %dma_start3A_78 = arith.constant 0 : i32
    %dma_start3A_79 = tpu.memref_slice %arg7[%dma_start3A_70, %dma_start3A_78] : memref<5x128xi32, #tpu.memory_space<vmem>> -> memref<1x128xi32, #tpu.memory_space<vmem>>
    %dma_start3A_80 = tpu.memref_squeeze %dma_start3A_79 : memref<1x128xi32, #tpu.memory_space<vmem>> -> memref<128xi32, #tpu.memory_space<vmem>>
    %dma_start3A_81 = tpu.memref_slice %arg3[%add3A_57] : memref<3276800xi32, #tpu.memory_space<hbm>> -> memref<128xi32, #tpu.memory_space<hbm>>
    tpu.enqueue_dma source(%dma_start3A_81 : memref<128xi32, #tpu.memory_space<hbm>>) target(%dma_start3A_80 : memref<128xi32, #tpu.memory_space<vmem>>) target_semaphore(%dma_start3A_77 : memref<!tpu.dma_semaphore, #tpu.memory_space<semaphore_mem>>)
    %add3A_82 = arith.constant 384 : i32
    %add3A_83 = arith.addi %mul3A_2, %add3A_82 : i32
    %dma_start3A_84 = arith.constant 3 : i32
    %dma_start3A_85 = arith.constant 3 : i32
    %dma_start3A_86 = arith.constant 0 : i32
    %dma_start3A_87 = tpu.memref_slice %arg6[%dma_start3A_84, %dma_start3A_86] : memref<5x128xi32, #tpu.memory_space<vmem>> -> memref<1x128xi32, #tpu.memory_space<vmem>>
    %dma_start3A_88 = tpu.memref_squeeze %dma_start3A_87 : memref<1x128xi32, #tpu.memory_space<vmem>> -> memref<128xi32, #tpu.memory_space<vmem>>
    %dma_start3A_89 = tpu.memref_slice %arg2[%add3A_83] : memref<3276800xi32, #tpu.memory_space<hbm>> -> memref<128xi32, #tpu.memory_space<hbm>>
    %dma_start3A_90 = tpu.memref_slice %arg11[%dma_start3A_85] : memref<5x!tpu.dma_semaphore, #tpu.memory_space<semaphore_mem>> -> memref<1x!tpu.dma_semaphore, #tpu.memory_space<semaphore_mem>>
    %dma_start3A_91 = tpu.memref_squeeze %dma_start3A_90 : memref<1x!tpu.dma_semaphore, #tpu.memory_space<semaphore_mem>> -> memref<!tpu.dma_semaphore, #tpu.memory_space<semaphore_mem>>
    %dma_start3A_92 = arith.constant 0 : i32
    %dma_start3A_93 = tpu.memref_slice %arg6[%dma_start3A_84, %dma_start3A_92] : memref<5x128xi32, #tpu.memory_space<vmem>> -> memref<1x128xi32, #tpu.memory_space<vmem>>
    %dma_start3A_94 = tpu.memref_squeeze %dma_start3A_93 : memref<1x128xi32, #tpu.memory_space<vmem>> -> memref<128xi32, #tpu.memory_space<vmem>>
    %dma_start3A_95 = tpu.memref_slice %arg2[%add3A_83] : memref<3276800xi32, #tpu.memory_space<hbm>> -> memref<128xi32, #tpu.memory_space<hbm>>
    tpu.enqueue_dma source(%dma_start3A_95 : memref<128xi32, #tpu.memory_space<hbm>>) target(%dma_start3A_94 : memref<128xi32, #tpu.memory_space<vmem>>) target_semaphore(%dma_start3A_91 : memref<!tpu.dma_semaphore, #tpu.memory_space<semaphore_mem>>)
    %dma_start3A_96 = arith.constant 3 : i32
    %dma_start3A_97 = arith.constant 3 : i32
    %dma_start3A_98 = arith.constant 0 : i32
    %dma_start3A_99 = tpu.memref_slice %arg7[%dma_start3A_96, %dma_start3A_98] : memref<5x128xi32, #tpu.memory_space<vmem>> -> memref<1x128xi32, #tpu.memory_space<vmem>>
    %dma_start3A_100 = tpu.memref_squeeze %dma_start3A_99 : memref<1x128xi32, #tpu.memory_space<vmem>> -> memref<128xi32, #tpu.memory_space<vmem>>
    %dma_start3A_101 = tpu.memref_slice %arg3[%add3A_83] : memref<3276800xi32, #tpu.memory_space<hbm>> -> memref<128xi32, #tpu.memory_space<hbm>>
    %dma_start3A_102 = tpu.memref_slice %arg11[%dma_start3A_97] : memref<5x!tpu.dma_semaphore, #tpu.memory_space<semaphore_mem>> -> memref<1x!tpu.dma_semaphore, #tpu.memory_space<semaphore_mem>>
    %dma_start3A_103 = tpu.memref_squeeze %dma_start3A_102 : memref<1x!tpu.dma_semaphore, #tpu.memory_space<semaphore_mem>> -> memref<!tpu.dma_semaphore, #tpu.memory_space<semaphore_mem>>
    %dma_start3A_104 = arith.constant 0 : i32
    %dma_start3A_105 = tpu.memref_slice %arg7[%dma_start3A_96, %dma_start3A_104] : memref<5x128xi32, #tpu.memory_space<vmem>> -> memref<1x128xi32, #tpu.memory_space<vmem>>
    %dma_start3A_106 = tpu.memref_squeeze %dma_start3A_105 : memref<1x128xi32, #tpu.memory_space<vmem>> -> memref<128xi32, #tpu.memory_space<vmem>>
    %dma_start3A_107 = tpu.memref_slice %arg3[%add3A_83] : memref<3276800xi32, #tpu.memory_space<hbm>> -> memref<128xi32, #tpu.memory_space<hbm>>
    tpu.enqueue_dma source(%dma_start3A_107 : memref<128xi32, #tpu.memory_space<hbm>>) target(%dma_start3A_106 : memref<128xi32, #tpu.memory_space<vmem>>) target_semaphore(%dma_start3A_103 : memref<!tpu.dma_semaphore, #tpu.memory_space<semaphore_mem>>)
    %add3A_108 = arith.constant 512 : i32
    %add3A_109 = arith.addi %mul3A_2, %add3A_108 : i32
    %dma_start3A_110 = arith.constant 4 : i32
    %dma_start3A_111 = arith.constant 4 : i32
    %dma_start3A_112 = arith.constant 0 : i32
    %dma_start3A_113 = tpu.memref_slice %arg6[%dma_start3A_110, %dma_start3A_112] : memref<5x128xi32, #tpu.memory_space<vmem>> -> memref<1x128xi32, #tpu.memory_space<vmem>>
    %dma_start3A_114 = tpu.memref_squeeze %dma_start3A_113 : memref<1x128xi32, #tpu.memory_space<vmem>> -> memref<128xi32, #tpu.memory_space<vmem>>
    %dma_start3A_115 = tpu.memref_slice %arg2[%add3A_109] : memref<3276800xi32, #tpu.memory_space<hbm>> -> memref<128xi32, #tpu.memory_space<hbm>>
    %dma_start3A_116 = tpu.memref_slice %arg11[%dma_start3A_111] : memref<5x!tpu.dma_semaphore, #tpu.memory_space<semaphore_mem>> -> memref<1x!tpu.dma_semaphore, #tpu.memory_space<semaphore_mem>>
    %dma_start3A_117 = tpu.memref_squeeze %dma_start3A_116 : memref<1x!tpu.dma_semaphore, #tpu.memory_space<semaphore_mem>> -> memref<!tpu.dma_semaphore, #tpu.memory_space<semaphore_mem>>
    %dma_start3A_118 = arith.constant 0 : i32
    %dma_start3A_119 = tpu.memref_slice %arg6[%dma_start3A_110, %dma_start3A_118] : memref<5x128xi32, #tpu.memory_space<vmem>> -> memref<1x128xi32, #tpu.memory_space<vmem>>
    %dma_start3A_120 = tpu.memref_squeeze %dma_start3A_119 : memref<1x128xi32, #tpu.memory_space<vmem>> -> memref<128xi32, #tpu.memory_space<vmem>>
    %dma_start3A_121 = tpu.memref_slice %arg2[%add3A_109] : memref<3276800xi32, #tpu.memory_space<hbm>> -> memref<128xi32, #tpu.memory_space<hbm>>
    tpu.enqueue_dma source(%dma_start3A_121 : memref<128xi32, #tpu.memory_space<hbm>>) target(%dma_start3A_120 : memref<128xi32, #tpu.memory_space<vmem>>) target_semaphore(%dma_start3A_117 : memref<!tpu.dma_semaphore, #tpu.memory_space<semaphore_mem>>)
    %dma_start3A_122 = arith.constant 4 : i32
    %dma_start3A_123 = arith.constant 4 : i32
    %dma_start3A_124 = arith.constant 0 : i32
    %dma_start3A_125 = tpu.memref_slice %arg7[%dma_start3A_122, %dma_start3A_124] : memref<5x128xi32, #tpu.memory_space<vmem>> -> memref<1x128xi32, #tpu.memory_space<vmem>>
    %dma_start3A_126 = tpu.memref_squeeze %dma_start3A_125 : memref<1x128xi32, #tpu.memory_space<vmem>> -> memref<128xi32, #tpu.memory_space<vmem>>
    %dma_start3A_127 = tpu.memref_slice %arg3[%add3A_109] : memref<3276800xi32, #tpu.memory_space<hbm>> -> memref<128xi32, #tpu.memory_space<hbm>>
    %dma_start3A_128 = tpu.memref_slice %arg11[%dma_start3A_123] : memref<5x!tpu.dma_semaphore, #tpu.memory_space<semaphore_mem>> -> memref<1x!tpu.dma_semaphore, #tpu.memory_space<semaphore_mem>>
    %dma_start3A_129 = tpu.memref_squeeze %dma_start3A_128 : memref<1x!tpu.dma_semaphore, #tpu.memory_space<semaphore_mem>> -> memref<!tpu.dma_semaphore, #tpu.memory_space<semaphore_mem>>
    %dma_start3A_130 = arith.constant 0 : i32
    %dma_start3A_131 = tpu.memref_slice %arg7[%dma_start3A_122, %dma_start3A_130] : memref<5x128xi32, #tpu.memory_space<vmem>> -> memref<1x128xi32, #tpu.memory_space<vmem>>
    %dma_start3A_132 = tpu.memref_squeeze %dma_start3A_131 : memref<1x128xi32, #tpu.memory_space<vmem>> -> memref<128xi32, #tpu.memory_space<vmem>>
    %dma_start3A_133 = tpu.memref_slice %arg3[%add3A_109] : memref<3276800xi32, #tpu.memory_space<hbm>> -> memref<128xi32, #tpu.memory_space<hbm>>
    tpu.enqueue_dma source(%dma_start3A_133 : memref<128xi32, #tpu.memory_space<hbm>>) target(%dma_start3A_132 : memref<128xi32, #tpu.memory_space<vmem>>) target_semaphore(%dma_start3A_129 : memref<!tpu.dma_semaphore, #tpu.memory_space<semaphore_mem>>)
    %dma_wait3A = arith.constant 0 : i32
    %dma_wait3A_134 = arith.constant 0 : i32
    %dma_wait3A_135 = arith.constant 0 : i32
    %dma_wait3A_136 = tpu.memref_slice %arg6[%dma_wait3A, %dma_wait3A_135] : memref<5x128xi32, #tpu.memory_space<vmem>> -> memref<1x128xi32, #tpu.memory_space<vmem>>
    %dma_wait3A_137 = tpu.memref_squeeze %dma_wait3A_136 : memref<1x128xi32, #tpu.memory_space<vmem>> -> memref<128xi32, #tpu.memory_space<vmem>>
    %dma_wait3A_138 = tpu.memref_slice %arg2[%mul3A_2] : memref<3276800xi32, #tpu.memory_space<hbm>> -> memref<128xi32, #tpu.memory_space<hbm>>
    %dma_wait3A_139 = tpu.memref_slice %arg11[%dma_wait3A_134] : memref<5x!tpu.dma_semaphore, #tpu.memory_space<semaphore_mem>> -> memref<1x!tpu.dma_semaphore, #tpu.memory_space<semaphore_mem>>
    %dma_wait3A_140 = tpu.memref_squeeze %dma_wait3A_139 : memref<1x!tpu.dma_semaphore, #tpu.memory_space<semaphore_mem>> -> memref<!tpu.dma_semaphore, #tpu.memory_space<semaphore_mem>>
    %dma_wait3A_141 = arith.constant 0 : i32
    %dma_wait3A_142 = tpu.memref_slice %arg6[%dma_wait3A, %dma_wait3A_141] : memref<5x128xi32, #tpu.memory_space<vmem>> -> memref<1x128xi32, #tpu.memory_space<vmem>>
    %dma_wait3A_143 = tpu.memref_squeeze %dma_wait3A_142 : memref<1x128xi32, #tpu.memory_space<vmem>> -> memref<128xi32, #tpu.memory_space<vmem>>
    %dma_wait3A_144 = tpu.memref_slice %arg2[%mul3A_2] : memref<3276800xi32, #tpu.memory_space<hbm>> -> memref<128xi32, #tpu.memory_space<hbm>>
    tpu.wait_dma2 semaphore(%dma_wait3A_140 : memref<!tpu.dma_semaphore, #tpu.memory_space<semaphore_mem>>) src(%dma_wait3A_144 : memref<128xi32, #tpu.memory_space<hbm>>) dst(%dma_wait3A_143 : memref<128xi32, #tpu.memory_space<vmem>>)
    %dma_wait3A_145 = arith.constant 0 : i32
    %dma_wait3A_146 = arith.constant 0 : i32
    %dma_wait3A_147 = arith.constant 0 : i32
    %dma_wait3A_148 = tpu.memref_slice %arg7[%dma_wait3A_145, %dma_wait3A_147] : memref<5x128xi32, #tpu.memory_space<vmem>> -> memref<1x128xi32, #tpu.memory_space<vmem>>
    %dma_wait3A_149 = tpu.memref_squeeze %dma_wait3A_148 : memref<1x128xi32, #tpu.memory_space<vmem>> -> memref<128xi32, #tpu.memory_space<vmem>>
    %dma_wait3A_150 = tpu.memref_slice %arg3[%mul3A_2] : memref<3276800xi32, #tpu.memory_space<hbm>> -> memref<128xi32, #tpu.memory_space<hbm>>
    %dma_wait3A_151 = tpu.memref_slice %arg11[%dma_wait3A_146] : memref<5x!tpu.dma_semaphore, #tpu.memory_space<semaphore_mem>> -> memref<1x!tpu.dma_semaphore, #tpu.memory_space<semaphore_mem>>
    %dma_wait3A_152 = tpu.memref_squeeze %dma_wait3A_151 : memref<1x!tpu.dma_semaphore, #tpu.memory_space<semaphore_mem>> -> memref<!tpu.dma_semaphore, #tpu.memory_space<semaphore_mem>>
    %dma_wait3A_153 = arith.constant 0 : i32
    %dma_wait3A_154 = tpu.memref_slice %arg7[%dma_wait3A_145, %dma_wait3A_153] : memref<5x128xi32, #tpu.memory_space<vmem>> -> memref<1x128xi32, #tpu.memory_space<vmem>>
    %dma_wait3A_155 = tpu.memref_squeeze %dma_wait3A_154 : memref<1x128xi32, #tpu.memory_space<vmem>> -> memref<128xi32, #tpu.memory_space<vmem>>
    %dma_wait3A_156 = tpu.memref_slice %arg3[%mul3A_2] : memref<3276800xi32, #tpu.memory_space<hbm>> -> memref<128xi32, #tpu.memory_space<hbm>>
    tpu.wait_dma2 semaphore(%dma_wait3A_152 : memref<!tpu.dma_semaphore, #tpu.memory_space<semaphore_mem>>) src(%dma_wait3A_156 : memref<128xi32, #tpu.memory_space<hbm>>) dst(%dma_wait3A_155 : memref<128xi32, #tpu.memory_space<vmem>>)
    %get3A = arith.constant 0 : i32
    %get3A_157 = arith.index_cast %get3A : i32 to index
    %get3A_158 = arith.constant 0 : index
    %get3A_159 = tpu.vector_load %arg6[%get3A_157, %get3A_158] {strides = array<i32>} : memref<5x128xi32, #tpu.memory_space<vmem>>, vector<1x16xi32>,
    %get3A_160 = vector.shape_cast %get3A_159 : vector<1x16xi32> to vector<16xi32>
    %mul3A_161 = arith.constant 5 : i32
    %mul3A_162 = vector.broadcast %mul3A_161 : i32 to vector<16xi32>
    %mul3A_163 = arith.muli %get3A_160, %mul3A_162 : vector<16xi32>
    %get3A_164 = arith.constant 0 : i32
    %get3A_165 = arith.index_cast %get3A_164 : i32 to index
    %get3A_166 = arith.constant 0 : index
    %get3A_167 = tpu.vector_load %arg7[%get3A_165, %get3A_166] {strides = array<i32>} : memref<5x128xi32, #tpu.memory_space<vmem>>, vector<1x16xi32>,
    %get3A_168 = vector.shape_cast %get3A_167 : vector<1x16xi32> to vector<16xi32>
    %add3A_169 = arith.addi %mul3A_163, %get3A_168 : vector<16xi32>
    %sub3A = arith.constant 1 : i32
    %sub3A_170 = vector.broadcast %sub3A : i32 to vector<16xi32>
    %sub3A_171 = arith.subi %add3A_169, %sub3A_170 : vector<16xi32>
    %swap3A = arith.constant 0 : i32
    %swap3A_172 = arith.index_cast %swap3A : i32 to index
    %swap3A_173 = arith.constant 0 : index
    %swap3A_174 = tpu.vector_load %arg8[%swap3A_172, %swap3A_173] {strides = array<i32>} : memref<5x128xi32, #tpu.memory_space<vmem>>, vector<1x16xi32>,
    %swap3A_175 = vector.shape_cast %swap3A_174 : vector<1x16xi32> to vector<16xi32>
    %swap3A_176 = vector.shape_cast %sub3A_171 : vector<16xi32> to vector<1x16xi32>
    tpu.vector_store %arg8[%swap3A_172, %swap3A_173], %swap3A_176 {strides = array<i32>} : memref<5x128xi32, #tpu.memory_space<vmem>>, vector<1x16xi32>,
    %get3A_177 = arith.constant 0 : i32
    %get3A_178 = arith.index_cast %get3A_177 : i32 to index
    %get3A_179 = arith.constant 16 : index
    %get3A_180 = tpu.vector_load %arg6[%get3A_178, %get3A_179] {strides = array<i32>} : memref<5x128xi32, #tpu.memory_space<vmem>>, vector<1x16xi32>,
    %get3A_181 = vector.shape_cast %get3A_180 : vector<1x16xi32> to vector<16xi32>
    %mul3A_182 = arith.constant 5 : i32
    %mul3A_183 = vector.broadcast %mul3A_182 : i32 to vector<16xi32>
    %mul3A_184 = arith.muli %get3A_181, %mul3A_183 : vector<16xi32>
    %get3A_185 = arith.constant 0 : i32
    %get3A_186 = arith.index_cast %get3A_185 : i32 to index
    %get3A_187 = arith.constant 16 : index
    %get3A_188 = tpu.vector_load %arg7[%get3A_186, %get3A_187] {strides = array<i32>} : memref<5x128xi32, #tpu.memory_space<vmem>>, vector<1x16xi32>,
    %get3A_189 = vector.shape_cast %get3A_188 : vector<1x16xi32> to vector<16xi32>
    %add3A_190 = arith.addi %mul3A_184, %get3A_189 : vector<16xi32>
    %sub3A_191 = arith.constant 1 : i32
    %sub3A_192 = vector.broadcast %sub3A_191 : i32 to vector<16xi32>
    %sub3A_193 = arith.subi %add3A_190, %sub3A_192 : vector<16xi32>
    %swap3A_194 = arith.constant 0 : i32
    %swap3A_195 = arith.index_cast %swap3A_194 : i32 to index
    %swap3A_196 = arith.constant 16 : index
    %swap3A_197 = tpu.vector_load %arg8[%swap3A_195, %swap3A_196] {strides = array<i32>} : memref<5x128xi32, #tpu.memory_space<vmem>>, vector<1x16xi32>,
    %swap3A_198 = vector.shape_cast %swap3A_197 : vector<1x16xi32> to vector<16xi32>
    %swap3A_199 = vector.shape_cast %sub3A_193 : vector<16xi32> to vector<1x16xi32>
    tpu.vector_store %arg8[%swap3A_195, %swap3A_196], %swap3A_199 {strides = array<i32>} : memref<5x128xi32, #tpu.memory_space<vmem>>, vector<1x16xi32>,
    %get3A_200 = arith.constant 0 : i32
    %get3A_201 = arith.index_cast %get3A_200 : i32 to index
    %get3A_202 = arith.constant 32 : index
    %get3A_203 = tpu.vector_load %arg6[%get3A_201, %get3A_202] {strides = array<i32>} : memref<5x128xi32, #tpu.memory_space<vmem>>, vector<1x16xi32>,
    %get3A_204 = vector.shape_cast %get3A_203 : vector<1x16xi32> to vector<16xi32>
    %mul3A_205 = arith.constant 5 : i32
    %mul3A_206 = vector.broadcast %mul3A_205 : i32 to vector<16xi32>
    %mul3A_207 = arith.muli %get3A_204, %mul3A_206 : vector<16xi32>
    %get3A_208 = arith.constant 0 : i32
    %get3A_209 = arith.index_cast %get3A_208 : i32 to index
    %get3A_210 = arith.constant 32 : index
    %get3A_211 = tpu.vector_load %arg7[%get3A_209, %get3A_210] {strides = array<i32>} : memref<5x128xi32, #tpu.memory_space<vmem>>, vector<1x16xi32>,
    %get3A_212 = vector.shape_cast %get3A_211 : vector<1x16xi32> to vector<16xi32>
    %add3A_213 = arith.addi %mul3A_207, %get3A_212 : vector<16xi32>
    %sub3A_214 = arith.constant 1 : i32
    %sub3A_215 = vector.broadcast %sub3A_214 : i32 to vector<16xi32>
    %sub3A_216 = arith.subi %add3A_213, %sub3A_215 : vector<16xi32>
    %swap3A_217 = arith.constant 0 : i32
    %swap3A_218 = arith.index_cast %swap3A_217 : i32 to index
    %swap3A_219 = arith.constant 32 : index
    %swap3A_220 = tpu.vector_load %arg8[%swap3A_218, %swap3A_219] {strides = array<i32>} : memref<5x128xi32, #tpu.memory_space<vmem>>, vector<1x16xi32>,
    %swap3A_221 = vector.shape_cast %swap3A_220 : vector<1x16xi32> to vector<16xi32>
    %swap3A_222 = vector.shape_cast %sub3A_216 : vector<16xi32> to vector<1x16xi32>
    tpu.vector_store %arg8[%swap3A_218, %swap3A_219], %swap3A_222 {strides = array<i32>} : memref<5x128xi32, #tpu.memory_space<vmem>>, vector<1x16xi32>,
    %get3A_223 = arith.constant 0 : i32
    %get3A_224 = arith.index_cast %get3A_223 : i32 to index
    %get3A_225 = arith.constant 48 : index
    %get3A_226 = tpu.vector_load %arg6[%get3A_224, %get3A_225] {strides = array<i32>} : memref<5x128xi32, #tpu.memory_space<vmem>>, vector<1x16xi32>,
    %get3A_227 = vector.shape_cast %get3A_226 : vector<1x16xi32> to vector<16xi32>
    %mul3A_228 = arith.constant 5 : i32
    %mul3A_229 = vector.broadcast %mul3A_228 : i32 to vector<16xi32>
    %mul3A_230 = arith.muli %get3A_227, %mul3A_229 : vector<16xi32>
    %get3A_231 = arith.constant 0 : i32
    %get3A_232 = arith.index_cast %get3A_231 : i32 to index
    %get3A_233 = arith.constant 48 : index
    %get3A_234 = tpu.vector_load %arg7[%get3A_232, %get3A_233] {strides = array<i32>} : memref<5x128xi32, #tpu.memory_space<vmem>>, vector<1x16xi32>,
    %get3A_235 = vector.shape_cast %get3A_234 : vector<1x16xi32> to vector<16xi32>
    %add3A_236 = arith.addi %mul3A_230, %get3A_235 : vector<16xi32>
    %sub3A_237 = arith.constant 1 : i32
    %sub3A_238 = vector.broadcast %sub3A_237 : i32 to vector<16xi32>
    %sub3A_239 = arith.subi %add3A_236, %sub3A_238 : vector<16xi32>
    %swap3A_240 = arith.constant 0 : i32
    %swap3A_241 = arith.index_cast %swap3A_240 : i32 to index
    %swap3A_242 = arith.constant 48 : index
    %swap3A_243 = tpu.vector_load %arg8[%swap3A_241, %swap3A_242] {strides = array<i32>} : memref<5x128xi32, #tpu.memory_space<vmem>>, vector<1x16xi32>,
    %swap3A_244 = vector.shape_cast %swap3A_243 : vector<1x16xi32> to vector<16xi32>
    %swap3A_245 = vector.shape_cast %sub3A_239 : vector<16xi32> to vector<1x16xi32>
    tpu.vector_store %arg8[%swap3A_241, %swap3A_242], %swap3A_245 {strides = array<i32>} : memref<5x128xi32, #tpu.memory_space<vmem>>, vector<1x16xi32>,
    %get3A_246 = arith.constant 0 : i32
    %get3A_247 = arith.index_cast %get3A_246 : i32 to index
    %get3A_248 = arith.constant 64 : index
    %get3A_249 = tpu.vector_load %arg6[%get3A_247, %get3A_248] {strides = array<i32>} : memref<5x128xi32, #tpu.memory_space<vmem>>, vector<1x16xi32>,
    %get3A_250 = vector.shape_cast %get3A_249 : vector<1x16xi32> to vector<16xi32>
    %mul3A_251 = arith.constant 5 : i32
    %mul3A_252 = vector.broadcast %mul3A_251 : i32 to vector<16xi32>
    %mul3A_253 = arith.muli %get3A_250, %mul3A_252 : vector<16xi32>
    %get3A_254 = arith.constant 0 : i32
    %get3A_255 = arith.index_cast %get3A_254 : i32 to index
    %get3A_256 = arith.constant 64 : index
    %get3A_257 = tpu.vector_load %arg7[%get3A_255, %get3A_256] {strides = array<i32>} : memref<5x128xi32, #tpu.memory_space<vmem>>, vector<1x16xi32>,
    %get3A_258 = vector.shape_cast %get3A_257 : vector<1x16xi32> to vector<16xi32>
    %add3A_259 = arith.addi %mul3A_253, %get3A_258 : vector<16xi32>
    %sub3A_260 = arith.constant 1 : i32
    %sub3A_261 = vector.broadcast %sub3A_260 : i32 to vector<16xi32>
    %sub3A_262 = arith.subi %add3A_259, %sub3A_261 : vector<16xi32>
    %swap3A_263 = arith.constant 0 : i32
    %swap3A_264 = arith.index_cast %swap3A_263 : i32 to index
    %swap3A_265 = arith.constant 64 : index
    %swap3A_266 = tpu.vector_load %arg8[%swap3A_264, %swap3A_265] {strides = array<i32>} : memref<5x128xi32, #tpu.memory_space<vmem>>, vector<1x16xi32>,
    %swap3A_267 = vector.shape_cast %swap3A_266 : vector<1x16xi32> to vector<16xi32>
    %swap3A_268 = vector.shape_cast %sub3A_262 : vector<16xi32> to vector<1x16xi32>
    tpu.vector_store %arg8[%swap3A_264, %swap3A_265], %swap3A_268 {strides = array<i32>} : memref<5x128xi32, #tpu.memory_space<vmem>>, vector<1x16xi32>,
    %get3A_269 = arith.constant 0 : i32
    %get3A_270 = arith.index_cast %get3A_269 : i32 to index
    %get3A_271 = arith.constant 80 : index
    %get3A_272 = tpu.vector_load %arg6[%get3A_270, %get3A_271] {strides = array<i32>} : memref<5x128xi32, #tpu.memory_space<vmem>>, vector<1x16xi32>,
    %get3A_273 = vector.shape_cast %get3A_272 : vector<1x16xi32> to vector<16xi32>
    %mul3A_274 = arith.constant 5 : i32
    %mul3A_275 = vector.broadcast %mul3A_274 : i32 to vector<16xi32>
    %mul3A_276 = arith.muli %get3A_273, %mul3A_275 : vector<16xi32>
    %get3A_277 = arith.constant 0 : i32
    %get3A_278 = arith.index_cast %get3A_277 : i32 to index
    %get3A_279 = arith.constant 80 : index
    %get3A_280 = tpu.vector_load %arg7[%get3A_278, %get3A_279] {strides = array<i32>} : memref<5x128xi32, #tpu.memory_space<vmem>>, vector<1x16xi32>,
    %get3A_281 = vector.shape_cast %get3A_280 : vector<1x16xi32> to vector<16xi32>
    %add3A_282 = arith.addi %mul3A_276, %get3A_281 : vector<16xi32>
    %sub3A_283 = arith.constant 1 : i32
    %sub3A_284 = vector.broadcast %sub3A_283 : i32 to vector<16xi32>
    %sub3A_285 = arith.subi %add3A_282, %sub3A_284 : vector<16xi32>
    %swap3A_286 = arith.constant 0 : i32
    %swap3A_287 = arith.index_cast %swap3A_286 : i32 to index
    %swap3A_288 = arith.constant 80 : index
    %swap3A_289 = tpu.vector_load %arg8[%swap3A_287, %swap3A_288] {strides = array<i32>} : memref<5x128xi32, #tpu.memory_space<vmem>>, vector<1x16xi32>,
    %swap3A_290 = vector.shape_cast %swap3A_289 : vector<1x16xi32> to vector<16xi32>
    %swap3A_291 = vector.shape_cast %sub3A_285 : vector<16xi32> to vector<1x16xi32>
    tpu.vector_store %arg8[%swap3A_287, %swap3A_288], %swap3A_291 {strides = array<i32>} : memref<5x128xi32, #tpu.memory_space<vmem>>, vector<1x16xi32>,
    %get3A_292 = arith.constant 0 : i32
    %get3A_293 = arith.index_cast %get3A_292 : i32 to index
    %get3A_294 = arith.constant 96 : index
    %get3A_295 = tpu.vector_load %arg6[%get3A_293, %get3A_294] {strides = array<i32>} : memref<5x128xi32, #tpu.memory_space<vmem>>, vector<1x16xi32>,
    %get3A_296 = vector.shape_cast %get3A_295 : vector<1x16xi32> to vector<16xi32>
    %mul3A_297 = arith.constant 5 : i32
    %mul3A_298 = vector.broadcast %mul3A_297 : i32 to vector<16xi32>
    %mul3A_299 = arith.muli %get3A_296, %mul3A_298 : vector<16xi32>
    %get3A_300 = arith.constant 0 : i32
    %get3A_301 = arith.index_cast %get3A_300 : i32 to index
    %get3A_302 = arith.constant 96 : index
    %get3A_303 = tpu.vector_load %arg7[%get3A_301, %get3A_302] {strides = array<i32>} : memref<5x128xi32, #tpu.memory_space<vmem>>, vector<1x16xi32>,
    %get3A_304 = vector.shape_cast %get3A_303 : vector<1x16xi32> to vector<16xi32>
    %add3A_305 = arith.addi %mul3A_299, %get3A_304 : vector<16xi32>
    %sub3A_306 = arith.constant 1 : i32
    %sub3A_307 = vector.broadcast %sub3A_306 : i32 to vector<16xi32>
    %sub3A_308 = arith.subi %add3A_305, %sub3A_307 : vector<16xi32>
    %swap3A_309 = arith.constant 0 : i32
    %swap3A_310 = arith.index_cast %swap3A_309 : i32 to index
    %swap3A_311 = arith.constant 96 : index
    %swap3A_312 = tpu.vector_load %arg8[%swap3A_310, %swap3A_311] {strides = array<i32>} : memref<5x128xi32, #tpu.memory_space<vmem>>, vector<1x16xi32>,
    %swap3A_313 = vector.shape_cast %swap3A_312 : vector<1x16xi32> to vector<16xi32>
    %swap3A_314 = vector.shape_cast %sub3A_308 : vector<16xi32> to vector<1x16xi32>
    tpu.vector_store %arg8[%swap3A_310, %swap3A_311], %swap3A_314 {strides = array<i32>} : memref<5x128xi32, #tpu.memory_space<vmem>>, vector<1x16xi32>,
    %get3A_315 = arith.constant 0 : i32
    %get3A_316 = arith.index_cast %get3A_315 : i32 to index
    %get3A_317 = arith.constant 112 : index
    %get3A_318 = tpu.vector_load %arg6[%get3A_316, %get3A_317] {strides = array<i32>} : memref<5x128xi32, #tpu.memory_space<vmem>>, vector<1x16xi32>,
    %get3A_319 = vector.shape_cast %get3A_318 : vector<1x16xi32> to vector<16xi32>
    %mul3A_320 = arith.constant 5 : i32
    %mul3A_321 = vector.broadcast %mul3A_320 : i32 to vector<16xi32>
    %mul3A_322 = arith.muli %get3A_319, %mul3A_321 : vector<16xi32>
    %get3A_323 = arith.constant 0 : i32
    %get3A_324 = arith.index_cast %get3A_323 : i32 to index
    %get3A_325 = arith.constant 112 : index
    %get3A_326 = tpu.vector_load %arg7[%get3A_324, %get3A_325] {strides = array<i32>} : memref<5x128xi32, #tpu.memory_space<vmem>>, vector<1x16xi32>,
    %get3A_327 = vector.shape_cast %get3A_326 : vector<1x16xi32> to vector<16xi32>
    %add3A_328 = arith.addi %mul3A_322, %get3A_327 : vector<16xi32>
    %sub3A_329 = arith.constant 1 : i32
    %sub3A_330 = vector.broadcast %sub3A_329 : i32 to vector<16xi32>
    %sub3A_331 = arith.subi %add3A_328, %sub3A_330 : vector<16xi32>
    %swap3A_332 = arith.constant 0 : i32
    %swap3A_333 = arith.index_cast %swap3A_332 : i32 to index
    %swap3A_334 = arith.constant 112 : index
    %swap3A_335 = tpu.vector_load %arg8[%swap3A_333, %swap3A_334] {strides = array<i32>} : memref<5x128xi32, #tpu.memory_space<vmem>>, vector<1x16xi32>,
    %swap3A_336 = vector.shape_cast %swap3A_335 : vector<1x16xi32> to vector<16xi32>
    %swap3A_337 = vector.shape_cast %sub3A_331 : vector<16xi32> to vector<1x16xi32>
    tpu.vector_store %arg8[%swap3A_333, %swap3A_334], %swap3A_337 {strides = array<i32>} : memref<5x128xi32, #tpu.memory_space<vmem>>, vector<1x16xi32>,
    %dma_wait3A_338 = arith.constant 1 : i32
    %dma_wait3A_339 = arith.constant 1 : i32
    %dma_wait3A_340 = arith.constant 0 : i32
    %dma_wait3A_341 = tpu.memref_slice %arg6[%dma_wait3A_338, %dma_wait3A_340] : memref<5x128xi32, #tpu.memory_space<vmem>> -> memref<1x128xi32, #tpu.memory_space<vmem>>
    %dma_wait3A_342 = tpu.memref_squeeze %dma_wait3A_341 : memref<1x128xi32, #tpu.memory_space<vmem>> -> memref<128xi32, #tpu.memory_space<vmem>>
    %dma_wait3A_343 = tpu.memref_slice %arg2[%mul3A_2] : memref<3276800xi32, #tpu.memory_space<hbm>> -> memref<128xi32, #tpu.memory_space<hbm>>
    %dma_wait3A_344 = tpu.memref_slice %arg11[%dma_wait3A_339] : memref<5x!tpu.dma_semaphore, #tpu.memory_space<semaphore_mem>> -> memref<1x!tpu.dma_semaphore, #tpu.memory_space<semaphore_mem>>
    %dma_wait3A_345 = tpu.memref_squeeze %dma_wait3A_344 : memref<1x!tpu.dma_semaphore, #tpu.memory_space<semaphore_mem>> -> memref<!tpu.dma_semaphore, #tpu.memory_space<semaphore_mem>>
    %dma_wait3A_346 = arith.constant 0 : i32
    %dma_wait3A_347 = tpu.memref_slice %arg6[%dma_wait3A_338, %dma_wait3A_346] : memref<5x128xi32, #tpu.memory_space<vmem>> -> memref<1x128xi32, #tpu.memory_space<vmem>>
    %dma_wait3A_348 = tpu.memref_squeeze %dma_wait3A_347 : memref<1x128xi32, #tpu.memory_space<vmem>> -> memref<128xi32, #tpu.memory_space<vmem>>
    %dma_wait3A_349 = tpu.memref_slice %arg2[%mul3A_2] : memref<3276800xi32, #tpu.memory_space<hbm>> -> memref<128xi32, #tpu.memory_space<hbm>>
    tpu.wait_dma2 semaphore(%dma_wait3A_345 : memref<!tpu.dma_semaphore, #tpu.memory_space<semaphore_mem>>) src(%dma_wait3A_349 : memref<128xi32, #tpu.memory_space<hbm>>) dst(%dma_wait3A_348 : memref<128xi32, #tpu.memory_space<vmem>>)
    %dma_wait3A_350 = arith.constant 1 : i32
    %dma_wait3A_351 = arith.constant 1 : i32
    %dma_wait3A_352 = arith.constant 0 : i32
    %dma_wait3A_353 = tpu.memref_slice %arg7[%dma_wait3A_350, %dma_wait3A_352] : memref<5x128xi32, #tpu.memory_space<vmem>> -> memref<1x128xi32, #tpu.memory_space<vmem>>
    %dma_wait3A_354 = tpu.memref_squeeze %dma_wait3A_353 : memref<1x128xi32, #tpu.memory_space<vmem>> -> memref<128xi32, #tpu.memory_space<vmem>>
    %dma_wait3A_355 = tpu.memref_slice %arg3[%mul3A_2] : memref<3276800xi32, #tpu.memory_space<hbm>> -> memref<128xi32, #tpu.memory_space<hbm>>
    %dma_wait3A_356 = tpu.memref_slice %arg11[%dma_wait3A_351] : memref<5x!tpu.dma_semaphore, #tpu.memory_space<semaphore_mem>> -> memref<1x!tpu.dma_semaphore, #tpu.memory_space<semaphore_mem>>
    %dma_wait3A_357 = tpu.memref_squeeze %dma_wait3A_356 : memref<1x!tpu.dma_semaphore, #tpu.memory_space<semaphore_mem>> -> memref<!tpu.dma_semaphore, #tpu.memory_space<semaphore_mem>>
    %dma_wait3A_358 = arith.constant 0 : i32
    %dma_wait3A_359 = tpu.memref_slice %arg7[%dma_wait3A_350, %dma_wait3A_358] : memref<5x128xi32, #tpu.memory_space<vmem>> -> memref<1x128xi32, #tpu.memory_space<vmem>>
    %dma_wait3A_360 = tpu.memref_squeeze %dma_wait3A_359 : memref<1x128xi32, #tpu.memory_space<vmem>> -> memref<128xi32, #tpu.memory_space<vmem>>
    %dma_wait3A_361 = tpu.memref_slice %arg3[%mul3A_2] : memref<3276800xi32, #tpu.memory_space<hbm>> -> memref<128xi32, #tpu.memory_space<hbm>>
    tpu.wait_dma2 semaphore(%dma_wait3A_357 : memref<!tpu.dma_semaphore, #tpu.memory_space<semaphore_mem>>) src(%dma_wait3A_361 : memref<128xi32, #tpu.memory_space<hbm>>) dst(%dma_wait3A_360 : memref<128xi32, #tpu.memory_space<vmem>>)
    %get3A_362 = arith.constant 1 : i32
    %get3A_363 = arith.index_cast %get3A_362 : i32 to index
    %get3A_364 = arith.constant 0 : index
    %get3A_365 = tpu.vector_load %arg6[%get3A_363, %get3A_364] {strides = array<i32>} : memref<5x128xi32, #tpu.memory_space<vmem>>, vector<1x16xi32>,
    %get3A_366 = vector.shape_cast %get3A_365 : vector<1x16xi32> to vector<16xi32>
    %mul3A_367 = arith.constant 5 : i32
    %mul3A_368 = vector.broadcast %mul3A_367 : i32 to vector<16xi32>
    %mul3A_369 = arith.muli %get3A_366, %mul3A_368 : vector<16xi32>
    %get3A_370 = arith.constant 1 : i32
    %get3A_371 = arith.index_cast %get3A_370 : i32 to index
    %get3A_372 = arith.constant 0 : index
    %get3A_373 = tpu.vector_load %arg7[%get3A_371, %get3A_372] {strides = array<i32>} : memref<5x128xi32, #tpu.memory_space<vmem>>, vector<1x16xi32>,
    %get3A_374 = vector.shape_cast %get3A_373 : vector<1x16xi32> to vector<16xi32>
    %add3A_375 = arith.addi %mul3A_369, %get3A_374 : vector<16xi32>
    %sub3A_376 = arith.constant 1 : i32
    %sub3A_377 = vector.broadcast %sub3A_376 : i32 to vector<16xi32>
    %sub3A_378 = arith.subi %add3A_375, %sub3A_377 : vector<16xi32>
    %swap3A_379 = arith.constant 1 : i32
    %swap3A_380 = arith.index_cast %swap3A_379 : i32 to index
    %swap3A_381 = arith.constant 0 : index
    %swap3A_382 = tpu.vector_load %arg8[%swap3A_380, %swap3A_381] {strides = array<i32>} : memref<5x128xi32, #tpu.memory_space<vmem>>, vector<1x16xi32>,
    %swap3A_383 = vector.shape_cast %swap3A_382 : vector<1x16xi32> to vector<16xi32>
    %swap3A_384 = vector.shape_cast %sub3A_378 : vector<16xi32> to vector<1x16xi32>
    tpu.vector_store %arg8[%swap3A_380, %swap3A_381], %swap3A_384 {strides = array<i32>} : memref<5x128xi32, #tpu.memory_space<vmem>>, vector<1x16xi32>,
    %get3A_385 = arith.constant 1 : i32
    %get3A_386 = arith.index_cast %get3A_385 : i32 to index
    %get3A_387 = arith.constant 16 : index
    %get3A_388 = tpu.vector_load %arg6[%get3A_386, %get3A_387] {strides = array<i32>} : memref<5x128xi32, #tpu.memory_space<vmem>>, vector<1x16xi32>,
    %get3A_389 = vector.shape_cast %get3A_388 : vector<1x16xi32> to vector<16xi32>
    %mul3A_390 = arith.constant 5 : i32
    %mul3A_391 = vector.broadcast %mul3A_390 : i32 to vector<16xi32>
    %mul3A_392 = arith.muli %get3A_389, %mul3A_391 : vector<16xi32>
    %get3A_393 = arith.constant 1 : i32
    %get3A_394 = arith.index_cast %get3A_393 : i32 to index
    %get3A_395 = arith.constant 16 : index
    %get3A_396 = tpu.vector_load %arg7[%get3A_394, %get3A_395] {strides = array<i32>} : memref<5x128xi32, #tpu.memory_space<vmem>>, vector<1x16xi32>,
    %get3A_397 = vector.shape_cast %get3A_396 : vector<1x16xi32> to vector<16xi32>
    %add3A_398 = arith.addi %mul3A_392, %get3A_397 : vector<16xi32>
    %sub3A_399 = arith.constant 1 : i32
    %sub3A_400 = vector.broadcast %sub3A_399 : i32 to vector<16xi32>
    %sub3A_401 = arith.subi %add3A_398, %sub3A_400 : vector<16xi32>
    %swap3A_402 = arith.constant 1 : i32
    %swap3A_403 = arith.index_cast %swap3A_402 : i32 to index
    %swap3A_404 = arith.constant 16 : index
    %swap3A_405 = tpu.vector_load %arg8[%swap3A_403, %swap3A_404] {strides = array<i32>} : memref<5x128xi32, #tpu.memory_space<vmem>>, vector<1x16xi32>,
    %swap3A_406 = vector.shape_cast %swap3A_405 : vector<1x16xi32> to vector<16xi32>
    %swap3A_407 = vector.shape_cast %sub3A_401 : vector<16xi32> to vector<1x16xi32>
    tpu.vector_store %arg8[%swap3A_403, %swap3A_404], %swap3A_407 {strides = array<i32>} : memref<5x128xi32, #tpu.memory_space<vmem>>, vector<1x16xi32>,
    %get3A_408 = arith.constant 1 : i32
    %get3A_409 = arith.index_cast %get3A_408 : i32 to index
    %get3A_410 = arith.constant 32 : index
    %get3A_411 = tpu.vector_load %arg6[%get3A_409, %get3A_410] {strides = array<i32>} : memref<5x128xi32, #tpu.memory_space<vmem>>, vector<1x16xi32>,
    %get3A_412 = vector.shape_cast %get3A_411 : vector<1x16xi32> to vector<16xi32>
    %mul3A_413 = arith.constant 5 : i32
    %mul3A_414 = vector.broadcast %mul3A_413 : i32 to vector<16xi32>
    %mul3A_415 = arith.muli %get3A_412, %mul3A_414 : vector<16xi32>
    %get3A_416 = arith.constant 1 : i32
    %get3A_417 = arith.index_cast %get3A_416 : i32 to index
    %get3A_418 = arith.constant 32 : index
    %get3A_419 = tpu.vector_load %arg7[%get3A_417, %get3A_418] {strides = array<i32>} : memref<5x128xi32, #tpu.memory_space<vmem>>, vector<1x16xi32>,
    %get3A_420 = vector.shape_cast %get3A_419 : vector<1x16xi32> to vector<16xi32>
    %add3A_421 = arith.addi %mul3A_415, %get3A_420 : vector<16xi32>
    %sub3A_422 = arith.constant 1 : i32
    %sub3A_423 = vector.broadcast %sub3A_422 : i32 to vector<16xi32>
    %sub3A_424 = arith.subi %add3A_421, %sub3A_423 : vector<16xi32>
    %swap3A_425 = arith.constant 1 : i32
    %swap3A_426 = arith.index_cast %swap3A_425 : i32 to index
    %swap3A_427 = arith.constant 32 : index
    %swap3A_428 = tpu.vector_load %arg8[%swap3A_426, %swap3A_427] {strides = array<i32>} : memref<5x128xi32, #tpu.memory_space<vmem>>, vector<1x16xi32>,
    %swap3A_429 = vector.shape_cast %swap3A_428 : vector<1x16xi32> to vector<16xi32>
    %swap3A_430 = vector.shape_cast %sub3A_424 : vector<16xi32> to vector<1x16xi32>
    tpu.vector_store %arg8[%swap3A_426, %swap3A_427], %swap3A_430 {strides = array<i32>} : memref<5x128xi32, #tpu.memory_space<vmem>>, vector<1x16xi32>,
    %get3A_431 = arith.constant 1 : i32
    %get3A_432 = arith.index_cast %get3A_431 : i32 to index
    %get3A_433 = arith.constant 48 : index
    %get3A_434 = tpu.vector_load %arg6[%get3A_432, %get3A_433] {strides = array<i32>} : memref<5x128xi32, #tpu.memory_space<vmem>>, vector<1x16xi32>,
    %get3A_435 = vector.shape_cast %get3A_434 : vector<1x16xi32> to vector<16xi32>
    %mul3A_436 = arith.constant 5 : i32
    %mul3A_437 = vector.broadcast %mul3A_436 : i32 to vector<16xi32>
    %mul3A_438 = arith.muli %get3A_435, %mul3A_437 : vector<16xi32>
    %get3A_439 = arith.constant 1 : i32
    %get3A_440 = arith.index_cast %get3A_439 : i32 to index
    %get3A_441 = arith.constant 48 : index
    %get3A_442 = tpu.vector_load %arg7[%get3A_440, %get3A_441] {strides = array<i32>} : memref<5x128xi32, #tpu.memory_space<vmem>>, vector<1x16xi32>,
    %get3A_443 = vector.shape_cast %get3A_442 : vector<1x16xi32> to vector<16xi32>
    %add3A_444 = arith.addi %mul3A_438, %get3A_443 : vector<16xi32>
    %sub3A_445 = arith.constant 1 : i32
    %sub3A_446 = vector.broadcast %sub3A_445 : i32 to vector<16xi32>
    %sub3A_447 = arith.subi %add3A_444, %sub3A_446 : vector<16xi32>
    %swap3A_448 = arith.constant 1 : i32
    %swap3A_449 = arith.index_cast %swap3A_448 : i32 to index
    %swap3A_450 = arith.constant 48 : index
    %swap3A_451 = tpu.vector_load %arg8[%swap3A_449, %swap3A_450] {strides = array<i32>} : memref<5x128xi32, #tpu.memory_space<vmem>>, vector<1x16xi32>,
    %swap3A_452 = vector.shape_cast %swap3A_451 : vector<1x16xi32> to vector<16xi32>
    %swap3A_453 = vector.shape_cast %sub3A_447 : vector<16xi32> to vector<1x16xi32>
    tpu.vector_store %arg8[%swap3A_449, %swap3A_450], %swap3A_453 {strides = array<i32>} : memref<5x128xi32, #tpu.memory_space<vmem>>, vector<1x16xi32>,
    %get3A_454 = arith.constant 1 : i32
    %get3A_455 = arith.index_cast %get3A_454 : i32 to index
    %get3A_456 = arith.constant 64 : index
    %get3A_457 = tpu.vector_load %arg6[%get3A_455, %get3A_456] {strides = array<i32>} : memref<5x128xi32, #tpu.memory_space<vmem>>, vector<1x16xi32>,
    %get3A_458 = vector.shape_cast %get3A_457 : vector<1x16xi32> to vector<16xi32>
    %mul3A_459 = arith.constant 5 : i32
    %mul3A_460 = vector.broadcast %mul3A_459 : i32 to vector<16xi32>
    %mul3A_461 = arith.muli %get3A_458, %mul3A_460 : vector<16xi32>
    %get3A_462 = arith.constant 1 : i32
    %get3A_463 = arith.index_cast %get3A_462 : i32 to index
    %get3A_464 = arith.constant 64 : index
    %get3A_465 = tpu.vector_load %arg7[%get3A_463, %get3A_464] {strides = array<i32>} : memref<5x128xi32, #tpu.memory_space<vmem>>, vector<1x16xi32>,
    %get3A_466 = vector.shape_cast %get3A_465 : vector<1x16xi32> to vector<16xi32>
    %add3A_467 = arith.addi %mul3A_461, %get3A_466 : vector<16xi32>
    %sub3A_468 = arith.constant 1 : i32
    %sub3A_469 = vector.broadcast %sub3A_468 : i32 to vector<16xi32>
    %sub3A_470 = arith.subi %add3A_467, %sub3A_469 : vector<16xi32>
    %swap3A_471 = arith.constant 1 : i32
    %swap3A_472 = arith.index_cast %swap3A_471 : i32 to index
    %swap3A_473 = arith.constant 64 : index
    %swap3A_474 = tpu.vector_load %arg8[%swap3A_472, %swap3A_473] {strides = array<i32>} : memref<5x128xi32, #tpu.memory_space<vmem>>, vector<1x16xi32>,
    %swap3A_475 = vector.shape_cast %swap3A_474 : vector<1x16xi32> to vector<16xi32>
    %swap3A_476 = vector.shape_cast %sub3A_470 : vector<16xi32> to vector<1x16xi32>
    tpu.vector_store %arg8[%swap3A_472, %swap3A_473], %swap3A_476 {strides = array<i32>} : memref<5x128xi32, #tpu.memory_space<vmem>>, vector<1x16xi32>,
    %get3A_477 = arith.constant 1 : i32
    %get3A_478 = arith.index_cast %get3A_477 : i32 to index
    %get3A_479 = arith.constant 80 : index
    %get3A_480 = tpu.vector_load %arg6[%get3A_478, %get3A_479] {strides = array<i32>} : memref<5x128xi32, #tpu.memory_space<vmem>>, vector<1x16xi32>,
    %get3A_481 = vector.shape_cast %get3A_480 : vector<1x16xi32> to vector<16xi32>
    %mul3A_482 = arith.constant 5 : i32
    %mul3A_483 = vector.broadcast %mul3A_482 : i32 to vector<16xi32>
    %mul3A_484 = arith.muli %get3A_481, %mul3A_483 : vector<16xi32>
    %get3A_485 = arith.constant 1 : i32
    %get3A_486 = arith.index_cast %get3A_485 : i32 to index
    %get3A_487 = arith.constant 80 : index
    %get3A_488 = tpu.vector_load %arg7[%get3A_486, %get3A_487] {strides = array<i32>} : memref<5x128xi32, #tpu.memory_space<vmem>>, vector<1x16xi32>,
    %get3A_489 = vector.shape_cast %get3A_488 : vector<1x16xi32> to vector<16xi32>
    %add3A_490 = arith.addi %mul3A_484, %get3A_489 : vector<16xi32>
    %sub3A_491 = arith.constant 1 : i32
    %sub3A_492 = vector.broadcast %sub3A_491 : i32 to vector<16xi32>
    %sub3A_493 = arith.subi %add3A_490, %sub3A_492 : vector<16xi32>
    %swap3A_494 = arith.constant 1 : i32
    %swap3A_495 = arith.index_cast %swap3A_494 : i32 to index
    %swap3A_496 = arith.constant 80 : index
    %swap3A_497 = tpu.vector_load %arg8[%swap3A_495, %swap3A_496] {strides = array<i32>} : memref<5x128xi32, #tpu.memory_space<vmem>>, vector<1x16xi32>,
    %swap3A_498 = vector.shape_cast %swap3A_497 : vector<1x16xi32> to vector<16xi32>
    %swap3A_499 = vector.shape_cast %sub3A_493 : vector<16xi32> to vector<1x16xi32>
    tpu.vector_store %arg8[%swap3A_495, %swap3A_496], %swap3A_499 {strides = array<i32>} : memref<5x128xi32, #tpu.memory_space<vmem>>, vector<1x16xi32>,
    %get3A_500 = arith.constant 1 : i32
    %get3A_501 = arith.index_cast %get3A_500 : i32 to index
    %get3A_502 = arith.constant 96 : index
    %get3A_503 = tpu.vector_load %arg6[%get3A_501, %get3A_502] {strides = array<i32>} : memref<5x128xi32, #tpu.memory_space<vmem>>, vector<1x16xi32>,
    %get3A_504 = vector.shape_cast %get3A_503 : vector<1x16xi32> to vector<16xi32>
    %mul3A_505 = arith.constant 5 : i32
    %mul3A_506 = vector.broadcast %mul3A_505 : i32 to vector<16xi32>
    %mul3A_507 = arith.muli %get3A_504, %mul3A_506 : vector<16xi32>
    %get3A_508 = arith.constant 1 : i32
    %get3A_509 = arith.index_cast %get3A_508 : i32 to index
    %get3A_510 = arith.constant 96 : index
    %get3A_511 = tpu.vector_load %arg7[%get3A_509, %get3A_510] {strides = array<i32>} : memref<5x128xi32, #tpu.memory_space<vmem>>, vector<1x16xi32>,
    %get3A_512 = vector.shape_cast %get3A_511 : vector<1x16xi32> to vector<16xi32>
    %add3A_513 = arith.addi %mul3A_507, %get3A_512 : vector<16xi32>
    %sub3A_514 = arith.constant 1 : i32
    %sub3A_515 = vector.broadcast %sub3A_514 : i32 to vector<16xi32>
    %sub3A_516 = arith.subi %add3A_513, %sub3A_515 : vector<16xi32>
    %swap3A_517 = arith.constant 1 : i32
    %swap3A_518 = arith.index_cast %swap3A_517 : i32 to index
    %swap3A_519 = arith.constant 96 : index
    %swap3A_520 = tpu.vector_load %arg8[%swap3A_518, %swap3A_519] {strides = array<i32>} : memref<5x128xi32, #tpu.memory_space<vmem>>, vector<1x16xi32>,
    %swap3A_521 = vector.shape_cast %swap3A_520 : vector<1x16xi32> to vector<16xi32>
    %swap3A_522 = vector.shape_cast %sub3A_516 : vector<16xi32> to vector<1x16xi32>
    tpu.vector_store %arg8[%swap3A_518, %swap3A_519], %swap3A_522 {strides = array<i32>} : memref<5x128xi32, #tpu.memory_space<vmem>>, vector<1x16xi32>,
    %get3A_523 = arith.constant 1 : i32
    %get3A_524 = arith.index_cast %get3A_523 : i32 to index
    %get3A_525 = arith.constant 112 : index
    %get3A_526 = tpu.vector_load %arg6[%get3A_524, %get3A_525] {strides = array<i32>} : memref<5x128xi32, #tpu.memory_space<vmem>>, vector<1x16xi32>,
    %get3A_527 = vector.shape_cast %get3A_526 : vector<1x16xi32> to vector<16xi32>
    %mul3A_528 = arith.constant 5 : i32
    %mul3A_529 = vector.broadcast %mul3A_528 : i32 to vector<16xi32>
    %mul3A_530 = arith.muli %get3A_527, %mul3A_529 : vector<16xi32>
    %get3A_531 = arith.constant 1 : i32
    %get3A_532 = arith.index_cast %get3A_531 : i32 to index
    %get3A_533 = arith.constant 112 : index
    %get3A_534 = tpu.vector_load %arg7[%get3A_532, %get3A_533] {strides = array<i32>} : memref<5x128xi32, #tpu.memory_space<vmem>>, vector<1x16xi32>,
    %get3A_535 = vector.shape_cast %get3A_534 : vector<1x16xi32> to vector<16xi32>
    %add3A_536 = arith.addi %mul3A_530, %get3A_535 : vector<16xi32>
    %sub3A_537 = arith.constant 1 : i32
    %sub3A_538 = vector.broadcast %sub3A_537 : i32 to vector<16xi32>
    %sub3A_539 = arith.subi %add3A_536, %sub3A_538 : vector<16xi32>
    %swap3A_540 = arith.constant 1 : i32
    %swap3A_541 = arith.index_cast %swap3A_540 : i32 to index
    %swap3A_542 = arith.constant 112 : index
    %swap3A_543 = tpu.vector_load %arg8[%swap3A_541, %swap3A_542] {strides = array<i32>} : memref<5x128xi32, #tpu.memory_space<vmem>>, vector<1x16xi32>,
    %swap3A_544 = vector.shape_cast %swap3A_543 : vector<1x16xi32> to vector<16xi32>
    %swap3A_545 = vector.shape_cast %sub3A_539 : vector<16xi32> to vector<1x16xi32>
    tpu.vector_store %arg8[%swap3A_541, %swap3A_542], %swap3A_545 {strides = array<i32>} : memref<5x128xi32, #tpu.memory_space<vmem>>, vector<1x16xi32>,
    %dma_wait3A_546 = arith.constant 2 : i32
    %dma_wait3A_547 = arith.constant 2 : i32
    %dma_wait3A_548 = arith.constant 0 : i32
    %dma_wait3A_549 = tpu.memref_slice %arg6[%dma_wait3A_546, %dma_wait3A_548] : memref<5x128xi32, #tpu.memory_space<vmem>> -> memref<1x128xi32, #tpu.memory_space<vmem>>
    %dma_wait3A_550 = tpu.memref_squeeze %dma_wait3A_549 : memref<1x128xi32, #tpu.memory_space<vmem>> -> memref<128xi32, #tpu.memory_space<vmem>>
    %dma_wait3A_551 = tpu.memref_slice %arg2[%mul3A_2] : memref<3276800xi32, #tpu.memory_space<hbm>> -> memref<128xi32, #tpu.memory_space<hbm>>
    %dma_wait3A_552 = tpu.memref_slice %arg11[%dma_wait3A_547] : memref<5x!tpu.dma_semaphore, #tpu.memory_space<semaphore_mem>> -> memref<1x!tpu.dma_semaphore, #tpu.memory_space<semaphore_mem>>
    %dma_wait3A_553 = tpu.memref_squeeze %dma_wait3A_552 : memref<1x!tpu.dma_semaphore, #tpu.memory_space<semaphore_mem>> -> memref<!tpu.dma_semaphore, #tpu.memory_space<semaphore_mem>>
    %dma_wait3A_554 = arith.constant 0 : i32
    %dma_wait3A_555 = tpu.memref_slice %arg6[%dma_wait3A_546, %dma_wait3A_554] : memref<5x128xi32, #tpu.memory_space<vmem>> -> memref<1x128xi32, #tpu.memory_space<vmem>>
    %dma_wait3A_556 = tpu.memref_squeeze %dma_wait3A_555 : memref<1x128xi32, #tpu.memory_space<vmem>> -> memref<128xi32, #tpu.memory_space<vmem>>
    %dma_wait3A_557 = tpu.memref_slice %arg2[%mul3A_2] : memref<3276800xi32, #tpu.memory_space<hbm>> -> memref<128xi32, #tpu.memory_space<hbm>>
    tpu.wait_dma2 semaphore(%dma_wait3A_553 : memref<!tpu.dma_semaphore, #tpu.memory_space<semaphore_mem>>) src(%dma_wait3A_557 : memref<128xi32, #tpu.memory_space<hbm>>) dst(%dma_wait3A_556 : memref<128xi32, #tpu.memory_space<vmem>>)
    %dma_wait3A_558 = arith.constant 2 : i32
    %dma_wait3A_559 = arith.constant 2 : i32
    %dma_wait3A_560 = arith.constant 0 : i32
    %dma_wait3A_561 = tpu.memref_slice %arg7[%dma_wait3A_558, %dma_wait3A_560] : memref<5x128xi32, #tpu.memory_space<vmem>> -> memref<1x128xi32, #tpu.memory_space<vmem>>
    %dma_wait3A_562 = tpu.memref_squeeze %dma_wait3A_561 : memref<1x128xi32, #tpu.memory_space<vmem>> -> memref<128xi32, #tpu.memory_space<vmem>>
    %dma_wait3A_563 = tpu.memref_slice %arg3[%mul3A_2] : memref<3276800xi32, #tpu.memory_space<hbm>> -> memref<128xi32, #tpu.memory_space<hbm>>
    %dma_wait3A_564 = tpu.memref_slice %arg11[%dma_wait3A_559] : memref<5x!tpu.dma_semaphore, #tpu.memory_space<semaphore_mem>> -> memref<1x!tpu.dma_semaphore, #tpu.memory_space<semaphore_mem>>
    %dma_wait3A_565 = tpu.memref_squeeze %dma_wait3A_564 : memref<1x!tpu.dma_semaphore, #tpu.memory_space<semaphore_mem>> -> memref<!tpu.dma_semaphore, #tpu.memory_space<semaphore_mem>>
    %dma_wait3A_566 = arith.constant 0 : i32
    %dma_wait3A_567 = tpu.memref_slice %arg7[%dma_wait3A_558, %dma_wait3A_566] : memref<5x128xi32, #tpu.memory_space<vmem>> -> memref<1x128xi32, #tpu.memory_space<vmem>>
    %dma_wait3A_568 = tpu.memref_squeeze %dma_wait3A_567 : memref<1x128xi32, #tpu.memory_space<vmem>> -> memref<128xi32, #tpu.memory_space<vmem>>
    %dma_wait3A_569 = tpu.memref_slice %arg3[%mul3A_2] : memref<3276800xi32, #tpu.memory_space<hbm>> -> memref<128xi32, #tpu.memory_space<hbm>>
    tpu.wait_dma2 semaphore(%dma_wait3A_565 : memref<!tpu.dma_semaphore, #tpu.memory_space<semaphore_mem>>) src(%dma_wait3A_569 : memref<128xi32, #tpu.memory_space<hbm>>) dst(%dma_wait3A_568 : memref<128xi32, #tpu.memory_space<vmem>>)
    %get3A_570 = arith.constant 2 : i32
    %get3A_571 = arith.index_cast %get3A_570 : i32 to index
    %get3A_572 = arith.constant 0 : index
    %get3A_573 = tpu.vector_load %arg6[%get3A_571, %get3A_572] {strides = array<i32>} : memref<5x128xi32, #tpu.memory_space<vmem>>, vector<1x16xi32>,
    %get3A_574 = vector.shape_cast %get3A_573 : vector<1x16xi32> to vector<16xi32>
    %mul3A_575 = arith.constant 5 : i32
    %mul3A_576 = vector.broadcast %mul3A_575 : i32 to vector<16xi32>
    %mul3A_577 = arith.muli %get3A_574, %mul3A_576 : vector<16xi32>
    %get3A_578 = arith.constant 2 : i32
    %get3A_579 = arith.index_cast %get3A_578 : i32 to index
    %get3A_580 = arith.constant 0 : index
    %get3A_581 = tpu.vector_load %arg7[%get3A_579, %get3A_580] {strides = array<i32>} : memref<5x128xi32, #tpu.memory_space<vmem>>, vector<1x16xi32>,
    %get3A_582 = vector.shape_cast %get3A_581 : vector<1x16xi32> to vector<16xi32>
    %add3A_583 = arith.addi %mul3A_577, %get3A_582 : vector<16xi32>
    %sub3A_584 = arith.constant 1 : i32
    %sub3A_585 = vector.broadcast %sub3A_584 : i32 to vector<16xi32>
    %sub3A_586 = arith.subi %add3A_583, %sub3A_585 : vector<16xi32>
    %swap3A_587 = arith.constant 2 : i32
    %swap3A_588 = arith.index_cast %swap3A_587 : i32 to index
    %swap3A_589 = arith.constant 0 : index
    %swap3A_590 = tpu.vector_load %arg8[%swap3A_588, %swap3A_589] {strides = array<i32>} : memref<5x128xi32, #tpu.memory_space<vmem>>, vector<1x16xi32>,
    %swap3A_591 = vector.shape_cast %swap3A_590 : vector<1x16xi32> to vector<16xi32>
    %swap3A_592 = vector.shape_cast %sub3A_586 : vector<16xi32> to vector<1x16xi32>
    tpu.vector_store %arg8[%swap3A_588, %swap3A_589], %swap3A_592 {strides = array<i32>} : memref<5x128xi32, #tpu.memory_space<vmem>>, vector<1x16xi32>,
    %get3A_593 = arith.constant 2 : i32
    %get3A_594 = arith.index_cast %get3A_593 : i32 to index
    %get3A_595 = arith.constant 16 : index
    %get3A_596 = tpu.vector_load %arg6[%get3A_594, %get3A_595] {strides = array<i32>} : memref<5x128xi32, #tpu.memory_space<vmem>>, vector<1x16xi32>,
    %get3A_597 = vector.shape_cast %get3A_596 : vector<1x16xi32> to vector<16xi32>
    %mul3A_598 = arith.constant 5 : i32
    %mul3A_599 = vector.broadcast %mul3A_598 : i32 to vector<16xi32>
    %mul3A_600 = arith.muli %get3A_597, %mul3A_599 : vector<16xi32>
    %get3A_601 = arith.constant 2 : i32
    %get3A_602 = arith.index_cast %get3A_601 : i32 to index
    %get3A_603 = arith.constant 16 : index
    %get3A_604 = tpu.vector_load %arg7[%get3A_602, %get3A_603] {strides = array<i32>} : memref<5x128xi32, #tpu.memory_space<vmem>>, vector<1x16xi32>,
    %get3A_605 = vector.shape_cast %get3A_604 : vector<1x16xi32> to vector<16xi32>
    %add3A_606 = arith.addi %mul3A_600, %get3A_605 : vector<16xi32>
    %sub3A_607 = arith.constant 1 : i32
    %sub3A_608 = vector.broadcast %sub3A_607 : i32 to vector<16xi32>
    %sub3A_609 = arith.subi %add3A_606, %sub3A_608 : vector<16xi32>
    %swap3A_610 = arith.constant 2 : i32
    %swap3A_611 = arith.index_cast %swap3A_610 : i32 to index
    %swap3A_612 = arith.constant 16 : index
    %swap3A_613 = tpu.vector_load %arg8[%swap3A_611, %swap3A_612] {strides = array<i32>} : memref<5x128xi32, #tpu.memory_space<vmem>>, vector<1x16xi32>,
    %swap3A_614 = vector.shape_cast %swap3A_613 : vector<1x16xi32> to vector<16xi32>
    %swap3A_615 = vector.shape_cast %sub3A_609 : vector<16xi32> to vector<1x16xi32>
    tpu.vector_store %arg8[%swap3A_611, %swap3A_612], %swap3A_615 {strides = array<i32>} : memref<5x128xi32, #tpu.memory_space<vmem>>, vector<1x16xi32>,
    %get3A_616 = arith.constant 2 : i32
    %get3A_617 = arith.index_cast %get3A_616 : i32 to index
    %get3A_618 = arith.constant 32 : index
    %get3A_619 = tpu.vector_load %arg6[%get3A_617, %get3A_618] {strides = array<i32>} : memref<5x128xi32, #tpu.memory_space<vmem>>, vector<1x16xi32>,
    %get3A_620 = vector.shape_cast %get3A_619 : vector<1x16xi32> to vector<16xi32>
    %mul3A_621 = arith.constant 5 : i32
    %mul3A_622 = vector.broadcast %mul3A_621 : i32 to vector<16xi32>
    %mul3A_623 = arith.muli %get3A_620, %mul3A_622 : vector<16xi32>
    %get3A_624 = arith.constant 2 : i32
    %get3A_625 = arith.index_cast %get3A_624 : i32 to index
    %get3A_626 = arith.constant 32 : index
    %get3A_627 = tpu.vector_load %arg7[%get3A_625, %get3A_626] {strides = array<i32>} : memref<5x128xi32, #tpu.memory_space<vmem>>, vector<1x16xi32>,
    %get3A_628 = vector.shape_cast %get3A_627 : vector<1x16xi32> to vector<16xi32>
    %add3A_629 = arith.addi %mul3A_623, %get3A_628 : vector<16xi32>
    %sub3A_630 = arith.constant 1 : i32
    %sub3A_631 = vector.broadcast %sub3A_630 : i32 to vector<16xi32>
    %sub3A_632 = arith.subi %add3A_629, %sub3A_631 : vector<16xi32>
    %swap3A_633 = arith.constant 2 : i32
    %swap3A_634 = arith.index_cast %swap3A_633 : i32 to index
    %swap3A_635 = arith.constant 32 : index
    %swap3A_636 = tpu.vector_load %arg8[%swap3A_634, %swap3A_635] {strides = array<i32>} : memref<5x128xi32, #tpu.memory_space<vmem>>, vector<1x16xi32>,
    %swap3A_637 = vector.shape_cast %swap3A_636 : vector<1x16xi32> to vector<16xi32>
    %swap3A_638 = vector.shape_cast %sub3A_632 : vector<16xi32> to vector<1x16xi32>
    tpu.vector_store %arg8[%swap3A_634, %swap3A_635], %swap3A_638 {strides = array<i32>} : memref<5x128xi32, #tpu.memory_space<vmem>>, vector<1x16xi32>,
    %get3A_639 = arith.constant 2 : i32
    %get3A_640 = arith.index_cast %get3A_639 : i32 to index
    %get3A_641 = arith.constant 48 : index
    %get3A_642 = tpu.vector_load %arg6[%get3A_640, %get3A_641] {strides = array<i32>} : memref<5x128xi32, #tpu.memory_space<vmem>>, vector<1x16xi32>,
    %get3A_643 = vector.shape_cast %get3A_642 : vector<1x16xi32> to vector<16xi32>
    %mul3A_644 = arith.constant 5 : i32
    %mul3A_645 = vector.broadcast %mul3A_644 : i32 to vector<16xi32>
    %mul3A_646 = arith.muli %get3A_643, %mul3A_645 : vector<16xi32>
    %get3A_647 = arith.constant 2 : i32
    %get3A_648 = arith.index_cast %get3A_647 : i32 to index
    %get3A_649 = arith.constant 48 : index
    %get3A_650 = tpu.vector_load %arg7[%get3A_648, %get3A_649] {strides = array<i32>} : memref<5x128xi32, #tpu.memory_space<vmem>>, vector<1x16xi32>,
    %get3A_651 = vector.shape_cast %get3A_650 : vector<1x16xi32> to vector<16xi32>
    %add3A_652 = arith.addi %mul3A_646, %get3A_651 : vector<16xi32>
    %sub3A_653 = arith.constant 1 : i32
    %sub3A_654 = vector.broadcast %sub3A_653 : i32 to vector<16xi32>
    %sub3A_655 = arith.subi %add3A_652, %sub3A_654 : vector<16xi32>
    %swap3A_656 = arith.constant 2 : i32
    %swap3A_657 = arith.index_cast %swap3A_656 : i32 to index
    %swap3A_658 = arith.constant 48 : index
    %swap3A_659 = tpu.vector_load %arg8[%swap3A_657, %swap3A_658] {strides = array<i32>} : memref<5x128xi32, #tpu.memory_space<vmem>>, vector<1x16xi32>,
    %swap3A_660 = vector.shape_cast %swap3A_659 : vector<1x16xi32> to vector<16xi32>
    %swap3A_661 = vector.shape_cast %sub3A_655 : vector<16xi32> to vector<1x16xi32>
    tpu.vector_store %arg8[%swap3A_657, %swap3A_658], %swap3A_661 {strides = array<i32>} : memref<5x128xi32, #tpu.memory_space<vmem>>, vector<1x16xi32>,
    %get3A_662 = arith.constant 2 : i32
    %get3A_663 = arith.index_cast %get3A_662 : i32 to index
    %get3A_664 = arith.constant 64 : index
    %get3A_665 = tpu.vector_load %arg6[%get3A_663, %get3A_664] {strides = array<i32>} : memref<5x128xi32, #tpu.memory_space<vmem>>, vector<1x16xi32>,
    %get3A_666 = vector.shape_cast %get3A_665 : vector<1x16xi32> to vector<16xi32>
    %mul3A_667 = arith.constant 5 : i32
    %mul3A_668 = vector.broadcast %mul3A_667 : i32 to vector<16xi32>
    %mul3A_669 = arith.muli %get3A_666, %mul3A_668 : vector<16xi32>
    %get3A_670 = arith.constant 2 : i32
    %get3A_671 = arith.index_cast %get3A_670 : i32 to index
    %get3A_672 = arith.constant 64 : index
    %get3A_673 = tpu.vector_load %arg7[%get3A_671, %get3A_672] {strides = array<i32>} : memref<5x128xi32, #tpu.memory_space<vmem>>, vector<1x16xi32>,
    %get3A_674 = vector.shape_cast %get3A_673 : vector<1x16xi32> to vector<16xi32>
    %add3A_675 = arith.addi %mul3A_669, %get3A_674 : vector<16xi32>
    %sub3A_676 = arith.constant 1 : i32
    %sub3A_677 = vector.broadcast %sub3A_676 : i32 to vector<16xi32>
    %sub3A_678 = arith.subi %add3A_675, %sub3A_677 : vector<16xi32>
    %swap3A_679 = arith.constant 2 : i32
    %swap3A_680 = arith.index_cast %swap3A_679 : i32 to index
    %swap3A_681 = arith.constant 64 : index
    %swap3A_682 = tpu.vector_load %arg8[%swap3A_680, %swap3A_681] {strides = array<i32>} : memref<5x128xi32, #tpu.memory_space<vmem>>, vector<1x16xi32>,
    %swap3A_683 = vector.shape_cast %swap3A_682 : vector<1x16xi32> to vector<16xi32>
    %swap3A_684 = vector.shape_cast %sub3A_678 : vector<16xi32> to vector<1x16xi32>
    tpu.vector_store %arg8[%swap3A_680, %swap3A_681], %swap3A_684 {strides = array<i32>} : memref<5x128xi32, #tpu.memory_space<vmem>>, vector<1x16xi32>,
    %get3A_685 = arith.constant 2 : i32
    %get3A_686 = arith.index_cast %get3A_685 : i32 to index
    %get3A_687 = arith.constant 80 : index
    %get3A_688 = tpu.vector_load %arg6[%get3A_686, %get3A_687] {strides = array<i32>} : memref<5x128xi32, #tpu.memory_space<vmem>>, vector<1x16xi32>,
    %get3A_689 = vector.shape_cast %get3A_688 : vector<1x16xi32> to vector<16xi32>
    %mul3A_690 = arith.constant 5 : i32
    %mul3A_691 = vector.broadcast %mul3A_690 : i32 to vector<16xi32>
    %mul3A_692 = arith.muli %get3A_689, %mul3A_691 : vector<16xi32>
    %get3A_693 = arith.constant 2 : i32
    %get3A_694 = arith.index_cast %get3A_693 : i32 to index
    %get3A_695 = arith.constant 80 : index
    %get3A_696 = tpu.vector_load %arg7[%get3A_694, %get3A_695] {strides = array<i32>} : memref<5x128xi32, #tpu.memory_space<vmem>>, vector<1x16xi32>,
    %get3A_697 = vector.shape_cast %get3A_696 : vector<1x16xi32> to vector<16xi32>
    %add3A_698 = arith.addi %mul3A_692, %get3A_697 : vector<16xi32>
    %sub3A_699 = arith.constant 1 : i32
    %sub3A_700 = vector.broadcast %sub3A_699 : i32 to vector<16xi32>
    %sub3A_701 = arith.subi %add3A_698, %sub3A_700 : vector<16xi32>
    %swap3A_702 = arith.constant 2 : i32
    %swap3A_703 = arith.index_cast %swap3A_702 : i32 to index
    %swap3A_704 = arith.constant 80 : index
    %swap3A_705 = tpu.vector_load %arg8[%swap3A_703, %swap3A_704] {strides = array<i32>} : memref<5x128xi32, #tpu.memory_space<vmem>>, vector<1x16xi32>,
    %swap3A_706 = vector.shape_cast %swap3A_705 : vector<1x16xi32> to vector<16xi32>
    %swap3A_707 = vector.shape_cast %sub3A_701 : vector<16xi32> to vector<1x16xi32>
    tpu.vector_store %arg8[%swap3A_703, %swap3A_704], %swap3A_707 {strides = array<i32>} : memref<5x128xi32, #tpu.memory_space<vmem>>, vector<1x16xi32>,
    %get3A_708 = arith.constant 2 : i32
    %get3A_709 = arith.index_cast %get3A_708 : i32 to index
    %get3A_710 = arith.constant 96 : index
    %get3A_711 = tpu.vector_load %arg6[%get3A_709, %get3A_710] {strides = array<i32>} : memref<5x128xi32, #tpu.memory_space<vmem>>, vector<1x16xi32>,
    %get3A_712 = vector.shape_cast %get3A_711 : vector<1x16xi32> to vector<16xi32>
    %mul3A_713 = arith.constant 5 : i32
    %mul3A_714 = vector.broadcast %mul3A_713 : i32 to vector<16xi32>
    %mul3A_715 = arith.muli %get3A_712, %mul3A_714 : vector<16xi32>
    %get3A_716 = arith.constant 2 : i32
    %get3A_717 = arith.index_cast %get3A_716 : i32 to index
    %get3A_718 = arith.constant 96 : index
    %get3A_719 = tpu.vector_load %arg7[%get3A_717, %get3A_718] {strides = array<i32>} : memref<5x128xi32, #tpu.memory_space<vmem>>, vector<1x16xi32>,
    %get3A_720 = vector.shape_cast %get3A_719 : vector<1x16xi32> to vector<16xi32>
    %add3A_721 = arith.addi %mul3A_715, %get3A_720 : vector<16xi32>
    %sub3A_722 = arith.constant 1 : i32
    %sub3A_723 = vector.broadcast %sub3A_722 : i32 to vector<16xi32>
    %sub3A_724 = arith.subi %add3A_721, %sub3A_723 : vector<16xi32>
    %swap3A_725 = arith.constant 2 : i32
    %swap3A_726 = arith.index_cast %swap3A_725 : i32 to index
    %swap3A_727 = arith.constant 96 : index
    %swap3A_728 = tpu.vector_load %arg8[%swap3A_726, %swap3A_727] {strides = array<i32>} : memref<5x128xi32, #tpu.memory_space<vmem>>, vector<1x16xi32>,
    %swap3A_729 = vector.shape_cast %swap3A_728 : vector<1x16xi32> to vector<16xi32>
    %swap3A_730 = vector.shape_cast %sub3A_724 : vector<16xi32> to vector<1x16xi32>
    tpu.vector_store %arg8[%swap3A_726, %swap3A_727], %swap3A_730 {strides = array<i32>} : memref<5x128xi32, #tpu.memory_space<vmem>>, vector<1x16xi32>,
    %get3A_731 = arith.constant 2 : i32
    %get3A_732 = arith.index_cast %get3A_731 : i32 to index
    %get3A_733 = arith.constant 112 : index
    %get3A_734 = tpu.vector_load %arg6[%get3A_732, %get3A_733] {strides = array<i32>} : memref<5x128xi32, #tpu.memory_space<vmem>>, vector<1x16xi32>,
    %get3A_735 = vector.shape_cast %get3A_734 : vector<1x16xi32> to vector<16xi32>
    %mul3A_736 = arith.constant 5 : i32
    %mul3A_737 = vector.broadcast %mul3A_736 : i32 to vector<16xi32>
    %mul3A_738 = arith.muli %get3A_735, %mul3A_737 : vector<16xi32>
    %get3A_739 = arith.constant 2 : i32
    %get3A_740 = arith.index_cast %get3A_739 : i32 to index
    %get3A_741 = arith.constant 112 : index
    %get3A_742 = tpu.vector_load %arg7[%get3A_740, %get3A_741] {strides = array<i32>} : memref<5x128xi32, #tpu.memory_space<vmem>>, vector<1x16xi32>,
    %get3A_743 = vector.shape_cast %get3A_742 : vector<1x16xi32> to vector<16xi32>
    %add3A_744 = arith.addi %mul3A_738, %get3A_743 : vector<16xi32>
    %sub3A_745 = arith.constant 1 : i32
    %sub3A_746 = vector.broadcast %sub3A_745 : i32 to vector<16xi32>
    %sub3A_747 = arith.subi %add3A_744, %sub3A_746 : vector<16xi32>
    %swap3A_748 = arith.constant 2 : i32
    %swap3A_749 = arith.index_cast %swap3A_748 : i32 to index
    %swap3A_750 = arith.constant 112 : index
    %swap3A_751 = tpu.vector_load %arg8[%swap3A_749, %swap3A_750] {strides = array<i32>} : memref<5x128xi32, #tpu.memory_space<vmem>>, vector<1x16xi32>,
    %swap3A_752 = vector.shape_cast %swap3A_751 : vector<1x16xi32> to vector<16xi32>
    %swap3A_753 = vector.shape_cast %sub3A_747 : vector<16xi32> to vector<1x16xi32>
    tpu.vector_store %arg8[%swap3A_749, %swap3A_750], %swap3A_753 {strides = array<i32>} : memref<5x128xi32, #tpu.memory_space<vmem>>, vector<1x16xi32>,
    %dma_start3A_754 = arith.constant 0 : i32
    %dma_start3A_755 = arith.constant 0 : i32
    %dma_start3A_756 = arith.constant 0 : i32
    %dma_start3A_757 = arith.constant 0 : i32
    %dma_start3A_758 = arith.constant 0 : i32
    %dma_start3A_759 = tpu.memref_slice %arg9[%dma_start3A_755, %dma_start3A_757, %dma_start3A_758] : memref<5x128x128xf32, #tpu.memory_space<vmem>> -> memref<1x128x128xf32, #tpu.memory_space<vmem>>
    %dma_start3A_760 = tpu.memref_squeeze %dma_start3A_759 : memref<1x128x128xf32, #tpu.memory_space<vmem>> -> memref<128x128xf32, #tpu.memory_space<vmem>>
    %dma_start3A_761 = arith.constant 0 : i32
    %dma_start3A_762 = tpu.memref_slice %arg8[%dma_start3A_754, %dma_start3A_761] : memref<5x128xi32, #tpu.memory_space<vmem>> -> memref<1x128xi32, #tpu.memory_space<vmem>>
    %dma_start3A_763 = tpu.memref_squeeze %dma_start3A_762 : memref<1x128xi32, #tpu.memory_space<vmem>> -> memref<128xi32, #tpu.memory_space<vmem>>
    %dma_start3A_764 = arith.constant 0 : i32
    %dma_start3A_765 = arith.constant 0 : i32
    %dma_start3A_766 = tpu.memref_slice %arg10[%dma_start3A_764, %dma_start3A_765] : memref<75x128xf32, #tpu.memory_space<vmem_shared>> -> memref<75x128xf32, #tpu.memory_space<vmem_shared>>
    %dma_start3A_767 = tpu.memref_slice %arg12[%dma_start3A_756] : memref<5x!tpu.dma_semaphore, #tpu.memory_space<semaphore_mem>> -> memref<1x!tpu.dma_semaphore, #tpu.memory_space<semaphore_mem>>
    %dma_start3A_768 = tpu.memref_squeeze %dma_start3A_767 : memref<1x!tpu.dma_semaphore, #tpu.memory_space<semaphore_mem>> -> memref<!tpu.dma_semaphore, #tpu.memory_space<semaphore_mem>>
    tpu.enqueue_indirect_dma source(%dma_start3A_766 : memref<75x128xf32, #tpu.memory_space<vmem_shared>>) target(%dma_start3A_760 : memref<128x128xf32, #tpu.memory_space<vmem>>) offsets(%dma_start3A_763 : memref<128xi32, #tpu.memory_space<vmem>>) semaphore(%dma_start3A_768 : memref<!tpu.dma_semaphore, #tpu.memory_space<semaphore_mem>>)
    %dma_start3A_769 = arith.constant 1 : i32
    %dma_start3A_770 = arith.constant 1 : i32
    %dma_start3A_771 = arith.constant 1 : i32
    %dma_start3A_772 = arith.constant 0 : i32
    %dma_start3A_773 = arith.constant 0 : i32
    %dma_start3A_774 = tpu.memref_slice %arg9[%dma_start3A_770, %dma_start3A_772, %dma_start3A_773] : memref<5x128x128xf32, #tpu.memory_space<vmem>> -> memref<1x128x128xf32, #tpu.memory_space<vmem>>
    %dma_start3A_775 = tpu.memref_squeeze %dma_start3A_774 : memref<1x128x128xf32, #tpu.memory_space<vmem>> -> memref<128x128xf32, #tpu.memory_space<vmem>>
    %dma_start3A_776 = arith.constant 0 : i32
    %dma_start3A_777 = tpu.memref_slice %arg8[%dma_start3A_769, %dma_start3A_776] : memref<5x128xi32, #tpu.memory_space<vmem>> -> memref<1x128xi32, #tpu.memory_space<vmem>>
    %dma_start3A_778 = tpu.memref_squeeze %dma_start3A_777 : memref<1x128xi32, #tpu.memory_space<vmem>> -> memref<128xi32, #tpu.memory_space<vmem>>
    %dma_start3A_779 = arith.constant 0 : i32
    %dma_start3A_780 = arith.constant 0 : i32
    %dma_start3A_781 = tpu.memref_slice %arg10[%dma_start3A_779, %dma_start3A_780] : memref<75x128xf32, #tpu.memory_space<vmem_shared>> -> memref<75x128xf32, #tpu.memory_space<vmem_shared>>
    %dma_start3A_782 = tpu.memref_slice %arg12[%dma_start3A_771] : memref<5x!tpu.dma_semaphore, #tpu.memory_space<semaphore_mem>> -> memref<1x!tpu.dma_semaphore, #tpu.memory_space<semaphore_mem>>
    %dma_start3A_783 = tpu.memref_squeeze %dma_start3A_782 : memref<1x!tpu.dma_semaphore, #tpu.memory_space<semaphore_mem>> -> memref<!tpu.dma_semaphore, #tpu.memory_space<semaphore_mem>>
    tpu.enqueue_indirect_dma source(%dma_start3A_781 : memref<75x128xf32, #tpu.memory_space<vmem_shared>>) target(%dma_start3A_775 : memref<128x128xf32, #tpu.memory_space<vmem>>) offsets(%dma_start3A_778 : memref<128xi32, #tpu.memory_space<vmem>>) semaphore(%dma_start3A_783 : memref<!tpu.dma_semaphore, #tpu.memory_space<semaphore_mem>>)
    %dma_wait3A_784 = arith.constant 0 : i32
    %dma_wait3A_785 = arith.constant 0 : i32
    %dma_wait3A_786 = arith.constant 0 : i32
    %dma_wait3A_787 = arith.constant 0 : i32
    %dma_wait3A_788 = arith.constant 0 : i32
    %dma_wait3A_789 = tpu.memref_slice %arg9[%dma_wait3A_785, %dma_wait3A_787, %dma_wait3A_788] : memref<5x128x128xf32, #tpu.memory_space<vmem>> -> memref<1x128x128xf32, #tpu.memory_space<vmem>>
    %dma_wait3A_790 = tpu.memref_squeeze %dma_wait3A_789 : memref<1x128x128xf32, #tpu.memory_space<vmem>> -> memref<128x128xf32, #tpu.memory_space<vmem>>
    %dma_wait3A_791 = arith.constant 0 : i32
    %dma_wait3A_792 = tpu.memref_slice %arg8[%dma_wait3A_784, %dma_wait3A_791] : memref<5x128xi32, #tpu.memory_space<vmem>> -> memref<1x128xi32, #tpu.memory_space<vmem>>
    %dma_wait3A_793 = tpu.memref_squeeze %dma_wait3A_792 : memref<1x128xi32, #tpu.memory_space<vmem>> -> memref<128xi32, #tpu.memory_space<vmem>>
    %dma_wait3A_794 = arith.constant 0 : i32
    %dma_wait3A_795 = arith.constant 0 : i32
    %dma_wait3A_796 = tpu.memref_slice %arg10[%dma_wait3A_794, %dma_wait3A_795] : memref<75x128xf32, #tpu.memory_space<vmem_shared>> -> memref<75x128xf32, #tpu.memory_space<vmem_shared>>
    %dma_wait3A_797 = tpu.memref_slice %arg12[%dma_wait3A_786] : memref<5x!tpu.dma_semaphore, #tpu.memory_space<semaphore_mem>> -> memref<1x!tpu.dma_semaphore, #tpu.memory_space<semaphore_mem>>
    %dma_wait3A_798 = tpu.memref_squeeze %dma_wait3A_797 : memref<1x!tpu.dma_semaphore, #tpu.memory_space<semaphore_mem>> -> memref<!tpu.dma_semaphore, #tpu.memory_space<semaphore_mem>>
    tpu.wait_indirect_dma semaphore(%dma_wait3A_798 : memref<!tpu.dma_semaphore, #tpu.memory_space<semaphore_mem>>) src(%dma_wait3A_796 : memref<75x128xf32, #tpu.memory_space<vmem_shared>>) dst(%dma_wait3A_790 : memref<128x128xf32, #tpu.memory_space<vmem>>)
    %add3A_799 = arith.constant 0 : i32
    %add3A_800 = arith.addi %mul3A_2, %add3A_799 : i32
    %dma_start3A_801 = arith.constant 0 : i32
    %dma_start3A_802 = arith.constant 0 : i32
    %dma_start3A_803 = arith.constant 0 : i32
    %dma_start3A_804 = arith.constant 0 : i32
    %dma_start3A_805 = tpu.memref_slice %arg9[%dma_start3A_801, %dma_start3A_803, %dma_start3A_804] : memref<5x128x128xf32, #tpu.memory_space<vmem>> -> memref<1x128x128xf32, #tpu.memory_space<vmem>>
    %dma_start3A_806 = tpu.memref_squeeze %dma_start3A_805 : memref<1x128x128xf32, #tpu.memory_space<vmem>> -> memref<128x128xf32, #tpu.memory_space<vmem>>
    %dma_start3A_807 = arith.constant 0 : i32
    %dma_start3A_808 = tpu.memref_slice %arg5[%add3A_800, %dma_start3A_807] : memref<3276800x128xf32, #tpu.memory_space<hbm>> -> memref<128x128xf32, #tpu.memory_space<hbm>>
    %dma_start3A_809 = tpu.memref_slice %arg13[%dma_start3A_802] : memref<5x!tpu.dma_semaphore, #tpu.memory_space<semaphore_mem>> -> memref<1x!tpu.dma_semaphore, #tpu.memory_space<semaphore_mem>>
    %dma_start3A_810 = tpu.memref_squeeze %dma_start3A_809 : memref<1x!tpu.dma_semaphore, #tpu.memory_space<semaphore_mem>> -> memref<!tpu.dma_semaphore, #tpu.memory_space<semaphore_mem>>
    %dma_start3A_811 = arith.constant 0 : i32
    %dma_start3A_812 = tpu.memref_slice %arg5[%add3A_800, %dma_start3A_811] : memref<3276800x128xf32, #tpu.memory_space<hbm>> -> memref<128x128xf32, #tpu.memory_space<hbm>>
    %dma_start3A_813 = arith.constant 0 : i32
    %dma_start3A_814 = arith.constant 0 : i32
    %dma_start3A_815 = tpu.memref_slice %arg9[%dma_start3A_801, %dma_start3A_813, %dma_start3A_814] : memref<5x128x128xf32, #tpu.memory_space<vmem>> -> memref<1x128x128xf32, #tpu.memory_space<vmem>>
    %dma_start3A_816 = tpu.memref_squeeze %dma_start3A_815 : memref<1x128x128xf32, #tpu.memory_space<vmem>> -> memref<128x128xf32, #tpu.memory_space<vmem>>
    tpu.enqueue_dma source(%dma_start3A_816 : memref<128x128xf32, #tpu.memory_space<vmem>>) target(%dma_start3A_812 : memref<128x128xf32, #tpu.memory_space<hbm>>) target_semaphore(%dma_start3A_810 : memref<!tpu.dma_semaphore, #tpu.memory_space<semaphore_mem>>)
    %add3A_817 = arith.constant 640 : i32
    %add3A_818 = arith.addi %mul3A_2, %add3A_817 : i32
    %dma_start3A_819 = arith.constant 0 : i32
    %dma_start3A_820 = arith.constant 0 : i32
    %dma_start3A_821 = arith.constant 0 : i32
    %dma_start3A_822 = tpu.memref_slice %arg6[%dma_start3A_819, %dma_start3A_821] : memref<5x128xi32, #tpu.memory_space<vmem>> -> memref<1x128xi32, #tpu.memory_space<vmem>>
    %dma_start3A_823 = tpu.memref_squeeze %dma_start3A_822 : memref<1x128xi32, #tpu.memory_space<vmem>> -> memref<128xi32, #tpu.memory_space<vmem>>
    %dma_start3A_824 = tpu.memref_slice %arg2[%add3A_818] : memref<3276800xi32, #tpu.memory_space<hbm>> -> memref<128xi32, #tpu.memory_space<hbm>>
    %dma_start3A_825 = tpu.memref_slice %arg11[%dma_start3A_820] : memref<5x!tpu.dma_semaphore, #tpu.memory_space<semaphore_mem>> -> memref<1x!tpu.dma_semaphore, #tpu.memory_space<semaphore_mem>>
    %dma_start3A_826 = tpu.memref_squeeze %dma_start3A_825 : memref<1x!tpu.dma_semaphore, #tpu.memory_space<semaphore_mem>> -> memref<!tpu.dma_semaphore, #tpu.memory_space<semaphore_mem>>
    %dma_start3A_827 = arith.constant 0 : i32
    %dma_start3A_828 = tpu.memref_slice %arg6[%dma_start3A_819, %dma_start3A_827] : memref<5x128xi32, #tpu.memory_space<vmem>> -> memref<1x128xi32, #tpu.memory_space<vmem>>
    %dma_start3A_829 = tpu.memref_squeeze %dma_start3A_828 : memref<1x128xi32, #tpu.memory_space<vmem>> -> memref<128xi32, #tpu.memory_space<vmem>>
    %dma_start3A_830 = tpu.memref_slice %arg2[%add3A_818] : memref<3276800xi32, #tpu.memory_space<hbm>> -> memref<128xi32, #tpu.memory_space<hbm>>
    tpu.enqueue_dma source(%dma_start3A_830 : memref<128xi32, #tpu.memory_space<hbm>>) target(%dma_start3A_829 : memref<128xi32, #tpu.memory_space<vmem>>) target_semaphore(%dma_start3A_826 : memref<!tpu.dma_semaphore, #tpu.memory_space<semaphore_mem>>)
    %dma_start3A_831 = arith.constant 0 : i32
    %dma_start3A_832 = arith.constant 0 : i32
    %dma_start3A_833 = arith.constant 0 : i32
    %dma_start3A_834 = tpu.memref_slice %arg7[%dma_start3A_831, %dma_start3A_833] : memref<5x128xi32, #tpu.memory_space<vmem>> -> memref<1x128xi32, #tpu.memory_space<vmem>>
    %dma_start3A_835 = tpu.memref_squeeze %dma_start3A_834 : memref<1x128xi32, #tpu.memory_space<vmem>> -> memref<128xi32, #tpu.memory_space<vmem>>
    %dma_start3A_836 = tpu.memref_slice %arg3[%add3A_818] : memref<3276800xi32, #tpu.memory_space<hbm>> -> memref<128xi32, #tpu.memory_space<hbm>>
    %dma_start3A_837 = tpu.memref_slice %arg11[%dma_start3A_832] : memref<5x!tpu.dma_semaphore, #tpu.memory_space<semaphore_mem>> -> memref<1x!tpu.dma_semaphore, #tpu.memory_space<semaphore_mem>>
    %dma_start3A_838 = tpu.memref_squeeze %dma_start3A_837 : memref<1x!tpu.dma_semaphore, #tpu.memory_space<semaphore_mem>> -> memref<!tpu.dma_semaphore, #tpu.memory_space<semaphore_mem>>
    %dma_start3A_839 = arith.constant 0 : i32
    %dma_start3A_840 = tpu.memref_slice %arg7[%dma_start3A_831, %dma_start3A_839] : memref<5x128xi32, #tpu.memory_space<vmem>> -> memref<1x128xi32, #tpu.memory_space<vmem>>
    %dma_start3A_841 = tpu.memref_squeeze %dma_start3A_840 : memref<1x128xi32, #tpu.memory_space<vmem>> -> memref<128xi32, #tpu.memory_space<vmem>>
    %dma_start3A_842 = tpu.memref_slice %arg3[%add3A_818] : memref<3276800xi32, #tpu.memory_space<hbm>> -> memref<128xi32, #tpu.memory_space<hbm>>
    tpu.enqueue_dma source(%dma_start3A_842 : memref<128xi32, #tpu.memory_space<hbm>>) target(%dma_start3A_841 : memref<128xi32, #tpu.memory_space<vmem>>) target_semaphore(%dma_start3A_838 : memref<!tpu.dma_semaphore, #tpu.memory_space<semaphore_mem>>)
    %dma_wait3A_843 = arith.constant 3 : i32
    %dma_wait3A_844 = arith.constant 3 : i32
    %dma_wait3A_845 = arith.constant 0 : i32
    %dma_wait3A_846 = tpu.memref_slice %arg6[%dma_wait3A_843, %dma_wait3A_845] : memref<5x128xi32, #tpu.memory_space<vmem>> -> memref<1x128xi32, #tpu.memory_space<vmem>>
    %dma_wait3A_847 = tpu.memref_squeeze %dma_wait3A_846 : memref<1x128xi32, #tpu.memory_space<vmem>> -> memref<128xi32, #tpu.memory_space<vmem>>
    %dma_wait3A_848 = tpu.memref_slice %arg2[%mul3A_2] : memref<3276800xi32, #tpu.memory_space<hbm>> -> memref<128xi32, #tpu.memory_space<hbm>>
    %dma_wait3A_849 = tpu.memref_slice %arg11[%dma_wait3A_844] : memref<5x!tpu.dma_semaphore, #tpu.memory_space<semaphore_mem>> -> memref<1x!tpu.dma_semaphore, #tpu.memory_space<semaphore_mem>>
    %dma_wait3A_850 = tpu.memref_squeeze %dma_wait3A_849 : memref<1x!tpu.dma_semaphore, #tpu.memory_space<semaphore_mem>> -> memref<!tpu.dma_semaphore, #tpu.memory_space<semaphore_mem>>
    %dma_wait3A_851 = arith.constant 0 : i32
    %dma_wait3A_852 = tpu.memref_slice %arg6[%dma_wait3A_843, %dma_wait3A_851] : memref<5x128xi32, #tpu.memory_space<vmem>> -> memref<1x128xi32, #tpu.memory_space<vmem>>
    %dma_wait3A_853 = tpu.memref_squeeze %dma_wait3A_852 : memref<1x128xi32, #tpu.memory_space<vmem>> -> memref<128xi32, #tpu.memory_space<vmem>>
    %dma_wait3A_854 = tpu.memref_slice %arg2[%mul3A_2] : memref<3276800xi32, #tpu.memory_space<hbm>> -> memref<128xi32, #tpu.memory_space<hbm>>
    tpu.wait_dma2 semaphore(%dma_wait3A_850 : memref<!tpu.dma_semaphore, #tpu.memory_space<semaphore_mem>>) src(%dma_wait3A_854 : memref<128xi32, #tpu.memory_space<hbm>>) dst(%dma_wait3A_853 : memref<128xi32, #tpu.memory_space<vmem>>)
    %dma_wait3A_855 = arith.constant 3 : i32
    %dma_wait3A_856 = arith.constant 3 : i32
    %dma_wait3A_857 = arith.constant 0 : i32
    %dma_wait3A_858 = tpu.memref_slice %arg7[%dma_wait3A_855, %dma_wait3A_857] : memref<5x128xi32, #tpu.memory_space<vmem>> -> memref<1x128xi32, #tpu.memory_space<vmem>>
    %dma_wait3A_859 = tpu.memref_squeeze %dma_wait3A_858 : memref<1x128xi32, #tpu.memory_space<vmem>> -> memref<128xi32, #tpu.memory_space<vmem>>
    %dma_wait3A_860 = tpu.memref_slice %arg3[%mul3A_2] : memref<3276800xi32, #tpu.memory_space<hbm>> -> memref<128xi32, #tpu.memory_space<hbm>>
    %dma_wait3A_861 = tpu.memref_slice %arg11[%dma_wait3A_856] : memref<5x!tpu.dma_semaphore, #tpu.memory_space<semaphore_mem>> -> memref<1x!tpu.dma_semaphore, #tpu.memory_space<semaphore_mem>>
    %dma_wait3A_862 = tpu.memref_squeeze %dma_wait3A_861 : memref<1x!tpu.dma_semaphore, #tpu.memory_space<semaphore_mem>> -> memref<!tpu.dma_semaphore, #tpu.memory_space<semaphore_mem>>
    %dma_wait3A_863 = arith.constant 0 : i32
    %dma_wait3A_864 = tpu.memref_slice %arg7[%dma_wait3A_855, %dma_wait3A_863] : memref<5x128xi32, #tpu.memory_space<vmem>> -> memref<1x128xi32, #tpu.memory_space<vmem>>
    %dma_wait3A_865 = tpu.memref_squeeze %dma_wait3A_864 : memref<1x128xi32, #tpu.memory_space<vmem>> -> memref<128xi32, #tpu.memory_space<vmem>>
    %dma_wait3A_866 = tpu.memref_slice %arg3[%mul3A_2] : memref<3276800xi32, #tpu.memory_space<hbm>> -> memref<128xi32, #tpu.memory_space<hbm>>
    tpu.wait_dma2 semaphore(%dma_wait3A_862 : memref<!tpu.dma_semaphore, #tpu.memory_space<semaphore_mem>>) src(%dma_wait3A_866 : memref<128xi32, #tpu.memory_space<hbm>>) dst(%dma_wait3A_865 : memref<128xi32, #tpu.memory_space<vmem>>)
    %get3A_867 = arith.constant 3 : i32
    %get3A_868 = arith.index_cast %get3A_867 : i32 to index
    %get3A_869 = arith.constant 0 : index
    %get3A_870 = tpu.vector_load %arg6[%get3A_868, %get3A_869] {strides = array<i32>} : memref<5x128xi32, #tpu.memory_space<vmem>>, vector<1x16xi32>,
    %get3A_871 = vector.shape_cast %get3A_870 : vector<1x16xi32> to vector<16xi32>
    %mul3A_872 = arith.constant 5 : i32
    %mul3A_873 = vector.broadcast %mul3A_872 : i32 to vector<16xi32>
    %mul3A_874 = arith.muli %get3A_871, %mul3A_873 : vector<16xi32>
    %get3A_875 = arith.constant 3 : i32
    %get3A_876 = arith.index_cast %get3A_875 : i32 to index
    %get3A_877 = arith.constant 0 : index
    %get3A_878 = tpu.vector_load %arg7[%get3A_876, %get3A_877] {strides = array<i32>} : memref<5x128xi32, #tpu.memory_space<vmem>>, vector<1x16xi32>,
    %get3A_879 = vector.shape_cast %get3A_878 : vector<1x16xi32> to vector<16xi32>
    %add3A_880 = arith.addi %mul3A_874, %get3A_879 : vector<16xi32>
    %sub3A_881 = arith.constant 1 : i32
    %sub3A_882 = vector.broadcast %sub3A_881 : i32 to vector<16xi32>
    %sub3A_883 = arith.subi %add3A_880, %sub3A_882 : vector<16xi32>
    %swap3A_884 = arith.constant 3 : i32
    %swap3A_885 = arith.index_cast %swap3A_884 : i32 to index
    %swap3A_886 = arith.constant 0 : index
    %swap3A_887 = tpu.vector_load %arg8[%swap3A_885, %swap3A_886] {strides = array<i32>} : memref<5x128xi32, #tpu.memory_space<vmem>>, vector<1x16xi32>,
    %swap3A_888 = vector.shape_cast %swap3A_887 : vector<1x16xi32> to vector<16xi32>
    %swap3A_889 = vector.shape_cast %sub3A_883 : vector<16xi32> to vector<1x16xi32>
    tpu.vector_store %arg8[%swap3A_885, %swap3A_886], %swap3A_889 {strides = array<i32>} : memref<5x128xi32, #tpu.memory_space<vmem>>, vector<1x16xi32>,
    %get3A_890 = arith.constant 3 : i32
    %get3A_891 = arith.index_cast %get3A_890 : i32 to index
    %get3A_892 = arith.constant 16 : index
    %get3A_893 = tpu.vector_load %arg6[%get3A_891, %get3A_892] {strides = array<i32>} : memref<5x128xi32, #tpu.memory_space<vmem>>, vector<1x16xi32>,
    %get3A_894 = vector.shape_cast %get3A_893 : vector<1x16xi32> to vector<16xi32>
    %mul3A_895 = arith.constant 5 : i32
    %mul3A_896 = vector.broadcast %mul3A_895 : i32 to vector<16xi32>
    %mul3A_897 = arith.muli %get3A_894, %mul3A_896 : vector<16xi32>
    %get3A_898 = arith.constant 3 : i32
    %get3A_899 = arith.index_cast %get3A_898 : i32 to index
    %get3A_900 = arith.constant 16 : index
    %get3A_901 = tpu.vector_load %arg7[%get3A_899, %get3A_900] {strides = array<i32>} : memref<5x128xi32, #tpu.memory_space<vmem>>, vector<1x16xi32>,
    %get3A_902 = vector.shape_cast %get3A_901 : vector<1x16xi32> to vector<16xi32>
    %add3A_903 = arith.addi %mul3A_897, %get3A_902 : vector<16xi32>
    %sub3A_904 = arith.constant 1 : i32
    %sub3A_905 = vector.broadcast %sub3A_904 : i32 to vector<16xi32>
    %sub3A_906 = arith.subi %add3A_903, %sub3A_905 : vector<16xi32>
    %swap3A_907 = arith.constant 3 : i32
    %swap3A_908 = arith.index_cast %swap3A_907 : i32 to index
    %swap3A_909 = arith.constant 16 : index
    %swap3A_910 = tpu.vector_load %arg8[%swap3A_908, %swap3A_909] {strides = array<i32>} : memref<5x128xi32, #tpu.memory_space<vmem>>, vector<1x16xi32>,
    %swap3A_911 = vector.shape_cast %swap3A_910 : vector<1x16xi32> to vector<16xi32>
    %swap3A_912 = vector.shape_cast %sub3A_906 : vector<16xi32> to vector<1x16xi32>
    tpu.vector_store %arg8[%swap3A_908, %swap3A_909], %swap3A_912 {strides = array<i32>} : memref<5x128xi32, #tpu.memory_space<vmem>>, vector<1x16xi32>,
    %get3A_913 = arith.constant 3 : i32
    %get3A_914 = arith.index_cast %get3A_913 : i32 to index
    %get3A_915 = arith.constant 32 : index
    %get3A_916 = tpu.vector_load %arg6[%get3A_914, %get3A_915] {strides = array<i32>} : memref<5x128xi32, #tpu.memory_space<vmem>>, vector<1x16xi32>,
    %get3A_917 = vector.shape_cast %get3A_916 : vector<1x16xi32> to vector<16xi32>
    %mul3A_918 = arith.constant 5 : i32
    %mul3A_919 = vector.broadcast %mul3A_918 : i32 to vector<16xi32>
    %mul3A_920 = arith.muli %get3A_917, %mul3A_919 : vector<16xi32>
    %get3A_921 = arith.constant 3 : i32
    %get3A_922 = arith.index_cast %get3A_921 : i32 to index
    %get3A_923 = arith.constant 32 : index
    %get3A_924 = tpu.vector_load %arg7[%get3A_922, %get3A_923] {strides = array<i32>} : memref<5x128xi32, #tpu.memory_space<vmem>>, vector<1x16xi32>,
    %get3A_925 = vector.shape_cast %get3A_924 : vector<1x16xi32> to vector<16xi32>
    %add3A_926 = arith.addi %mul3A_920, %get3A_925 : vector<16xi32>
    %sub3A_927 = arith.constant 1 : i32
    %sub3A_928 = vector.broadcast %sub3A_927 : i32 to vector<16xi32>
    %sub3A_929 = arith.subi %add3A_926, %sub3A_928 : vector<16xi32>
    %swap3A_930 = arith.constant 3 : i32
    %swap3A_931 = arith.index_cast %swap3A_930 : i32 to index
    %swap3A_932 = arith.constant 32 : index
    %swap3A_933 = tpu.vector_load %arg8[%swap3A_931, %swap3A_932] {strides = array<i32>} : memref<5x128xi32, #tpu.memory_space<vmem>>, vector<1x16xi32>,
    %swap3A_934 = vector.shape_cast %swap3A_933 : vector<1x16xi32> to vector<16xi32>
    %swap3A_935 = vector.shape_cast %sub3A_929 : vector<16xi32> to vector<1x16xi32>
    tpu.vector_store %arg8[%swap3A_931, %swap3A_932], %swap3A_935 {strides = array<i32>} : memref<5x128xi32, #tpu.memory_space<vmem>>, vector<1x16xi32>,
    %get3A_936 = arith.constant 3 : i32
    %get3A_937 = arith.index_cast %get3A_936 : i32 to index
    %get3A_938 = arith.constant 48 : index
    %get3A_939 = tpu.vector_load %arg6[%get3A_937, %get3A_938] {strides = array<i32>} : memref<5x128xi32, #tpu.memory_space<vmem>>, vector<1x16xi32>,
    %get3A_940 = vector.shape_cast %get3A_939 : vector<1x16xi32> to vector<16xi32>
    %mul3A_941 = arith.constant 5 : i32
    %mul3A_942 = vector.broadcast %mul3A_941 : i32 to vector<16xi32>
    %mul3A_943 = arith.muli %get3A_940, %mul3A_942 : vector<16xi32>
    %get3A_944 = arith.constant 3 : i32
    %get3A_945 = arith.index_cast %get3A_944 : i32 to index
    %get3A_946 = arith.constant 48 : index
    %get3A_947 = tpu.vector_load %arg7[%get3A_945, %get3A_946] {strides = array<i32>} : memref<5x128xi32, #tpu.memory_space<vmem>>, vector<1x16xi32>,
    %get3A_948 = vector.shape_cast %get3A_947 : vector<1x16xi32> to vector<16xi32>
    %add3A_949 = arith.addi %mul3A_943, %get3A_948 : vector<16xi32>
    %sub3A_950 = arith.constant 1 : i32
    %sub3A_951 = vector.broadcast %sub3A_950 : i32 to vector<16xi32>
    %sub3A_952 = arith.subi %add3A_949, %sub3A_951 : vector<16xi32>
    %swap3A_953 = arith.constant 3 : i32
    %swap3A_954 = arith.index_cast %swap3A_953 : i32 to index
    %swap3A_955 = arith.constant 48 : index
    %swap3A_956 = tpu.vector_load %arg8[%swap3A_954, %swap3A_955] {strides = array<i32>} : memref<5x128xi32, #tpu.memory_space<vmem>>, vector<1x16xi32>,
    %swap3A_957 = vector.shape_cast %swap3A_956 : vector<1x16xi32> to vector<16xi32>
    %swap3A_958 = vector.shape_cast %sub3A_952 : vector<16xi32> to vector<1x16xi32>
    tpu.vector_store %arg8[%swap3A_954, %swap3A_955], %swap3A_958 {strides = array<i32>} : memref<5x128xi32, #tpu.memory_space<vmem>>, vector<1x16xi32>,
    %get3A_959 = arith.constant 3 : i32
    %get3A_960 = arith.index_cast %get3A_959 : i32 to index
    %get3A_961 = arith.constant 64 : index
    %get3A_962 = tpu.vector_load %arg6[%get3A_960, %get3A_961] {strides = array<i32>} : memref<5x128xi32, #tpu.memory_space<vmem>>, vector<1x16xi32>,
    %get3A_963 = vector.shape_cast %get3A_962 : vector<1x16xi32> to vector<16xi32>
    %mul3A_964 = arith.constant 5 : i32
    %mul3A_965 = vector.broadcast %mul3A_964 : i32 to vector<16xi32>
    %mul3A_966 = arith.muli %get3A_963, %mul3A_965 : vector<16xi32>
    %get3A_967 = arith.constant 3 : i32
    %get3A_968 = arith.index_cast %get3A_967 : i32 to index
    %get3A_969 = arith.constant 64 : index
    %get3A_970 = tpu.vector_load %arg7[%get3A_968, %get3A_969] {strides = array<i32>} : memref<5x128xi32, #tpu.memory_space<vmem>>, vector<1x16xi32>,
    %get3A_971 = vector.shape_cast %get3A_970 : vector<1x16xi32> to vector<16xi32>
    %add3A_972 = arith.addi %mul3A_966, %get3A_971 : vector<16xi32>
    %sub3A_973 = arith.constant 1 : i32
    %sub3A_974 = vector.broadcast %sub3A_973 : i32 to vector<16xi32>
    %sub3A_975 = arith.subi %add3A_972, %sub3A_974 : vector<16xi32>
    %swap3A_976 = arith.constant 3 : i32
    %swap3A_977 = arith.index_cast %swap3A_976 : i32 to index
    %swap3A_978 = arith.constant 64 : index
    %swap3A_979 = tpu.vector_load %arg8[%swap3A_977, %swap3A_978] {strides = array<i32>} : memref<5x128xi32, #tpu.memory_space<vmem>>, vector<1x16xi32>,
    %swap3A_980 = vector.shape_cast %swap3A_979 : vector<1x16xi32> to vector<16xi32>
    %swap3A_981 = vector.shape_cast %sub3A_975 : vector<16xi32> to vector<1x16xi32>
    tpu.vector_store %arg8[%swap3A_977, %swap3A_978], %swap3A_981 {strides = array<i32>} : memref<5x128xi32, #tpu.memory_space<vmem>>, vector<1x16xi32>,
    %get3A_982 = arith.constant 3 : i32
    %get3A_983 = arith.index_cast %get3A_982 : i32 to index
    %get3A_984 = arith.constant 80 : index
    %get3A_985 = tpu.vector_load %arg6[%get3A_983, %get3A_984] {strides = array<i32>} : memref<5x128xi32, #tpu.memory_space<vmem>>, vector<1x16xi32>,
    %get3A_986 = vector.shape_cast %get3A_985 : vector<1x16xi32> to vector<16xi32>
    %mul3A_987 = arith.constant 5 : i32
    %mul3A_988 = vector.broadcast %mul3A_987 : i32 to vector<16xi32>
    %mul3A_989 = arith.muli %get3A_986, %mul3A_988 : vector<16xi32>
    %get3A_990 = arith.constant 3 : i32
    %get3A_991 = arith.index_cast %get3A_990 : i32 to index
    %get3A_992 = arith.constant 80 : index
    %get3A_993 = tpu.vector_load %arg7[%get3A_991, %get3A_992] {strides = array<i32>} : memref<5x128xi32, #tpu.memory_space<vmem>>, vector<1x16xi32>,
    %get3A_994 = vector.shape_cast %get3A_993 : vector<1x16xi32> to vector<16xi32>
    %add3A_995 = arith.addi %mul3A_989, %get3A_994 : vector<16xi32>
    %sub3A_996 = arith.constant 1 : i32
    %sub3A_997 = vector.broadcast %sub3A_996 : i32 to vector<16xi32>
    %sub3A_998 = arith.subi %add3A_995, %sub3A_997 : vector<16xi32>
    %swap3A_999 = arith.constant 3 : i32
    %swap3A_1000 = arith.index_cast %swap3A_999 : i32 to index
    %swap3A_1001 = arith.constant 80 : index
    %swap3A_1002 = tpu.vector_load %arg8[%swap3A_1000, %swap3A_1001] {strides = array<i32>} : memref<5x128xi32, #tpu.memory_space<vmem>>, vector<1x16xi32>,
    %swap3A_1003 = vector.shape_cast %swap3A_1002 : vector<1x16xi32> to vector<16xi32>
    %swap3A_1004 = vector.shape_cast %sub3A_998 : vector<16xi32> to vector<1x16xi32>
    tpu.vector_store %arg8[%swap3A_1000, %swap3A_1001], %swap3A_1004 {strides = array<i32>} : memref<5x128xi32, #tpu.memory_space<vmem>>, vector<1x16xi32>,
    %get3A_1005 = arith.constant 3 : i32
    %get3A_1006 = arith.index_cast %get3A_1005 : i32 to index
    %get3A_1007 = arith.constant 96 : index
    %get3A_1008 = tpu.vector_load %arg6[%get3A_1006, %get3A_1007] {strides = array<i32>} : memref<5x128xi32, #tpu.memory_space<vmem>>, vector<1x16xi32>,
    %get3A_1009 = vector.shape_cast %get3A_1008 : vector<1x16xi32> to vector<16xi32>
    %mul3A_1010 = arith.constant 5 : i32
    %mul3A_1011 = vector.broadcast %mul3A_1010 : i32 to vector<16xi32>
    %mul3A_1012 = arith.muli %get3A_1009, %mul3A_1011 : vector<16xi32>
    %get3A_1013 = arith.constant 3 : i32
    %get3A_1014 = arith.index_cast %get3A_1013 : i32 to index
    %get3A_1015 = arith.constant 96 : index
    %get3A_1016 = tpu.vector_load %arg7[%get3A_1014, %get3A_1015] {strides = array<i32>} : memref<5x128xi32, #tpu.memory_space<vmem>>, vector<1x16xi32>,
    %get3A_1017 = vector.shape_cast %get3A_1016 : vector<1x16xi32> to vector<16xi32>
    %add3A_1018 = arith.addi %mul3A_1012, %get3A_1017 : vector<16xi32>
    %sub3A_1019 = arith.constant 1 : i32
    %sub3A_1020 = vector.broadcast %sub3A_1019 : i32 to vector<16xi32>
    %sub3A_1021 = arith.subi %add3A_1018, %sub3A_1020 : vector<16xi32>
    %swap3A_1022 = arith.constant 3 : i32
    %swap3A_1023 = arith.index_cast %swap3A_1022 : i32 to index
    %swap3A_1024 = arith.constant 96 : index
    %swap3A_1025 = tpu.vector_load %arg8[%swap3A_1023, %swap3A_1024] {strides = array<i32>} : memref<5x128xi32, #tpu.memory_space<vmem>>, vector<1x16xi32>,
    %swap3A_1026 = vector.shape_cast %swap3A_1025 : vector<1x16xi32> to vector<16xi32>
    %swap3A_1027 = vector.shape_cast %sub3A_1021 : vector<16xi32> to vector<1x16xi32>
    tpu.vector_store %arg8[%swap3A_1023, %swap3A_1024], %swap3A_1027 {strides = array<i32>} : memref<5x128xi32, #tpu.memory_space<vmem>>, vector<1x16xi32>,
    %get3A_1028 = arith.constant 3 : i32
    %get3A_1029 = arith.index_cast %get3A_1028 : i32 to index
    %get3A_1030 = arith.constant 112 : index
    %get3A_1031 = tpu.vector_load %arg6[%get3A_1029, %get3A_1030] {strides = array<i32>} : memref<5x128xi32, #tpu.memory_space<vmem>>, vector<1x16xi32>,
    %get3A_1032 = vector.shape_cast %get3A_1031 : vector<1x16xi32> to vector<16xi32>
    %mul3A_1033 = arith.constant 5 : i32
    %mul3A_1034 = vector.broadcast %mul3A_1033 : i32 to vector<16xi32>
    %mul3A_1035 = arith.muli %get3A_1032, %mul3A_1034 : vector<16xi32>
    %get3A_1036 = arith.constant 3 : i32
    %get3A_1037 = arith.index_cast %get3A_1036 : i32 to index
    %get3A_1038 = arith.constant 112 : index
    %get3A_1039 = tpu.vector_load %arg7[%get3A_1037, %get3A_1038] {strides = array<i32>} : memref<5x128xi32, #tpu.memory_space<vmem>>, vector<1x16xi32>,
    %get3A_1040 = vector.shape_cast %get3A_1039 : vector<1x16xi32> to vector<16xi32>
    %add3A_1041 = arith.addi %mul3A_1035, %get3A_1040 : vector<16xi32>
    %sub3A_1042 = arith.constant 1 : i32
    %sub3A_1043 = vector.broadcast %sub3A_1042 : i32 to vector<16xi32>
    %sub3A_1044 = arith.subi %add3A_1041, %sub3A_1043 : vector<16xi32>
    %swap3A_1045 = arith.constant 3 : i32
    %swap3A_1046 = arith.index_cast %swap3A_1045 : i32 to index
    %swap3A_1047 = arith.constant 112 : index
    %swap3A_1048 = tpu.vector_load %arg8[%swap3A_1046, %swap3A_1047] {strides = array<i32>} : memref<5x128xi32, #tpu.memory_space<vmem>>, vector<1x16xi32>,
    %swap3A_1049 = vector.shape_cast %swap3A_1048 : vector<1x16xi32> to vector<16xi32>
    %swap3A_1050 = vector.shape_cast %sub3A_1044 : vector<16xi32> to vector<1x16xi32>
    tpu.vector_store %arg8[%swap3A_1046, %swap3A_1047], %swap3A_1050 {strides = array<i32>} : memref<5x128xi32, #tpu.memory_space<vmem>>, vector<1x16xi32>,
    %dma_start3A_1051 = arith.constant 2 : i32
    %dma_start3A_1052 = arith.constant 2 : i32
    %dma_start3A_1053 = arith.constant 2 : i32
    %dma_start3A_1054 = arith.constant 0 : i32
    %dma_start3A_1055 = arith.constant 0 : i32
    %dma_start3A_1056 = tpu.memref_slice %arg9[%dma_start3A_1052, %dma_start3A_1054, %dma_start3A_1055] : memref<5x128x128xf32, #tpu.memory_space<vmem>> -> memref<1x128x128xf32, #tpu.memory_space<vmem>>
    %dma_start3A_1057 = tpu.memref_squeeze %dma_start3A_1056 : memref<1x128x128xf32, #tpu.memory_space<vmem>> -> memref<128x128xf32, #tpu.memory_space<vmem>>
    %dma_start3A_1058 = arith.constant 0 : i32
    %dma_start3A_1059 = tpu.memref_slice %arg8[%dma_start3A_1051, %dma_start3A_1058] : memref<5x128xi32, #tpu.memory_space<vmem>> -> memref<1x128xi32, #tpu.memory_space<vmem>>
    %dma_start3A_1060 = tpu.memref_squeeze %dma_start3A_1059 : memref<1x128xi32, #tpu.memory_space<vmem>> -> memref<128xi32, #tpu.memory_space<vmem>>
    %dma_start3A_1061 = arith.constant 0 : i32
    %dma_start3A_1062 = arith.constant 0 : i32
    %dma_start3A_1063 = tpu.memref_slice %arg10[%dma_start3A_1061, %dma_start3A_1062] : memref<75x128xf32, #tpu.memory_space<vmem_shared>> -> memref<75x128xf32, #tpu.memory_space<vmem_shared>>
    %dma_start3A_1064 = tpu.memref_slice %arg12[%dma_start3A_1053] : memref<5x!tpu.dma_semaphore, #tpu.memory_space<semaphore_mem>> -> memref<1x!tpu.dma_semaphore, #tpu.memory_space<semaphore_mem>>
    %dma_start3A_1065 = tpu.memref_squeeze %dma_start3A_1064 : memref<1x!tpu.dma_semaphore, #tpu.memory_space<semaphore_mem>> -> memref<!tpu.dma_semaphore, #tpu.memory_space<semaphore_mem>>
    tpu.enqueue_indirect_dma source(%dma_start3A_1063 : memref<75x128xf32, #tpu.memory_space<vmem_shared>>) target(%dma_start3A_1057 : memref<128x128xf32, #tpu.memory_space<vmem>>) offsets(%dma_start3A_1060 : memref<128xi32, #tpu.memory_space<vmem>>) semaphore(%dma_start3A_1065 : memref<!tpu.dma_semaphore, #tpu.memory_space<semaphore_mem>>)
    %dma_wait3A_1066 = arith.constant 1 : i32
    %dma_wait3A_1067 = arith.constant 1 : i32
    %dma_wait3A_1068 = arith.constant 1 : i32
    %dma_wait3A_1069 = arith.constant 0 : i32
    %dma_wait3A_1070 = arith.constant 0 : i32
    %dma_wait3A_1071 = tpu.memref_slice %arg9[%dma_wait3A_1067, %dma_wait3A_1069, %dma_wait3A_1070] : memref<5x128x128xf32, #tpu.memory_space<vmem>> -> memref<1x128x128xf32, #tpu.memory_space<vmem>>
    %dma_wait3A_1072 = tpu.memref_squeeze %dma_wait3A_1071 : memref<1x128x128xf32, #tpu.memory_space<vmem>> -> memref<128x128xf32, #tpu.memory_space<vmem>>
    %dma_wait3A_1073 = arith.constant 0 : i32
    %dma_wait3A_1074 = tpu.memref_slice %arg8[%dma_wait3A_1066, %dma_wait3A_1073] : memref<5x128xi32, #tpu.memory_space<vmem>> -> memref<1x128xi32, #tpu.memory_space<vmem>>
    %dma_wait3A_1075 = tpu.memref_squeeze %dma_wait3A_1074 : memref<1x128xi32, #tpu.memory_space<vmem>> -> memref<128xi32, #tpu.memory_space<vmem>>
    %dma_wait3A_1076 = arith.constant 0 : i32
    %dma_wait3A_1077 = arith.constant 0 : i32
    %dma_wait3A_1078 = tpu.memref_slice %arg10[%dma_wait3A_1076, %dma_wait3A_1077] : memref<75x128xf32, #tpu.memory_space<vmem_shared>> -> memref<75x128xf32, #tpu.memory_space<vmem_shared>>
    %dma_wait3A_1079 = tpu.memref_slice %arg12[%dma_wait3A_1068] : memref<5x!tpu.dma_semaphore, #tpu.memory_space<semaphore_mem>> -> memref<1x!tpu.dma_semaphore, #tpu.memory_space<semaphore_mem>>
    %dma_wait3A_1080 = tpu.memref_squeeze %dma_wait3A_1079 : memref<1x!tpu.dma_semaphore, #tpu.memory_space<semaphore_mem>> -> memref<!tpu.dma_semaphore, #tpu.memory_space<semaphore_mem>>
    tpu.wait_indirect_dma semaphore(%dma_wait3A_1080 : memref<!tpu.dma_semaphore, #tpu.memory_space<semaphore_mem>>) src(%dma_wait3A_1078 : memref<75x128xf32, #tpu.memory_space<vmem_shared>>) dst(%dma_wait3A_1072 : memref<128x128xf32, #tpu.memory_space<vmem>>)
    %add3A_1081 = arith.constant 128 : i32
    %add3A_1082 = arith.addi %mul3A_2, %add3A_1081 : i32
    %dma_start3A_1083 = arith.constant 1 : i32
    %dma_start3A_1084 = arith.constant 1 : i32
    %dma_start3A_1085 = arith.constant 0 : i32
    %dma_start3A_1086 = arith.constant 0 : i32
    %dma_start3A_1087 = tpu.memref_slice %arg9[%dma_start3A_1083, %dma_start3A_1085, %dma_start3A_1086] : memref<5x128x128xf32, #tpu.memory_space<vmem>> -> memref<1x128x128xf32, #tpu.memory_space<vmem>>
    %dma_start3A_1088 = tpu.memref_squeeze %dma_start3A_1087 : memref<1x128x128xf32, #tpu.memory_space<vmem>> -> memref<128x128xf32, #tpu.memory_space<vmem>>
    %dma_start3A_1089 = arith.constant 0 : i32
    %dma_start3A_1090 = tpu.memref_slice %arg5[%add3A_1082, %dma_start3A_1089] : memref<3276800x128xf32, #tpu.memory_space<hbm>> -> memref<128x128xf32, #tpu.memory_space<hbm>>
    %dma_start3A_1091 = tpu.memref_slice %arg13[%dma_start3A_1084] : memref<5x!tpu.dma_semaphore, #tpu.memory_space<semaphore_mem>> -> memref<1x!tpu.dma_semaphore, #tpu.memory_space<semaphore_mem>>
    %dma_start3A_1092 = tpu.memref_squeeze %dma_start3A_1091 : memref<1x!tpu.dma_semaphore, #tpu.memory_space<semaphore_mem>> -> memref<!tpu.dma_semaphore, #tpu.memory_space<semaphore_mem>>
    %dma_start3A_1093 = arith.constant 0 : i32
    %dma_start3A_1094 = tpu.memref_slice %arg5[%add3A_1082, %dma_start3A_1093] : memref<3276800x128xf32, #tpu.memory_space<hbm>> -> memref<128x128xf32, #tpu.memory_space<hbm>>
    %dma_start3A_1095 = arith.constant 0 : i32
    %dma_start3A_1096 = arith.constant 0 : i32
    %dma_start3A_1097 = tpu.memref_slice %arg9[%dma_start3A_1083, %dma_start3A_1095, %dma_start3A_1096] : memref<5x128x128xf32, #tpu.memory_space<vmem>> -> memref<1x128x128xf32, #tpu.memory_space<vmem>>
    %dma_start3A_1098 = tpu.memref_squeeze %dma_start3A_1097 : memref<1x128x128xf32, #tpu.memory_space<vmem>> -> memref<128x128xf32, #tpu.memory_space<vmem>>
    tpu.enqueue_dma source(%dma_start3A_1098 : memref<128x128xf32, #tpu.memory_space<vmem>>) target(%dma_start3A_1094 : memref<128x128xf32, #tpu.memory_space<hbm>>) target_semaphore(%dma_start3A_1092 : memref<!tpu.dma_semaphore, #tpu.memory_space<semaphore_mem>>)
    %add3A_1099 = arith.constant 768 : i32
    %add3A_1100 = arith.addi %mul3A_2, %add3A_1099 : i32
    %dma_start3A_1101 = arith.constant 1 : i32
    %dma_start3A_1102 = arith.constant 1 : i32
    %dma_start3A_1103 = arith.constant 0 : i32
    %dma_start3A_1104 = tpu.memref_slice %arg6[%dma_start3A_1101, %dma_start3A_1103] : memref<5x128xi32, #tpu.memory_space<vmem>> -> memref<1x128xi32, #tpu.memory_space<vmem>>
    %dma_start3A_1105 = tpu.memref_squeeze %dma_start3A_1104 : memref<1x128xi32, #tpu.memory_space<vmem>> -> memref<128xi32, #tpu.memory_space<vmem>>
    %dma_start3A_1106 = tpu.memref_slice %arg2[%add3A_1100] : memref<3276800xi32, #tpu.memory_space<hbm>> -> memref<128xi32, #tpu.memory_space<hbm>>
    %dma_start3A_1107 = tpu.memref_slice %arg11[%dma_start3A_1102] : memref<5x!tpu.dma_semaphore, #tpu.memory_space<semaphore_mem>> -> memref<1x!tpu.dma_semaphore, #tpu.memory_space<semaphore_mem>>
    %dma_start3A_1108 = tpu.memref_squeeze %dma_start3A_1107 : memref<1x!tpu.dma_semaphore, #tpu.memory_space<semaphore_mem>> -> memref<!tpu.dma_semaphore, #tpu.memory_space<semaphore_mem>>
    %dma_start3A_1109 = arith.constant 0 : i32
    %dma_start3A_1110 = tpu.memref_slice %arg6[%dma_start3A_1101, %dma_start3A_1109] : memref<5x128xi32, #tpu.memory_space<vmem>> -> memref<1x128xi32, #tpu.memory_space<vmem>>
    %dma_start3A_1111 = tpu.memref_squeeze %dma_start3A_1110 : memref<1x128xi32, #tpu.memory_space<vmem>> -> memref<128xi32, #tpu.memory_space<vmem>>
    %dma_start3A_1112 = tpu.memref_slice %arg2[%add3A_1100] : memref<3276800xi32, #tpu.memory_space<hbm>> -> memref<128xi32, #tpu.memory_space<hbm>>
    tpu.enqueue_dma source(%dma_start3A_1112 : memref<128xi32, #tpu.memory_space<hbm>>) target(%dma_start3A_1111 : memref<128xi32, #tpu.memory_space<vmem>>) target_semaphore(%dma_start3A_1108 : memref<!tpu.dma_semaphore, #tpu.memory_space<semaphore_mem>>)
    %dma_start3A_1113 = arith.constant 1 : i32
    %dma_start3A_1114 = arith.constant 1 : i32
    %dma_start3A_1115 = arith.constant 0 : i32
    %dma_start3A_1116 = tpu.memref_slice %arg7[%dma_start3A_1113, %dma_start3A_1115] : memref<5x128xi32, #tpu.memory_space<vmem>> -> memref<1x128xi32, #tpu.memory_space<vmem>>
    %dma_start3A_1117 = tpu.memref_squeeze %dma_start3A_1116 : memref<1x128xi32, #tpu.memory_space<vmem>> -> memref<128xi32, #tpu.memory_space<vmem>>
    %dma_start3A_1118 = tpu.memref_slice %arg3[%add3A_1100] : memref<3276800xi32, #tpu.memory_space<hbm>> -> memref<128xi32, #tpu.memory_space<hbm>>
    %dma_start3A_1119 = tpu.memref_slice %arg11[%dma_start3A_1114] : memref<5x!tpu.dma_semaphore, #tpu.memory_space<semaphore_mem>> -> memref<1x!tpu.dma_semaphore, #tpu.memory_space<semaphore_mem>>
    %dma_start3A_1120 = tpu.memref_squeeze %dma_start3A_1119 : memref<1x!tpu.dma_semaphore, #tpu.memory_space<semaphore_mem>> -> memref<!tpu.dma_semaphore, #tpu.memory_space<semaphore_mem>>
    %dma_start3A_1121 = arith.constant 0 : i32
    %dma_start3A_1122 = tpu.memref_slice %arg7[%dma_start3A_1113, %dma_start3A_1121] : memref<5x128xi32, #tpu.memory_space<vmem>> -> memref<1x128xi32, #tpu.memory_space<vmem>>
    %dma_start3A_1123 = tpu.memref_squeeze %dma_start3A_1122 : memref<1x128xi32, #tpu.memory_space<vmem>> -> memref<128xi32, #tpu.memory_space<vmem>>
    %dma_start3A_1124 = tpu.memref_slice %arg3[%add3A_1100] : memref<3276800xi32, #tpu.memory_space<hbm>> -> memref<128xi32, #tpu.memory_space<hbm>>
    tpu.enqueue_dma source(%dma_start3A_1124 : memref<128xi32, #tpu.memory_space<hbm>>) target(%dma_start3A_1123 : memref<128xi32, #tpu.memory_space<vmem>>) target_semaphore(%dma_start3A_1120 : memref<!tpu.dma_semaphore, #tpu.memory_space<semaphore_mem>>)
    %dma_wait3A_1125 = arith.constant 4 : i32
    %dma_wait3A_1126 = arith.constant 4 : i32
    %dma_wait3A_1127 = arith.constant 0 : i32
    %dma_wait3A_1128 = tpu.memref_slice %arg6[%dma_wait3A_1125, %dma_wait3A_1127] : memref<5x128xi32, #tpu.memory_space<vmem>> -> memref<1x128xi32, #tpu.memory_space<vmem>>
    %dma_wait3A_1129 = tpu.memref_squeeze %dma_wait3A_1128 : memref<1x128xi32, #tpu.memory_space<vmem>> -> memref<128xi32, #tpu.memory_space<vmem>>
    %dma_wait3A_1130 = tpu.memref_slice %arg2[%mul3A_2] : memref<3276800xi32, #tpu.memory_space<hbm>> -> memref<128xi32, #tpu.memory_space<hbm>>
    %dma_wait3A_1131 = tpu.memref_slice %arg11[%dma_wait3A_1126] : memref<5x!tpu.dma_semaphore, #tpu.memory_space<semaphore_mem>> -> memref<1x!tpu.dma_semaphore, #tpu.memory_space<semaphore_mem>>
    %dma_wait3A_1132 = tpu.memref_squeeze %dma_wait3A_1131 : memref<1x!tpu.dma_semaphore, #tpu.memory_space<semaphore_mem>> -> memref<!tpu.dma_semaphore, #tpu.memory_space<semaphore_mem>>
    %dma_wait3A_1133 = arith.constant 0 : i32
    %dma_wait3A_1134 = tpu.memref_slice %arg6[%dma_wait3A_1125, %dma_wait3A_1133] : memref<5x128xi32, #tpu.memory_space<vmem>> -> memref<1x128xi32, #tpu.memory_space<vmem>>
    %dma_wait3A_1135 = tpu.memref_squeeze %dma_wait3A_1134 : memref<1x128xi32, #tpu.memory_space<vmem>> -> memref<128xi32, #tpu.memory_space<vmem>>
    %dma_wait3A_1136 = tpu.memref_slice %arg2[%mul3A_2] : memref<3276800xi32, #tpu.memory_space<hbm>> -> memref<128xi32, #tpu.memory_space<hbm>>
    tpu.wait_dma2 semaphore(%dma_wait3A_1132 : memref<!tpu.dma_semaphore, #tpu.memory_space<semaphore_mem>>) src(%dma_wait3A_1136 : memref<128xi32, #tpu.memory_space<hbm>>) dst(%dma_wait3A_1135 : memref<128xi32, #tpu.memory_space<vmem>>)
    %dma_wait3A_1137 = arith.constant 4 : i32
    %dma_wait3A_1138 = arith.constant 4 : i32
    %dma_wait3A_1139 = arith.constant 0 : i32
    %dma_wait3A_1140 = tpu.memref_slice %arg7[%dma_wait3A_1137, %dma_wait3A_1139] : memref<5x128xi32, #tpu.memory_space<vmem>> -> memref<1x128xi32, #tpu.memory_space<vmem>>
    %dma_wait3A_1141 = tpu.memref_squeeze %dma_wait3A_1140 : memref<1x128xi32, #tpu.memory_space<vmem>> -> memref<128xi32, #tpu.memory_space<vmem>>
    %dma_wait3A_1142 = tpu.memref_slice %arg3[%mul3A_2] : memref<3276800xi32, #tpu.memory_space<hbm>> -> memref<128xi32, #tpu.memory_space<hbm>>
    %dma_wait3A_1143 = tpu.memref_slice %arg11[%dma_wait3A_1138] : memref<5x!tpu.dma_semaphore, #tpu.memory_space<semaphore_mem>> -> memref<1x!tpu.dma_semaphore, #tpu.memory_space<semaphore_mem>>
    %dma_wait3A_1144 = tpu.memref_squeeze %dma_wait3A_1143 : memref<1x!tpu.dma_semaphore, #tpu.memory_space<semaphore_mem>> -> memref<!tpu.dma_semaphore, #tpu.memory_space<semaphore_mem>>
    %dma_wait3A_1145 = arith.constant 0 : i32
    %dma_wait3A_1146 = tpu.memref_slice %arg7[%dma_wait3A_1137, %dma_wait3A_1145] : memref<5x128xi32, #tpu.memory_space<vmem>> -> memref<1x128xi32, #tpu.memory_space<vmem>>
    %dma_wait3A_1147 = tpu.memref_squeeze %dma_wait3A_1146 : memref<1x128xi32, #tpu.memory_space<vmem>> -> memref<128xi32, #tpu.memory_space<vmem>>
    %dma_wait3A_1148 = tpu.memref_slice %arg3[%mul3A_2] : memref<3276800xi32, #tpu.memory_space<hbm>> -> memref<128xi32, #tpu.memory_space<hbm>>
    tpu.wait_dma2 semaphore(%dma_wait3A_1144 : memref<!tpu.dma_semaphore, #tpu.memory_space<semaphore_mem>>) src(%dma_wait3A_1148 : memref<128xi32, #tpu.memory_space<hbm>>) dst(%dma_wait3A_1147 : memref<128xi32, #tpu.memory_space<vmem>>)
    %get3A_1149 = arith.constant 4 : i32
    %get3A_1150 = arith.index_cast %get3A_1149 : i32 to index
    %get3A_1151 = arith.constant 0 : index
    %get3A_1152 = tpu.vector_load %arg6[%get3A_1150, %get3A_1151] {strides = array<i32>} : memref<5x128xi32, #tpu.memory_space<vmem>>, vector<1x16xi32>,
    %get3A_1153 = vector.shape_cast %get3A_1152 : vector<1x16xi32> to vector<16xi32>
    %mul3A_1154 = arith.constant 5 : i32
    %mul3A_1155 = vector.broadcast %mul3A_1154 : i32 to vector<16xi32>
    %mul3A_1156 = arith.muli %get3A_1153, %mul3A_1155 : vector<16xi32>
    %get3A_1157 = arith.constant 4 : i32
    %get3A_1158 = arith.index_cast %get3A_1157 : i32 to index
    %get3A_1159 = arith.constant 0 : index
    %get3A_1160 = tpu.vector_load %arg7[%get3A_1158, %get3A_1159] {strides = array<i32>} : memref<5x128xi32, #tpu.memory_space<vmem>>, vector<1x16xi32>,
    %get3A_1161 = vector.shape_cast %get3A_1160 : vector<1x16xi32> to vector<16xi32>
    %add3A_1162 = arith.addi %mul3A_1156, %get3A_1161 : vector<16xi32>
    %sub3A_1163 = arith.constant 1 : i32
    %sub3A_1164 = vector.broadcast %sub3A_1163 : i32 to vector<16xi32>
    %sub3A_1165 = arith.subi %add3A_1162, %sub3A_1164 : vector<16xi32>
    %swap3A_1166 = arith.constant 4 : i32
    %swap3A_1167 = arith.index_cast %swap3A_1166 : i32 to index
    %swap3A_1168 = arith.constant 0 : index
    %swap3A_1169 = tpu.vector_load %arg8[%swap3A_1167, %swap3A_1168] {strides = array<i32>} : memref<5x128xi32, #tpu.memory_space<vmem>>, vector<1x16xi32>,
    %swap3A_1170 = vector.shape_cast %swap3A_1169 : vector<1x16xi32> to vector<16xi32>
    %swap3A_1171 = vector.shape_cast %sub3A_1165 : vector<16xi32> to vector<1x16xi32>
    tpu.vector_store %arg8[%swap3A_1167, %swap3A_1168], %swap3A_1171 {strides = array<i32>} : memref<5x128xi32, #tpu.memory_space<vmem>>, vector<1x16xi32>,
    %get3A_1172 = arith.constant 4 : i32
    %get3A_1173 = arith.index_cast %get3A_1172 : i32 to index
    %get3A_1174 = arith.constant 16 : index
    %get3A_1175 = tpu.vector_load %arg6[%get3A_1173, %get3A_1174] {strides = array<i32>} : memref<5x128xi32, #tpu.memory_space<vmem>>, vector<1x16xi32>,
    %get3A_1176 = vector.shape_cast %get3A_1175 : vector<1x16xi32> to vector<16xi32>
    %mul3A_1177 = arith.constant 5 : i32
    %mul3A_1178 = vector.broadcast %mul3A_1177 : i32 to vector<16xi32>
    %mul3A_1179 = arith.muli %get3A_1176, %mul3A_1178 : vector<16xi32>
    %get3A_1180 = arith.constant 4 : i32
    %get3A_1181 = arith.index_cast %get3A_1180 : i32 to index
    %get3A_1182 = arith.constant 16 : index
    %get3A_1183 = tpu.vector_load %arg7[%get3A_1181, %get3A_1182] {strides = array<i32>} : memref<5x128xi32, #tpu.memory_space<vmem>>, vector<1x16xi32>,
    %get3A_1184 = vector.shape_cast %get3A_1183 : vector<1x16xi32> to vector<16xi32>
    %add3A_1185 = arith.addi %mul3A_1179, %get3A_1184 : vector<16xi32>
    %sub3A_1186 = arith.constant 1 : i32
    %sub3A_1187 = vector.broadcast %sub3A_1186 : i32 to vector<16xi32>
    %sub3A_1188 = arith.subi %add3A_1185, %sub3A_1187 : vector<16xi32>
    %swap3A_1189 = arith.constant 4 : i32
    %swap3A_1190 = arith.index_cast %swap3A_1189 : i32 to index
    %swap3A_1191 = arith.constant 16 : index
    %swap3A_1192 = tpu.vector_load %arg8[%swap3A_1190, %swap3A_1191] {strides = array<i32>} : memref<5x128xi32, #tpu.memory_space<vmem>>, vector<1x16xi32>,
    %swap3A_1193 = vector.shape_cast %swap3A_1192 : vector<1x16xi32> to vector<16xi32>
    %swap3A_1194 = vector.shape_cast %sub3A_1188 : vector<16xi32> to vector<1x16xi32>
    tpu.vector_store %arg8[%swap3A_1190, %swap3A_1191], %swap3A_1194 {strides = array<i32>} : memref<5x128xi32, #tpu.memory_space<vmem>>, vector<1x16xi32>,
    %get3A_1195 = arith.constant 4 : i32
    %get3A_1196 = arith.index_cast %get3A_1195 : i32 to index
    %get3A_1197 = arith.constant 32 : index
    %get3A_1198 = tpu.vector_load %arg6[%get3A_1196, %get3A_1197] {strides = array<i32>} : memref<5x128xi32, #tpu.memory_space<vmem>>, vector<1x16xi32>,
    %get3A_1199 = vector.shape_cast %get3A_1198 : vector<1x16xi32> to vector<16xi32>
    %mul3A_1200 = arith.constant 5 : i32
    %mul3A_1201 = vector.broadcast %mul3A_1200 : i32 to vector<16xi32>
    %mul3A_1202 = arith.muli %get3A_1199, %mul3A_1201 : vector<16xi32>
    %get3A_1203 = arith.constant 4 : i32
    %get3A_1204 = arith.index_cast %get3A_1203 : i32 to index
    %get3A_1205 = arith.constant 32 : index
    %get3A_1206 = tpu.vector_load %arg7[%get3A_1204, %get3A_1205] {strides = array<i32>} : memref<5x128xi32, #tpu.memory_space<vmem>>, vector<1x16xi32>,
    %get3A_1207 = vector.shape_cast %get3A_1206 : vector<1x16xi32> to vector<16xi32>
    %add3A_1208 = arith.addi %mul3A_1202, %get3A_1207 : vector<16xi32>
    %sub3A_1209 = arith.constant 1 : i32
    %sub3A_1210 = vector.broadcast %sub3A_1209 : i32 to vector<16xi32>
    %sub3A_1211 = arith.subi %add3A_1208, %sub3A_1210 : vector<16xi32>
    %swap3A_1212 = arith.constant 4 : i32
    %swap3A_1213 = arith.index_cast %swap3A_1212 : i32 to index
    %swap3A_1214 = arith.constant 32 : index
    %swap3A_1215 = tpu.vector_load %arg8[%swap3A_1213, %swap3A_1214] {strides = array<i32>} : memref<5x128xi32, #tpu.memory_space<vmem>>, vector<1x16xi32>,
    %swap3A_1216 = vector.shape_cast %swap3A_1215 : vector<1x16xi32> to vector<16xi32>
    %swap3A_1217 = vector.shape_cast %sub3A_1211 : vector<16xi32> to vector<1x16xi32>
    tpu.vector_store %arg8[%swap3A_1213, %swap3A_1214], %swap3A_1217 {strides = array<i32>} : memref<5x128xi32, #tpu.memory_space<vmem>>, vector<1x16xi32>,
    %get3A_1218 = arith.constant 4 : i32
    %get3A_1219 = arith.index_cast %get3A_1218 : i32 to index
    %get3A_1220 = arith.constant 48 : index
    %get3A_1221 = tpu.vector_load %arg6[%get3A_1219, %get3A_1220] {strides = array<i32>} : memref<5x128xi32, #tpu.memory_space<vmem>>, vector<1x16xi32>,
    %get3A_1222 = vector.shape_cast %get3A_1221 : vector<1x16xi32> to vector<16xi32>
    %mul3A_1223 = arith.constant 5 : i32
    %mul3A_1224 = vector.broadcast %mul3A_1223 : i32 to vector<16xi32>
    %mul3A_1225 = arith.muli %get3A_1222, %mul3A_1224 : vector<16xi32>
    %get3A_1226 = arith.constant 4 : i32
    %get3A_1227 = arith.index_cast %get3A_1226 : i32 to index
    %get3A_1228 = arith.constant 48 : index
    %get3A_1229 = tpu.vector_load %arg7[%get3A_1227, %get3A_1228] {strides = array<i32>} : memref<5x128xi32, #tpu.memory_space<vmem>>, vector<1x16xi32>,
    %get3A_1230 = vector.shape_cast %get3A_1229 : vector<1x16xi32> to vector<16xi32>
    %add3A_1231 = arith.addi %mul3A_1225, %get3A_1230 : vector<16xi32>
    %sub3A_1232 = arith.constant 1 : i32
    %sub3A_1233 = vector.broadcast %sub3A_1232 : i32 to vector<16xi32>
    %sub3A_1234 = arith.subi %add3A_1231, %sub3A_1233 : vector<16xi32>
    %swap3A_1235 = arith.constant 4 : i32
    %swap3A_1236 = arith.index_cast %swap3A_1235 : i32 to index
    %swap3A_1237 = arith.constant 48 : index
    %swap3A_1238 = tpu.vector_load %arg8[%swap3A_1236, %swap3A_1237] {strides = array<i32>} : memref<5x128xi32, #tpu.memory_space<vmem>>, vector<1x16xi32>,
    %swap3A_1239 = vector.shape_cast %swap3A_1238 : vector<1x16xi32> to vector<16xi32>
    %swap3A_1240 = vector.shape_cast %sub3A_1234 : vector<16xi32> to vector<1x16xi32>
    tpu.vector_store %arg8[%swap3A_1236, %swap3A_1237], %swap3A_1240 {strides = array<i32>} : memref<5x128xi32, #tpu.memory_space<vmem>>, vector<1x16xi32>,
    %get3A_1241 = arith.constant 4 : i32
    %get3A_1242 = arith.index_cast %get3A_1241 : i32 to index
    %get3A_1243 = arith.constant 64 : index
    %get3A_1244 = tpu.vector_load %arg6[%get3A_1242, %get3A_1243] {strides = array<i32>} : memref<5x128xi32, #tpu.memory_space<vmem>>, vector<1x16xi32>,
    %get3A_1245 = vector.shape_cast %get3A_1244 : vector<1x16xi32> to vector<16xi32>
    %mul3A_1246 = arith.constant 5 : i32
    %mul3A_1247 = vector.broadcast %mul3A_1246 : i32 to vector<16xi32>
    %mul3A_1248 = arith.muli %get3A_1245, %mul3A_1247 : vector<16xi32>
    %get3A_1249 = arith.constant 4 : i32
    %get3A_1250 = arith.index_cast %get3A_1249 : i32 to index
    %get3A_1251 = arith.constant 64 : index
    %get3A_1252 = tpu.vector_load %arg7[%get3A_1250, %get3A_1251] {strides = array<i32>} : memref<5x128xi32, #tpu.memory_space<vmem>>, vector<1x16xi32>,
    %get3A_1253 = vector.shape_cast %get3A_1252 : vector<1x16xi32> to vector<16xi32>
    %add3A_1254 = arith.addi %mul3A_1248, %get3A_1253 : vector<16xi32>
    %sub3A_1255 = arith.constant 1 : i32
    %sub3A_1256 = vector.broadcast %sub3A_1255 : i32 to vector<16xi32>
    %sub3A_1257 = arith.subi %add3A_1254, %sub3A_1256 : vector<16xi32>
    %swap3A_1258 = arith.constant 4 : i32
    %swap3A_1259 = arith.index_cast %swap3A_1258 : i32 to index
    %swap3A_1260 = arith.constant 64 : index
    %swap3A_1261 = tpu.vector_load %arg8[%swap3A_1259, %swap3A_1260] {strides = array<i32>} : memref<5x128xi32, #tpu.memory_space<vmem>>, vector<1x16xi32>,
    %swap3A_1262 = vector.shape_cast %swap3A_1261 : vector<1x16xi32> to vector<16xi32>
    %swap3A_1263 = vector.shape_cast %sub3A_1257 : vector<16xi32> to vector<1x16xi32>
    tpu.vector_store %arg8[%swap3A_1259, %swap3A_1260], %swap3A_1263 {strides = array<i32>} : memref<5x128xi32, #tpu.memory_space<vmem>>, vector<1x16xi32>,
    %get3A_1264 = arith.constant 4 : i32
    %get3A_1265 = arith.index_cast %get3A_1264 : i32 to index
    %get3A_1266 = arith.constant 80 : index
    %get3A_1267 = tpu.vector_load %arg6[%get3A_1265, %get3A_1266] {strides = array<i32>} : memref<5x128xi32, #tpu.memory_space<vmem>>, vector<1x16xi32>,
    %get3A_1268 = vector.shape_cast %get3A_1267 : vector<1x16xi32> to vector<16xi32>
    %mul3A_1269 = arith.constant 5 : i32
    %mul3A_1270 = vector.broadcast %mul3A_1269 : i32 to vector<16xi32>
    %mul3A_1271 = arith.muli %get3A_1268, %mul3A_1270 : vector<16xi32>
    %get3A_1272 = arith.constant 4 : i32
    %get3A_1273 = arith.index_cast %get3A_1272 : i32 to index
    %get3A_1274 = arith.constant 80 : index
    %get3A_1275 = tpu.vector_load %arg7[%get3A_1273, %get3A_1274] {strides = array<i32>} : memref<5x128xi32, #tpu.memory_space<vmem>>, vector<1x16xi32>,
    %get3A_1276 = vector.shape_cast %get3A_1275 : vector<1x16xi32> to vector<16xi32>
    %add3A_1277 = arith.addi %mul3A_1271, %get3A_1276 : vector<16xi32>
    %sub3A_1278 = arith.constant 1 : i32
    %sub3A_1279 = vector.broadcast %sub3A_1278 : i32 to vector<16xi32>
    %sub3A_1280 = arith.subi %add3A_1277, %sub3A_1279 : vector<16xi32>
    %swap3A_1281 = arith.constant 4 : i32
    %swap3A_1282 = arith.index_cast %swap3A_1281 : i32 to index
    %swap3A_1283 = arith.constant 80 : index
    %swap3A_1284 = tpu.vector_load %arg8[%swap3A_1282, %swap3A_1283] {strides = array<i32>} : memref<5x128xi32, #tpu.memory_space<vmem>>, vector<1x16xi32>,
    %swap3A_1285 = vector.shape_cast %swap3A_1284 : vector<1x16xi32> to vector<16xi32>
    %swap3A_1286 = vector.shape_cast %sub3A_1280 : vector<16xi32> to vector<1x16xi32>
    tpu.vector_store %arg8[%swap3A_1282, %swap3A_1283], %swap3A_1286 {strides = array<i32>} : memref<5x128xi32, #tpu.memory_space<vmem>>, vector<1x16xi32>,
    %get3A_1287 = arith.constant 4 : i32
    %get3A_1288 = arith.index_cast %get3A_1287 : i32 to index
    %get3A_1289 = arith.constant 96 : index
    %get3A_1290 = tpu.vector_load %arg6[%get3A_1288, %get3A_1289] {strides = array<i32>} : memref<5x128xi32, #tpu.memory_space<vmem>>, vector<1x16xi32>,
    %get3A_1291 = vector.shape_cast %get3A_1290 : vector<1x16xi32> to vector<16xi32>
    %mul3A_1292 = arith.constant 5 : i32
    %mul3A_1293 = vector.broadcast %mul3A_1292 : i32 to vector<16xi32>
    %mul3A_1294 = arith.muli %get3A_1291, %mul3A_1293 : vector<16xi32>
    %get3A_1295 = arith.constant 4 : i32
    %get3A_1296 = arith.index_cast %get3A_1295 : i32 to index
    %get3A_1297 = arith.constant 96 : index
    %get3A_1298 = tpu.vector_load %arg7[%get3A_1296, %get3A_1297] {strides = array<i32>} : memref<5x128xi32, #tpu.memory_space<vmem>>, vector<1x16xi32>,
    %get3A_1299 = vector.shape_cast %get3A_1298 : vector<1x16xi32> to vector<16xi32>
    %add3A_1300 = arith.addi %mul3A_1294, %get3A_1299 : vector<16xi32>
    %sub3A_1301 = arith.constant 1 : i32
    %sub3A_1302 = vector.broadcast %sub3A_1301 : i32 to vector<16xi32>
    %sub3A_1303 = arith.subi %add3A_1300, %sub3A_1302 : vector<16xi32>
    %swap3A_1304 = arith.constant 4 : i32
    %swap3A_1305 = arith.index_cast %swap3A_1304 : i32 to index
    %swap3A_1306 = arith.constant 96 : index
    %swap3A_1307 = tpu.vector_load %arg8[%swap3A_1305, %swap3A_1306] {strides = array<i32>} : memref<5x128xi32, #tpu.memory_space<vmem>>, vector<1x16xi32>,
    %swap3A_1308 = vector.shape_cast %swap3A_1307 : vector<1x16xi32> to vector<16xi32>
    %swap3A_1309 = vector.shape_cast %sub3A_1303 : vector<16xi32> to vector<1x16xi32>
    tpu.vector_store %arg8[%swap3A_1305, %swap3A_1306], %swap3A_1309 {strides = array<i32>} : memref<5x128xi32, #tpu.memory_space<vmem>>, vector<1x16xi32>,
    %get3A_1310 = arith.constant 4 : i32
    %get3A_1311 = arith.index_cast %get3A_1310 : i32 to index
    %get3A_1312 = arith.constant 112 : index
    %get3A_1313 = tpu.vector_load %arg6[%get3A_1311, %get3A_1312] {strides = array<i32>} : memref<5x128xi32, #tpu.memory_space<vmem>>, vector<1x16xi32>,
    %get3A_1314 = vector.shape_cast %get3A_1313 : vector<1x16xi32> to vector<16xi32>
    %mul3A_1315 = arith.constant 5 : i32
    %mul3A_1316 = vector.broadcast %mul3A_1315 : i32 to vector<16xi32>
    %mul3A_1317 = arith.muli %get3A_1314, %mul3A_1316 : vector<16xi32>
    %get3A_1318 = arith.constant 4 : i32
    %get3A_1319 = arith.index_cast %get3A_1318 : i32 to index
    %get3A_1320 = arith.constant 112 : index
    %get3A_1321 = tpu.vector_load %arg7[%get3A_1319, %get3A_1320] {strides = array<i32>} : memref<5x128xi32, #tpu.memory_space<vmem>>, vector<1x16xi32>,
    %get3A_1322 = vector.shape_cast %get3A_1321 : vector<1x16xi32> to vector<16xi32>
    %add3A_1323 = arith.addi %mul3A_1317, %get3A_1322 : vector<16xi32>
    %sub3A_1324 = arith.constant 1 : i32
    %sub3A_1325 = vector.broadcast %sub3A_1324 : i32 to vector<16xi32>
    %sub3A_1326 = arith.subi %add3A_1323, %sub3A_1325 : vector<16xi32>
    %swap3A_1327 = arith.constant 4 : i32
    %swap3A_1328 = arith.index_cast %swap3A_1327 : i32 to index
    %swap3A_1329 = arith.constant 112 : index
    %swap3A_1330 = tpu.vector_load %arg8[%swap3A_1328, %swap3A_1329] {strides = array<i32>} : memref<5x128xi32, #tpu.memory_space<vmem>>, vector<1x16xi32>,
    %swap3A_1331 = vector.shape_cast %swap3A_1330 : vector<1x16xi32> to vector<16xi32>
    %swap3A_1332 = vector.shape_cast %sub3A_1326 : vector<16xi32> to vector<1x16xi32>
    tpu.vector_store %arg8[%swap3A_1328, %swap3A_1329], %swap3A_1332 {strides = array<i32>} : memref<5x128xi32, #tpu.memory_space<vmem>>, vector<1x16xi32>,
    %dma_start3A_1333 = arith.constant 3 : i32
    %dma_start3A_1334 = arith.constant 3 : i32
    %dma_start3A_1335 = arith.constant 3 : i32
    %dma_start3A_1336 = arith.constant 0 : i32
    %dma_start3A_1337 = arith.constant 0 : i32
    %dma_start3A_1338 = tpu.memref_slice %arg9[%dma_start3A_1334, %dma_start3A_1336, %dma_start3A_1337] : memref<5x128x128xf32, #tpu.memory_space<vmem>> -> memref<1x128x128xf32, #tpu.memory_space<vmem>>
    %dma_start3A_1339 = tpu.memref_squeeze %dma_start3A_1338 : memref<1x128x128xf32, #tpu.memory_space<vmem>> -> memref<128x128xf32, #tpu.memory_space<vmem>>
    %dma_start3A_1340 = arith.constant 0 : i32
    %dma_start3A_1341 = tpu.memref_slice %arg8[%dma_start3A_1333, %dma_start3A_1340] : memref<5x128xi32, #tpu.memory_space<vmem>> -> memref<1x128xi32, #tpu.memory_space<vmem>>
    %dma_start3A_1342 = tpu.memref_squeeze %dma_start3A_1341 : memref<1x128xi32, #tpu.memory_space<vmem>> -> memref<128xi32, #tpu.memory_space<vmem>>
    %dma_start3A_1343 = arith.constant 0 : i32
    %dma_start3A_1344 = arith.constant 0 : i32
    %dma_start3A_1345 = tpu.memref_slice %arg10[%dma_start3A_1343, %dma_start3A_1344] : memref<75x128xf32, #tpu.memory_space<vmem_shared>> -> memref<75x128xf32, #tpu.memory_space<vmem_shared>>
    %dma_start3A_1346 = tpu.memref_slice %arg12[%dma_start3A_1335] : memref<5x!tpu.dma_semaphore, #tpu.memory_space<semaphore_mem>> -> memref<1x!tpu.dma_semaphore, #tpu.memory_space<semaphore_mem>>
    %dma_start3A_1347 = tpu.memref_squeeze %dma_start3A_1346 : memref<1x!tpu.dma_semaphore, #tpu.memory_space<semaphore_mem>> -> memref<!tpu.dma_semaphore, #tpu.memory_space<semaphore_mem>>
    tpu.enqueue_indirect_dma source(%dma_start3A_1345 : memref<75x128xf32, #tpu.memory_space<vmem_shared>>) target(%dma_start3A_1339 : memref<128x128xf32, #tpu.memory_space<vmem>>) offsets(%dma_start3A_1342 : memref<128xi32, #tpu.memory_space<vmem>>) semaphore(%dma_start3A_1347 : memref<!tpu.dma_semaphore, #tpu.memory_space<semaphore_mem>>)
    %dma_wait3A_1348 = arith.constant 2 : i32
    %dma_wait3A_1349 = arith.constant 2 : i32
    %dma_wait3A_1350 = arith.constant 2 : i32
    %dma_wait3A_1351 = arith.constant 0 : i32
    %dma_wait3A_1352 = arith.constant 0 : i32
    %dma_wait3A_1353 = tpu.memref_slice %arg9[%dma_wait3A_1349, %dma_wait3A_1351, %dma_wait3A_1352] : memref<5x128x128xf32, #tpu.memory_space<vmem>> -> memref<1x128x128xf32, #tpu.memory_space<vmem>>
    %dma_wait3A_1354 = tpu.memref_squeeze %dma_wait3A_1353 : memref<1x128x128xf32, #tpu.memory_space<vmem>> -> memref<128x128xf32, #tpu.memory_space<vmem>>
    %dma_wait3A_1355 = arith.constant 0 : i32
    %dma_wait3A_1356 = tpu.memref_slice %arg8[%dma_wait3A_1348, %dma_wait3A_1355] : memref<5x128xi32, #tpu.memory_space<vmem>> -> memref<1x128xi32, #tpu.memory_space<vmem>>
    %dma_wait3A_1357 = tpu.memref_squeeze %dma_wait3A_1356 : memref<1x128xi32, #tpu.memory_space<vmem>> -> memref<128xi32, #tpu.memory_space<vmem>>
    %dma_wait3A_1358 = arith.constant 0 : i32
    %dma_wait3A_1359 = arith.constant 0 : i32
    %dma_wait3A_1360 = tpu.memref_slice %arg10[%dma_wait3A_1358, %dma_wait3A_1359] : memref<75x128xf32, #tpu.memory_space<vmem_shared>> -> memref<75x128xf32, #tpu.memory_space<vmem_shared>>
    %dma_wait3A_1361 = tpu.memref_slice %arg12[%dma_wait3A_1350] : memref<5x!tpu.dma_semaphore, #tpu.memory_space<semaphore_mem>> -> memref<1x!tpu.dma_semaphore, #tpu.memory_space<semaphore_mem>>
    %dma_wait3A_1362 = tpu.memref_squeeze %dma_wait3A_1361 : memref<1x!tpu.dma_semaphore, #tpu.memory_space<semaphore_mem>> -> memref<!tpu.dma_semaphore, #tpu.memory_space<semaphore_mem>>
    tpu.wait_indirect_dma semaphore(%dma_wait3A_1362 : memref<!tpu.dma_semaphore, #tpu.memory_space<semaphore_mem>>) src(%dma_wait3A_1360 : memref<75x128xf32, #tpu.memory_space<vmem_shared>>) dst(%dma_wait3A_1354 : memref<128x128xf32, #tpu.memory_space<vmem>>)
    %add3A_1363 = arith.constant 256 : i32
    %add3A_1364 = arith.addi %mul3A_2, %add3A_1363 : i32
    %dma_start3A_1365 = arith.constant 2 : i32
    %dma_start3A_1366 = arith.constant 2 : i32
    %dma_start3A_1367 = arith.constant 0 : i32
    %dma_start3A_1368 = arith.constant 0 : i32
    %dma_start3A_1369 = tpu.memref_slice %arg9[%dma_start3A_1365, %dma_start3A_1367, %dma_start3A_1368] : memref<5x128x128xf32, #tpu.memory_space<vmem>> -> memref<1x128x128xf32, #tpu.memory_space<vmem>>
    %dma_start3A_1370 = tpu.memref_squeeze %dma_start3A_1369 : memref<1x128x128xf32, #tpu.memory_space<vmem>> -> memref<128x128xf32, #tpu.memory_space<vmem>>
    %dma_start3A_1371 = arith.constant 0 : i32
    %dma_start3A_1372 = tpu.memref_slice %arg5[%add3A_1364, %dma_start3A_1371] : memref<3276800x128xf32, #tpu.memory_space<hbm>> -> memref<128x128xf32, #tpu.memory_space<hbm>>
    %dma_start3A_1373 = tpu.memref_slice %arg13[%dma_start3A_1366] : memref<5x!tpu.dma_semaphore, #tpu.memory_space<semaphore_mem>> -> memref<1x!tpu.dma_semaphore, #tpu.memory_space<semaphore_mem>>
    %dma_start3A_1374 = tpu.memref_squeeze %dma_start3A_1373 : memref<1x!tpu.dma_semaphore, #tpu.memory_space<semaphore_mem>> -> memref<!tpu.dma_semaphore, #tpu.memory_space<semaphore_mem>>
    %dma_start3A_1375 = arith.constant 0 : i32
    %dma_start3A_1376 = tpu.memref_slice %arg5[%add3A_1364, %dma_start3A_1375] : memref<3276800x128xf32, #tpu.memory_space<hbm>> -> memref<128x128xf32, #tpu.memory_space<hbm>>
    %dma_start3A_1377 = arith.constant 0 : i32
    %dma_start3A_1378 = arith.constant 0 : i32
    %dma_start3A_1379 = tpu.memref_slice %arg9[%dma_start3A_1365, %dma_start3A_1377, %dma_start3A_1378] : memref<5x128x128xf32, #tpu.memory_space<vmem>> -> memref<1x128x128xf32, #tpu.memory_space<vmem>>
    %dma_start3A_1380 = tpu.memref_squeeze %dma_start3A_1379 : memref<1x128x128xf32, #tpu.memory_space<vmem>> -> memref<128x128xf32, #tpu.memory_space<vmem>>
    tpu.enqueue_dma source(%dma_start3A_1380 : memref<128x128xf32, #tpu.memory_space<vmem>>) target(%dma_start3A_1376 : memref<128x128xf32, #tpu.memory_space<hbm>>) target_semaphore(%dma_start3A_1374 : memref<!tpu.dma_semaphore, #tpu.memory_space<semaphore_mem>>)
    %add3A_1381 = arith.constant 896 : i32
    %add3A_1382 = arith.addi %mul3A_2, %add3A_1381 : i32
    %dma_start3A_1383 = arith.constant 2 : i32
    %dma_start3A_1384 = arith.constant 2 : i32
    %dma_start3A_1385 = arith.constant 0 : i32
    %dma_start3A_1386 = tpu.memref_slice %arg6[%dma_start3A_1383, %dma_start3A_1385] : memref<5x128xi32, #tpu.memory_space<vmem>> -> memref<1x128xi32, #tpu.memory_space<vmem>>
    %dma_start3A_1387 = tpu.memref_squeeze %dma_start3A_1386 : memref<1x128xi32, #tpu.memory_space<vmem>> -> memref<128xi32, #tpu.memory_space<vmem>>
    %dma_start3A_1388 = tpu.memref_slice %arg2[%add3A_1382] : memref<3276800xi32, #tpu.memory_space<hbm>> -> memref<128xi32, #tpu.memory_space<hbm>>
    %dma_start3A_1389 = tpu.memref_slice %arg11[%dma_start3A_1384] : memref<5x!tpu.dma_semaphore, #tpu.memory_space<semaphore_mem>> -> memref<1x!tpu.dma_semaphore, #tpu.memory_space<semaphore_mem>>
    %dma_start3A_1390 = tpu.memref_squeeze %dma_start3A_1389 : memref<1x!tpu.dma_semaphore, #tpu.memory_space<semaphore_mem>> -> memref<!tpu.dma_semaphore, #tpu.memory_space<semaphore_mem>>
    %dma_start3A_1391 = arith.constant 0 : i32
    %dma_start3A_1392 = tpu.memref_slice %arg6[%dma_start3A_1383, %dma_start3A_1391] : memref<5x128xi32, #tpu.memory_space<vmem>> -> memref<1x128xi32, #tpu.memory_space<vmem>>
    %dma_start3A_1393 = tpu.memref_squeeze %dma_start3A_1392 : memref<1x128xi32, #tpu.memory_space<vmem>> -> memref<128xi32, #tpu.memory_space<vmem>>
    %dma_start3A_1394 = tpu.memref_slice %arg2[%add3A_1382] : memref<3276800xi32, #tpu.memory_space<hbm>> -> memref<128xi32, #tpu.memory_space<hbm>>
    tpu.enqueue_dma source(%dma_start3A_1394 : memref<128xi32, #tpu.memory_space<hbm>>) target(%dma_start3A_1393 : memref<128xi32, #tpu.memory_space<vmem>>) target_semaphore(%dma_start3A_1390 : memref<!tpu.dma_semaphore, #tpu.memory_space<semaphore_mem>>)
    %dma_start3A_1395 = arith.constant 2 : i32
    %dma_start3A_1396 = arith.constant 2 : i32
    %dma_start3A_1397 = arith.constant 0 : i32
    %dma_start3A_1398 = tpu.memref_slice %arg7[%dma_start3A_1395, %dma_start3A_1397] : memref<5x128xi32, #tpu.memory_space<vmem>> -> memref<1x128xi32, #tpu.memory_space<vmem>>
    %dma_start3A_1399 = tpu.memref_squeeze %dma_start3A_1398 : memref<1x128xi32, #tpu.memory_space<vmem>> -> memref<128xi32, #tpu.memory_space<vmem>>
    %dma_start3A_1400 = tpu.memref_slice %arg3[%add3A_1382] : memref<3276800xi32, #tpu.memory_space<hbm>> -> memref<128xi32, #tpu.memory_space<hbm>>
    %dma_start3A_1401 = tpu.memref_slice %arg11[%dma_start3A_1396] : memref<5x!tpu.dma_semaphore, #tpu.memory_space<semaphore_mem>> -> memref<1x!tpu.dma_semaphore, #tpu.memory_space<semaphore_mem>>
    %dma_start3A_1402 = tpu.memref_squeeze %dma_start3A_1401 : memref<1x!tpu.dma_semaphore, #tpu.memory_space<semaphore_mem>> -> memref<!tpu.dma_semaphore, #tpu.memory_space<semaphore_mem>>
    %dma_start3A_1403 = arith.constant 0 : i32
    %dma_start3A_1404 = tpu.memref_slice %arg7[%dma_start3A_1395, %dma_start3A_1403] : memref<5x128xi32, #tpu.memory_space<vmem>> -> memref<1x128xi32, #tpu.memory_space<vmem>>
    %dma_start3A_1405 = tpu.memref_squeeze %dma_start3A_1404 : memref<1x128xi32, #tpu.memory_space<vmem>> -> memref<128xi32, #tpu.memory_space<vmem>>
    %dma_start3A_1406 = tpu.memref_slice %arg3[%add3A_1382] : memref<3276800xi32, #tpu.memory_space<hbm>> -> memref<128xi32, #tpu.memory_space<hbm>>
    tpu.enqueue_dma source(%dma_start3A_1406 : memref<128xi32, #tpu.memory_space<hbm>>) target(%dma_start3A_1405 : memref<128xi32, #tpu.memory_space<vmem>>) target_semaphore(%dma_start3A_1402 : memref<!tpu.dma_semaphore, #tpu.memory_space<semaphore_mem>>)
    %dma_wait3A_1407 = arith.constant 0 : i32
    %dma_wait3A_1408 = arith.constant 0 : i32
    %dma_wait3A_1409 = arith.constant 0 : i32
    %dma_wait3A_1410 = tpu.memref_slice %arg6[%dma_wait3A_1407, %dma_wait3A_1409] : memref<5x128xi32, #tpu.memory_space<vmem>> -> memref<1x128xi32, #tpu.memory_space<vmem>>
    %dma_wait3A_1411 = tpu.memref_squeeze %dma_wait3A_1410 : memref<1x128xi32, #tpu.memory_space<vmem>> -> memref<128xi32, #tpu.memory_space<vmem>>
    %dma_wait3A_1412 = tpu.memref_slice %arg2[%mul3A_2] : memref<3276800xi32, #tpu.memory_space<hbm>> -> memref<128xi32, #tpu.memory_space<hbm>>
    %dma_wait3A_1413 = tpu.memref_slice %arg11[%dma_wait3A_1408] : memref<5x!tpu.dma_semaphore, #tpu.memory_space<semaphore_mem>> -> memref<1x!tpu.dma_semaphore, #tpu.memory_space<semaphore_mem>>
    %dma_wait3A_1414 = tpu.memref_squeeze %dma_wait3A_1413 : memref<1x!tpu.dma_semaphore, #tpu.memory_space<semaphore_mem>> -> memref<!tpu.dma_semaphore, #tpu.memory_space<semaphore_mem>>
    %dma_wait3A_1415 = arith.constant 0 : i32
    %dma_wait3A_1416 = tpu.memref_slice %arg6[%dma_wait3A_1407, %dma_wait3A_1415] : memref<5x128xi32, #tpu.memory_space<vmem>> -> memref<1x128xi32, #tpu.memory_space<vmem>>
    %dma_wait3A_1417 = tpu.memref_squeeze %dma_wait3A_1416 : memref<1x128xi32, #tpu.memory_space<vmem>> -> memref<128xi32, #tpu.memory_space<vmem>>
    %dma_wait3A_1418 = tpu.memref_slice %arg2[%mul3A_2] : memref<3276800xi32, #tpu.memory_space<hbm>> -> memref<128xi32, #tpu.memory_space<hbm>>
    tpu.wait_dma2 semaphore(%dma_wait3A_1414 : memref<!tpu.dma_semaphore, #tpu.memory_space<semaphore_mem>>) src(%dma_wait3A_1418 : memref<128xi32, #tpu.memory_space<hbm>>) dst(%dma_wait3A_1417 : memref<128xi32, #tpu.memory_space<vmem>>)
    %dma_wait3A_1419 = arith.constant 0 : i32
    %dma_wait3A_1420 = arith.constant 0 : i32
    %dma_wait3A_1421 = arith.constant 0 : i32
    %dma_wait3A_1422 = tpu.memref_slice %arg7[%dma_wait3A_1419, %dma_wait3A_1421] : memref<5x128xi32, #tpu.memory_space<vmem>> -> memref<1x128xi32, #tpu.memory_space<vmem>>
    %dma_wait3A_1423 = tpu.memref_squeeze %dma_wait3A_1422 : memref<1x128xi32, #tpu.memory_space<vmem>> -> memref<128xi32, #tpu.memory_space<vmem>>
    %dma_wait3A_1424 = tpu.memref_slice %arg3[%mul3A_2] : memref<3276800xi32, #tpu.memory_space<hbm>> -> memref<128xi32, #tpu.memory_space<hbm>>
    %dma_wait3A_1425 = tpu.memref_slice %arg11[%dma_wait3A_1420] : memref<5x!tpu.dma_semaphore, #tpu.memory_space<semaphore_mem>> -> memref<1x!tpu.dma_semaphore, #tpu.memory_space<semaphore_mem>>
    %dma_wait3A_1426 = tpu.memref_squeeze %dma_wait3A_1425 : memref<1x!tpu.dma_semaphore, #tpu.memory_space<semaphore_mem>> -> memref<!tpu.dma_semaphore, #tpu.memory_space<semaphore_mem>>
    %dma_wait3A_1427 = arith.constant 0 : i32
    %dma_wait3A_1428 = tpu.memref_slice %arg7[%dma_wait3A_1419, %dma_wait3A_1427] : memref<5x128xi32, #tpu.memory_space<vmem>> -> memref<1x128xi32, #tpu.memory_space<vmem>>
    %dma_wait3A_1429 = tpu.memref_squeeze %dma_wait3A_1428 : memref<1x128xi32, #tpu.memory_space<vmem>> -> memref<128xi32, #tpu.memory_space<vmem>>
    %dma_wait3A_1430 = tpu.memref_slice %arg3[%mul3A_2] : memref<3276800xi32, #tpu.memory_space<hbm>> -> memref<128xi32, #tpu.memory_space<hbm>>
    tpu.wait_dma2 semaphore(%dma_wait3A_1426 : memref<!tpu.dma_semaphore, #tpu.memory_space<semaphore_mem>>) src(%dma_wait3A_1430 : memref<128xi32, #tpu.memory_space<hbm>>) dst(%dma_wait3A_1429 : memref<128xi32, #tpu.memory_space<vmem>>)
    %get3A_1431 = arith.constant 0 : i32
    %get3A_1432 = arith.index_cast %get3A_1431 : i32 to index
    %get3A_1433 = arith.constant 0 : index
    %get3A_1434 = tpu.vector_load %arg6[%get3A_1432, %get3A_1433] {strides = array<i32>} : memref<5x128xi32, #tpu.memory_space<vmem>>, vector<1x16xi32>,
    %get3A_1435 = vector.shape_cast %get3A_1434 : vector<1x16xi32> to vector<16xi32>
    %mul3A_1436 = arith.constant 5 : i32
    %mul3A_1437 = vector.broadcast %mul3A_1436 : i32 to vector<16xi32>
    %mul3A_1438 = arith.muli %get3A_1435, %mul3A_1437 : vector<16xi32>
    %get3A_1439 = arith.constant 0 : i32
    %get3A_1440 = arith.index_cast %get3A_1439 : i32 to index
    %get3A_1441 = arith.constant 0 : index
    %get3A_1442 = tpu.vector_load %arg7[%get3A_1440, %get3A_1441] {strides = array<i32>} : memref<5x128xi32, #tpu.memory_space<vmem>>, vector<1x16xi32>,
    %get3A_1443 = vector.shape_cast %get3A_1442 : vector<1x16xi32> to vector<16xi32>
    %add3A_1444 = arith.addi %mul3A_1438, %get3A_1443 : vector<16xi32>
    %sub3A_1445 = arith.constant 1 : i32
    %sub3A_1446 = vector.broadcast %sub3A_1445 : i32 to vector<16xi32>
    %sub3A_1447 = arith.subi %add3A_1444, %sub3A_1446 : vector<16xi32>
    %swap3A_1448 = arith.constant 0 : i32
    %swap3A_1449 = arith.index_cast %swap3A_1448 : i32 to index
    %swap3A_1450 = arith.constant 0 : index
    %swap3A_1451 = tpu.vector_load %arg8[%swap3A_1449, %swap3A_1450] {strides = array<i32>} : memref<5x128xi32, #tpu.memory_space<vmem>>, vector<1x16xi32>,
    %swap3A_1452 = vector.shape_cast %swap3A_1451 : vector<1x16xi32> to vector<16xi32>
    %swap3A_1453 = vector.shape_cast %sub3A_1447 : vector<16xi32> to vector<1x16xi32>
    tpu.vector_store %arg8[%swap3A_1449, %swap3A_1450], %swap3A_1453 {strides = array<i32>} : memref<5x128xi32, #tpu.memory_space<vmem>>, vector<1x16xi32>,
    %get3A_1454 = arith.constant 0 : i32
    %get3A_1455 = arith.index_cast %get3A_1454 : i32 to index
    %get3A_1456 = arith.constant 16 : index
    %get3A_1457 = tpu.vector_load %arg6[%get3A_1455, %get3A_1456] {strides = array<i32>} : memref<5x128xi32, #tpu.memory_space<vmem>>, vector<1x16xi32>,
    %get3A_1458 = vector.shape_cast %get3A_1457 : vector<1x16xi32> to vector<16xi32>
    %mul3A_1459 = arith.constant 5 : i32
    %mul3A_1460 = vector.broadcast %mul3A_1459 : i32 to vector<16xi32>
    %mul3A_1461 = arith.muli %get3A_1458, %mul3A_1460 : vector<16xi32>
    %get3A_1462 = arith.constant 0 : i32
    %get3A_1463 = arith.index_cast %get3A_1462 : i32 to index
    %get3A_1464 = arith.constant 16 : index
    %get3A_1465 = tpu.vector_load %arg7[%get3A_1463, %get3A_1464] {strides = array<i32>} : memref<5x128xi32, #tpu.memory_space<vmem>>, vector<1x16xi32>,
    %get3A_1466 = vector.shape_cast %get3A_1465 : vector<1x16xi32> to vector<16xi32>
    %add3A_1467 = arith.addi %mul3A_1461, %get3A_1466 : vector<16xi32>
    %sub3A_1468 = arith.constant 1 : i32
    %sub3A_1469 = vector.broadcast %sub3A_1468 : i32 to vector<16xi32>
    %sub3A_1470 = arith.subi %add3A_1467, %sub3A_1469 : vector<16xi32>
    %swap3A_1471 = arith.constant 0 : i32
    %swap3A_1472 = arith.index_cast %swap3A_1471 : i32 to index
    %swap3A_1473 = arith.constant 16 : index
    %swap3A_1474 = tpu.vector_load %arg8[%swap3A_1472, %swap3A_1473] {strides = array<i32>} : memref<5x128xi32, #tpu.memory_space<vmem>>, vector<1x16xi32>,
    %swap3A_1475 = vector.shape_cast %swap3A_1474 : vector<1x16xi32> to vector<16xi32>
    %swap3A_1476 = vector.shape_cast %sub3A_1470 : vector<16xi32> to vector<1x16xi32>
    tpu.vector_store %arg8[%swap3A_1472, %swap3A_1473], %swap3A_1476 {strides = array<i32>} : memref<5x128xi32, #tpu.memory_space<vmem>>, vector<1x16xi32>,
    %get3A_1477 = arith.constant 0 : i32
    %get3A_1478 = arith.index_cast %get3A_1477 : i32 to index
    %get3A_1479 = arith.constant 32 : index
    %get3A_1480 = tpu.vector_load %arg6[%get3A_1478, %get3A_1479] {strides = array<i32>} : memref<5x128xi32, #tpu.memory_space<vmem>>, vector<1x16xi32>,
    %get3A_1481 = vector.shape_cast %get3A_1480 : vector<1x16xi32> to vector<16xi32>
    %mul3A_1482 = arith.constant 5 : i32
    %mul3A_1483 = vector.broadcast %mul3A_1482 : i32 to vector<16xi32>
    %mul3A_1484 = arith.muli %get3A_1481, %mul3A_1483 : vector<16xi32>
    %get3A_1485 = arith.constant 0 : i32
    %get3A_1486 = arith.index_cast %get3A_1485 : i32 to index
    %get3A_1487 = arith.constant 32 : index
    %get3A_1488 = tpu.vector_load %arg7[%get3A_1486, %get3A_1487] {strides = array<i32>} : memref<5x128xi32, #tpu.memory_space<vmem>>, vector<1x16xi32>,
    %get3A_1489 = vector.shape_cast %get3A_1488 : vector<1x16xi32> to vector<16xi32>
    %add3A_1490 = arith.addi %mul3A_1484, %get3A_1489 : vector<16xi32>
    %sub3A_1491 = arith.constant 1 : i32
    %sub3A_1492 = vector.broadcast %sub3A_1491 : i32 to vector<16xi32>
    %sub3A_1493 = arith.subi %add3A_1490, %sub3A_1492 : vector<16xi32>
    %swap3A_1494 = arith.constant 0 : i32
    %swap3A_1495 = arith.index_cast %swap3A_1494 : i32 to index
    %swap3A_1496 = arith.constant 32 : index
    %swap3A_1497 = tpu.vector_load %arg8[%swap3A_1495, %swap3A_1496] {strides = array<i32>} : memref<5x128xi32, #tpu.memory_space<vmem>>, vector<1x16xi32>,
    %swap3A_1498 = vector.shape_cast %swap3A_1497 : vector<1x16xi32> to vector<16xi32>
    %swap3A_1499 = vector.shape_cast %sub3A_1493 : vector<16xi32> to vector<1x16xi32>
    tpu.vector_store %arg8[%swap3A_1495, %swap3A_1496], %swap3A_1499 {strides = array<i32>} : memref<5x128xi32, #tpu.memory_space<vmem>>, vector<1x16xi32>,
    %get3A_1500 = arith.constant 0 : i32
    %get3A_1501 = arith.index_cast %get3A_1500 : i32 to index
    %get3A_1502 = arith.constant 48 : index
    %get3A_1503 = tpu.vector_load %arg6[%get3A_1501, %get3A_1502] {strides = array<i32>} : memref<5x128xi32, #tpu.memory_space<vmem>>, vector<1x16xi32>,
    %get3A_1504 = vector.shape_cast %get3A_1503 : vector<1x16xi32> to vector<16xi32>
    %mul3A_1505 = arith.constant 5 : i32
    %mul3A_1506 = vector.broadcast %mul3A_1505 : i32 to vector<16xi32>
    %mul3A_1507 = arith.muli %get3A_1504, %mul3A_1506 : vector<16xi32>
    %get3A_1508 = arith.constant 0 : i32
    %get3A_1509 = arith.index_cast %get3A_1508 : i32 to index
    %get3A_1510 = arith.constant 48 : index
    %get3A_1511 = tpu.vector_load %arg7[%get3A_1509, %get3A_1510] {strides = array<i32>} : memref<5x128xi32, #tpu.memory_space<vmem>>, vector<1x16xi32>,
    %get3A_1512 = vector.shape_cast %get3A_1511 : vector<1x16xi32> to vector<16xi32>
    %add3A_1513 = arith.addi %mul3A_1507, %get3A_1512 : vector<16xi32>
    %sub3A_1514 = arith.constant 1 : i32
    %sub3A_1515 = vector.broadcast %sub3A_1514 : i32 to vector<16xi32>
    %sub3A_1516 = arith.subi %add3A_1513, %sub3A_1515 : vector<16xi32>
    %swap3A_1517 = arith.constant 0 : i32
    %swap3A_1518 = arith.index_cast %swap3A_1517 : i32 to index
    %swap3A_1519 = arith.constant 48 : index
    %swap3A_1520 = tpu.vector_load %arg8[%swap3A_1518, %swap3A_1519] {strides = array<i32>} : memref<5x128xi32, #tpu.memory_space<vmem>>, vector<1x16xi32>,
    %swap3A_1521 = vector.shape_cast %swap3A_1520 : vector<1x16xi32> to vector<16xi32>
    %swap3A_1522 = vector.shape_cast %sub3A_1516 : vector<16xi32> to vector<1x16xi32>
    tpu.vector_store %arg8[%swap3A_1518, %swap3A_1519], %swap3A_1522 {strides = array<i32>} : memref<5x128xi32, #tpu.memory_space<vmem>>, vector<1x16xi32>,
    %get3A_1523 = arith.constant 0 : i32
    %get3A_1524 = arith.index_cast %get3A_1523 : i32 to index
    %get3A_1525 = arith.constant 64 : index
    %get3A_1526 = tpu.vector_load %arg6[%get3A_1524, %get3A_1525] {strides = array<i32>} : memref<5x128xi32, #tpu.memory_space<vmem>>, vector<1x16xi32>,
    %get3A_1527 = vector.shape_cast %get3A_1526 : vector<1x16xi32> to vector<16xi32>
    %mul3A_1528 = arith.constant 5 : i32
    %mul3A_1529 = vector.broadcast %mul3A_1528 : i32 to vector<16xi32>
    %mul3A_1530 = arith.muli %get3A_1527, %mul3A_1529 : vector<16xi32>
    %get3A_1531 = arith.constant 0 : i32
    %get3A_1532 = arith.index_cast %get3A_1531 : i32 to index
    %get3A_1533 = arith.constant 64 : index
    %get3A_1534 = tpu.vector_load %arg7[%get3A_1532, %get3A_1533] {strides = array<i32>} : memref<5x128xi32, #tpu.memory_space<vmem>>, vector<1x16xi32>,
    %get3A_1535 = vector.shape_cast %get3A_1534 : vector<1x16xi32> to vector<16xi32>
    %add3A_1536 = arith.addi %mul3A_1530, %get3A_1535 : vector<16xi32>
    %sub3A_1537 = arith.constant 1 : i32
    %sub3A_1538 = vector.broadcast %sub3A_1537 : i32 to vector<16xi32>
    %sub3A_1539 = arith.subi %add3A_1536, %sub3A_1538 : vector<16xi32>
    %swap3A_1540 = arith.constant 0 : i32
    %swap3A_1541 = arith.index_cast %swap3A_1540 : i32 to index
    %swap3A_1542 = arith.constant 64 : index
    %swap3A_1543 = tpu.vector_load %arg8[%swap3A_1541, %swap3A_1542] {strides = array<i32>} : memref<5x128xi32, #tpu.memory_space<vmem>>, vector<1x16xi32>,
    %swap3A_1544 = vector.shape_cast %swap3A_1543 : vector<1x16xi32> to vector<16xi32>
    %swap3A_1545 = vector.shape_cast %sub3A_1539 : vector<16xi32> to vector<1x16xi32>
    tpu.vector_store %arg8[%swap3A_1541, %swap3A_1542], %swap3A_1545 {strides = array<i32>} : memref<5x128xi32, #tpu.memory_space<vmem>>, vector<1x16xi32>,
    %get3A_1546 = arith.constant 0 : i32
    %get3A_1547 = arith.index_cast %get3A_1546 : i32 to index
    %get3A_1548 = arith.constant 80 : index
    %get3A_1549 = tpu.vector_load %arg6[%get3A_1547, %get3A_1548] {strides = array<i32>} : memref<5x128xi32, #tpu.memory_space<vmem>>, vector<1x16xi32>,
    %get3A_1550 = vector.shape_cast %get3A_1549 : vector<1x16xi32> to vector<16xi32>
    %mul3A_1551 = arith.constant 5 : i32
    %mul3A_1552 = vector.broadcast %mul3A_1551 : i32 to vector<16xi32>
    %mul3A_1553 = arith.muli %get3A_1550, %mul3A_1552 : vector<16xi32>
    %get3A_1554 = arith.constant 0 : i32
    %get3A_1555 = arith.index_cast %get3A_1554 : i32 to index
    %get3A_1556 = arith.constant 80 : index
    %get3A_1557 = tpu.vector_load %arg7[%get3A_1555, %get3A_1556] {strides = array<i32>} : memref<5x128xi32, #tpu.memory_space<vmem>>, vector<1x16xi32>,
    %get3A_1558 = vector.shape_cast %get3A_1557 : vector<1x16xi32> to vector<16xi32>
    %add3A_1559 = arith.addi %mul3A_1553, %get3A_1558 : vector<16xi32>
    %sub3A_1560 = arith.constant 1 : i32
    %sub3A_1561 = vector.broadcast %sub3A_1560 : i32 to vector<16xi32>
    %sub3A_1562 = arith.subi %add3A_1559, %sub3A_1561 : vector<16xi32>
    %swap3A_1563 = arith.constant 0 : i32
    %swap3A_1564 = arith.index_cast %swap3A_1563 : i32 to index
    %swap3A_1565 = arith.constant 80 : index
    %swap3A_1566 = tpu.vector_load %arg8[%swap3A_1564, %swap3A_1565] {strides = array<i32>} : memref<5x128xi32, #tpu.memory_space<vmem>>, vector<1x16xi32>,
    %swap3A_1567 = vector.shape_cast %swap3A_1566 : vector<1x16xi32> to vector<16xi32>
    %swap3A_1568 = vector.shape_cast %sub3A_1562 : vector<16xi32> to vector<1x16xi32>
    tpu.vector_store %arg8[%swap3A_1564, %swap3A_1565], %swap3A_1568 {strides = array<i32>} : memref<5x128xi32, #tpu.memory_space<vmem>>, vector<1x16xi32>,
    %get3A_1569 = arith.constant 0 : i32
    %get3A_1570 = arith.index_cast %get3A_1569 : i32 to index
    %get3A_1571 = arith.constant 96 : index
    %get3A_1572 = tpu.vector_load %arg6[%get3A_1570, %get3A_1571] {strides = array<i32>} : memref<5x128xi32, #tpu.memory_space<vmem>>, vector<1x16xi32>,
    %get3A_1573 = vector.shape_cast %get3A_1572 : vector<1x16xi32> to vector<16xi32>
    %mul3A_1574 = arith.constant 5 : i32
    %mul3A_1575 = vector.broadcast %mul3A_1574 : i32 to vector<16xi32>
    %mul3A_1576 = arith.muli %get3A_1573, %mul3A_1575 : vector<16xi32>
    %get3A_1577 = arith.constant 0 : i32
    %get3A_1578 = arith.index_cast %get3A_1577 : i32 to index
    %get3A_1579 = arith.constant 96 : index
    %get3A_1580 = tpu.vector_load %arg7[%get3A_1578, %get3A_1579] {strides = array<i32>} : memref<5x128xi32, #tpu.memory_space<vmem>>, vector<1x16xi32>,
    %get3A_1581 = vector.shape_cast %get3A_1580 : vector<1x16xi32> to vector<16xi32>
    %add3A_1582 = arith.addi %mul3A_1576, %get3A_1581 : vector<16xi32>
    %sub3A_1583 = arith.constant 1 : i32
    %sub3A_1584 = vector.broadcast %sub3A_1583 : i32 to vector<16xi32>
    %sub3A_1585 = arith.subi %add3A_1582, %sub3A_1584 : vector<16xi32>
    %swap3A_1586 = arith.constant 0 : i32
    %swap3A_1587 = arith.index_cast %swap3A_1586 : i32 to index
    %swap3A_1588 = arith.constant 96 : index
    %swap3A_1589 = tpu.vector_load %arg8[%swap3A_1587, %swap3A_1588] {strides = array<i32>} : memref<5x128xi32, #tpu.memory_space<vmem>>, vector<1x16xi32>,
    %swap3A_1590 = vector.shape_cast %swap3A_1589 : vector<1x16xi32> to vector<16xi32>
    %swap3A_1591 = vector.shape_cast %sub3A_1585 : vector<16xi32> to vector<1x16xi32>
    tpu.vector_store %arg8[%swap3A_1587, %swap3A_1588], %swap3A_1591 {strides = array<i32>} : memref<5x128xi32, #tpu.memory_space<vmem>>, vector<1x16xi32>,
    %get3A_1592 = arith.constant 0 : i32
    %get3A_1593 = arith.index_cast %get3A_1592 : i32 to index
    %get3A_1594 = arith.constant 112 : index
    %get3A_1595 = tpu.vector_load %arg6[%get3A_1593, %get3A_1594] {strides = array<i32>} : memref<5x128xi32, #tpu.memory_space<vmem>>, vector<1x16xi32>,
    %get3A_1596 = vector.shape_cast %get3A_1595 : vector<1x16xi32> to vector<16xi32>
    %mul3A_1597 = arith.constant 5 : i32
    %mul3A_1598 = vector.broadcast %mul3A_1597 : i32 to vector<16xi32>
    %mul3A_1599 = arith.muli %get3A_1596, %mul3A_1598 : vector<16xi32>
    %get3A_1600 = arith.constant 0 : i32
    %get3A_1601 = arith.index_cast %get3A_1600 : i32 to index
    %get3A_1602 = arith.constant 112 : index
    %get3A_1603 = tpu.vector_load %arg7[%get3A_1601, %get3A_1602] {strides = array<i32>} : memref<5x128xi32, #tpu.memory_space<vmem>>, vector<1x16xi32>,
    %get3A_1604 = vector.shape_cast %get3A_1603 : vector<1x16xi32> to vector<16xi32>
    %add3A_1605 = arith.addi %mul3A_1599, %get3A_1604 : vector<16xi32>
    %sub3A_1606 = arith.constant 1 : i32
    %sub3A_1607 = vector.broadcast %sub3A_1606 : i32 to vector<16xi32>
    %sub3A_1608 = arith.subi %add3A_1605, %sub3A_1607 : vector<16xi32>
    %swap3A_1609 = arith.constant 0 : i32
    %swap3A_1610 = arith.index_cast %swap3A_1609 : i32 to index
    %swap3A_1611 = arith.constant 112 : index
    %swap3A_1612 = tpu.vector_load %arg8[%swap3A_1610, %swap3A_1611] {strides = array<i32>} : memref<5x128xi32, #tpu.memory_space<vmem>>, vector<1x16xi32>,
    %swap3A_1613 = vector.shape_cast %swap3A_1612 : vector<1x16xi32> to vector<16xi32>
    %swap3A_1614 = vector.shape_cast %sub3A_1608 : vector<16xi32> to vector<1x16xi32>
    tpu.vector_store %arg8[%swap3A_1610, %swap3A_1611], %swap3A_1614 {strides = array<i32>} : memref<5x128xi32, #tpu.memory_space<vmem>>, vector<1x16xi32>,
    %dma_start3A_1615 = arith.constant 4 : i32
    %dma_start3A_1616 = arith.constant 4 : i32
    %dma_start3A_1617 = arith.constant 4 : i32
    %dma_start3A_1618 = arith.constant 0 : i32
    %dma_start3A_1619 = arith.constant 0 : i32
    %dma_start3A_1620 = tpu.memref_slice %arg9[%dma_start3A_1616, %dma_start3A_1618, %dma_start3A_1619] : memref<5x128x128xf32, #tpu.memory_space<vmem>> -> memref<1x128x128xf32, #tpu.memory_space<vmem>>
    %dma_start3A_1621 = tpu.memref_squeeze %dma_start3A_1620 : memref<1x128x128xf32, #tpu.memory_space<vmem>> -> memref<128x128xf32, #tpu.memory_space<vmem>>
    %dma_start3A_1622 = arith.constant 0 : i32
    %dma_start3A_1623 = tpu.memref_slice %arg8[%dma_start3A_1615, %dma_start3A_1622] : memref<5x128xi32, #tpu.memory_space<vmem>> -> memref<1x128xi32, #tpu.memory_space<vmem>>
    %dma_start3A_1624 = tpu.memref_squeeze %dma_start3A_1623 : memref<1x128xi32, #tpu.memory_space<vmem>> -> memref<128xi32, #tpu.memory_space<vmem>>
    %dma_start3A_1625 = arith.constant 0 : i32
    %dma_start3A_1626 = arith.constant 0 : i32
    %dma_start3A_1627 = tpu.memref_slice %arg10[%dma_start3A_1625, %dma_start3A_1626] : memref<75x128xf32, #tpu.memory_space<vmem_shared>> -> memref<75x128xf32, #tpu.memory_space<vmem_shared>>
    %dma_start3A_1628 = tpu.memref_slice %arg12[%dma_start3A_1617] : memref<5x!tpu.dma_semaphore, #tpu.memory_space<semaphore_mem>> -> memref<1x!tpu.dma_semaphore, #tpu.memory_space<semaphore_mem>>
    %dma_start3A_1629 = tpu.memref_squeeze %dma_start3A_1628 : memref<1x!tpu.dma_semaphore, #tpu.memory_space<semaphore_mem>> -> memref<!tpu.dma_semaphore, #tpu.memory_space<semaphore_mem>>
    tpu.enqueue_indirect_dma source(%dma_start3A_1627 : memref<75x128xf32, #tpu.memory_space<vmem_shared>>) target(%dma_start3A_1621 : memref<128x128xf32, #tpu.memory_space<vmem>>) offsets(%dma_start3A_1624 : memref<128xi32, #tpu.memory_space<vmem>>) semaphore(%dma_start3A_1629 : memref<!tpu.dma_semaphore, #tpu.memory_space<semaphore_mem>>)
    %dma_wait3A_1630 = arith.constant 3 : i32
    %dma_wait3A_1631 = arith.constant 3 : i32
    %dma_wait3A_1632 = arith.constant 3 : i32
    %dma_wait3A_1633 = arith.constant 0 : i32
    %dma_wait3A_1634 = arith.constant 0 : i32
    %dma_wait3A_1635 = tpu.memref_slice %arg9[%dma_wait3A_1631, %dma_wait3A_1633, %dma_wait3A_1634] : memref<5x128x128xf32, #tpu.memory_space<vmem>> -> memref<1x128x128xf32, #tpu.memory_space<vmem>>
    %dma_wait3A_1636 = tpu.memref_squeeze %dma_wait3A_1635 : memref<1x128x128xf32, #tpu.memory_space<vmem>> -> memref<128x128xf32, #tpu.memory_space<vmem>>
    %dma_wait3A_1637 = arith.constant 0 : i32
    %dma_wait3A_1638 = tpu.memref_slice %arg8[%dma_wait3A_1630, %dma_wait3A_1637] : memref<5x128xi32, #tpu.memory_space<vmem>> -> memref<1x128xi32, #tpu.memory_space<vmem>>
    %dma_wait3A_1639 = tpu.memref_squeeze %dma_wait3A_1638 : memref<1x128xi32, #tpu.memory_space<vmem>> -> memref<128xi32, #tpu.memory_space<vmem>>
    %dma_wait3A_1640 = arith.constant 0 : i32
    %dma_wait3A_1641 = arith.constant 0 : i32
    %dma_wait3A_1642 = tpu.memref_slice %arg10[%dma_wait3A_1640, %dma_wait3A_1641] : memref<75x128xf32, #tpu.memory_space<vmem_shared>> -> memref<75x128xf32, #tpu.memory_space<vmem_shared>>
    %dma_wait3A_1643 = tpu.memref_slice %arg12[%dma_wait3A_1632] : memref<5x!tpu.dma_semaphore, #tpu.memory_space<semaphore_mem>> -> memref<1x!tpu.dma_semaphore, #tpu.memory_space<semaphore_mem>>
    %dma_wait3A_1644 = tpu.memref_squeeze %dma_wait3A_1643 : memref<1x!tpu.dma_semaphore, #tpu.memory_space<semaphore_mem>> -> memref<!tpu.dma_semaphore, #tpu.memory_space<semaphore_mem>>
    tpu.wait_indirect_dma semaphore(%dma_wait3A_1644 : memref<!tpu.dma_semaphore, #tpu.memory_space<semaphore_mem>>) src(%dma_wait3A_1642 : memref<75x128xf32, #tpu.memory_space<vmem_shared>>) dst(%dma_wait3A_1636 : memref<128x128xf32, #tpu.memory_space<vmem>>)
    %add3A_1645 = arith.constant 384 : i32
    %add3A_1646 = arith.addi %mul3A_2, %add3A_1645 : i32
    %dma_start3A_1647 = arith.constant 3 : i32
    %dma_start3A_1648 = arith.constant 3 : i32
    %dma_start3A_1649 = arith.constant 0 : i32
    %dma_start3A_1650 = arith.constant 0 : i32
    %dma_start3A_1651 = tpu.memref_slice %arg9[%dma_start3A_1647, %dma_start3A_1649, %dma_start3A_1650] : memref<5x128x128xf32, #tpu.memory_space<vmem>> -> memref<1x128x128xf32, #tpu.memory_space<vmem>>
    %dma_start3A_1652 = tpu.memref_squeeze %dma_start3A_1651 : memref<1x128x128xf32, #tpu.memory_space<vmem>> -> memref<128x128xf32, #tpu.memory_space<vmem>>
    %dma_start3A_1653 = arith.constant 0 : i32
    %dma_start3A_1654 = tpu.memref_slice %arg5[%add3A_1646, %dma_start3A_1653] : memref<3276800x128xf32, #tpu.memory_space<hbm>> -> memref<128x128xf32, #tpu.memory_space<hbm>>
    %dma_start3A_1655 = tpu.memref_slice %arg13[%dma_start3A_1648] : memref<5x!tpu.dma_semaphore, #tpu.memory_space<semaphore_mem>> -> memref<1x!tpu.dma_semaphore, #tpu.memory_space<semaphore_mem>>
    %dma_start3A_1656 = tpu.memref_squeeze %dma_start3A_1655 : memref<1x!tpu.dma_semaphore, #tpu.memory_space<semaphore_mem>> -> memref<!tpu.dma_semaphore, #tpu.memory_space<semaphore_mem>>
    %dma_start3A_1657 = arith.constant 0 : i32
    %dma_start3A_1658 = tpu.memref_slice %arg5[%add3A_1646, %dma_start3A_1657] : memref<3276800x128xf32, #tpu.memory_space<hbm>> -> memref<128x128xf32, #tpu.memory_space<hbm>>
    %dma_start3A_1659 = arith.constant 0 : i32
    %dma_start3A_1660 = arith.constant 0 : i32
    %dma_start3A_1661 = tpu.memref_slice %arg9[%dma_start3A_1647, %dma_start3A_1659, %dma_start3A_1660] : memref<5x128x128xf32, #tpu.memory_space<vmem>> -> memref<1x128x128xf32, #tpu.memory_space<vmem>>
    %dma_start3A_1662 = tpu.memref_squeeze %dma_start3A_1661 : memref<1x128x128xf32, #tpu.memory_space<vmem>> -> memref<128x128xf32, #tpu.memory_space<vmem>>
    tpu.enqueue_dma source(%dma_start3A_1662 : memref<128x128xf32, #tpu.memory_space<vmem>>) target(%dma_start3A_1658 : memref<128x128xf32, #tpu.memory_space<hbm>>) target_semaphore(%dma_start3A_1656 : memref<!tpu.dma_semaphore, #tpu.memory_space<semaphore_mem>>)
    %add3A_1663 = arith.constant 1024 : i32
    %add3A_1664 = arith.addi %mul3A_2, %add3A_1663 : i32
    %dma_start3A_1665 = arith.constant 3 : i32
    %dma_start3A_1666 = arith.constant 3 : i32
    %dma_start3A_1667 = arith.constant 0 : i32
    %dma_start3A_1668 = tpu.memref_slice %arg6[%dma_start3A_1665, %dma_start3A_1667] : memref<5x128xi32, #tpu.memory_space<vmem>> -> memref<1x128xi32, #tpu.memory_space<vmem>>
    %dma_start3A_1669 = tpu.memref_squeeze %dma_start3A_1668 : memref<1x128xi32, #tpu.memory_space<vmem>> -> memref<128xi32, #tpu.memory_space<vmem>>
    %dma_start3A_1670 = tpu.memref_slice %arg2[%add3A_1664] : memref<3276800xi32, #tpu.memory_space<hbm>> -> memref<128xi32, #tpu.memory_space<hbm>>
    %dma_start3A_1671 = tpu.memref_slice %arg11[%dma_start3A_1666] : memref<5x!tpu.dma_semaphore, #tpu.memory_space<semaphore_mem>> -> memref<1x!tpu.dma_semaphore, #tpu.memory_space<semaphore_mem>>
    %dma_start3A_1672 = tpu.memref_squeeze %dma_start3A_1671 : memref<1x!tpu.dma_semaphore, #tpu.memory_space<semaphore_mem>> -> memref<!tpu.dma_semaphore, #tpu.memory_space<semaphore_mem>>
    %dma_start3A_1673 = arith.constant 0 : i32
    %dma_start3A_1674 = tpu.memref_slice %arg6[%dma_start3A_1665, %dma_start3A_1673] : memref<5x128xi32, #tpu.memory_space<vmem>> -> memref<1x128xi32, #tpu.memory_space<vmem>>
    %dma_start3A_1675 = tpu.memref_squeeze %dma_start3A_1674 : memref<1x128xi32, #tpu.memory_space<vmem>> -> memref<128xi32, #tpu.memory_space<vmem>>
    %dma_start3A_1676 = tpu.memref_slice %arg2[%add3A_1664] : memref<3276800xi32, #tpu.memory_space<hbm>> -> memref<128xi32, #tpu.memory_space<hbm>>
    tpu.enqueue_dma source(%dma_start3A_1676 : memref<128xi32, #tpu.memory_space<hbm>>) target(%dma_start3A_1675 : memref<128xi32, #tpu.memory_space<vmem>>) target_semaphore(%dma_start3A_1672 : memref<!tpu.dma_semaphore, #tpu.memory_space<semaphore_mem>>)
    %dma_start3A_1677 = arith.constant 3 : i32
    %dma_start3A_1678 = arith.constant 3 : i32
    %dma_start3A_1679 = arith.constant 0 : i32
    %dma_start3A_1680 = tpu.memref_slice %arg7[%dma_start3A_1677, %dma_start3A_1679] : memref<5x128xi32, #tpu.memory_space<vmem>> -> memref<1x128xi32, #tpu.memory_space<vmem>>
    %dma_start3A_1681 = tpu.memref_squeeze %dma_start3A_1680 : memref<1x128xi32, #tpu.memory_space<vmem>> -> memref<128xi32, #tpu.memory_space<vmem>>
    %dma_start3A_1682 = tpu.memref_slice %arg3[%add3A_1664] : memref<3276800xi32, #tpu.memory_space<hbm>> -> memref<128xi32, #tpu.memory_space<hbm>>
    %dma_start3A_1683 = tpu.memref_slice %arg11[%dma_start3A_1678] : memref<5x!tpu.dma_semaphore, #tpu.memory_space<semaphore_mem>> -> memref<1x!tpu.dma_semaphore, #tpu.memory_space<semaphore_mem>>
    %dma_start3A_1684 = tpu.memref_squeeze %dma_start3A_1683 : memref<1x!tpu.dma_semaphore, #tpu.memory_space<semaphore_mem>> -> memref<!tpu.dma_semaphore, #tpu.memory_space<semaphore_mem>>
    %dma_start3A_1685 = arith.constant 0 : i32
    %dma_start3A_1686 = tpu.memref_slice %arg7[%dma_start3A_1677, %dma_start3A_1685] : memref<5x128xi32, #tpu.memory_space<vmem>> -> memref<1x128xi32, #tpu.memory_space<vmem>>
    %dma_start3A_1687 = tpu.memref_squeeze %dma_start3A_1686 : memref<1x128xi32, #tpu.memory_space<vmem>> -> memref<128xi32, #tpu.memory_space<vmem>>
    %dma_start3A_1688 = tpu.memref_slice %arg3[%add3A_1664] : memref<3276800xi32, #tpu.memory_space<hbm>> -> memref<128xi32, #tpu.memory_space<hbm>>
    tpu.enqueue_dma source(%dma_start3A_1688 : memref<128xi32, #tpu.memory_space<hbm>>) target(%dma_start3A_1687 : memref<128xi32, #tpu.memory_space<vmem>>) target_semaphore(%dma_start3A_1684 : memref<!tpu.dma_semaphore, #tpu.memory_space<semaphore_mem>>)
    %dma_wait3A_1689 = arith.constant 1 : i32
    %dma_wait3A_1690 = arith.constant 1 : i32
    %dma_wait3A_1691 = arith.constant 0 : i32
    %dma_wait3A_1692 = tpu.memref_slice %arg6[%dma_wait3A_1689, %dma_wait3A_1691] : memref<5x128xi32, #tpu.memory_space<vmem>> -> memref<1x128xi32, #tpu.memory_space<vmem>>
    %dma_wait3A_1693 = tpu.memref_squeeze %dma_wait3A_1692 : memref<1x128xi32, #tpu.memory_space<vmem>> -> memref<128xi32, #tpu.memory_space<vmem>>
    %dma_wait3A_1694 = tpu.memref_slice %arg2[%mul3A_2] : memref<3276800xi32, #tpu.memory_space<hbm>> -> memref<128xi32, #tpu.memory_space<hbm>>
    %dma_wait3A_1695 = tpu.memref_slice %arg11[%dma_wait3A_1690] : memref<5x!tpu.dma_semaphore, #tpu.memory_space<semaphore_mem>> -> memref<1x!tpu.dma_semaphore, #tpu.memory_space<semaphore_mem>>
    %dma_wait3A_1696 = tpu.memref_squeeze %dma_wait3A_1695 : memref<1x!tpu.dma_semaphore, #tpu.memory_space<semaphore_mem>> -> memref<!tpu.dma_semaphore, #tpu.memory_space<semaphore_mem>>
    %dma_wait3A_1697 = arith.constant 0 : i32
    %dma_wait3A_1698 = tpu.memref_slice %arg6[%dma_wait3A_1689, %dma_wait3A_1697] : memref<5x128xi32, #tpu.memory_space<vmem>> -> memref<1x128xi32, #tpu.memory_space<vmem>>
    %dma_wait3A_1699 = tpu.memref_squeeze %dma_wait3A_1698 : memref<1x128xi32, #tpu.memory_space<vmem>> -> memref<128xi32, #tpu.memory_space<vmem>>
    %dma_wait3A_1700 = tpu.memref_slice %arg2[%mul3A_2] : memref<3276800xi32, #tpu.memory_space<hbm>> -> memref<128xi32, #tpu.memory_space<hbm>>
    tpu.wait_dma2 semaphore(%dma_wait3A_1696 : memref<!tpu.dma_semaphore, #tpu.memory_space<semaphore_mem>>) src(%dma_wait3A_1700 : memref<128xi32, #tpu.memory_space<hbm>>) dst(%dma_wait3A_1699 : memref<128xi32, #tpu.memory_space<vmem>>)
    %dma_wait3A_1701 = arith.constant 1 : i32
    %dma_wait3A_1702 = arith.constant 1 : i32
    %dma_wait3A_1703 = arith.constant 0 : i32
    %dma_wait3A_1704 = tpu.memref_slice %arg7[%dma_wait3A_1701, %dma_wait3A_1703] : memref<5x128xi32, #tpu.memory_space<vmem>> -> memref<1x128xi32, #tpu.memory_space<vmem>>
    %dma_wait3A_1705 = tpu.memref_squeeze %dma_wait3A_1704 : memref<1x128xi32, #tpu.memory_space<vmem>> -> memref<128xi32, #tpu.memory_space<vmem>>
    %dma_wait3A_1706 = tpu.memref_slice %arg3[%mul3A_2] : memref<3276800xi32, #tpu.memory_space<hbm>> -> memref<128xi32, #tpu.memory_space<hbm>>
    %dma_wait3A_1707 = tpu.memref_slice %arg11[%dma_wait3A_1702] : memref<5x!tpu.dma_semaphore, #tpu.memory_space<semaphore_mem>> -> memref<1x!tpu.dma_semaphore, #tpu.memory_space<semaphore_mem>>
    %dma_wait3A_1708 = tpu.memref_squeeze %dma_wait3A_1707 : memref<1x!tpu.dma_semaphore, #tpu.memory_space<semaphore_mem>> -> memref<!tpu.dma_semaphore, #tpu.memory_space<semaphore_mem>>
    %dma_wait3A_1709 = arith.constant 0 : i32
    %dma_wait3A_1710 = tpu.memref_slice %arg7[%dma_wait3A_1701, %dma_wait3A_1709] : memref<5x128xi32, #tpu.memory_space<vmem>> -> memref<1x128xi32, #tpu.memory_space<vmem>>
    %dma_wait3A_1711 = tpu.memref_squeeze %dma_wait3A_1710 : memref<1x128xi32, #tpu.memory_space<vmem>> -> memref<128xi32, #tpu.memory_space<vmem>>
    %dma_wait3A_1712 = tpu.memref_slice %arg3[%mul3A_2] : memref<3276800xi32, #tpu.memory_space<hbm>> -> memref<128xi32, #tpu.memory_space<hbm>>
    tpu.wait_dma2 semaphore(%dma_wait3A_1708 : memref<!tpu.dma_semaphore, #tpu.memory_space<semaphore_mem>>) src(%dma_wait3A_1712 : memref<128xi32, #tpu.memory_space<hbm>>) dst(%dma_wait3A_1711 : memref<128xi32, #tpu.memory_space<vmem>>)
    %get3A_1713 = arith.constant 1 : i32
    %get3A_1714 = arith.index_cast %get3A_1713 : i32 to index
    %get3A_1715 = arith.constant 0 : index
    %get3A_1716 = tpu.vector_load %arg6[%get3A_1714, %get3A_1715] {strides = array<i32>} : memref<5x128xi32, #tpu.memory_space<vmem>>, vector<1x16xi32>,
    %get3A_1717 = vector.shape_cast %get3A_1716 : vector<1x16xi32> to vector<16xi32>
    %mul3A_1718 = arith.constant 5 : i32
    %mul3A_1719 = vector.broadcast %mul3A_1718 : i32 to vector<16xi32>
    %mul3A_1720 = arith.muli %get3A_1717, %mul3A_1719 : vector<16xi32>
    %get3A_1721 = arith.constant 1 : i32
    %get3A_1722 = arith.index_cast %get3A_1721 : i32 to index
    %get3A_1723 = arith.constant 0 : index
    %get3A_1724 = tpu.vector_load %arg7[%get3A_1722, %get3A_1723] {strides = array<i32>} : memref<5x128xi32, #tpu.memory_space<vmem>>, vector<1x16xi32>,
    %get3A_1725 = vector.shape_cast %get3A_1724 : vector<1x16xi32> to vector<16xi32>
    %add3A_1726 = arith.addi %mul3A_1720, %get3A_1725 : vector<16xi32>
    %sub3A_1727 = arith.constant 1 : i32
    %sub3A_1728 = vector.broadcast %sub3A_1727 : i32 to vector<16xi32>
    %sub3A_1729 = arith.subi %add3A_1726, %sub3A_1728 : vector<16xi32>
    %swap3A_1730 = arith.constant 1 : i32
    %swap3A_1731 = arith.index_cast %swap3A_1730 : i32 to index
    %swap3A_1732 = arith.constant 0 : index
    %swap3A_1733 = tpu.vector_load %arg8[%swap3A_1731, %swap3A_1732] {strides = array<i32>} : memref<5x128xi32, #tpu.memory_space<vmem>>, vector<1x16xi32>,
    %swap3A_1734 = vector.shape_cast %swap3A_1733 : vector<1x16xi32> to vector<16xi32>
    %swap3A_1735 = vector.shape_cast %sub3A_1729 : vector<16xi32> to vector<1x16xi32>
    tpu.vector_store %arg8[%swap3A_1731, %swap3A_1732], %swap3A_1735 {strides = array<i32>} : memref<5x128xi32, #tpu.memory_space<vmem>>, vector<1x16xi32>,
    %get3A_1736 = arith.constant 1 : i32
    %get3A_1737 = arith.index_cast %get3A_1736 : i32 to index
    %get3A_1738 = arith.constant 16 : index
    %get3A_1739 = tpu.vector_load %arg6[%get3A_1737, %get3A_1738] {strides = array<i32>} : memref<5x128xi32, #tpu.memory_space<vmem>>, vector<1x16xi32>,
    %get3A_1740 = vector.shape_cast %get3A_1739 : vector<1x16xi32> to vector<16xi32>
    %mul3A_1741 = arith.constant 5 : i32
    %mul3A_1742 = vector.broadcast %mul3A_1741 : i32 to vector<16xi32>
    %mul3A_1743 = arith.muli %get3A_1740, %mul3A_1742 : vector<16xi32>
    %get3A_1744 = arith.constant 1 : i32
    %get3A_1745 = arith.index_cast %get3A_1744 : i32 to index
    %get3A_1746 = arith.constant 16 : index
    %get3A_1747 = tpu.vector_load %arg7[%get3A_1745, %get3A_1746] {strides = array<i32>} : memref<5x128xi32, #tpu.memory_space<vmem>>, vector<1x16xi32>,
    %get3A_1748 = vector.shape_cast %get3A_1747 : vector<1x16xi32> to vector<16xi32>
    %add3A_1749 = arith.addi %mul3A_1743, %get3A_1748 : vector<16xi32>
    %sub3A_1750 = arith.constant 1 : i32
    %sub3A_1751 = vector.broadcast %sub3A_1750 : i32 to vector<16xi32>
    %sub3A_1752 = arith.subi %add3A_1749, %sub3A_1751 : vector<16xi32>
    %swap3A_1753 = arith.constant 1 : i32
    %swap3A_1754 = arith.index_cast %swap3A_1753 : i32 to index
    %swap3A_1755 = arith.constant 16 : index
    %swap3A_1756 = tpu.vector_load %arg8[%swap3A_1754, %swap3A_1755] {strides = array<i32>} : memref<5x128xi32, #tpu.memory_space<vmem>>, vector<1x16xi32>,
    %swap3A_1757 = vector.shape_cast %swap3A_1756 : vector<1x16xi32> to vector<16xi32>
    %swap3A_1758 = vector.shape_cast %sub3A_1752 : vector<16xi32> to vector<1x16xi32>
    tpu.vector_store %arg8[%swap3A_1754, %swap3A_1755], %swap3A_1758 {strides = array<i32>} : memref<5x128xi32, #tpu.memory_space<vmem>>, vector<1x16xi32>,
    %get3A_1759 = arith.constant 1 : i32
    %get3A_1760 = arith.index_cast %get3A_1759 : i32 to index
    %get3A_1761 = arith.constant 32 : index
    %get3A_1762 = tpu.vector_load %arg6[%get3A_1760, %get3A_1761] {strides = array<i32>} : memref<5x128xi32, #tpu.memory_space<vmem>>, vector<1x16xi32>,
    %get3A_1763 = vector.shape_cast %get3A_1762 : vector<1x16xi32> to vector<16xi32>
    %mul3A_1764 = arith.constant 5 : i32
    %mul3A_1765 = vector.broadcast %mul3A_1764 : i32 to vector<16xi32>
    %mul3A_1766 = arith.muli %get3A_1763, %mul3A_1765 : vector<16xi32>
    %get3A_1767 = arith.constant 1 : i32
    %get3A_1768 = arith.index_cast %get3A_1767 : i32 to index
    %get3A_1769 = arith.constant 32 : index
    %get3A_1770 = tpu.vector_load %arg7[%get3A_1768, %get3A_1769] {strides = array<i32>} : memref<5x128xi32, #tpu.memory_space<vmem>>, vector<1x16xi32>,
    %get3A_1771 = vector.shape_cast %get3A_1770 : vector<1x16xi32> to vector<16xi32>
    %add3A_1772 = arith.addi %mul3A_1766, %get3A_1771 : vector<16xi32>
    %sub3A_1773 = arith.constant 1 : i32
    %sub3A_1774 = vector.broadcast %sub3A_1773 : i32 to vector<16xi32>
    %sub3A_1775 = arith.subi %add3A_1772, %sub3A_1774 : vector<16xi32>
    %swap3A_1776 = arith.constant 1 : i32
    %swap3A_1777 = arith.index_cast %swap3A_1776 : i32 to index
    %swap3A_1778 = arith.constant 32 : index
    %swap3A_1779 = tpu.vector_load %arg8[%swap3A_1777, %swap3A_1778] {strides = array<i32>} : memref<5x128xi32, #tpu.memory_space<vmem>>, vector<1x16xi32>,
    %swap3A_1780 = vector.shape_cast %swap3A_1779 : vector<1x16xi32> to vector<16xi32>
    %swap3A_1781 = vector.shape_cast %sub3A_1775 : vector<16xi32> to vector<1x16xi32>
    tpu.vector_store %arg8[%swap3A_1777, %swap3A_1778], %swap3A_1781 {strides = array<i32>} : memref<5x128xi32, #tpu.memory_space<vmem>>, vector<1x16xi32>,
    %get3A_1782 = arith.constant 1 : i32
    %get3A_1783 = arith.index_cast %get3A_1782 : i32 to index
    %get3A_1784 = arith.constant 48 : index
    %get3A_1785 = tpu.vector_load %arg6[%get3A_1783, %get3A_1784] {strides = array<i32>} : memref<5x128xi32, #tpu.memory_space<vmem>>, vector<1x16xi32>,
    %get3A_1786 = vector.shape_cast %get3A_1785 : vector<1x16xi32> to vector<16xi32>
    %mul3A_1787 = arith.constant 5 : i32
    %mul3A_1788 = vector.broadcast %mul3A_1787 : i32 to vector<16xi32>
    %mul3A_1789 = arith.muli %get3A_1786, %mul3A_1788 : vector<16xi32>
    %get3A_1790 = arith.constant 1 : i32
    %get3A_1791 = arith.index_cast %get3A_1790 : i32 to index
    %get3A_1792 = arith.constant 48 : index
    %get3A_1793 = tpu.vector_load %arg7[%get3A_1791, %get3A_1792] {strides = array<i32>} : memref<5x128xi32, #tpu.memory_space<vmem>>, vector<1x16xi32>,
    %get3A_1794 = vector.shape_cast %get3A_1793 : vector<1x16xi32> to vector<16xi32>
    %add3A_1795 = arith.addi %mul3A_1789, %get3A_1794 : vector<16xi32>
    %sub3A_1796 = arith.constant 1 : i32
    %sub3A_1797 = vector.broadcast %sub3A_1796 : i32 to vector<16xi32>
    %sub3A_1798 = arith.subi %add3A_1795, %sub3A_1797 : vector<16xi32>
    %swap3A_1799 = arith.constant 1 : i32
    %swap3A_1800 = arith.index_cast %swap3A_1799 : i32 to index
    %swap3A_1801 = arith.constant 48 : index
    %swap3A_1802 = tpu.vector_load %arg8[%swap3A_1800, %swap3A_1801] {strides = array<i32>} : memref<5x128xi32, #tpu.memory_space<vmem>>, vector<1x16xi32>,
    %swap3A_1803 = vector.shape_cast %swap3A_1802 : vector<1x16xi32> to vector<16xi32>
    %swap3A_1804 = vector.shape_cast %sub3A_1798 : vector<16xi32> to vector<1x16xi32>
    tpu.vector_store %arg8[%swap3A_1800, %swap3A_1801], %swap3A_1804 {strides = array<i32>} : memref<5x128xi32, #tpu.memory_space<vmem>>, vector<1x16xi32>,
    %get3A_1805 = arith.constant 1 : i32
    %get3A_1806 = arith.index_cast %get3A_1805 : i32 to index
    %get3A_1807 = arith.constant 64 : index
    %get3A_1808 = tpu.vector_load %arg6[%get3A_1806, %get3A_1807] {strides = array<i32>} : memref<5x128xi32, #tpu.memory_space<vmem>>, vector<1x16xi32>,
    %get3A_1809 = vector.shape_cast %get3A_1808 : vector<1x16xi32> to vector<16xi32>
    %mul3A_1810 = arith.constant 5 : i32
    %mul3A_1811 = vector.broadcast %mul3A_1810 : i32 to vector<16xi32>
    %mul3A_1812 = arith.muli %get3A_1809, %mul3A_1811 : vector<16xi32>
    %get3A_1813 = arith.constant 1 : i32
    %get3A_1814 = arith.index_cast %get3A_1813 : i32 to index
    %get3A_1815 = arith.constant 64 : index
    %get3A_1816 = tpu.vector_load %arg7[%get3A_1814, %get3A_1815] {strides = array<i32>} : memref<5x128xi32, #tpu.memory_space<vmem>>, vector<1x16xi32>,
    %get3A_1817 = vector.shape_cast %get3A_1816 : vector<1x16xi32> to vector<16xi32>
    %add3A_1818 = arith.addi %mul3A_1812, %get3A_1817 : vector<16xi32>
    %sub3A_1819 = arith.constant 1 : i32
    %sub3A_1820 = vector.broadcast %sub3A_1819 : i32 to vector<16xi32>
    %sub3A_1821 = arith.subi %add3A_1818, %sub3A_1820 : vector<16xi32>
    %swap3A_1822 = arith.constant 1 : i32
    %swap3A_1823 = arith.index_cast %swap3A_1822 : i32 to index
    %swap3A_1824 = arith.constant 64 : index
    %swap3A_1825 = tpu.vector_load %arg8[%swap3A_1823, %swap3A_1824] {strides = array<i32>} : memref<5x128xi32, #tpu.memory_space<vmem>>, vector<1x16xi32>,
    %swap3A_1826 = vector.shape_cast %swap3A_1825 : vector<1x16xi32> to vector<16xi32>
    %swap3A_1827 = vector.shape_cast %sub3A_1821 : vector<16xi32> to vector<1x16xi32>
    tpu.vector_store %arg8[%swap3A_1823, %swap3A_1824], %swap3A_1827 {strides = array<i32>} : memref<5x128xi32, #tpu.memory_space<vmem>>, vector<1x16xi32>,
    %get3A_1828 = arith.constant 1 : i32
    %get3A_1829 = arith.index_cast %get3A_1828 : i32 to index
    %get3A_1830 = arith.constant 80 : index
    %get3A_1831 = tpu.vector_load %arg6[%get3A_1829, %get3A_1830] {strides = array<i32>} : memref<5x128xi32, #tpu.memory_space<vmem>>, vector<1x16xi32>,
    %get3A_1832 = vector.shape_cast %get3A_1831 : vector<1x16xi32> to vector<16xi32>
    %mul3A_1833 = arith.constant 5 : i32
    %mul3A_1834 = vector.broadcast %mul3A_1833 : i32 to vector<16xi32>
    %mul3A_1835 = arith.muli %get3A_1832, %mul3A_1834 : vector<16xi32>
    %get3A_1836 = arith.constant 1 : i32
    %get3A_1837 = arith.index_cast %get3A_1836 : i32 to index
    %get3A_1838 = arith.constant 80 : index
    %get3A_1839 = tpu.vector_load %arg7[%get3A_1837, %get3A_1838] {strides = array<i32>} : memref<5x128xi32, #tpu.memory_space<vmem>>, vector<1x16xi32>,
    %get3A_1840 = vector.shape_cast %get3A_1839 : vector<1x16xi32> to vector<16xi32>
    %add3A_1841 = arith.addi %mul3A_1835, %get3A_1840 : vector<16xi32>
    %sub3A_1842 = arith.constant 1 : i32
    %sub3A_1843 = vector.broadcast %sub3A_1842 : i32 to vector<16xi32>
    %sub3A_1844 = arith.subi %add3A_1841, %sub3A_1843 : vector<16xi32>
    %swap3A_1845 = arith.constant 1 : i32
    %swap3A_1846 = arith.index_cast %swap3A_1845 : i32 to index
    %swap3A_1847 = arith.constant 80 : index
    %swap3A_1848 = tpu.vector_load %arg8[%swap3A_1846, %swap3A_1847] {strides = array<i32>} : memref<5x128xi32, #tpu.memory_space<vmem>>, vector<1x16xi32>,
    %swap3A_1849 = vector.shape_cast %swap3A_1848 : vector<1x16xi32> to vector<16xi32>
    %swap3A_1850 = vector.shape_cast %sub3A_1844 : vector<16xi32> to vector<1x16xi32>
    tpu.vector_store %arg8[%swap3A_1846, %swap3A_1847], %swap3A_1850 {strides = array<i32>} : memref<5x128xi32, #tpu.memory_space<vmem>>, vector<1x16xi32>,
    %get3A_1851 = arith.constant 1 : i32
    %get3A_1852 = arith.index_cast %get3A_1851 : i32 to index
    %get3A_1853 = arith.constant 96 : index
    %get3A_1854 = tpu.vector_load %arg6[%get3A_1852, %get3A_1853] {strides = array<i32>} : memref<5x128xi32, #tpu.memory_space<vmem>>, vector<1x16xi32>,
    %get3A_1855 = vector.shape_cast %get3A_1854 : vector<1x16xi32> to vector<16xi32>
    %mul3A_1856 = arith.constant 5 : i32
    %mul3A_1857 = vector.broadcast %mul3A_1856 : i32 to vector<16xi32>
    %mul3A_1858 = arith.muli %get3A_1855, %mul3A_1857 : vector<16xi32>
    %get3A_1859 = arith.constant 1 : i32
    %get3A_1860 = arith.index_cast %get3A_1859 : i32 to index
    %get3A_1861 = arith.constant 96 : index
    %get3A_1862 = tpu.vector_load %arg7[%get3A_1860, %get3A_1861] {strides = array<i32>} : memref<5x128xi32, #tpu.memory_space<vmem>>, vector<1x16xi32>,
    %get3A_1863 = vector.shape_cast %get3A_1862 : vector<1x16xi32> to vector<16xi32>
    %add3A_1864 = arith.addi %mul3A_1858, %get3A_1863 : vector<16xi32>
    %sub3A_1865 = arith.constant 1 : i32
    %sub3A_1866 = vector.broadcast %sub3A_1865 : i32 to vector<16xi32>
    %sub3A_1867 = arith.subi %add3A_1864, %sub3A_1866 : vector<16xi32>
    %swap3A_1868 = arith.constant 1 : i32
    %swap3A_1869 = arith.index_cast %swap3A_1868 : i32 to index
    %swap3A_1870 = arith.constant 96 : index
    %swap3A_1871 = tpu.vector_load %arg8[%swap3A_1869, %swap3A_1870] {strides = array<i32>} : memref<5x128xi32, #tpu.memory_space<vmem>>, vector<1x16xi32>,
    %swap3A_1872 = vector.shape_cast %swap3A_1871 : vector<1x16xi32> to vector<16xi32>
    %swap3A_1873 = vector.shape_cast %sub3A_1867 : vector<16xi32> to vector<1x16xi32>
    tpu.vector_store %arg8[%swap3A_1869, %swap3A_1870], %swap3A_1873 {strides = array<i32>} : memref<5x128xi32, #tpu.memory_space<vmem>>, vector<1x16xi32>,
    %get3A_1874 = arith.constant 1 : i32
    %get3A_1875 = arith.index_cast %get3A_1874 : i32 to index
    %get3A_1876 = arith.constant 112 : index
    %get3A_1877 = tpu.vector_load %arg6[%get3A_1875, %get3A_1876] {strides = array<i32>} : memref<5x128xi32, #tpu.memory_space<vmem>>, vector<1x16xi32>,
    %get3A_1878 = vector.shape_cast %get3A_1877 : vector<1x16xi32> to vector<16xi32>
    %mul3A_1879 = arith.constant 5 : i32
    %mul3A_1880 = vector.broadcast %mul3A_1879 : i32 to vector<16xi32>
    %mul3A_1881 = arith.muli %get3A_1878, %mul3A_1880 : vector<16xi32>
    %get3A_1882 = arith.constant 1 : i32
    %get3A_1883 = arith.index_cast %get3A_1882 : i32 to index
    %get3A_1884 = arith.constant 112 : index
    %get3A_1885 = tpu.vector_load %arg7[%get3A_1883, %get3A_1884] {strides = array<i32>} : memref<5x128xi32, #tpu.memory_space<vmem>>, vector<1x16xi32>,
    %get3A_1886 = vector.shape_cast %get3A_1885 : vector<1x16xi32> to vector<16xi32>
    %add3A_1887 = arith.addi %mul3A_1881, %get3A_1886 : vector<16xi32>
    %sub3A_1888 = arith.constant 1 : i32
    %sub3A_1889 = vector.broadcast %sub3A_1888 : i32 to vector<16xi32>
    %sub3A_1890 = arith.subi %add3A_1887, %sub3A_1889 : vector<16xi32>
    %swap3A_1891 = arith.constant 1 : i32
    %swap3A_1892 = arith.index_cast %swap3A_1891 : i32 to index
    %swap3A_1893 = arith.constant 112 : index
    %swap3A_1894 = tpu.vector_load %arg8[%swap3A_1892, %swap3A_1893] {strides = array<i32>} : memref<5x128xi32, #tpu.memory_space<vmem>>, vector<1x16xi32>,
    %swap3A_1895 = vector.shape_cast %swap3A_1894 : vector<1x16xi32> to vector<16xi32>
    %swap3A_1896 = vector.shape_cast %sub3A_1890 : vector<16xi32> to vector<1x16xi32>
    tpu.vector_store %arg8[%swap3A_1892, %swap3A_1893], %swap3A_1896 {strides = array<i32>} : memref<5x128xi32, #tpu.memory_space<vmem>>, vector<1x16xi32>,
    %dma_wait3A_1897 = arith.constant 0 : i32
    %dma_wait3A_1898 = arith.constant 0 : i32
    %dma_wait3A_1899 = arith.constant 0 : i32
    %dma_wait3A_1900 = arith.constant 0 : i32
    %dma_wait3A_1901 = tpu.memref_slice %arg9[%dma_wait3A_1897, %dma_wait3A_1899, %dma_wait3A_1900] : memref<5x128x128xf32, #tpu.memory_space<vmem>> -> memref<1x128x128xf32, #tpu.memory_space<vmem>>
    %dma_wait3A_1902 = tpu.memref_squeeze %dma_wait3A_1901 : memref<1x128x128xf32, #tpu.memory_space<vmem>> -> memref<128x128xf32, #tpu.memory_space<vmem>>
    %dma_wait3A_1903 = arith.constant 0 : i32
    %dma_wait3A_1904 = tpu.memref_slice %arg5[%mul3A_2, %dma_wait3A_1903] : memref<3276800x128xf32, #tpu.memory_space<hbm>> -> memref<128x128xf32, #tpu.memory_space<hbm>>
    %dma_wait3A_1905 = tpu.memref_slice %arg13[%dma_wait3A_1898] : memref<5x!tpu.dma_semaphore, #tpu.memory_space<semaphore_mem>> -> memref<1x!tpu.dma_semaphore, #tpu.memory_space<semaphore_mem>>
    %dma_wait3A_1906 = tpu.memref_squeeze %dma_wait3A_1905 : memref<1x!tpu.dma_semaphore, #tpu.memory_space<semaphore_mem>> -> memref<!tpu.dma_semaphore, #tpu.memory_space<semaphore_mem>>
    %dma_wait3A_1907 = arith.constant 0 : i32
    %dma_wait3A_1908 = tpu.memref_slice %arg5[%mul3A_2, %dma_wait3A_1907] : memref<3276800x128xf32, #tpu.memory_space<hbm>> -> memref<128x128xf32, #tpu.memory_space<hbm>>
    %dma_wait3A_1909 = arith.constant 0 : i32
    %dma_wait3A_1910 = arith.constant 0 : i32
    %dma_wait3A_1911 = tpu.memref_slice %arg9[%dma_wait3A_1897, %dma_wait3A_1909, %dma_wait3A_1910] : memref<5x128x128xf32, #tpu.memory_space<vmem>> -> memref<1x128x128xf32, #tpu.memory_space<vmem>>
    %dma_wait3A_1912 = tpu.memref_squeeze %dma_wait3A_1911 : memref<1x128x128xf32, #tpu.memory_space<vmem>> -> memref<128x128xf32, #tpu.memory_space<vmem>>
    tpu.wait_dma2 semaphore(%dma_wait3A_1906 : memref<!tpu.dma_semaphore, #tpu.memory_space<semaphore_mem>>) src(%dma_wait3A_1912 : memref<128x128xf32, #tpu.memory_space<vmem>>) dst(%dma_wait3A_1908 : memref<128x128xf32, #tpu.memory_space<hbm>>)
    %dma_start3A_1913 = arith.constant 0 : i32
    %dma_start3A_1914 = arith.constant 0 : i32
    %dma_start3A_1915 = arith.constant 0 : i32
    %dma_start3A_1916 = arith.constant 0 : i32
    %dma_start3A_1917 = arith.constant 0 : i32
    %dma_start3A_1918 = tpu.memref_slice %arg9[%dma_start3A_1914, %dma_start3A_1916, %dma_start3A_1917] : memref<5x128x128xf32, #tpu.memory_space<vmem>> -> memref<1x128x128xf32, #tpu.memory_space<vmem>>
    %dma_start3A_1919 = tpu.memref_squeeze %dma_start3A_1918 : memref<1x128x128xf32, #tpu.memory_space<vmem>> -> memref<128x128xf32, #tpu.memory_space<vmem>>
    %dma_start3A_1920 = arith.constant 0 : i32
    %dma_start3A_1921 = tpu.memref_slice %arg8[%dma_start3A_1913, %dma_start3A_1920] : memref<5x128xi32, #tpu.memory_space<vmem>> -> memref<1x128xi32, #tpu.memory_space<vmem>>
    %dma_start3A_1922 = tpu.memref_squeeze %dma_start3A_1921 : memref<1x128xi32, #tpu.memory_space<vmem>> -> memref<128xi32, #tpu.memory_space<vmem>>
    %dma_start3A_1923 = arith.constant 0 : i32
    %dma_start3A_1924 = arith.constant 0 : i32
    %dma_start3A_1925 = tpu.memref_slice %arg10[%dma_start3A_1923, %dma_start3A_1924] : memref<75x128xf32, #tpu.memory_space<vmem_shared>> -> memref<75x128xf32, #tpu.memory_space<vmem_shared>>
    %dma_start3A_1926 = tpu.memref_slice %arg12[%dma_start3A_1915] : memref<5x!tpu.dma_semaphore, #tpu.memory_space<semaphore_mem>> -> memref<1x!tpu.dma_semaphore, #tpu.memory_space<semaphore_mem>>
    %dma_start3A_1927 = tpu.memref_squeeze %dma_start3A_1926 : memref<1x!tpu.dma_semaphore, #tpu.memory_space<semaphore_mem>> -> memref<!tpu.dma_semaphore, #tpu.memory_space<semaphore_mem>>
    tpu.enqueue_indirect_dma source(%dma_start3A_1925 : memref<75x128xf32, #tpu.memory_space<vmem_shared>>) target(%dma_start3A_1919 : memref<128x128xf32, #tpu.memory_space<vmem>>) offsets(%dma_start3A_1922 : memref<128xi32, #tpu.memory_space<vmem>>) semaphore(%dma_start3A_1927 : memref<!tpu.dma_semaphore, #tpu.memory_space<semaphore_mem>>)
    %dma_wait3A_1928 = arith.constant 4 : i32
    %dma_wait3A_1929 = arith.constant 4 : i32
    %dma_wait3A_1930 = arith.constant 4 : i32
    %dma_wait3A_1931 = arith.constant 0 : i32
    %dma_wait3A_1932 = arith.constant 0 : i32
    %dma_wait3A_1933 = tpu.memref_slice %arg9[%dma_wait3A_1929, %dma_wait3A_1931, %dma_wait3A_1932] : memref<5x128x128xf32, #tpu.memory_space<vmem>> -> memref<1x128x128xf32, #tpu.memory_space<vmem>>
    %dma_wait3A_1934 = tpu.memref_squeeze %dma_wait3A_1933 : memref<1x128x128xf32, #tpu.memory_space<vmem>> -> memref<128x128xf32, #tpu.memory_space<vmem>>
    %dma_wait3A_1935 = arith.constant 0 : i32
    %dma_wait3A_1936 = tpu.memref_slice %arg8[%dma_wait3A_1928, %dma_wait3A_1935] : memref<5x128xi32, #tpu.memory_space<vmem>> -> memref<1x128xi32, #tpu.memory_space<vmem>>
    %dma_wait3A_1937 = tpu.memref_squeeze %dma_wait3A_1936 : memref<1x128xi32, #tpu.memory_space<vmem>> -> memref<128xi32, #tpu.memory_space<vmem>>
    %dma_wait3A_1938 = arith.constant 0 : i32
    %dma_wait3A_1939 = arith.constant 0 : i32
    %dma_wait3A_1940 = tpu.memref_slice %arg10[%dma_wait3A_1938, %dma_wait3A_1939] : memref<75x128xf32, #tpu.memory_space<vmem_shared>> -> memref<75x128xf32, #tpu.memory_space<vmem_shared>>
    %dma_wait3A_1941 = tpu.memref_slice %arg12[%dma_wait3A_1930] : memref<5x!tpu.dma_semaphore, #tpu.memory_space<semaphore_mem>> -> memref<1x!tpu.dma_semaphore, #tpu.memory_space<semaphore_mem>>
    %dma_wait3A_1942 = tpu.memref_squeeze %dma_wait3A_1941 : memref<1x!tpu.dma_semaphore, #tpu.memory_space<semaphore_mem>> -> memref<!tpu.dma_semaphore, #tpu.memory_space<semaphore_mem>>
    tpu.wait_indirect_dma semaphore(%dma_wait3A_1942 : memref<!tpu.dma_semaphore, #tpu.memory_space<semaphore_mem>>) src(%dma_wait3A_1940 : memref<75x128xf32, #tpu.memory_space<vmem_shared>>) dst(%dma_wait3A_1934 : memref<128x128xf32, #tpu.memory_space<vmem>>)
    %add3A_1943 = arith.constant 512 : i32
    %add3A_1944 = arith.addi %mul3A_2, %add3A_1943 : i32
    %dma_start3A_1945 = arith.constant 4 : i32
    %dma_start3A_1946 = arith.constant 4 : i32
    %dma_start3A_1947 = arith.constant 0 : i32
    %dma_start3A_1948 = arith.constant 0 : i32
    %dma_start3A_1949 = tpu.memref_slice %arg9[%dma_start3A_1945, %dma_start3A_1947, %dma_start3A_1948] : memref<5x128x128xf32, #tpu.memory_space<vmem>> -> memref<1x128x128xf32, #tpu.memory_space<vmem>>
    %dma_start3A_1950 = tpu.memref_squeeze %dma_start3A_1949 : memref<1x128x128xf32, #tpu.memory_space<vmem>> -> memref<128x128xf32, #tpu.memory_space<vmem>>
    %dma_start3A_1951 = arith.constant 0 : i32
    %dma_start3A_1952 = tpu.memref_slice %arg5[%add3A_1944, %dma_start3A_1951] : memref<3276800x128xf32, #tpu.memory_space<hbm>> -> memref<128x128xf32, #tpu.memory_space<hbm>>
    %dma_start3A_1953 = tpu.memref_slice %arg13[%dma_start3A_1946] : memref<5x!tpu.dma_semaphore, #tpu.memory_space<semaphore_mem>> -> memref<1x!tpu.dma_semaphore, #tpu.memory_space<semaphore_mem>>
    %dma_start3A_1954 = tpu.memref_squeeze %dma_start3A_1953 : memref<1x!tpu.dma_semaphore, #tpu.memory_space<semaphore_mem>> -> memref<!tpu.dma_semaphore, #tpu.memory_space<semaphore_mem>>
    %dma_start3A_1955 = arith.constant 0 : i32
    %dma_start3A_1956 = tpu.memref_slice %arg5[%add3A_1944, %dma_start3A_1955] : memref<3276800x128xf32, #tpu.memory_space<hbm>> -> memref<128x128xf32, #tpu.memory_space<hbm>>
    %dma_start3A_1957 = arith.constant 0 : i32
    %dma_start3A_1958 = arith.constant 0 : i32
    %dma_start3A_1959 = tpu.memref_slice %arg9[%dma_start3A_1945, %dma_start3A_1957, %dma_start3A_1958] : memref<5x128x128xf32, #tpu.memory_space<vmem>> -> memref<1x128x128xf32, #tpu.memory_space<vmem>>
    %dma_start3A_1960 = tpu.memref_squeeze %dma_start3A_1959 : memref<1x128x128xf32, #tpu.memory_space<vmem>> -> memref<128x128xf32, #tpu.memory_space<vmem>>
    tpu.enqueue_dma source(%dma_start3A_1960 : memref<128x128xf32, #tpu.memory_space<vmem>>) target(%dma_start3A_1956 : memref<128x128xf32, #tpu.memory_space<hbm>>) target_semaphore(%dma_start3A_1954 : memref<!tpu.dma_semaphore, #tpu.memory_space<semaphore_mem>>)
    %add3A_1961 = arith.constant 1152 : i32
    %add3A_1962 = arith.addi %mul3A_2, %add3A_1961 : i32
    %dma_start3A_1963 = arith.constant 4 : i32
    %dma_start3A_1964 = arith.constant 4 : i32
    %dma_start3A_1965 = arith.constant 0 : i32
    %dma_start3A_1966 = tpu.memref_slice %arg6[%dma_start3A_1963, %dma_start3A_1965] : memref<5x128xi32, #tpu.memory_space<vmem>> -> memref<1x128xi32, #tpu.memory_space<vmem>>
    %dma_start3A_1967 = tpu.memref_squeeze %dma_start3A_1966 : memref<1x128xi32, #tpu.memory_space<vmem>> -> memref<128xi32, #tpu.memory_space<vmem>>
    %dma_start3A_1968 = tpu.memref_slice %arg2[%add3A_1962] : memref<3276800xi32, #tpu.memory_space<hbm>> -> memref<128xi32, #tpu.memory_space<hbm>>
    %dma_start3A_1969 = tpu.memref_slice %arg11[%dma_start3A_1964] : memref<5x!tpu.dma_semaphore, #tpu.memory_space<semaphore_mem>> -> memref<1x!tpu.dma_semaphore, #tpu.memory_space<semaphore_mem>>
    %dma_start3A_1970 = tpu.memref_squeeze %dma_start3A_1969 : memref<1x!tpu.dma_semaphore, #tpu.memory_space<semaphore_mem>> -> memref<!tpu.dma_semaphore, #tpu.memory_space<semaphore_mem>>
    %dma_start3A_1971 = arith.constant 0 : i32
    %dma_start3A_1972 = tpu.memref_slice %arg6[%dma_start3A_1963, %dma_start3A_1971] : memref<5x128xi32, #tpu.memory_space<vmem>> -> memref<1x128xi32, #tpu.memory_space<vmem>>
    %dma_start3A_1973 = tpu.memref_squeeze %dma_start3A_1972 : memref<1x128xi32, #tpu.memory_space<vmem>> -> memref<128xi32, #tpu.memory_space<vmem>>
    %dma_start3A_1974 = tpu.memref_slice %arg2[%add3A_1962] : memref<3276800xi32, #tpu.memory_space<hbm>> -> memref<128xi32, #tpu.memory_space<hbm>>
    tpu.enqueue_dma source(%dma_start3A_1974 : memref<128xi32, #tpu.memory_space<hbm>>) target(%dma_start3A_1973 : memref<128xi32, #tpu.memory_space<vmem>>) target_semaphore(%dma_start3A_1970 : memref<!tpu.dma_semaphore, #tpu.memory_space<semaphore_mem>>)
    %dma_start3A_1975 = arith.constant 4 : i32
    %dma_start3A_1976 = arith.constant 4 : i32
    %dma_start3A_1977 = arith.constant 0 : i32
    %dma_start3A_1978 = tpu.memref_slice %arg7[%dma_start3A_1975, %dma_start3A_1977] : memref<5x128xi32, #tpu.memory_space<vmem>> -> memref<1x128xi32, #tpu.memory_space<vmem>>
    %dma_start3A_1979 = tpu.memref_squeeze %dma_start3A_1978 : memref<1x128xi32, #tpu.memory_space<vmem>> -> memref<128xi32, #tpu.memory_space<vmem>>
    %dma_start3A_1980 = tpu.memref_slice %arg3[%add3A_1962] : memref<3276800xi32, #tpu.memory_space<hbm>> -> memref<128xi32, #tpu.memory_space<hbm>>
    %dma_start3A_1981 = tpu.memref_slice %arg11[%dma_start3A_1976] : memref<5x!tpu.dma_semaphore, #tpu.memory_space<semaphore_mem>> -> memref<1x!tpu.dma_semaphore, #tpu.memory_space<semaphore_mem>>
    %dma_start3A_1982 = tpu.memref_squeeze %dma_start3A_1981 : memref<1x!tpu.dma_semaphore, #tpu.memory_space<semaphore_mem>> -> memref<!tpu.dma_semaphore, #tpu.memory_space<semaphore_mem>>
    %dma_start3A_1983 = arith.constant 0 : i32
    %dma_start3A_1984 = tpu.memref_slice %arg7[%dma_start3A_1975, %dma_start3A_1983] : memref<5x128xi32, #tpu.memory_space<vmem>> -> memref<1x128xi32, #tpu.memory_space<vmem>>
    %dma_start3A_1985 = tpu.memref_squeeze %dma_start3A_1984 : memref<1x128xi32, #tpu.memory_space<vmem>> -> memref<128xi32, #tpu.memory_space<vmem>>
    %dma_start3A_1986 = tpu.memref_slice %arg3[%add3A_1962] : memref<3276800xi32, #tpu.memory_space<hbm>> -> memref<128xi32, #tpu.memory_space<hbm>>
    tpu.enqueue_dma source(%dma_start3A_1986 : memref<128xi32, #tpu.memory_space<hbm>>) target(%dma_start3A_1985 : memref<128xi32, #tpu.memory_space<vmem>>) target_semaphore(%dma_start3A_1982 : memref<!tpu.dma_semaphore, #tpu.memory_space<semaphore_mem>>)
    %dma_wait3A_1987 = arith.constant 2 : i32
    %dma_wait3A_1988 = arith.constant 2 : i32
    %dma_wait3A_1989 = arith.constant 0 : i32
    %dma_wait3A_1990 = tpu.memref_slice %arg6[%dma_wait3A_1987, %dma_wait3A_1989] : memref<5x128xi32, #tpu.memory_space<vmem>> -> memref<1x128xi32, #tpu.memory_space<vmem>>
    %dma_wait3A_1991 = tpu.memref_squeeze %dma_wait3A_1990 : memref<1x128xi32, #tpu.memory_space<vmem>> -> memref<128xi32, #tpu.memory_space<vmem>>
    %dma_wait3A_1992 = tpu.memref_slice %arg2[%mul3A_2] : memref<3276800xi32, #tpu.memory_space<hbm>> -> memref<128xi32, #tpu.memory_space<hbm>>
    %dma_wait3A_1993 = tpu.memref_slice %arg11[%dma_wait3A_1988] : memref<5x!tpu.dma_semaphore, #tpu.memory_space<semaphore_mem>> -> memref<1x!tpu.dma_semaphore, #tpu.memory_space<semaphore_mem>>
    %dma_wait3A_1994 = tpu.memref_squeeze %dma_wait3A_1993 : memref<1x!tpu.dma_semaphore, #tpu.memory_space<semaphore_mem>> -> memref<!tpu.dma_semaphore, #tpu.memory_space<semaphore_mem>>
    %dma_wait3A_1995 = arith.constant 0 : i32
    %dma_wait3A_1996 = tpu.memref_slice %arg6[%dma_wait3A_1987, %dma_wait3A_1995] : memref<5x128xi32, #tpu.memory_space<vmem>> -> memref<1x128xi32, #tpu.memory_space<vmem>>
    %dma_wait3A_1997 = tpu.memref_squeeze %dma_wait3A_1996 : memref<1x128xi32, #tpu.memory_space<vmem>> -> memref<128xi32, #tpu.memory_space<vmem>>
    %dma_wait3A_1998 = tpu.memref_slice %arg2[%mul3A_2] : memref<3276800xi32, #tpu.memory_space<hbm>> -> memref<128xi32, #tpu.memory_space<hbm>>
    tpu.wait_dma2 semaphore(%dma_wait3A_1994 : memref<!tpu.dma_semaphore, #tpu.memory_space<semaphore_mem>>) src(%dma_wait3A_1998 : memref<128xi32, #tpu.memory_space<hbm>>) dst(%dma_wait3A_1997 : memref<128xi32, #tpu.memory_space<vmem>>)
    %dma_wait3A_1999 = arith.constant 2 : i32
    %dma_wait3A_2000 = arith.constant 2 : i32
    %dma_wait3A_2001 = arith.constant 0 : i32
    %dma_wait3A_2002 = tpu.memref_slice %arg7[%dma_wait3A_1999, %dma_wait3A_2001] : memref<5x128xi32, #tpu.memory_space<vmem>> -> memref<1x128xi32, #tpu.memory_space<vmem>>
    %dma_wait3A_2003 = tpu.memref_squeeze %dma_wait3A_2002 : memref<1x128xi32, #tpu.memory_space<vmem>> -> memref<128xi32, #tpu.memory_space<vmem>>
    %dma_wait3A_2004 = tpu.memref_slice %arg3[%mul3A_2] : memref<3276800xi32, #tpu.memory_space<hbm>> -> memref<128xi32, #tpu.memory_space<hbm>>
    %dma_wait3A_2005 = tpu.memref_slice %arg11[%dma_wait3A_2000] : memref<5x!tpu.dma_semaphore, #tpu.memory_space<semaphore_mem>> -> memref<1x!tpu.dma_semaphore, #tpu.memory_space<semaphore_mem>>
    %dma_wait3A_2006 = tpu.memref_squeeze %dma_wait3A_2005 : memref<1x!tpu.dma_semaphore, #tpu.memory_space<semaphore_mem>> -> memref<!tpu.dma_semaphore, #tpu.memory_space<semaphore_mem>>
    %dma_wait3A_2007 = arith.constant 0 : i32
    %dma_wait3A_2008 = tpu.memref_slice %arg7[%dma_wait3A_1999, %dma_wait3A_2007] : memref<5x128xi32, #tpu.memory_space<vmem>> -> memref<1x128xi32, #tpu.memory_space<vmem>>
    %dma_wait3A_2009 = tpu.memref_squeeze %dma_wait3A_2008 : memref<1x128xi32, #tpu.memory_space<vmem>> -> memref<128xi32, #tpu.memory_space<vmem>>
    %dma_wait3A_2010 = tpu.memref_slice %arg3[%mul3A_2] : memref<3276800xi32, #tpu.memory_space<hbm>> -> memref<128xi32, #tpu.memory_space<hbm>>
    tpu.wait_dma2 semaphore(%dma_wait3A_2006 : memref<!tpu.dma_semaphore, #tpu.memory_space<semaphore_mem>>) src(%dma_wait3A_2010 : memref<128xi32, #tpu.memory_space<hbm>>) dst(%dma_wait3A_2009 : memref<128xi32, #tpu.memory_space<vmem>>)
    %get3A_2011 = arith.constant 2 : i32
    %get3A_2012 = arith.index_cast %get3A_2011 : i32 to index
    %get3A_2013 = arith.constant 0 : index
    %get3A_2014 = tpu.vector_load %arg6[%get3A_2012, %get3A_2013] {strides = array<i32>} : memref<5x128xi32, #tpu.memory_space<vmem>>, vector<1x16xi32>,
    %get3A_2015 = vector.shape_cast %get3A_2014 : vector<1x16xi32> to vector<16xi32>
    %mul3A_2016 = arith.constant 5 : i32
    %mul3A_2017 = vector.broadcast %mul3A_2016 : i32 to vector<16xi32>
    %mul3A_2018 = arith.muli %get3A_2015, %mul3A_2017 : vector<16xi32>
    %get3A_2019 = arith.constant 2 : i32
    %get3A_2020 = arith.index_cast %get3A_2019 : i32 to index
    %get3A_2021 = arith.constant 0 : index
    %get3A_2022 = tpu.vector_load %arg7[%get3A_2020, %get3A_2021] {strides = array<i32>} : memref<5x128xi32, #tpu.memory_space<vmem>>, vector<1x16xi32>,
    %get3A_2023 = vector.shape_cast %get3A_2022 : vector<1x16xi32> to vector<16xi32>
    %add3A_2024 = arith.addi %mul3A_2018, %get3A_2023 : vector<16xi32>
    %sub3A_2025 = arith.constant 1 : i32
    %sub3A_2026 = vector.broadcast %sub3A_2025 : i32 to vector<16xi32>
    %sub3A_2027 = arith.subi %add3A_2024, %sub3A_2026 : vector<16xi32>
    %swap3A_2028 = arith.constant 2 : i32
    %swap3A_2029 = arith.index_cast %swap3A_2028 : i32 to index
    %swap3A_2030 = arith.constant 0 : index
    %swap3A_2031 = tpu.vector_load %arg8[%swap3A_2029, %swap3A_2030] {strides = array<i32>} : memref<5x128xi32, #tpu.memory_space<vmem>>, vector<1x16xi32>,
    %swap3A_2032 = vector.shape_cast %swap3A_2031 : vector<1x16xi32> to vector<16xi32>
    %swap3A_2033 = vector.shape_cast %sub3A_2027 : vector<16xi32> to vector<1x16xi32>
    tpu.vector_store %arg8[%swap3A_2029, %swap3A_2030], %swap3A_2033 {strides = array<i32>} : memref<5x128xi32, #tpu.memory_space<vmem>>, vector<1x16xi32>,
    %get3A_2034 = arith.constant 2 : i32
    %get3A_2035 = arith.index_cast %get3A_2034 : i32 to index
    %get3A_2036 = arith.constant 16 : index
    %get3A_2037 = tpu.vector_load %arg6[%get3A_2035, %get3A_2036] {strides = array<i32>} : memref<5x128xi32, #tpu.memory_space<vmem>>, vector<1x16xi32>,
    %get3A_2038 = vector.shape_cast %get3A_2037 : vector<1x16xi32> to vector<16xi32>
    %mul3A_2039 = arith.constant 5 : i32
    %mul3A_2040 = vector.broadcast %mul3A_2039 : i32 to vector<16xi32>
    %mul3A_2041 = arith.muli %get3A_2038, %mul3A_2040 : vector<16xi32>
    %get3A_2042 = arith.constant 2 : i32
    %get3A_2043 = arith.index_cast %get3A_2042 : i32 to index
    %get3A_2044 = arith.constant 16 : index
    %get3A_2045 = tpu.vector_load %arg7[%get3A_2043, %get3A_2044] {strides = array<i32>} : memref<5x128xi32, #tpu.memory_space<vmem>>, vector<1x16xi32>,
    %get3A_2046 = vector.shape_cast %get3A_2045 : vector<1x16xi32> to vector<16xi32>
    %add3A_2047 = arith.addi %mul3A_2041, %get3A_2046 : vector<16xi32>
    %sub3A_2048 = arith.constant 1 : i32
    %sub3A_2049 = vector.broadcast %sub3A_2048 : i32 to vector<16xi32>
    %sub3A_2050 = arith.subi %add3A_2047, %sub3A_2049 : vector<16xi32>
    %swap3A_2051 = arith.constant 2 : i32
    %swap3A_2052 = arith.index_cast %swap3A_2051 : i32 to index
    %swap3A_2053 = arith.constant 16 : index
    %swap3A_2054 = tpu.vector_load %arg8[%swap3A_2052, %swap3A_2053] {strides = array<i32>} : memref<5x128xi32, #tpu.memory_space<vmem>>, vector<1x16xi32>,
    %swap3A_2055 = vector.shape_cast %swap3A_2054 : vector<1x16xi32> to vector<16xi32>
    %swap3A_2056 = vector.shape_cast %sub3A_2050 : vector<16xi32> to vector<1x16xi32>
    tpu.vector_store %arg8[%swap3A_2052, %swap3A_2053], %swap3A_2056 {strides = array<i32>} : memref<5x128xi32, #tpu.memory_space<vmem>>, vector<1x16xi32>,
    %get3A_2057 = arith.constant 2 : i32
    %get3A_2058 = arith.index_cast %get3A_2057 : i32 to index
    %get3A_2059 = arith.constant 32 : index
    %get3A_2060 = tpu.vector_load %arg6[%get3A_2058, %get3A_2059] {strides = array<i32>} : memref<5x128xi32, #tpu.memory_space<vmem>>, vector<1x16xi32>,
    %get3A_2061 = vector.shape_cast %get3A_2060 : vector<1x16xi32> to vector<16xi32>
    %mul3A_2062 = arith.constant 5 : i32
    %mul3A_2063 = vector.broadcast %mul3A_2062 : i32 to vector<16xi32>
    %mul3A_2064 = arith.muli %get3A_2061, %mul3A_2063 : vector<16xi32>
    %get3A_2065 = arith.constant 2 : i32
    %get3A_2066 = arith.index_cast %get3A_2065 : i32 to index
    %get3A_2067 = arith.constant 32 : index
    %get3A_2068 = tpu.vector_load %arg7[%get3A_2066, %get3A_2067] {strides = array<i32>} : memref<5x128xi32, #tpu.memory_space<vmem>>, vector<1x16xi32>,
    %get3A_2069 = vector.shape_cast %get3A_2068 : vector<1x16xi32> to vector<16xi32>
    %add3A_2070 = arith.addi %mul3A_2064, %get3A_2069 : vector<16xi32>
    %sub3A_2071 = arith.constant 1 : i32
    %sub3A_2072 = vector.broadcast %sub3A_2071 : i32 to vector<16xi32>
    %sub3A_2073 = arith.subi %add3A_2070, %sub3A_2072 : vector<16xi32>
    %swap3A_2074 = arith.constant 2 : i32
    %swap3A_2075 = arith.index_cast %swap3A_2074 : i32 to index
    %swap3A_2076 = arith.constant 32 : index
    %swap3A_2077 = tpu.vector_load %arg8[%swap3A_2075, %swap3A_2076] {strides = array<i32>} : memref<5x128xi32, #tpu.memory_space<vmem>>, vector<1x16xi32>,
    %swap3A_2078 = vector.shape_cast %swap3A_2077 : vector<1x16xi32> to vector<16xi32>
    %swap3A_2079 = vector.shape_cast %sub3A_2073 : vector<16xi32> to vector<1x16xi32>
    tpu.vector_store %arg8[%swap3A_2075, %swap3A_2076], %swap3A_2079 {strides = array<i32>} : memref<5x128xi32, #tpu.memory_space<vmem>>, vector<1x16xi32>,
    %get3A_2080 = arith.constant 2 : i32
    %get3A_2081 = arith.index_cast %get3A_2080 : i32 to index
    %get3A_2082 = arith.constant 48 : index
    %get3A_2083 = tpu.vector_load %arg6[%get3A_2081, %get3A_2082] {strides = array<i32>} : memref<5x128xi32, #tpu.memory_space<vmem>>, vector<1x16xi32>,
    %get3A_2084 = vector.shape_cast %get3A_2083 : vector<1x16xi32> to vector<16xi32>
    %mul3A_2085 = arith.constant 5 : i32
    %mul3A_2086 = vector.broadcast %mul3A_2085 : i32 to vector<16xi32>
    %mul3A_2087 = arith.muli %get3A_2084, %mul3A_2086 : vector<16xi32>
    %get3A_2088 = arith.constant 2 : i32
    %get3A_2089 = arith.index_cast %get3A_2088 : i32 to index
    %get3A_2090 = arith.constant 48 : index
    %get3A_2091 = tpu.vector_load %arg7[%get3A_2089, %get3A_2090] {strides = array<i32>} : memref<5x128xi32, #tpu.memory_space<vmem>>, vector<1x16xi32>,
    %get3A_2092 = vector.shape_cast %get3A_2091 : vector<1x16xi32> to vector<16xi32>
    %add3A_2093 = arith.addi %mul3A_2087, %get3A_2092 : vector<16xi32>
    %sub3A_2094 = arith.constant 1 : i32
    %sub3A_2095 = vector.broadcast %sub3A_2094 : i32 to vector<16xi32>
    %sub3A_2096 = arith.subi %add3A_2093, %sub3A_2095 : vector<16xi32>
    %swap3A_2097 = arith.constant 2 : i32
    %swap3A_2098 = arith.index_cast %swap3A_2097 : i32 to index
    %swap3A_2099 = arith.constant 48 : index
    %swap3A_2100 = tpu.vector_load %arg8[%swap3A_2098, %swap3A_2099] {strides = array<i32>} : memref<5x128xi32, #tpu.memory_space<vmem>>, vector<1x16xi32>,
    %swap3A_2101 = vector.shape_cast %swap3A_2100 : vector<1x16xi32> to vector<16xi32>
    %swap3A_2102 = vector.shape_cast %sub3A_2096 : vector<16xi32> to vector<1x16xi32>
    tpu.vector_store %arg8[%swap3A_2098, %swap3A_2099], %swap3A_2102 {strides = array<i32>} : memref<5x128xi32, #tpu.memory_space<vmem>>, vector<1x16xi32>,
    %get3A_2103 = arith.constant 2 : i32
    %get3A_2104 = arith.index_cast %get3A_2103 : i32 to index
    %get3A_2105 = arith.constant 64 : index
    %get3A_2106 = tpu.vector_load %arg6[%get3A_2104, %get3A_2105] {strides = array<i32>} : memref<5x128xi32, #tpu.memory_space<vmem>>, vector<1x16xi32>,
    %get3A_2107 = vector.shape_cast %get3A_2106 : vector<1x16xi32> to vector<16xi32>
    %mul3A_2108 = arith.constant 5 : i32
    %mul3A_2109 = vector.broadcast %mul3A_2108 : i32 to vector<16xi32>
    %mul3A_2110 = arith.muli %get3A_2107, %mul3A_2109 : vector<16xi32>
    %get3A_2111 = arith.constant 2 : i32
    %get3A_2112 = arith.index_cast %get3A_2111 : i32 to index
    %get3A_2113 = arith.constant 64 : index
    %get3A_2114 = tpu.vector_load %arg7[%get3A_2112, %get3A_2113] {strides = array<i32>} : memref<5x128xi32, #tpu.memory_space<vmem>>, vector<1x16xi32>,
    %get3A_2115 = vector.shape_cast %get3A_2114 : vector<1x16xi32> to vector<16xi32>
    %add3A_2116 = arith.addi %mul3A_2110, %get3A_2115 : vector<16xi32>
    %sub3A_2117 = arith.constant 1 : i32
    %sub3A_2118 = vector.broadcast %sub3A_2117 : i32 to vector<16xi32>
    %sub3A_2119 = arith.subi %add3A_2116, %sub3A_2118 : vector<16xi32>
    %swap3A_2120 = arith.constant 2 : i32
    %swap3A_2121 = arith.index_cast %swap3A_2120 : i32 to index
    %swap3A_2122 = arith.constant 64 : index
    %swap3A_2123 = tpu.vector_load %arg8[%swap3A_2121, %swap3A_2122] {strides = array<i32>} : memref<5x128xi32, #tpu.memory_space<vmem>>, vector<1x16xi32>,
    %swap3A_2124 = vector.shape_cast %swap3A_2123 : vector<1x16xi32> to vector<16xi32>
    %swap3A_2125 = vector.shape_cast %sub3A_2119 : vector<16xi32> to vector<1x16xi32>
    tpu.vector_store %arg8[%swap3A_2121, %swap3A_2122], %swap3A_2125 {strides = array<i32>} : memref<5x128xi32, #tpu.memory_space<vmem>>, vector<1x16xi32>,
    %get3A_2126 = arith.constant 2 : i32
    %get3A_2127 = arith.index_cast %get3A_2126 : i32 to index
    %get3A_2128 = arith.constant 80 : index
    %get3A_2129 = tpu.vector_load %arg6[%get3A_2127, %get3A_2128] {strides = array<i32>} : memref<5x128xi32, #tpu.memory_space<vmem>>, vector<1x16xi32>,
    %get3A_2130 = vector.shape_cast %get3A_2129 : vector<1x16xi32> to vector<16xi32>
    %mul3A_2131 = arith.constant 5 : i32
    %mul3A_2132 = vector.broadcast %mul3A_2131 : i32 to vector<16xi32>
    %mul3A_2133 = arith.muli %get3A_2130, %mul3A_2132 : vector<16xi32>
    %get3A_2134 = arith.constant 2 : i32
    %get3A_2135 = arith.index_cast %get3A_2134 : i32 to index
    %get3A_2136 = arith.constant 80 : index
    %get3A_2137 = tpu.vector_load %arg7[%get3A_2135, %get3A_2136] {strides = array<i32>} : memref<5x128xi32, #tpu.memory_space<vmem>>, vector<1x16xi32>,
    %get3A_2138 = vector.shape_cast %get3A_2137 : vector<1x16xi32> to vector<16xi32>
    %add3A_2139 = arith.addi %mul3A_2133, %get3A_2138 : vector<16xi32>
    %sub3A_2140 = arith.constant 1 : i32
    %sub3A_2141 = vector.broadcast %sub3A_2140 : i32 to vector<16xi32>
    %sub3A_2142 = arith.subi %add3A_2139, %sub3A_2141 : vector<16xi32>
    %swap3A_2143 = arith.constant 2 : i32
    %swap3A_2144 = arith.index_cast %swap3A_2143 : i32 to index
    %swap3A_2145 = arith.constant 80 : index
    %swap3A_2146 = tpu.vector_load %arg8[%swap3A_2144, %swap3A_2145] {strides = array<i32>} : memref<5x128xi32, #tpu.memory_space<vmem>>, vector<1x16xi32>,
    %swap3A_2147 = vector.shape_cast %swap3A_2146 : vector<1x16xi32> to vector<16xi32>
    %swap3A_2148 = vector.shape_cast %sub3A_2142 : vector<16xi32> to vector<1x16xi32>
    tpu.vector_store %arg8[%swap3A_2144, %swap3A_2145], %swap3A_2148 {strides = array<i32>} : memref<5x128xi32, #tpu.memory_space<vmem>>, vector<1x16xi32>,
    %get3A_2149 = arith.constant 2 : i32
    %get3A_2150 = arith.index_cast %get3A_2149 : i32 to index
    %get3A_2151 = arith.constant 96 : index
    %get3A_2152 = tpu.vector_load %arg6[%get3A_2150, %get3A_2151] {strides = array<i32>} : memref<5x128xi32, #tpu.memory_space<vmem>>, vector<1x16xi32>,
    %get3A_2153 = vector.shape_cast %get3A_2152 : vector<1x16xi32> to vector<16xi32>
    %mul3A_2154 = arith.constant 5 : i32
    %mul3A_2155 = vector.broadcast %mul3A_2154 : i32 to vector<16xi32>
    %mul3A_2156 = arith.muli %get3A_2153, %mul3A_2155 : vector<16xi32>
    %get3A_2157 = arith.constant 2 : i32
    %get3A_2158 = arith.index_cast %get3A_2157 : i32 to index
    %get3A_2159 = arith.constant 96 : index
    %get3A_2160 = tpu.vector_load %arg7[%get3A_2158, %get3A_2159] {strides = array<i32>} : memref<5x128xi32, #tpu.memory_space<vmem>>, vector<1x16xi32>,
    %get3A_2161 = vector.shape_cast %get3A_2160 : vector<1x16xi32> to vector<16xi32>
    %add3A_2162 = arith.addi %mul3A_2156, %get3A_2161 : vector<16xi32>
    %sub3A_2163 = arith.constant 1 : i32
    %sub3A_2164 = vector.broadcast %sub3A_2163 : i32 to vector<16xi32>
    %sub3A_2165 = arith.subi %add3A_2162, %sub3A_2164 : vector<16xi32>
    %swap3A_2166 = arith.constant 2 : i32
    %swap3A_2167 = arith.index_cast %swap3A_2166 : i32 to index
    %swap3A_2168 = arith.constant 96 : index
    %swap3A_2169 = tpu.vector_load %arg8[%swap3A_2167, %swap3A_2168] {strides = array<i32>} : memref<5x128xi32, #tpu.memory_space<vmem>>, vector<1x16xi32>,
    %swap3A_2170 = vector.shape_cast %swap3A_2169 : vector<1x16xi32> to vector<16xi32>
    %swap3A_2171 = vector.shape_cast %sub3A_2165 : vector<16xi32> to vector<1x16xi32>
    tpu.vector_store %arg8[%swap3A_2167, %swap3A_2168], %swap3A_2171 {strides = array<i32>} : memref<5x128xi32, #tpu.memory_space<vmem>>, vector<1x16xi32>,
    %get3A_2172 = arith.constant 2 : i32
    %get3A_2173 = arith.index_cast %get3A_2172 : i32 to index
    %get3A_2174 = arith.constant 112 : index
    %get3A_2175 = tpu.vector_load %arg6[%get3A_2173, %get3A_2174] {strides = array<i32>} : memref<5x128xi32, #tpu.memory_space<vmem>>, vector<1x16xi32>,
    %get3A_2176 = vector.shape_cast %get3A_2175 : vector<1x16xi32> to vector<16xi32>
    %mul3A_2177 = arith.constant 5 : i32
    %mul3A_2178 = vector.broadcast %mul3A_2177 : i32 to vector<16xi32>
    %mul3A_2179 = arith.muli %get3A_2176, %mul3A_2178 : vector<16xi32>
    %get3A_2180 = arith.constant 2 : i32
    %get3A_2181 = arith.index_cast %get3A_2180 : i32 to index
    %get3A_2182 = arith.constant 112 : index
    %get3A_2183 = tpu.vector_load %arg7[%get3A_2181, %get3A_2182] {strides = array<i32>} : memref<5x128xi32, #tpu.memory_space<vmem>>, vector<1x16xi32>,
    %get3A_2184 = vector.shape_cast %get3A_2183 : vector<1x16xi32> to vector<16xi32>
    %add3A_2185 = arith.addi %mul3A_2179, %get3A_2184 : vector<16xi32>
    %sub3A_2186 = arith.constant 1 : i32
    %sub3A_2187 = vector.broadcast %sub3A_2186 : i32 to vector<16xi32>
    %sub3A_2188 = arith.subi %add3A_2185, %sub3A_2187 : vector<16xi32>
    %swap3A_2189 = arith.constant 2 : i32
    %swap3A_2190 = arith.index_cast %swap3A_2189 : i32 to index
    %swap3A_2191 = arith.constant 112 : index
    %swap3A_2192 = tpu.vector_load %arg8[%swap3A_2190, %swap3A_2191] {strides = array<i32>} : memref<5x128xi32, #tpu.memory_space<vmem>>, vector<1x16xi32>,
    %swap3A_2193 = vector.shape_cast %swap3A_2192 : vector<1x16xi32> to vector<16xi32>
    %swap3A_2194 = vector.shape_cast %sub3A_2188 : vector<16xi32> to vector<1x16xi32>
    tpu.vector_store %arg8[%swap3A_2190, %swap3A_2191], %swap3A_2194 {strides = array<i32>} : memref<5x128xi32, #tpu.memory_space<vmem>>, vector<1x16xi32>,
    %dma_wait3A_2195 = arith.constant 1 : i32
    %dma_wait3A_2196 = arith.constant 1 : i32
    %dma_wait3A_2197 = arith.constant 0 : i32
    %dma_wait3A_2198 = arith.constant 0 : i32
    %dma_wait3A_2199 = tpu.memref_slice %arg9[%dma_wait3A_2195, %dma_wait3A_2197, %dma_wait3A_2198] : memref<5x128x128xf32, #tpu.memory_space<vmem>> -> memref<1x128x128xf32, #tpu.memory_space<vmem>>
    %dma_wait3A_2200 = tpu.memref_squeeze %dma_wait3A_2199 : memref<1x128x128xf32, #tpu.memory_space<vmem>> -> memref<128x128xf32, #tpu.memory_space<vmem>>
    %dma_wait3A_2201 = arith.constant 0 : i32
    %dma_wait3A_2202 = tpu.memref_slice %arg5[%mul3A_2, %dma_wait3A_2201] : memref<3276800x128xf32, #tpu.memory_space<hbm>> -> memref<128x128xf32, #tpu.memory_space<hbm>>
    %dma_wait3A_2203 = tpu.memref_slice %arg13[%dma_wait3A_2196] : memref<5x!tpu.dma_semaphore, #tpu.memory_space<semaphore_mem>> -> memref<1x!tpu.dma_semaphore, #tpu.memory_space<semaphore_mem>>
    %dma_wait3A_2204 = tpu.memref_squeeze %dma_wait3A_2203 : memref<1x!tpu.dma_semaphore, #tpu.memory_space<semaphore_mem>> -> memref<!tpu.dma_semaphore, #tpu.memory_space<semaphore_mem>>
    %dma_wait3A_2205 = arith.constant 0 : i32
    %dma_wait3A_2206 = tpu.memref_slice %arg5[%mul3A_2, %dma_wait3A_2205] : memref<3276800x128xf32, #tpu.memory_space<hbm>> -> memref<128x128xf32, #tpu.memory_space<hbm>>
    %dma_wait3A_2207 = arith.constant 0 : i32
    %dma_wait3A_2208 = arith.constant 0 : i32
    %dma_wait3A_2209 = tpu.memref_slice %arg9[%dma_wait3A_2195, %dma_wait3A_2207, %dma_wait3A_2208] : memref<5x128x128xf32, #tpu.memory_space<vmem>> -> memref<1x128x128xf32, #tpu.memory_space<vmem>>
    %dma_wait3A_2210 = tpu.memref_squeeze %dma_wait3A_2209 : memref<1x128x128xf32, #tpu.memory_space<vmem>> -> memref<128x128xf32, #tpu.memory_space<vmem>>
    tpu.wait_dma2 semaphore(%dma_wait3A_2204 : memref<!tpu.dma_semaphore, #tpu.memory_space<semaphore_mem>>) src(%dma_wait3A_2210 : memref<128x128xf32, #tpu.memory_space<vmem>>) dst(%dma_wait3A_2206 : memref<128x128xf32, #tpu.memory_space<hbm>>)
    %dma_start3A_2211 = arith.constant 1 : i32
    %dma_start3A_2212 = arith.constant 1 : i32
    %dma_start3A_2213 = arith.constant 1 : i32
    %dma_start3A_2214 = arith.constant 0 : i32
    %dma_start3A_2215 = arith.constant 0 : i32
    %dma_start3A_2216 = tpu.memref_slice %arg9[%dma_start3A_2212, %dma_start3A_2214, %dma_start3A_2215] : memref<5x128x128xf32, #tpu.memory_space<vmem>> -> memref<1x128x128xf32, #tpu.memory_space<vmem>>
    %dma_start3A_2217 = tpu.memref_squeeze %dma_start3A_2216 : memref<1x128x128xf32, #tpu.memory_space<vmem>> -> memref<128x128xf32, #tpu.memory_space<vmem>>
    %dma_start3A_2218 = arith.constant 0 : i32
    %dma_start3A_2219 = tpu.memref_slice %arg8[%dma_start3A_2211, %dma_start3A_2218] : memref<5x128xi32, #tpu.memory_space<vmem>> -> memref<1x128xi32, #tpu.memory_space<vmem>>
    %dma_start3A_2220 = tpu.memref_squeeze %dma_start3A_2219 : memref<1x128xi32, #tpu.memory_space<vmem>> -> memref<128xi32, #tpu.memory_space<vmem>>
    %dma_start3A_2221 = arith.constant 0 : i32
    %dma_start3A_2222 = arith.constant 0 : i32
    %dma_start3A_2223 = tpu.memref_slice %arg10[%dma_start3A_2221, %dma_start3A_2222] : memref<75x128xf32, #tpu.memory_space<vmem_shared>> -> memref<75x128xf32, #tpu.memory_space<vmem_shared>>
    %dma_start3A_2224 = tpu.memref_slice %arg12[%dma_start3A_2213] : memref<5x!tpu.dma_semaphore, #tpu.memory_space<semaphore_mem>> -> memref<1x!tpu.dma_semaphore, #tpu.memory_space<semaphore_mem>>
    %dma_start3A_2225 = tpu.memref_squeeze %dma_start3A_2224 : memref<1x!tpu.dma_semaphore, #tpu.memory_space<semaphore_mem>> -> memref<!tpu.dma_semaphore, #tpu.memory_space<semaphore_mem>>
    tpu.enqueue_indirect_dma source(%dma_start3A_2223 : memref<75x128xf32, #tpu.memory_space<vmem_shared>>) target(%dma_start3A_2217 : memref<128x128xf32, #tpu.memory_space<vmem>>) offsets(%dma_start3A_2220 : memref<128xi32, #tpu.memory_space<vmem>>) semaphore(%dma_start3A_2225 : memref<!tpu.dma_semaphore, #tpu.memory_space<semaphore_mem>>)
    %scan3A = arith.constant 0 : i32
    %scan3A_2226 = arith.constant 158 : i32
    %scan3A_2227 = arith.addi %scan3A, %scan3A_2226 : i32
    %scan3A_2228 = arith.constant 1 : i32
    scf.for %scan3A_2984 = %scan3A to %scan3A_2227 step %scan3A_2228  : i32 {
      %mul3A_2985 = arith.constant 5 : i32
      %mul3A_2986 = arith.muli %scan3A_2984, %mul3A_2985 : i32
      %add3A_2987 = arith.constant 5 : i32
      %add3A_2988 = arith.addi %add3A_2987, %mul3A_2986 : i32
      %add3A_2989 = arith.constant 0 : i32
      %add3A_2990 = arith.addi %add3A_2988, %add3A_2989 : i32
      %dma_wait3A_2991 = arith.constant 0 : i32
      %dma_wait3A_2992 = arith.constant 0 : i32
      %dma_wait3A_2993 = arith.constant 0 : i32
      %dma_wait3A_2994 = arith.constant 0 : i32
      %dma_wait3A_2995 = arith.constant 0 : i32
      %dma_wait3A_2996 = tpu.memref_slice %arg9[%dma_wait3A_2992, %dma_wait3A_2994, %dma_wait3A_2995] : memref<5x128x128xf32, #tpu.memory_space<vmem>> -> memref<1x128x128xf32, #tpu.memory_space<vmem>>
      %dma_wait3A_2997 = tpu.memref_squeeze %dma_wait3A_2996 : memref<1x128x128xf32, #tpu.memory_space<vmem>> -> memref<128x128xf32, #tpu.memory_space<vmem>>
      %dma_wait3A_2998 = arith.constant 0 : i32
      %dma_wait3A_2999 = tpu.memref_slice %arg8[%dma_wait3A_2991, %dma_wait3A_2998] : memref<5x128xi32, #tpu.memory_space<vmem>> -> memref<1x128xi32, #tpu.memory_space<vmem>>
      %dma_wait3A_3000 = tpu.memref_squeeze %dma_wait3A_2999 : memref<1x128xi32, #tpu.memory_space<vmem>> -> memref<128xi32, #tpu.memory_space<vmem>>
      %dma_wait3A_3001 = arith.constant 0 : i32
      %dma_wait3A_3002 = arith.constant 0 : i32
      %dma_wait3A_3003 = tpu.memref_slice %arg10[%dma_wait3A_3001, %dma_wait3A_3002] : memref<75x128xf32, #tpu.memory_space<vmem_shared>> -> memref<75x128xf32, #tpu.memory_space<vmem_shared>>
      %dma_wait3A_3004 = tpu.memref_slice %arg12[%dma_wait3A_2993] : memref<5x!tpu.dma_semaphore, #tpu.memory_space<semaphore_mem>> -> memref<1x!tpu.dma_semaphore, #tpu.memory_space<semaphore_mem>>
      %dma_wait3A_3005 = tpu.memref_squeeze %dma_wait3A_3004 : memref<1x!tpu.dma_semaphore, #tpu.memory_space<semaphore_mem>> -> memref<!tpu.dma_semaphore, #tpu.memory_space<semaphore_mem>>
      tpu.wait_indirect_dma semaphore(%dma_wait3A_3005 : memref<!tpu.dma_semaphore, #tpu.memory_space<semaphore_mem>>) src(%dma_wait3A_3003 : memref<75x128xf32, #tpu.memory_space<vmem_shared>>) dst(%dma_wait3A_2997 : memref<128x128xf32, #tpu.memory_space<vmem>>)
      %mul3A_3006 = arith.constant 128 : i32
      %mul3A_3007 = arith.muli %add3A_2990, %mul3A_3006 : i32
      %add3A_3008 = arith.addi %mul3A_2, %mul3A_3007 : i32
      %dma_start3A_3009 = arith.constant 0 : i32
      %dma_start3A_3010 = arith.constant 0 : i32
      %dma_start3A_3011 = arith.constant 0 : i32
      %dma_start3A_3012 = arith.constant 0 : i32
      %dma_start3A_3013 = tpu.memref_slice %arg9[%dma_start3A_3009, %dma_start3A_3011, %dma_start3A_3012] : memref<5x128x128xf32, #tpu.memory_space<vmem>> -> memref<1x128x128xf32, #tpu.memory_space<vmem>>
      %dma_start3A_3014 = tpu.memref_squeeze %dma_start3A_3013 : memref<1x128x128xf32, #tpu.memory_space<vmem>> -> memref<128x128xf32, #tpu.memory_space<vmem>>
      %dma_start3A_3015 = arith.constant 0 : i32
      %dma_start3A_3016 = tpu.memref_slice %arg5[%add3A_3008, %dma_start3A_3015] : memref<3276800x128xf32, #tpu.memory_space<hbm>> -> memref<128x128xf32, #tpu.memory_space<hbm>>
      %dma_start3A_3017 = tpu.memref_slice %arg13[%dma_start3A_3010] : memref<5x!tpu.dma_semaphore, #tpu.memory_space<semaphore_mem>> -> memref<1x!tpu.dma_semaphore, #tpu.memory_space<semaphore_mem>>
      %dma_start3A_3018 = tpu.memref_squeeze %dma_start3A_3017 : memref<1x!tpu.dma_semaphore, #tpu.memory_space<semaphore_mem>> -> memref<!tpu.dma_semaphore, #tpu.memory_space<semaphore_mem>>
      %dma_start3A_3019 = arith.constant 0 : i32
      %dma_start3A_3020 = tpu.memref_slice %arg5[%add3A_3008, %dma_start3A_3019] : memref<3276800x128xf32, #tpu.memory_space<hbm>> -> memref<128x128xf32, #tpu.memory_space<hbm>>
      %dma_start3A_3021 = arith.constant 0 : i32
      %dma_start3A_3022 = arith.constant 0 : i32
      %dma_start3A_3023 = tpu.memref_slice %arg9[%dma_start3A_3009, %dma_start3A_3021, %dma_start3A_3022] : memref<5x128x128xf32, #tpu.memory_space<vmem>> -> memref<1x128x128xf32, #tpu.memory_space<vmem>>
      %dma_start3A_3024 = tpu.memref_squeeze %dma_start3A_3023 : memref<1x128x128xf32, #tpu.memory_space<vmem>> -> memref<128x128xf32, #tpu.memory_space<vmem>>
      tpu.enqueue_dma source(%dma_start3A_3024 : memref<128x128xf32, #tpu.memory_space<vmem>>) target(%dma_start3A_3020 : memref<128x128xf32, #tpu.memory_space<hbm>>) target_semaphore(%dma_start3A_3018 : memref<!tpu.dma_semaphore, #tpu.memory_space<semaphore_mem>>)
      %add3A_3025 = arith.constant 5 : i32
      %add3A_3026 = arith.addi %add3A_2990, %add3A_3025 : i32
      %mul3A_3027 = arith.constant 128 : i32
      %mul3A_3028 = arith.muli %add3A_3026, %mul3A_3027 : i32
      %add3A_3029 = arith.addi %mul3A_2, %mul3A_3028 : i32
      %dma_start3A_3030 = arith.constant 0 : i32
      %dma_start3A_3031 = arith.constant 0 : i32
      %dma_start3A_3032 = arith.constant 0 : i32
      %dma_start3A_3033 = tpu.memref_slice %arg6[%dma_start3A_3030, %dma_start3A_3032] : memref<5x128xi32, #tpu.memory_space<vmem>> -> memref<1x128xi32, #tpu.memory_space<vmem>>
      %dma_start3A_3034 = tpu.memref_squeeze %dma_start3A_3033 : memref<1x128xi32, #tpu.memory_space<vmem>> -> memref<128xi32, #tpu.memory_space<vmem>>
      %dma_start3A_3035 = tpu.memref_slice %arg2[%add3A_3029] : memref<3276800xi32, #tpu.memory_space<hbm>> -> memref<128xi32, #tpu.memory_space<hbm>>
      %dma_start3A_3036 = tpu.memref_slice %arg11[%dma_start3A_3031] : memref<5x!tpu.dma_semaphore, #tpu.memory_space<semaphore_mem>> -> memref<1x!tpu.dma_semaphore, #tpu.memory_space<semaphore_mem>>
      %dma_start3A_3037 = tpu.memref_squeeze %dma_start3A_3036 : memref<1x!tpu.dma_semaphore, #tpu.memory_space<semaphore_mem>> -> memref<!tpu.dma_semaphore, #tpu.memory_space<semaphore_mem>>
      %dma_start3A_3038 = arith.constant 0 : i32
      %dma_start3A_3039 = tpu.memref_slice %arg6[%dma_start3A_3030, %dma_start3A_3038] : memref<5x128xi32, #tpu.memory_space<vmem>> -> memref<1x128xi32, #tpu.memory_space<vmem>>
      %dma_start3A_3040 = tpu.memref_squeeze %dma_start3A_3039 : memref<1x128xi32, #tpu.memory_space<vmem>> -> memref<128xi32, #tpu.memory_space<vmem>>
      %dma_start3A_3041 = tpu.memref_slice %arg2[%add3A_3029] : memref<3276800xi32, #tpu.memory_space<hbm>> -> memref<128xi32, #tpu.memory_space<hbm>>
      tpu.enqueue_dma source(%dma_start3A_3041 : memref<128xi32, #tpu.memory_space<hbm>>) target(%dma_start3A_3040 : memref<128xi32, #tpu.memory_space<vmem>>) target_semaphore(%dma_start3A_3037 : memref<!tpu.dma_semaphore, #tpu.memory_space<semaphore_mem>>)
      %dma_start3A_3042 = arith.constant 0 : i32
      %dma_start3A_3043 = arith.constant 0 : i32
      %dma_start3A_3044 = arith.constant 0 : i32
      %dma_start3A_3045 = tpu.memref_slice %arg7[%dma_start3A_3042, %dma_start3A_3044] : memref<5x128xi32, #tpu.memory_space<vmem>> -> memref<1x128xi32, #tpu.memory_space<vmem>>
      %dma_start3A_3046 = tpu.memref_squeeze %dma_start3A_3045 : memref<1x128xi32, #tpu.memory_space<vmem>> -> memref<128xi32, #tpu.memory_space<vmem>>
      %dma_start3A_3047 = tpu.memref_slice %arg3[%add3A_3029] : memref<3276800xi32, #tpu.memory_space<hbm>> -> memref<128xi32, #tpu.memory_space<hbm>>
      %dma_start3A_3048 = tpu.memref_slice %arg11[%dma_start3A_3043] : memref<5x!tpu.dma_semaphore, #tpu.memory_space<semaphore_mem>> -> memref<1x!tpu.dma_semaphore, #tpu.memory_space<semaphore_mem>>
      %dma_start3A_3049 = tpu.memref_squeeze %dma_start3A_3048 : memref<1x!tpu.dma_semaphore, #tpu.memory_space<semaphore_mem>> -> memref<!tpu.dma_semaphore, #tpu.memory_space<semaphore_mem>>
      %dma_start3A_3050 = arith.constant 0 : i32
      %dma_start3A_3051 = tpu.memref_slice %arg7[%dma_start3A_3042, %dma_start3A_3050] : memref<5x128xi32, #tpu.memory_space<vmem>> -> memref<1x128xi32, #tpu.memory_space<vmem>>
      %dma_start3A_3052 = tpu.memref_squeeze %dma_start3A_3051 : memref<1x128xi32, #tpu.memory_space<vmem>> -> memref<128xi32, #tpu.memory_space<vmem>>
      %dma_start3A_3053 = tpu.memref_slice %arg3[%add3A_3029] : memref<3276800xi32, #tpu.memory_space<hbm>> -> memref<128xi32, #tpu.memory_space<hbm>>
      tpu.enqueue_dma source(%dma_start3A_3053 : memref<128xi32, #tpu.memory_space<hbm>>) target(%dma_start3A_3052 : memref<128xi32, #tpu.memory_space<vmem>>) target_semaphore(%dma_start3A_3049 : memref<!tpu.dma_semaphore, #tpu.memory_space<semaphore_mem>>)
      %dma_wait3A_3054 = arith.constant 3 : i32
      %dma_wait3A_3055 = arith.constant 3 : i32
      %dma_wait3A_3056 = arith.constant 0 : i32
      %dma_wait3A_3057 = tpu.memref_slice %arg6[%dma_wait3A_3054, %dma_wait3A_3056] : memref<5x128xi32, #tpu.memory_space<vmem>> -> memref<1x128xi32, #tpu.memory_space<vmem>>
      %dma_wait3A_3058 = tpu.memref_squeeze %dma_wait3A_3057 : memref<1x128xi32, #tpu.memory_space<vmem>> -> memref<128xi32, #tpu.memory_space<vmem>>
      %dma_wait3A_3059 = tpu.memref_slice %arg2[%mul3A_2] : memref<3276800xi32, #tpu.memory_space<hbm>> -> memref<128xi32, #tpu.memory_space<hbm>>
      %dma_wait3A_3060 = tpu.memref_slice %arg11[%dma_wait3A_3055] : memref<5x!tpu.dma_semaphore, #tpu.memory_space<semaphore_mem>> -> memref<1x!tpu.dma_semaphore, #tpu.memory_space<semaphore_mem>>
      %dma_wait3A_3061 = tpu.memref_squeeze %dma_wait3A_3060 : memref<1x!tpu.dma_semaphore, #tpu.memory_space<semaphore_mem>> -> memref<!tpu.dma_semaphore, #tpu.memory_space<semaphore_mem>>
      %dma_wait3A_3062 = arith.constant 0 : i32
      %dma_wait3A_3063 = tpu.memref_slice %arg6[%dma_wait3A_3054, %dma_wait3A_3062] : memref<5x128xi32, #tpu.memory_space<vmem>> -> memref<1x128xi32, #tpu.memory_space<vmem>>
      %dma_wait3A_3064 = tpu.memref_squeeze %dma_wait3A_3063 : memref<1x128xi32, #tpu.memory_space<vmem>> -> memref<128xi32, #tpu.memory_space<vmem>>
      %dma_wait3A_3065 = tpu.memref_slice %arg2[%mul3A_2] : memref<3276800xi32, #tpu.memory_space<hbm>> -> memref<128xi32, #tpu.memory_space<hbm>>
      tpu.wait_dma2 semaphore(%dma_wait3A_3061 : memref<!tpu.dma_semaphore, #tpu.memory_space<semaphore_mem>>) src(%dma_wait3A_3065 : memref<128xi32, #tpu.memory_space<hbm>>) dst(%dma_wait3A_3064 : memref<128xi32, #tpu.memory_space<vmem>>)
      %dma_wait3A_3066 = arith.constant 3 : i32
      %dma_wait3A_3067 = arith.constant 3 : i32
      %dma_wait3A_3068 = arith.constant 0 : i32
      %dma_wait3A_3069 = tpu.memref_slice %arg7[%dma_wait3A_3066, %dma_wait3A_3068] : memref<5x128xi32, #tpu.memory_space<vmem>> -> memref<1x128xi32, #tpu.memory_space<vmem>>
      %dma_wait3A_3070 = tpu.memref_squeeze %dma_wait3A_3069 : memref<1x128xi32, #tpu.memory_space<vmem>> -> memref<128xi32, #tpu.memory_space<vmem>>
      %dma_wait3A_3071 = tpu.memref_slice %arg3[%mul3A_2] : memref<3276800xi32, #tpu.memory_space<hbm>> -> memref<128xi32, #tpu.memory_space<hbm>>
      %dma_wait3A_3072 = tpu.memref_slice %arg11[%dma_wait3A_3067] : memref<5x!tpu.dma_semaphore, #tpu.memory_space<semaphore_mem>> -> memref<1x!tpu.dma_semaphore, #tpu.memory_space<semaphore_mem>>
      %dma_wait3A_3073 = tpu.memref_squeeze %dma_wait3A_3072 : memref<1x!tpu.dma_semaphore, #tpu.memory_space<semaphore_mem>> -> memref<!tpu.dma_semaphore, #tpu.memory_space<semaphore_mem>>
      %dma_wait3A_3074 = arith.constant 0 : i32
      %dma_wait3A_3075 = tpu.memref_slice %arg7[%dma_wait3A_3066, %dma_wait3A_3074] : memref<5x128xi32, #tpu.memory_space<vmem>> -> memref<1x128xi32, #tpu.memory_space<vmem>>
      %dma_wait3A_3076 = tpu.memref_squeeze %dma_wait3A_3075 : memref<1x128xi32, #tpu.memory_space<vmem>> -> memref<128xi32, #tpu.memory_space<vmem>>
      %dma_wait3A_3077 = tpu.memref_slice %arg3[%mul3A_2] : memref<3276800xi32, #tpu.memory_space<hbm>> -> memref<128xi32, #tpu.memory_space<hbm>>
      tpu.wait_dma2 semaphore(%dma_wait3A_3073 : memref<!tpu.dma_semaphore, #tpu.memory_space<semaphore_mem>>) src(%dma_wait3A_3077 : memref<128xi32, #tpu.memory_space<hbm>>) dst(%dma_wait3A_3076 : memref<128xi32, #tpu.memory_space<vmem>>)
      %get3A_3078 = arith.constant 3 : i32
      %get3A_3079 = arith.index_cast %get3A_3078 : i32 to index
      %get3A_3080 = arith.constant 0 : index
      %get3A_3081 = tpu.vector_load %arg6[%get3A_3079, %get3A_3080] {strides = array<i32>} : memref<5x128xi32, #tpu.memory_space<vmem>>, vector<1x16xi32>,
      %get3A_3082 = vector.shape_cast %get3A_3081 : vector<1x16xi32> to vector<16xi32>
      %mul3A_3083 = arith.constant 5 : i32
      %mul3A_3084 = vector.broadcast %mul3A_3083 : i32 to vector<16xi32>
      %mul3A_3085 = arith.muli %get3A_3082, %mul3A_3084 : vector<16xi32>
      %get3A_3086 = arith.constant 3 : i32
      %get3A_3087 = arith.index_cast %get3A_3086 : i32 to index
      %get3A_3088 = arith.constant 0 : index
      %get3A_3089 = tpu.vector_load %arg7[%get3A_3087, %get3A_3088] {strides = array<i32>} : memref<5x128xi32, #tpu.memory_space<vmem>>, vector<1x16xi32>,
      %get3A_3090 = vector.shape_cast %get3A_3089 : vector<1x16xi32> to vector<16xi32>
      %add3A_3091 = arith.addi %mul3A_3085, %get3A_3090 : vector<16xi32>
      %sub3A_3092 = arith.constant 1 : i32
      %sub3A_3093 = vector.broadcast %sub3A_3092 : i32 to vector<16xi32>
      %sub3A_3094 = arith.subi %add3A_3091, %sub3A_3093 : vector<16xi32>
      %swap3A_3095 = arith.constant 3 : i32
      %swap3A_3096 = arith.index_cast %swap3A_3095 : i32 to index
      %swap3A_3097 = arith.constant 0 : index
      %swap3A_3098 = tpu.vector_load %arg8[%swap3A_3096, %swap3A_3097] {strides = array<i32>} : memref<5x128xi32, #tpu.memory_space<vmem>>, vector<1x16xi32>,
      %swap3A_3099 = vector.shape_cast %swap3A_3098 : vector<1x16xi32> to vector<16xi32>
      %swap3A_3100 = vector.shape_cast %sub3A_3094 : vector<16xi32> to vector<1x16xi32>
      tpu.vector_store %arg8[%swap3A_3096, %swap3A_3097], %swap3A_3100 {strides = array<i32>} : memref<5x128xi32, #tpu.memory_space<vmem>>, vector<1x16xi32>,
      %get3A_3101 = arith.constant 3 : i32
      %get3A_3102 = arith.index_cast %get3A_3101 : i32 to index
      %get3A_3103 = arith.constant 16 : index
      %get3A_3104 = tpu.vector_load %arg6[%get3A_3102, %get3A_3103] {strides = array<i32>} : memref<5x128xi32, #tpu.memory_space<vmem>>, vector<1x16xi32>,
      %get3A_3105 = vector.shape_cast %get3A_3104 : vector<1x16xi32> to vector<16xi32>
      %mul3A_3106 = arith.constant 5 : i32
      %mul3A_3107 = vector.broadcast %mul3A_3106 : i32 to vector<16xi32>
      %mul3A_3108 = arith.muli %get3A_3105, %mul3A_3107 : vector<16xi32>
      %get3A_3109 = arith.constant 3 : i32
      %get3A_3110 = arith.index_cast %get3A_3109 : i32 to index
      %get3A_3111 = arith.constant 16 : index
      %get3A_3112 = tpu.vector_load %arg7[%get3A_3110, %get3A_3111] {strides = array<i32>} : memref<5x128xi32, #tpu.memory_space<vmem>>, vector<1x16xi32>,
      %get3A_3113 = vector.shape_cast %get3A_3112 : vector<1x16xi32> to vector<16xi32>
      %add3A_3114 = arith.addi %mul3A_3108, %get3A_3113 : vector<16xi32>
      %sub3A_3115 = arith.constant 1 : i32
      %sub3A_3116 = vector.broadcast %sub3A_3115 : i32 to vector<16xi32>
      %sub3A_3117 = arith.subi %add3A_3114, %sub3A_3116 : vector<16xi32>
      %swap3A_3118 = arith.constant 3 : i32
      %swap3A_3119 = arith.index_cast %swap3A_3118 : i32 to index
      %swap3A_3120 = arith.constant 16 : index
      %swap3A_3121 = tpu.vector_load %arg8[%swap3A_3119, %swap3A_3120] {strides = array<i32>} : memref<5x128xi32, #tpu.memory_space<vmem>>, vector<1x16xi32>,
      %swap3A_3122 = vector.shape_cast %swap3A_3121 : vector<1x16xi32> to vector<16xi32>
      %swap3A_3123 = vector.shape_cast %sub3A_3117 : vector<16xi32> to vector<1x16xi32>
      tpu.vector_store %arg8[%swap3A_3119, %swap3A_3120], %swap3A_3123 {strides = array<i32>} : memref<5x128xi32, #tpu.memory_space<vmem>>, vector<1x16xi32>,
      %get3A_3124 = arith.constant 3 : i32
      %get3A_3125 = arith.index_cast %get3A_3124 : i32 to index
      %get3A_3126 = arith.constant 32 : index
      %get3A_3127 = tpu.vector_load %arg6[%get3A_3125, %get3A_3126] {strides = array<i32>} : memref<5x128xi32, #tpu.memory_space<vmem>>, vector<1x16xi32>,
      %get3A_3128 = vector.shape_cast %get3A_3127 : vector<1x16xi32> to vector<16xi32>
      %mul3A_3129 = arith.constant 5 : i32
      %mul3A_3130 = vector.broadcast %mul3A_3129 : i32 to vector<16xi32>
      %mul3A_3131 = arith.muli %get3A_3128, %mul3A_3130 : vector<16xi32>
      %get3A_3132 = arith.constant 3 : i32
      %get3A_3133 = arith.index_cast %get3A_3132 : i32 to index
      %get3A_3134 = arith.constant 32 : index
      %get3A_3135 = tpu.vector_load %arg7[%get3A_3133, %get3A_3134] {strides = array<i32>} : memref<5x128xi32, #tpu.memory_space<vmem>>, vector<1x16xi32>,
      %get3A_3136 = vector.shape_cast %get3A_3135 : vector<1x16xi32> to vector<16xi32>
      %add3A_3137 = arith.addi %mul3A_3131, %get3A_3136 : vector<16xi32>
      %sub3A_3138 = arith.constant 1 : i32
      %sub3A_3139 = vector.broadcast %sub3A_3138 : i32 to vector<16xi32>
      %sub3A_3140 = arith.subi %add3A_3137, %sub3A_3139 : vector<16xi32>
      %swap3A_3141 = arith.constant 3 : i32
      %swap3A_3142 = arith.index_cast %swap3A_3141 : i32 to index
      %swap3A_3143 = arith.constant 32 : index
      %swap3A_3144 = tpu.vector_load %arg8[%swap3A_3142, %swap3A_3143] {strides = array<i32>} : memref<5x128xi32, #tpu.memory_space<vmem>>, vector<1x16xi32>,
      %swap3A_3145 = vector.shape_cast %swap3A_3144 : vector<1x16xi32> to vector<16xi32>
      %swap3A_3146 = vector.shape_cast %sub3A_3140 : vector<16xi32> to vector<1x16xi32>
      tpu.vector_store %arg8[%swap3A_3142, %swap3A_3143], %swap3A_3146 {strides = array<i32>} : memref<5x128xi32, #tpu.memory_space<vmem>>, vector<1x16xi32>,
      %get3A_3147 = arith.constant 3 : i32
      %get3A_3148 = arith.index_cast %get3A_3147 : i32 to index
      %get3A_3149 = arith.constant 48 : index
      %get3A_3150 = tpu.vector_load %arg6[%get3A_3148, %get3A_3149] {strides = array<i32>} : memref<5x128xi32, #tpu.memory_space<vmem>>, vector<1x16xi32>,
      %get3A_3151 = vector.shape_cast %get3A_3150 : vector<1x16xi32> to vector<16xi32>
      %mul3A_3152 = arith.constant 5 : i32
      %mul3A_3153 = vector.broadcast %mul3A_3152 : i32 to vector<16xi32>
      %mul3A_3154 = arith.muli %get3A_3151, %mul3A_3153 : vector<16xi32>
      %get3A_3155 = arith.constant 3 : i32
      %get3A_3156 = arith.index_cast %get3A_3155 : i32 to index
      %get3A_3157 = arith.constant 48 : index
      %get3A_3158 = tpu.vector_load %arg7[%get3A_3156, %get3A_3157] {strides = array<i32>} : memref<5x128xi32, #tpu.memory_space<vmem>>, vector<1x16xi32>,
      %get3A_3159 = vector.shape_cast %get3A_3158 : vector<1x16xi32> to vector<16xi32>
      %add3A_3160 = arith.addi %mul3A_3154, %get3A_3159 : vector<16xi32>
      %sub3A_3161 = arith.constant 1 : i32
      %sub3A_3162 = vector.broadcast %sub3A_3161 : i32 to vector<16xi32>
      %sub3A_3163 = arith.subi %add3A_3160, %sub3A_3162 : vector<16xi32>
      %swap3A_3164 = arith.constant 3 : i32
      %swap3A_3165 = arith.index_cast %swap3A_3164 : i32 to index
      %swap3A_3166 = arith.constant 48 : index
      %swap3A_3167 = tpu.vector_load %arg8[%swap3A_3165, %swap3A_3166] {strides = array<i32>} : memref<5x128xi32, #tpu.memory_space<vmem>>, vector<1x16xi32>,
      %swap3A_3168 = vector.shape_cast %swap3A_3167 : vector<1x16xi32> to vector<16xi32>
      %swap3A_3169 = vector.shape_cast %sub3A_3163 : vector<16xi32> to vector<1x16xi32>
      tpu.vector_store %arg8[%swap3A_3165, %swap3A_3166], %swap3A_3169 {strides = array<i32>} : memref<5x128xi32, #tpu.memory_space<vmem>>, vector<1x16xi32>,
      %get3A_3170 = arith.constant 3 : i32
      %get3A_3171 = arith.index_cast %get3A_3170 : i32 to index
      %get3A_3172 = arith.constant 64 : index
      %get3A_3173 = tpu.vector_load %arg6[%get3A_3171, %get3A_3172] {strides = array<i32>} : memref<5x128xi32, #tpu.memory_space<vmem>>, vector<1x16xi32>,
      %get3A_3174 = vector.shape_cast %get3A_3173 : vector<1x16xi32> to vector<16xi32>
      %mul3A_3175 = arith.constant 5 : i32
      %mul3A_3176 = vector.broadcast %mul3A_3175 : i32 to vector<16xi32>
      %mul3A_3177 = arith.muli %get3A_3174, %mul3A_3176 : vector<16xi32>
      %get3A_3178 = arith.constant 3 : i32
      %get3A_3179 = arith.index_cast %get3A_3178 : i32 to index
      %get3A_3180 = arith.constant 64 : index
      %get3A_3181 = tpu.vector_load %arg7[%get3A_3179, %get3A_3180] {strides = array<i32>} : memref<5x128xi32, #tpu.memory_space<vmem>>, vector<1x16xi32>,
      %get3A_3182 = vector.shape_cast %get3A_3181 : vector<1x16xi32> to vector<16xi32>
      %add3A_3183 = arith.addi %mul3A_3177, %get3A_3182 : vector<16xi32>
      %sub3A_3184 = arith.constant 1 : i32
      %sub3A_3185 = vector.broadcast %sub3A_3184 : i32 to vector<16xi32>
      %sub3A_3186 = arith.subi %add3A_3183, %sub3A_3185 : vector<16xi32>
      %swap3A_3187 = arith.constant 3 : i32
      %swap3A_3188 = arith.index_cast %swap3A_3187 : i32 to index
      %swap3A_3189 = arith.constant 64 : index
      %swap3A_3190 = tpu.vector_load %arg8[%swap3A_3188, %swap3A_3189] {strides = array<i32>} : memref<5x128xi32, #tpu.memory_space<vmem>>, vector<1x16xi32>,
      %swap3A_3191 = vector.shape_cast %swap3A_3190 : vector<1x16xi32> to vector<16xi32>
      %swap3A_3192 = vector.shape_cast %sub3A_3186 : vector<16xi32> to vector<1x16xi32>
      tpu.vector_store %arg8[%swap3A_3188, %swap3A_3189], %swap3A_3192 {strides = array<i32>} : memref<5x128xi32, #tpu.memory_space<vmem>>, vector<1x16xi32>,
      %get3A_3193 = arith.constant 3 : i32
      %get3A_3194 = arith.index_cast %get3A_3193 : i32 to index
      %get3A_3195 = arith.constant 80 : index
      %get3A_3196 = tpu.vector_load %arg6[%get3A_3194, %get3A_3195] {strides = array<i32>} : memref<5x128xi32, #tpu.memory_space<vmem>>, vector<1x16xi32>,
      %get3A_3197 = vector.shape_cast %get3A_3196 : vector<1x16xi32> to vector<16xi32>
      %mul3A_3198 = arith.constant 5 : i32
      %mul3A_3199 = vector.broadcast %mul3A_3198 : i32 to vector<16xi32>
      %mul3A_3200 = arith.muli %get3A_3197, %mul3A_3199 : vector<16xi32>
      %get3A_3201 = arith.constant 3 : i32
      %get3A_3202 = arith.index_cast %get3A_3201 : i32 to index
      %get3A_3203 = arith.constant 80 : index
      %get3A_3204 = tpu.vector_load %arg7[%get3A_3202, %get3A_3203] {strides = array<i32>} : memref<5x128xi32, #tpu.memory_space<vmem>>, vector<1x16xi32>,
      %get3A_3205 = vector.shape_cast %get3A_3204 : vector<1x16xi32> to vector<16xi32>
      %add3A_3206 = arith.addi %mul3A_3200, %get3A_3205 : vector<16xi32>
      %sub3A_3207 = arith.constant 1 : i32
      %sub3A_3208 = vector.broadcast %sub3A_3207 : i32 to vector<16xi32>
      %sub3A_3209 = arith.subi %add3A_3206, %sub3A_3208 : vector<16xi32>
      %swap3A_3210 = arith.constant 3 : i32
      %swap3A_3211 = arith.index_cast %swap3A_3210 : i32 to index
      %swap3A_3212 = arith.constant 80 : index
      %swap3A_3213 = tpu.vector_load %arg8[%swap3A_3211, %swap3A_3212] {strides = array<i32>} : memref<5x128xi32, #tpu.memory_space<vmem>>, vector<1x16xi32>,
      %swap3A_3214 = vector.shape_cast %swap3A_3213 : vector<1x16xi32> to vector<16xi32>
      %swap3A_3215 = vector.shape_cast %sub3A_3209 : vector<16xi32> to vector<1x16xi32>
      tpu.vector_store %arg8[%swap3A_3211, %swap3A_3212], %swap3A_3215 {strides = array<i32>} : memref<5x128xi32, #tpu.memory_space<vmem>>, vector<1x16xi32>,
      %get3A_3216 = arith.constant 3 : i32
      %get3A_3217 = arith.index_cast %get3A_3216 : i32 to index
      %get3A_3218 = arith.constant 96 : index
      %get3A_3219 = tpu.vector_load %arg6[%get3A_3217, %get3A_3218] {strides = array<i32>} : memref<5x128xi32, #tpu.memory_space<vmem>>, vector<1x16xi32>,
      %get3A_3220 = vector.shape_cast %get3A_3219 : vector<1x16xi32> to vector<16xi32>
      %mul3A_3221 = arith.constant 5 : i32
      %mul3A_3222 = vector.broadcast %mul3A_3221 : i32 to vector<16xi32>
      %mul3A_3223 = arith.muli %get3A_3220, %mul3A_3222 : vector<16xi32>
      %get3A_3224 = arith.constant 3 : i32
      %get3A_3225 = arith.index_cast %get3A_3224 : i32 to index
      %get3A_3226 = arith.constant 96 : index
      %get3A_3227 = tpu.vector_load %arg7[%get3A_3225, %get3A_3226] {strides = array<i32>} : memref<5x128xi32, #tpu.memory_space<vmem>>, vector<1x16xi32>,
      %get3A_3228 = vector.shape_cast %get3A_3227 : vector<1x16xi32> to vector<16xi32>
      %add3A_3229 = arith.addi %mul3A_3223, %get3A_3228 : vector<16xi32>
      %sub3A_3230 = arith.constant 1 : i32
      %sub3A_3231 = vector.broadcast %sub3A_3230 : i32 to vector<16xi32>
      %sub3A_3232 = arith.subi %add3A_3229, %sub3A_3231 : vector<16xi32>
      %swap3A_3233 = arith.constant 3 : i32
      %swap3A_3234 = arith.index_cast %swap3A_3233 : i32 to index
      %swap3A_3235 = arith.constant 96 : index
      %swap3A_3236 = tpu.vector_load %arg8[%swap3A_3234, %swap3A_3235] {strides = array<i32>} : memref<5x128xi32, #tpu.memory_space<vmem>>, vector<1x16xi32>,
      %swap3A_3237 = vector.shape_cast %swap3A_3236 : vector<1x16xi32> to vector<16xi32>
      %swap3A_3238 = vector.shape_cast %sub3A_3232 : vector<16xi32> to vector<1x16xi32>
      tpu.vector_store %arg8[%swap3A_3234, %swap3A_3235], %swap3A_3238 {strides = array<i32>} : memref<5x128xi32, #tpu.memory_space<vmem>>, vector<1x16xi32>,
      %get3A_3239 = arith.constant 3 : i32
      %get3A_3240 = arith.index_cast %get3A_3239 : i32 to index
      %get3A_3241 = arith.constant 112 : index
      %get3A_3242 = tpu.vector_load %arg6[%get3A_3240, %get3A_3241] {strides = array<i32>} : memref<5x128xi32, #tpu.memory_space<vmem>>, vector<1x16xi32>,
      %get3A_3243 = vector.shape_cast %get3A_3242 : vector<1x16xi32> to vector<16xi32>
      %mul3A_3244 = arith.constant 5 : i32
      %mul3A_3245 = vector.broadcast %mul3A_3244 : i32 to vector<16xi32>
      %mul3A_3246 = arith.muli %get3A_3243, %mul3A_3245 : vector<16xi32>
      %get3A_3247 = arith.constant 3 : i32
      %get3A_3248 = arith.index_cast %get3A_3247 : i32 to index
      %get3A_3249 = arith.constant 112 : index
      %get3A_3250 = tpu.vector_load %arg7[%get3A_3248, %get3A_3249] {strides = array<i32>} : memref<5x128xi32, #tpu.memory_space<vmem>>, vector<1x16xi32>,
      %get3A_3251 = vector.shape_cast %get3A_3250 : vector<1x16xi32> to vector<16xi32>
      %add3A_3252 = arith.addi %mul3A_3246, %get3A_3251 : vector<16xi32>
      %sub3A_3253 = arith.constant 1 : i32
      %sub3A_3254 = vector.broadcast %sub3A_3253 : i32 to vector<16xi32>
      %sub3A_3255 = arith.subi %add3A_3252, %sub3A_3254 : vector<16xi32>
      %swap3A_3256 = arith.constant 3 : i32
      %swap3A_3257 = arith.index_cast %swap3A_3256 : i32 to index
      %swap3A_3258 = arith.constant 112 : index
      %swap3A_3259 = tpu.vector_load %arg8[%swap3A_3257, %swap3A_3258] {strides = array<i32>} : memref<5x128xi32, #tpu.memory_space<vmem>>, vector<1x16xi32>,
      %swap3A_3260 = vector.shape_cast %swap3A_3259 : vector<1x16xi32> to vector<16xi32>
      %swap3A_3261 = vector.shape_cast %sub3A_3255 : vector<16xi32> to vector<1x16xi32>
      tpu.vector_store %arg8[%swap3A_3257, %swap3A_3258], %swap3A_3261 {strides = array<i32>} : memref<5x128xi32, #tpu.memory_space<vmem>>, vector<1x16xi32>,
      %dma_wait3A_3262 = arith.constant 2 : i32
      %dma_wait3A_3263 = arith.constant 2 : i32
      %dma_wait3A_3264 = arith.constant 0 : i32
      %dma_wait3A_3265 = arith.constant 0 : i32
      %dma_wait3A_3266 = tpu.memref_slice %arg9[%dma_wait3A_3262, %dma_wait3A_3264, %dma_wait3A_3265] : memref<5x128x128xf32, #tpu.memory_space<vmem>> -> memref<1x128x128xf32, #tpu.memory_space<vmem>>
      %dma_wait3A_3267 = tpu.memref_squeeze %dma_wait3A_3266 : memref<1x128x128xf32, #tpu.memory_space<vmem>> -> memref<128x128xf32, #tpu.memory_space<vmem>>
      %dma_wait3A_3268 = arith.constant 0 : i32
      %dma_wait3A_3269 = tpu.memref_slice %arg5[%mul3A_2, %dma_wait3A_3268] : memref<3276800x128xf32, #tpu.memory_space<hbm>> -> memref<128x128xf32, #tpu.memory_space<hbm>>
      %dma_wait3A_3270 = tpu.memref_slice %arg13[%dma_wait3A_3263] : memref<5x!tpu.dma_semaphore, #tpu.memory_space<semaphore_mem>> -> memref<1x!tpu.dma_semaphore, #tpu.memory_space<semaphore_mem>>
      %dma_wait3A_3271 = tpu.memref_squeeze %dma_wait3A_3270 : memref<1x!tpu.dma_semaphore, #tpu.memory_space<semaphore_mem>> -> memref<!tpu.dma_semaphore, #tpu.memory_space<semaphore_mem>>
      %dma_wait3A_3272 = arith.constant 0 : i32
      %dma_wait3A_3273 = tpu.memref_slice %arg5[%mul3A_2, %dma_wait3A_3272] : memref<3276800x128xf32, #tpu.memory_space<hbm>> -> memref<128x128xf32, #tpu.memory_space<hbm>>
      %dma_wait3A_3274 = arith.constant 0 : i32
      %dma_wait3A_3275 = arith.constant 0 : i32
      %dma_wait3A_3276 = tpu.memref_slice %arg9[%dma_wait3A_3262, %dma_wait3A_3274, %dma_wait3A_3275] : memref<5x128x128xf32, #tpu.memory_space<vmem>> -> memref<1x128x128xf32, #tpu.memory_space<vmem>>
      %dma_wait3A_3277 = tpu.memref_squeeze %dma_wait3A_3276 : memref<1x128x128xf32, #tpu.memory_space<vmem>> -> memref<128x128xf32, #tpu.memory_space<vmem>>
      tpu.wait_dma2 semaphore(%dma_wait3A_3271 : memref<!tpu.dma_semaphore, #tpu.memory_space<semaphore_mem>>) src(%dma_wait3A_3277 : memref<128x128xf32, #tpu.memory_space<vmem>>) dst(%dma_wait3A_3273 : memref<128x128xf32, #tpu.memory_space<hbm>>)
      %dma_start3A_3278 = arith.constant 2 : i32
      %dma_start3A_3279 = arith.constant 2 : i32
      %dma_start3A_3280 = arith.constant 2 : i32
      %dma_start3A_3281 = arith.constant 0 : i32
      %dma_start3A_3282 = arith.constant 0 : i32
      %dma_start3A_3283 = tpu.memref_slice %arg9[%dma_start3A_3279, %dma_start3A_3281, %dma_start3A_3282] : memref<5x128x128xf32, #tpu.memory_space<vmem>> -> memref<1x128x128xf32, #tpu.memory_space<vmem>>
      %dma_start3A_3284 = tpu.memref_squeeze %dma_start3A_3283 : memref<1x128x128xf32, #tpu.memory_space<vmem>> -> memref<128x128xf32, #tpu.memory_space<vmem>>
      %dma_start3A_3285 = arith.constant 0 : i32
      %dma_start3A_3286 = tpu.memref_slice %arg8[%dma_start3A_3278, %dma_start3A_3285] : memref<5x128xi32, #tpu.memory_space<vmem>> -> memref<1x128xi32, #tpu.memory_space<vmem>>
      %dma_start3A_3287 = tpu.memref_squeeze %dma_start3A_3286 : memref<1x128xi32, #tpu.memory_space<vmem>> -> memref<128xi32, #tpu.memory_space<vmem>>
      %dma_start3A_3288 = arith.constant 0 : i32
      %dma_start3A_3289 = arith.constant 0 : i32
      %dma_start3A_3290 = tpu.memref_slice %arg10[%dma_start3A_3288, %dma_start3A_3289] : memref<75x128xf32, #tpu.memory_space<vmem_shared>> -> memref<75x128xf32, #tpu.memory_space<vmem_shared>>
      %dma_start3A_3291 = tpu.memref_slice %arg12[%dma_start3A_3280] : memref<5x!tpu.dma_semaphore, #tpu.memory_space<semaphore_mem>> -> memref<1x!tpu.dma_semaphore, #tpu.memory_space<semaphore_mem>>
      %dma_start3A_3292 = tpu.memref_squeeze %dma_start3A_3291 : memref<1x!tpu.dma_semaphore, #tpu.memory_space<semaphore_mem>> -> memref<!tpu.dma_semaphore, #tpu.memory_space<semaphore_mem>>
      tpu.enqueue_indirect_dma source(%dma_start3A_3290 : memref<75x128xf32, #tpu.memory_space<vmem_shared>>) target(%dma_start3A_3284 : memref<128x128xf32, #tpu.memory_space<vmem>>) offsets(%dma_start3A_3287 : memref<128xi32, #tpu.memory_space<vmem>>) semaphore(%dma_start3A_3292 : memref<!tpu.dma_semaphore, #tpu.memory_space<semaphore_mem>>)
      %add3A_3293 = arith.constant 1 : i32
      %add3A_3294 = arith.addi %add3A_2988, %add3A_3293 : i32
      %dma_wait3A_3295 = arith.constant 1 : i32
      %dma_wait3A_3296 = arith.constant 1 : i32
      %dma_wait3A_3297 = arith.constant 1 : i32
      %dma_wait3A_3298 = arith.constant 0 : i32
      %dma_wait3A_3299 = arith.constant 0 : i32
      %dma_wait3A_3300 = tpu.memref_slice %arg9[%dma_wait3A_3296, %dma_wait3A_3298, %dma_wait3A_3299] : memref<5x128x128xf32, #tpu.memory_space<vmem>> -> memref<1x128x128xf32, #tpu.memory_space<vmem>>
      %dma_wait3A_3301 = tpu.memref_squeeze %dma_wait3A_3300 : memref<1x128x128xf32, #tpu.memory_space<vmem>> -> memref<128x128xf32, #tpu.memory_space<vmem>>
      %dma_wait3A_3302 = arith.constant 0 : i32
      %dma_wait3A_3303 = tpu.memref_slice %arg8[%dma_wait3A_3295, %dma_wait3A_3302] : memref<5x128xi32, #tpu.memory_space<vmem>> -> memref<1x128xi32, #tpu.memory_space<vmem>>
      %dma_wait3A_3304 = tpu.memref_squeeze %dma_wait3A_3303 : memref<1x128xi32, #tpu.memory_space<vmem>> -> memref<128xi32, #tpu.memory_space<vmem>>
      %dma_wait3A_3305 = arith.constant 0 : i32
      %dma_wait3A_3306 = arith.constant 0 : i32
      %dma_wait3A_3307 = tpu.memref_slice %arg10[%dma_wait3A_3305, %dma_wait3A_3306] : memref<75x128xf32, #tpu.memory_space<vmem_shared>> -> memref<75x128xf32, #tpu.memory_space<vmem_shared>>
      %dma_wait3A_3308 = tpu.memref_slice %arg12[%dma_wait3A_3297] : memref<5x!tpu.dma_semaphore, #tpu.memory_space<semaphore_mem>> -> memref<1x!tpu.dma_semaphore, #tpu.memory_space<semaphore_mem>>
      %dma_wait3A_3309 = tpu.memref_squeeze %dma_wait3A_3308 : memref<1x!tpu.dma_semaphore, #tpu.memory_space<semaphore_mem>> -> memref<!tpu.dma_semaphore, #tpu.memory_space<semaphore_mem>>
      tpu.wait_indirect_dma semaphore(%dma_wait3A_3309 : memref<!tpu.dma_semaphore, #tpu.memory_space<semaphore_mem>>) src(%dma_wait3A_3307 : memref<75x128xf32, #tpu.memory_space<vmem_shared>>) dst(%dma_wait3A_3301 : memref<128x128xf32, #tpu.memory_space<vmem>>)
      %mul3A_3310 = arith.constant 128 : i32
      %mul3A_3311 = arith.muli %add3A_3294, %mul3A_3310 : i32
      %add3A_3312 = arith.addi %mul3A_2, %mul3A_3311 : i32
      %dma_start3A_3313 = arith.constant 1 : i32
      %dma_start3A_3314 = arith.constant 1 : i32
      %dma_start3A_3315 = arith.constant 0 : i32
      %dma_start3A_3316 = arith.constant 0 : i32
      %dma_start3A_3317 = tpu.memref_slice %arg9[%dma_start3A_3313, %dma_start3A_3315, %dma_start3A_3316] : memref<5x128x128xf32, #tpu.memory_space<vmem>> -> memref<1x128x128xf32, #tpu.memory_space<vmem>>
      %dma_start3A_3318 = tpu.memref_squeeze %dma_start3A_3317 : memref<1x128x128xf32, #tpu.memory_space<vmem>> -> memref<128x128xf32, #tpu.memory_space<vmem>>
      %dma_start3A_3319 = arith.constant 0 : i32
      %dma_start3A_3320 = tpu.memref_slice %arg5[%add3A_3312, %dma_start3A_3319] : memref<3276800x128xf32, #tpu.memory_space<hbm>> -> memref<128x128xf32, #tpu.memory_space<hbm>>
      %dma_start3A_3321 = tpu.memref_slice %arg13[%dma_start3A_3314] : memref<5x!tpu.dma_semaphore, #tpu.memory_space<semaphore_mem>> -> memref<1x!tpu.dma_semaphore, #tpu.memory_space<semaphore_mem>>
      %dma_start3A_3322 = tpu.memref_squeeze %dma_start3A_3321 : memref<1x!tpu.dma_semaphore, #tpu.memory_space<semaphore_mem>> -> memref<!tpu.dma_semaphore, #tpu.memory_space<semaphore_mem>>
      %dma_start3A_3323 = arith.constant 0 : i32
      %dma_start3A_3324 = tpu.memref_slice %arg5[%add3A_3312, %dma_start3A_3323] : memref<3276800x128xf32, #tpu.memory_space<hbm>> -> memref<128x128xf32, #tpu.memory_space<hbm>>
      %dma_start3A_3325 = arith.constant 0 : i32
      %dma_start3A_3326 = arith.constant 0 : i32
      %dma_start3A_3327 = tpu.memref_slice %arg9[%dma_start3A_3313, %dma_start3A_3325, %dma_start3A_3326] : memref<5x128x128xf32, #tpu.memory_space<vmem>> -> memref<1x128x128xf32, #tpu.memory_space<vmem>>
      %dma_start3A_3328 = tpu.memref_squeeze %dma_start3A_3327 : memref<1x128x128xf32, #tpu.memory_space<vmem>> -> memref<128x128xf32, #tpu.memory_space<vmem>>
      tpu.enqueue_dma source(%dma_start3A_3328 : memref<128x128xf32, #tpu.memory_space<vmem>>) target(%dma_start3A_3324 : memref<128x128xf32, #tpu.memory_space<hbm>>) target_semaphore(%dma_start3A_3322 : memref<!tpu.dma_semaphore, #tpu.memory_space<semaphore_mem>>)
      %add3A_3329 = arith.constant 5 : i32
      %add3A_3330 = arith.addi %add3A_3294, %add3A_3329 : i32
      %mul3A_3331 = arith.constant 128 : i32
      %mul3A_3332 = arith.muli %add3A_3330, %mul3A_3331 : i32
      %add3A_3333 = arith.addi %mul3A_2, %mul3A_3332 : i32
      %dma_start3A_3334 = arith.constant 1 : i32
      %dma_start3A_3335 = arith.constant 1 : i32
      %dma_start3A_3336 = arith.constant 0 : i32
      %dma_start3A_3337 = tpu.memref_slice %arg6[%dma_start3A_3334, %dma_start3A_3336] : memref<5x128xi32, #tpu.memory_space<vmem>> -> memref<1x128xi32, #tpu.memory_space<vmem>>
      %dma_start3A_3338 = tpu.memref_squeeze %dma_start3A_3337 : memref<1x128xi32, #tpu.memory_space<vmem>> -> memref<128xi32, #tpu.memory_space<vmem>>
      %dma_start3A_3339 = tpu.memref_slice %arg2[%add3A_3333] : memref<3276800xi32, #tpu.memory_space<hbm>> -> memref<128xi32, #tpu.memory_space<hbm>>
      %dma_start3A_3340 = tpu.memref_slice %arg11[%dma_start3A_3335] : memref<5x!tpu.dma_semaphore, #tpu.memory_space<semaphore_mem>> -> memref<1x!tpu.dma_semaphore, #tpu.memory_space<semaphore_mem>>
      %dma_start3A_3341 = tpu.memref_squeeze %dma_start3A_3340 : memref<1x!tpu.dma_semaphore, #tpu.memory_space<semaphore_mem>> -> memref<!tpu.dma_semaphore, #tpu.memory_space<semaphore_mem>>
      %dma_start3A_3342 = arith.constant 0 : i32
      %dma_start3A_3343 = tpu.memref_slice %arg6[%dma_start3A_3334, %dma_start3A_3342] : memref<5x128xi32, #tpu.memory_space<vmem>> -> memref<1x128xi32, #tpu.memory_space<vmem>>
      %dma_start3A_3344 = tpu.memref_squeeze %dma_start3A_3343 : memref<1x128xi32, #tpu.memory_space<vmem>> -> memref<128xi32, #tpu.memory_space<vmem>>
      %dma_start3A_3345 = tpu.memref_slice %arg2[%add3A_3333] : memref<3276800xi32, #tpu.memory_space<hbm>> -> memref<128xi32, #tpu.memory_space<hbm>>
      tpu.enqueue_dma source(%dma_start3A_3345 : memref<128xi32, #tpu.memory_space<hbm>>) target(%dma_start3A_3344 : memref<128xi32, #tpu.memory_space<vmem>>) target_semaphore(%dma_start3A_3341 : memref<!tpu.dma_semaphore, #tpu.memory_space<semaphore_mem>>)
      %dma_start3A_3346 = arith.constant 1 : i32
      %dma_start3A_3347 = arith.constant 1 : i32
      %dma_start3A_3348 = arith.constant 0 : i32
      %dma_start3A_3349 = tpu.memref_slice %arg7[%dma_start3A_3346, %dma_start3A_3348] : memref<5x128xi32, #tpu.memory_space<vmem>> -> memref<1x128xi32, #tpu.memory_space<vmem>>
      %dma_start3A_3350 = tpu.memref_squeeze %dma_start3A_3349 : memref<1x128xi32, #tpu.memory_space<vmem>> -> memref<128xi32, #tpu.memory_space<vmem>>
      %dma_start3A_3351 = tpu.memref_slice %arg3[%add3A_3333] : memref<3276800xi32, #tpu.memory_space<hbm>> -> memref<128xi32, #tpu.memory_space<hbm>>
      %dma_start3A_3352 = tpu.memref_slice %arg11[%dma_start3A_3347] : memref<5x!tpu.dma_semaphore, #tpu.memory_space<semaphore_mem>> -> memref<1x!tpu.dma_semaphore, #tpu.memory_space<semaphore_mem>>
      %dma_start3A_3353 = tpu.memref_squeeze %dma_start3A_3352 : memref<1x!tpu.dma_semaphore, #tpu.memory_space<semaphore_mem>> -> memref<!tpu.dma_semaphore, #tpu.memory_space<semaphore_mem>>
      %dma_start3A_3354 = arith.constant 0 : i32
      %dma_start3A_3355 = tpu.memref_slice %arg7[%dma_start3A_3346, %dma_start3A_3354] : memref<5x128xi32, #tpu.memory_space<vmem>> -> memref<1x128xi32, #tpu.memory_space<vmem>>
      %dma_start3A_3356 = tpu.memref_squeeze %dma_start3A_3355 : memref<1x128xi32, #tpu.memory_space<vmem>> -> memref<128xi32, #tpu.memory_space<vmem>>
      %dma_start3A_3357 = tpu.memref_slice %arg3[%add3A_3333] : memref<3276800xi32, #tpu.memory_space<hbm>> -> memref<128xi32, #tpu.memory_space<hbm>>
      tpu.enqueue_dma source(%dma_start3A_3357 : memref<128xi32, #tpu.memory_space<hbm>>) target(%dma_start3A_3356 : memref<128xi32, #tpu.memory_space<vmem>>) target_semaphore(%dma_start3A_3353 : memref<!tpu.dma_semaphore, #tpu.memory_space<semaphore_mem>>)
      %dma_wait3A_3358 = arith.constant 4 : i32
      %dma_wait3A_3359 = arith.constant 4 : i32
      %dma_wait3A_3360 = arith.constant 0 : i32
      %dma_wait3A_3361 = tpu.memref_slice %arg6[%dma_wait3A_3358, %dma_wait3A_3360] : memref<5x128xi32, #tpu.memory_space<vmem>> -> memref<1x128xi32, #tpu.memory_space<vmem>>
      %dma_wait3A_3362 = tpu.memref_squeeze %dma_wait3A_3361 : memref<1x128xi32, #tpu.memory_space<vmem>> -> memref<128xi32, #tpu.memory_space<vmem>>
      %dma_wait3A_3363 = tpu.memref_slice %arg2[%mul3A_2] : memref<3276800xi32, #tpu.memory_space<hbm>> -> memref<128xi32, #tpu.memory_space<hbm>>
      %dma_wait3A_3364 = tpu.memref_slice %arg11[%dma_wait3A_3359] : memref<5x!tpu.dma_semaphore, #tpu.memory_space<semaphore_mem>> -> memref<1x!tpu.dma_semaphore, #tpu.memory_space<semaphore_mem>>
      %dma_wait3A_3365 = tpu.memref_squeeze %dma_wait3A_3364 : memref<1x!tpu.dma_semaphore, #tpu.memory_space<semaphore_mem>> -> memref<!tpu.dma_semaphore, #tpu.memory_space<semaphore_mem>>
      %dma_wait3A_3366 = arith.constant 0 : i32
      %dma_wait3A_3367 = tpu.memref_slice %arg6[%dma_wait3A_3358, %dma_wait3A_3366] : memref<5x128xi32, #tpu.memory_space<vmem>> -> memref<1x128xi32, #tpu.memory_space<vmem>>
      %dma_wait3A_3368 = tpu.memref_squeeze %dma_wait3A_3367 : memref<1x128xi32, #tpu.memory_space<vmem>> -> memref<128xi32, #tpu.memory_space<vmem>>
      %dma_wait3A_3369 = tpu.memref_slice %arg2[%mul3A_2] : memref<3276800xi32, #tpu.memory_space<hbm>> -> memref<128xi32, #tpu.memory_space<hbm>>
      tpu.wait_dma2 semaphore(%dma_wait3A_3365 : memref<!tpu.dma_semaphore, #tpu.memory_space<semaphore_mem>>) src(%dma_wait3A_3369 : memref<128xi32, #tpu.memory_space<hbm>>) dst(%dma_wait3A_3368 : memref<128xi32, #tpu.memory_space<vmem>>)
      %dma_wait3A_3370 = arith.constant 4 : i32
      %dma_wait3A_3371 = arith.constant 4 : i32
      %dma_wait3A_3372 = arith.constant 0 : i32
      %dma_wait3A_3373 = tpu.memref_slice %arg7[%dma_wait3A_3370, %dma_wait3A_3372] : memref<5x128xi32, #tpu.memory_space<vmem>> -> memref<1x128xi32, #tpu.memory_space<vmem>>
      %dma_wait3A_3374 = tpu.memref_squeeze %dma_wait3A_3373 : memref<1x128xi32, #tpu.memory_space<vmem>> -> memref<128xi32, #tpu.memory_space<vmem>>
      %dma_wait3A_3375 = tpu.memref_slice %arg3[%mul3A_2] : memref<3276800xi32, #tpu.memory_space<hbm>> -> memref<128xi32, #tpu.memory_space<hbm>>
      %dma_wait3A_3376 = tpu.memref_slice %arg11[%dma_wait3A_3371] : memref<5x!tpu.dma_semaphore, #tpu.memory_space<semaphore_mem>> -> memref<1x!tpu.dma_semaphore, #tpu.memory_space<semaphore_mem>>
      %dma_wait3A_3377 = tpu.memref_squeeze %dma_wait3A_3376 : memref<1x!tpu.dma_semaphore, #tpu.memory_space<semaphore_mem>> -> memref<!tpu.dma_semaphore, #tpu.memory_space<semaphore_mem>>
      %dma_wait3A_3378 = arith.constant 0 : i32
      %dma_wait3A_3379 = tpu.memref_slice %arg7[%dma_wait3A_3370, %dma_wait3A_3378] : memref<5x128xi32, #tpu.memory_space<vmem>> -> memref<1x128xi32, #tpu.memory_space<vmem>>
      %dma_wait3A_3380 = tpu.memref_squeeze %dma_wait3A_3379 : memref<1x128xi32, #tpu.memory_space<vmem>> -> memref<128xi32, #tpu.memory_space<vmem>>
      %dma_wait3A_3381 = tpu.memref_slice %arg3[%mul3A_2] : memref<3276800xi32, #tpu.memory_space<hbm>> -> memref<128xi32, #tpu.memory_space<hbm>>
      tpu.wait_dma2 semaphore(%dma_wait3A_3377 : memref<!tpu.dma_semaphore, #tpu.memory_space<semaphore_mem>>) src(%dma_wait3A_3381 : memref<128xi32, #tpu.memory_space<hbm>>) dst(%dma_wait3A_3380 : memref<128xi32, #tpu.memory_space<vmem>>)
      %get3A_3382 = arith.constant 4 : i32
      %get3A_3383 = arith.index_cast %get3A_3382 : i32 to index
      %get3A_3384 = arith.constant 0 : index
      %get3A_3385 = tpu.vector_load %arg6[%get3A_3383, %get3A_3384] {strides = array<i32>} : memref<5x128xi32, #tpu.memory_space<vmem>>, vector<1x16xi32>,
      %get3A_3386 = vector.shape_cast %get3A_3385 : vector<1x16xi32> to vector<16xi32>
      %mul3A_3387 = arith.constant 5 : i32
      %mul3A_3388 = vector.broadcast %mul3A_3387 : i32 to vector<16xi32>
      %mul3A_3389 = arith.muli %get3A_3386, %mul3A_3388 : vector<16xi32>
      %get3A_3390 = arith.constant 4 : i32
      %get3A_3391 = arith.index_cast %get3A_3390 : i32 to index
      %get3A_3392 = arith.constant 0 : index
      %get3A_3393 = tpu.vector_load %arg7[%get3A_3391, %get3A_3392] {strides = array<i32>} : memref<5x128xi32, #tpu.memory_space<vmem>>, vector<1x16xi32>,
      %get3A_3394 = vector.shape_cast %get3A_3393 : vector<1x16xi32> to vector<16xi32>
      %add3A_3395 = arith.addi %mul3A_3389, %get3A_3394 : vector<16xi32>
      %sub3A_3396 = arith.constant 1 : i32
      %sub3A_3397 = vector.broadcast %sub3A_3396 : i32 to vector<16xi32>
      %sub3A_3398 = arith.subi %add3A_3395, %sub3A_3397 : vector<16xi32>
      %swap3A_3399 = arith.constant 4 : i32
      %swap3A_3400 = arith.index_cast %swap3A_3399 : i32 to index
      %swap3A_3401 = arith.constant 0 : index
      %swap3A_3402 = tpu.vector_load %arg8[%swap3A_3400, %swap3A_3401] {strides = array<i32>} : memref<5x128xi32, #tpu.memory_space<vmem>>, vector<1x16xi32>,
      %swap3A_3403 = vector.shape_cast %swap3A_3402 : vector<1x16xi32> to vector<16xi32>
      %swap3A_3404 = vector.shape_cast %sub3A_3398 : vector<16xi32> to vector<1x16xi32>
      tpu.vector_store %arg8[%swap3A_3400, %swap3A_3401], %swap3A_3404 {strides = array<i32>} : memref<5x128xi32, #tpu.memory_space<vmem>>, vector<1x16xi32>,
      %get3A_3405 = arith.constant 4 : i32
      %get3A_3406 = arith.index_cast %get3A_3405 : i32 to index
      %get3A_3407 = arith.constant 16 : index
      %get3A_3408 = tpu.vector_load %arg6[%get3A_3406, %get3A_3407] {strides = array<i32>} : memref<5x128xi32, #tpu.memory_space<vmem>>, vector<1x16xi32>,
      %get3A_3409 = vector.shape_cast %get3A_3408 : vector<1x16xi32> to vector<16xi32>
      %mul3A_3410 = arith.constant 5 : i32
      %mul3A_3411 = vector.broadcast %mul3A_3410 : i32 to vector<16xi32>
      %mul3A_3412 = arith.muli %get3A_3409, %mul3A_3411 : vector<16xi32>
      %get3A_3413 = arith.constant 4 : i32
      %get3A_3414 = arith.index_cast %get3A_3413 : i32 to index
      %get3A_3415 = arith.constant 16 : index
      %get3A_3416 = tpu.vector_load %arg7[%get3A_3414, %get3A_3415] {strides = array<i32>} : memref<5x128xi32, #tpu.memory_space<vmem>>, vector<1x16xi32>,
      %get3A_3417 = vector.shape_cast %get3A_3416 : vector<1x16xi32> to vector<16xi32>
      %add3A_3418 = arith.addi %mul3A_3412, %get3A_3417 : vector<16xi32>
      %sub3A_3419 = arith.constant 1 : i32
      %sub3A_3420 = vector.broadcast %sub3A_3419 : i32 to vector<16xi32>
      %sub3A_3421 = arith.subi %add3A_3418, %sub3A_3420 : vector<16xi32>
      %swap3A_3422 = arith.constant 4 : i32
      %swap3A_3423 = arith.index_cast %swap3A_3422 : i32 to index
      %swap3A_3424 = arith.constant 16 : index
      %swap3A_3425 = tpu.vector_load %arg8[%swap3A_3423, %swap3A_3424] {strides = array<i32>} : memref<5x128xi32, #tpu.memory_space<vmem>>, vector<1x16xi32>,
      %swap3A_3426 = vector.shape_cast %swap3A_3425 : vector<1x16xi32> to vector<16xi32>
      %swap3A_3427 = vector.shape_cast %sub3A_3421 : vector<16xi32> to vector<1x16xi32>
      tpu.vector_store %arg8[%swap3A_3423, %swap3A_3424], %swap3A_3427 {strides = array<i32>} : memref<5x128xi32, #tpu.memory_space<vmem>>, vector<1x16xi32>,
      %get3A_3428 = arith.constant 4 : i32
      %get3A_3429 = arith.index_cast %get3A_3428 : i32 to index
      %get3A_3430 = arith.constant 32 : index
      %get3A_3431 = tpu.vector_load %arg6[%get3A_3429, %get3A_3430] {strides = array<i32>} : memref<5x128xi32, #tpu.memory_space<vmem>>, vector<1x16xi32>,
      %get3A_3432 = vector.shape_cast %get3A_3431 : vector<1x16xi32> to vector<16xi32>
      %mul3A_3433 = arith.constant 5 : i32
      %mul3A_3434 = vector.broadcast %mul3A_3433 : i32 to vector<16xi32>
      %mul3A_3435 = arith.muli %get3A_3432, %mul3A_3434 : vector<16xi32>
      %get3A_3436 = arith.constant 4 : i32
      %get3A_3437 = arith.index_cast %get3A_3436 : i32 to index
      %get3A_3438 = arith.constant 32 : index
      %get3A_3439 = tpu.vector_load %arg7[%get3A_3437, %get3A_3438] {strides = array<i32>} : memref<5x128xi32, #tpu.memory_space<vmem>>, vector<1x16xi32>,
      %get3A_3440 = vector.shape_cast %get3A_3439 : vector<1x16xi32> to vector<16xi32>
      %add3A_3441 = arith.addi %mul3A_3435, %get3A_3440 : vector<16xi32>
      %sub3A_3442 = arith.constant 1 : i32
      %sub3A_3443 = vector.broadcast %sub3A_3442 : i32 to vector<16xi32>
      %sub3A_3444 = arith.subi %add3A_3441, %sub3A_3443 : vector<16xi32>
      %swap3A_3445 = arith.constant 4 : i32
      %swap3A_3446 = arith.index_cast %swap3A_3445 : i32 to index
      %swap3A_3447 = arith.constant 32 : index
      %swap3A_3448 = tpu.vector_load %arg8[%swap3A_3446, %swap3A_3447] {strides = array<i32>} : memref<5x128xi32, #tpu.memory_space<vmem>>, vector<1x16xi32>,
      %swap3A_3449 = vector.shape_cast %swap3A_3448 : vector<1x16xi32> to vector<16xi32>
      %swap3A_3450 = vector.shape_cast %sub3A_3444 : vector<16xi32> to vector<1x16xi32>
      tpu.vector_store %arg8[%swap3A_3446, %swap3A_3447], %swap3A_3450 {strides = array<i32>} : memref<5x128xi32, #tpu.memory_space<vmem>>, vector<1x16xi32>,
      %get3A_3451 = arith.constant 4 : i32
      %get3A_3452 = arith.index_cast %get3A_3451 : i32 to index
      %get3A_3453 = arith.constant 48 : index
      %get3A_3454 = tpu.vector_load %arg6[%get3A_3452, %get3A_3453] {strides = array<i32>} : memref<5x128xi32, #tpu.memory_space<vmem>>, vector<1x16xi32>,
      %get3A_3455 = vector.shape_cast %get3A_3454 : vector<1x16xi32> to vector<16xi32>
      %mul3A_3456 = arith.constant 5 : i32
      %mul3A_3457 = vector.broadcast %mul3A_3456 : i32 to vector<16xi32>
      %mul3A_3458 = arith.muli %get3A_3455, %mul3A_3457 : vector<16xi32>
      %get3A_3459 = arith.constant 4 : i32
      %get3A_3460 = arith.index_cast %get3A_3459 : i32 to index
      %get3A_3461 = arith.constant 48 : index
      %get3A_3462 = tpu.vector_load %arg7[%get3A_3460, %get3A_3461] {strides = array<i32>} : memref<5x128xi32, #tpu.memory_space<vmem>>, vector<1x16xi32>,
      %get3A_3463 = vector.shape_cast %get3A_3462 : vector<1x16xi32> to vector<16xi32>
      %add3A_3464 = arith.addi %mul3A_3458, %get3A_3463 : vector<16xi32>
      %sub3A_3465 = arith.constant 1 : i32
      %sub3A_3466 = vector.broadcast %sub3A_3465 : i32 to vector<16xi32>
      %sub3A_3467 = arith.subi %add3A_3464, %sub3A_3466 : vector<16xi32>
      %swap3A_3468 = arith.constant 4 : i32
      %swap3A_3469 = arith.index_cast %swap3A_3468 : i32 to index
      %swap3A_3470 = arith.constant 48 : index
      %swap3A_3471 = tpu.vector_load %arg8[%swap3A_3469, %swap3A_3470] {strides = array<i32>} : memref<5x128xi32, #tpu.memory_space<vmem>>, vector<1x16xi32>,
      %swap3A_3472 = vector.shape_cast %swap3A_3471 : vector<1x16xi32> to vector<16xi32>
      %swap3A_3473 = vector.shape_cast %sub3A_3467 : vector<16xi32> to vector<1x16xi32>
      tpu.vector_store %arg8[%swap3A_3469, %swap3A_3470], %swap3A_3473 {strides = array<i32>} : memref<5x128xi32, #tpu.memory_space<vmem>>, vector<1x16xi32>,
      %get3A_3474 = arith.constant 4 : i32
      %get3A_3475 = arith.index_cast %get3A_3474 : i32 to index
      %get3A_3476 = arith.constant 64 : index
      %get3A_3477 = tpu.vector_load %arg6[%get3A_3475, %get3A_3476] {strides = array<i32>} : memref<5x128xi32, #tpu.memory_space<vmem>>, vector<1x16xi32>,
      %get3A_3478 = vector.shape_cast %get3A_3477 : vector<1x16xi32> to vector<16xi32>
      %mul3A_3479 = arith.constant 5 : i32
      %mul3A_3480 = vector.broadcast %mul3A_3479 : i32 to vector<16xi32>
      %mul3A_3481 = arith.muli %get3A_3478, %mul3A_3480 : vector<16xi32>
      %get3A_3482 = arith.constant 4 : i32
      %get3A_3483 = arith.index_cast %get3A_3482 : i32 to index
      %get3A_3484 = arith.constant 64 : index
      %get3A_3485 = tpu.vector_load %arg7[%get3A_3483, %get3A_3484] {strides = array<i32>} : memref<5x128xi32, #tpu.memory_space<vmem>>, vector<1x16xi32>,
      %get3A_3486 = vector.shape_cast %get3A_3485 : vector<1x16xi32> to vector<16xi32>
      %add3A_3487 = arith.addi %mul3A_3481, %get3A_3486 : vector<16xi32>
      %sub3A_3488 = arith.constant 1 : i32
      %sub3A_3489 = vector.broadcast %sub3A_3488 : i32 to vector<16xi32>
      %sub3A_3490 = arith.subi %add3A_3487, %sub3A_3489 : vector<16xi32>
      %swap3A_3491 = arith.constant 4 : i32
      %swap3A_3492 = arith.index_cast %swap3A_3491 : i32 to index
      %swap3A_3493 = arith.constant 64 : index
      %swap3A_3494 = tpu.vector_load %arg8[%swap3A_3492, %swap3A_3493] {strides = array<i32>} : memref<5x128xi32, #tpu.memory_space<vmem>>, vector<1x16xi32>,
      %swap3A_3495 = vector.shape_cast %swap3A_3494 : vector<1x16xi32> to vector<16xi32>
      %swap3A_3496 = vector.shape_cast %sub3A_3490 : vector<16xi32> to vector<1x16xi32>
      tpu.vector_store %arg8[%swap3A_3492, %swap3A_3493], %swap3A_3496 {strides = array<i32>} : memref<5x128xi32, #tpu.memory_space<vmem>>, vector<1x16xi32>,
      %get3A_3497 = arith.constant 4 : i32
      %get3A_3498 = arith.index_cast %get3A_3497 : i32 to index
      %get3A_3499 = arith.constant 80 : index
      %get3A_3500 = tpu.vector_load %arg6[%get3A_3498, %get3A_3499] {strides = array<i32>} : memref<5x128xi32, #tpu.memory_space<vmem>>, vector<1x16xi32>,
      %get3A_3501 = vector.shape_cast %get3A_3500 : vector<1x16xi32> to vector<16xi32>
      %mul3A_3502 = arith.constant 5 : i32
      %mul3A_3503 = vector.broadcast %mul3A_3502 : i32 to vector<16xi32>
      %mul3A_3504 = arith.muli %get3A_3501, %mul3A_3503 : vector<16xi32>
      %get3A_3505 = arith.constant 4 : i32
      %get3A_3506 = arith.index_cast %get3A_3505 : i32 to index
      %get3A_3507 = arith.constant 80 : index
      %get3A_3508 = tpu.vector_load %arg7[%get3A_3506, %get3A_3507] {strides = array<i32>} : memref<5x128xi32, #tpu.memory_space<vmem>>, vector<1x16xi32>,
      %get3A_3509 = vector.shape_cast %get3A_3508 : vector<1x16xi32> to vector<16xi32>
      %add3A_3510 = arith.addi %mul3A_3504, %get3A_3509 : vector<16xi32>
      %sub3A_3511 = arith.constant 1 : i32
      %sub3A_3512 = vector.broadcast %sub3A_3511 : i32 to vector<16xi32>
      %sub3A_3513 = arith.subi %add3A_3510, %sub3A_3512 : vector<16xi32>
      %swap3A_3514 = arith.constant 4 : i32
      %swap3A_3515 = arith.index_cast %swap3A_3514 : i32 to index
      %swap3A_3516 = arith.constant 80 : index
      %swap3A_3517 = tpu.vector_load %arg8[%swap3A_3515, %swap3A_3516] {strides = array<i32>} : memref<5x128xi32, #tpu.memory_space<vmem>>, vector<1x16xi32>,
      %swap3A_3518 = vector.shape_cast %swap3A_3517 : vector<1x16xi32> to vector<16xi32>
      %swap3A_3519 = vector.shape_cast %sub3A_3513 : vector<16xi32> to vector<1x16xi32>
      tpu.vector_store %arg8[%swap3A_3515, %swap3A_3516], %swap3A_3519 {strides = array<i32>} : memref<5x128xi32, #tpu.memory_space<vmem>>, vector<1x16xi32>,
      %get3A_3520 = arith.constant 4 : i32
      %get3A_3521 = arith.index_cast %get3A_3520 : i32 to index
      %get3A_3522 = arith.constant 96 : index
      %get3A_3523 = tpu.vector_load %arg6[%get3A_3521, %get3A_3522] {strides = array<i32>} : memref<5x128xi32, #tpu.memory_space<vmem>>, vector<1x16xi32>,
      %get3A_3524 = vector.shape_cast %get3A_3523 : vector<1x16xi32> to vector<16xi32>
      %mul3A_3525 = arith.constant 5 : i32
      %mul3A_3526 = vector.broadcast %mul3A_3525 : i32 to vector<16xi32>
      %mul3A_3527 = arith.muli %get3A_3524, %mul3A_3526 : vector<16xi32>
      %get3A_3528 = arith.constant 4 : i32
      %get3A_3529 = arith.index_cast %get3A_3528 : i32 to index
      %get3A_3530 = arith.constant 96 : index
      %get3A_3531 = tpu.vector_load %arg7[%get3A_3529, %get3A_3530] {strides = array<i32>} : memref<5x128xi32, #tpu.memory_space<vmem>>, vector<1x16xi32>,
      %get3A_3532 = vector.shape_cast %get3A_3531 : vector<1x16xi32> to vector<16xi32>
      %add3A_3533 = arith.addi %mul3A_3527, %get3A_3532 : vector<16xi32>
      %sub3A_3534 = arith.constant 1 : i32
      %sub3A_3535 = vector.broadcast %sub3A_3534 : i32 to vector<16xi32>
      %sub3A_3536 = arith.subi %add3A_3533, %sub3A_3535 : vector<16xi32>
      %swap3A_3537 = arith.constant 4 : i32
      %swap3A_3538 = arith.index_cast %swap3A_3537 : i32 to index
      %swap3A_3539 = arith.constant 96 : index
      %swap3A_3540 = tpu.vector_load %arg8[%swap3A_3538, %swap3A_3539] {strides = array<i32>} : memref<5x128xi32, #tpu.memory_space<vmem>>, vector<1x16xi32>,
      %swap3A_3541 = vector.shape_cast %swap3A_3540 : vector<1x16xi32> to vector<16xi32>
      %swap3A_3542 = vector.shape_cast %sub3A_3536 : vector<16xi32> to vector<1x16xi32>
      tpu.vector_store %arg8[%swap3A_3538, %swap3A_3539], %swap3A_3542 {strides = array<i32>} : memref<5x128xi32, #tpu.memory_space<vmem>>, vector<1x16xi32>,
      %get3A_3543 = arith.constant 4 : i32
      %get3A_3544 = arith.index_cast %get3A_3543 : i32 to index
      %get3A_3545 = arith.constant 112 : index
      %get3A_3546 = tpu.vector_load %arg6[%get3A_3544, %get3A_3545] {strides = array<i32>} : memref<5x128xi32, #tpu.memory_space<vmem>>, vector<1x16xi32>,
      %get3A_3547 = vector.shape_cast %get3A_3546 : vector<1x16xi32> to vector<16xi32>
      %mul3A_3548 = arith.constant 5 : i32
      %mul3A_3549 = vector.broadcast %mul3A_3548 : i32 to vector<16xi32>
      %mul3A_3550 = arith.muli %get3A_3547, %mul3A_3549 : vector<16xi32>
      %get3A_3551 = arith.constant 4 : i32
      %get3A_3552 = arith.index_cast %get3A_3551 : i32 to index
      %get3A_3553 = arith.constant 112 : index
      %get3A_3554 = tpu.vector_load %arg7[%get3A_3552, %get3A_3553] {strides = array<i32>} : memref<5x128xi32, #tpu.memory_space<vmem>>, vector<1x16xi32>,
      %get3A_3555 = vector.shape_cast %get3A_3554 : vector<1x16xi32> to vector<16xi32>
      %add3A_3556 = arith.addi %mul3A_3550, %get3A_3555 : vector<16xi32>
      %sub3A_3557 = arith.constant 1 : i32
      %sub3A_3558 = vector.broadcast %sub3A_3557 : i32 to vector<16xi32>
      %sub3A_3559 = arith.subi %add3A_3556, %sub3A_3558 : vector<16xi32>
      %swap3A_3560 = arith.constant 4 : i32
      %swap3A_3561 = arith.index_cast %swap3A_3560 : i32 to index
      %swap3A_3562 = arith.constant 112 : index
      %swap3A_3563 = tpu.vector_load %arg8[%swap3A_3561, %swap3A_3562] {strides = array<i32>} : memref<5x128xi32, #tpu.memory_space<vmem>>, vector<1x16xi32>,
      %swap3A_3564 = vector.shape_cast %swap3A_3563 : vector<1x16xi32> to vector<16xi32>
      %swap3A_3565 = vector.shape_cast %sub3A_3559 : vector<16xi32> to vector<1x16xi32>
      tpu.vector_store %arg8[%swap3A_3561, %swap3A_3562], %swap3A_3565 {strides = array<i32>} : memref<5x128xi32, #tpu.memory_space<vmem>>, vector<1x16xi32>,
      %dma_wait3A_3566 = arith.constant 3 : i32
      %dma_wait3A_3567 = arith.constant 3 : i32
      %dma_wait3A_3568 = arith.constant 0 : i32
      %dma_wait3A_3569 = arith.constant 0 : i32
      %dma_wait3A_3570 = tpu.memref_slice %arg9[%dma_wait3A_3566, %dma_wait3A_3568, %dma_wait3A_3569] : memref<5x128x128xf32, #tpu.memory_space<vmem>> -> memref<1x128x128xf32, #tpu.memory_space<vmem>>
      %dma_wait3A_3571 = tpu.memref_squeeze %dma_wait3A_3570 : memref<1x128x128xf32, #tpu.memory_space<vmem>> -> memref<128x128xf32, #tpu.memory_space<vmem>>
      %dma_wait3A_3572 = arith.constant 0 : i32
      %dma_wait3A_3573 = tpu.memref_slice %arg5[%mul3A_2, %dma_wait3A_3572] : memref<3276800x128xf32, #tpu.memory_space<hbm>> -> memref<128x128xf32, #tpu.memory_space<hbm>>
      %dma_wait3A_3574 = tpu.memref_slice %arg13[%dma_wait3A_3567] : memref<5x!tpu.dma_semaphore, #tpu.memory_space<semaphore_mem>> -> memref<1x!tpu.dma_semaphore, #tpu.memory_space<semaphore_mem>>
      %dma_wait3A_3575 = tpu.memref_squeeze %dma_wait3A_3574 : memref<1x!tpu.dma_semaphore, #tpu.memory_space<semaphore_mem>> -> memref<!tpu.dma_semaphore, #tpu.memory_space<semaphore_mem>>
      %dma_wait3A_3576 = arith.constant 0 : i32
      %dma_wait3A_3577 = tpu.memref_slice %arg5[%mul3A_2, %dma_wait3A_3576] : memref<3276800x128xf32, #tpu.memory_space<hbm>> -> memref<128x128xf32, #tpu.memory_space<hbm>>
      %dma_wait3A_3578 = arith.constant 0 : i32
      %dma_wait3A_3579 = arith.constant 0 : i32
      %dma_wait3A_3580 = tpu.memref_slice %arg9[%dma_wait3A_3566, %dma_wait3A_3578, %dma_wait3A_3579] : memref<5x128x128xf32, #tpu.memory_space<vmem>> -> memref<1x128x128xf32, #tpu.memory_space<vmem>>
      %dma_wait3A_3581 = tpu.memref_squeeze %dma_wait3A_3580 : memref<1x128x128xf32, #tpu.memory_space<vmem>> -> memref<128x128xf32, #tpu.memory_space<vmem>>
      tpu.wait_dma2 semaphore(%dma_wait3A_3575 : memref<!tpu.dma_semaphore, #tpu.memory_space<semaphore_mem>>) src(%dma_wait3A_3581 : memref<128x128xf32, #tpu.memory_space<vmem>>) dst(%dma_wait3A_3577 : memref<128x128xf32, #tpu.memory_space<hbm>>)
      %dma_start3A_3582 = arith.constant 3 : i32
      %dma_start3A_3583 = arith.constant 3 : i32
      %dma_start3A_3584 = arith.constant 3 : i32
      %dma_start3A_3585 = arith.constant 0 : i32
      %dma_start3A_3586 = arith.constant 0 : i32
      %dma_start3A_3587 = tpu.memref_slice %arg9[%dma_start3A_3583, %dma_start3A_3585, %dma_start3A_3586] : memref<5x128x128xf32, #tpu.memory_space<vmem>> -> memref<1x128x128xf32, #tpu.memory_space<vmem>>
      %dma_start3A_3588 = tpu.memref_squeeze %dma_start3A_3587 : memref<1x128x128xf32, #tpu.memory_space<vmem>> -> memref<128x128xf32, #tpu.memory_space<vmem>>
      %dma_start3A_3589 = arith.constant 0 : i32
      %dma_start3A_3590 = tpu.memref_slice %arg8[%dma_start3A_3582, %dma_start3A_3589] : memref<5x128xi32, #tpu.memory_space<vmem>> -> memref<1x128xi32, #tpu.memory_space<vmem>>
      %dma_start3A_3591 = tpu.memref_squeeze %dma_start3A_3590 : memref<1x128xi32, #tpu.memory_space<vmem>> -> memref<128xi32, #tpu.memory_space<vmem>>
      %dma_start3A_3592 = arith.constant 0 : i32
      %dma_start3A_3593 = arith.constant 0 : i32
      %dma_start3A_3594 = tpu.memref_slice %arg10[%dma_start3A_3592, %dma_start3A_3593] : memref<75x128xf32, #tpu.memory_space<vmem_shared>> -> memref<75x128xf32, #tpu.memory_space<vmem_shared>>
      %dma_start3A_3595 = tpu.memref_slice %arg12[%dma_start3A_3584] : memref<5x!tpu.dma_semaphore, #tpu.memory_space<semaphore_mem>> -> memref<1x!tpu.dma_semaphore, #tpu.memory_space<semaphore_mem>>
      %dma_start3A_3596 = tpu.memref_squeeze %dma_start3A_3595 : memref<1x!tpu.dma_semaphore, #tpu.memory_space<semaphore_mem>> -> memref<!tpu.dma_semaphore, #tpu.memory_space<semaphore_mem>>
      tpu.enqueue_indirect_dma source(%dma_start3A_3594 : memref<75x128xf32, #tpu.memory_space<vmem_shared>>) target(%dma_start3A_3588 : memref<128x128xf32, #tpu.memory_space<vmem>>) offsets(%dma_start3A_3591 : memref<128xi32, #tpu.memory_space<vmem>>) semaphore(%dma_start3A_3596 : memref<!tpu.dma_semaphore, #tpu.memory_space<semaphore_mem>>)
      %add3A_3597 = arith.constant 2 : i32
      %add3A_3598 = arith.addi %add3A_2988, %add3A_3597 : i32
      %dma_wait3A_3599 = arith.constant 2 : i32
      %dma_wait3A_3600 = arith.constant 2 : i32
      %dma_wait3A_3601 = arith.constant 2 : i32
      %dma_wait3A_3602 = arith.constant 0 : i32
      %dma_wait3A_3603 = arith.constant 0 : i32
      %dma_wait3A_3604 = tpu.memref_slice %arg9[%dma_wait3A_3600, %dma_wait3A_3602, %dma_wait3A_3603] : memref<5x128x128xf32, #tpu.memory_space<vmem>> -> memref<1x128x128xf32, #tpu.memory_space<vmem>>
      %dma_wait3A_3605 = tpu.memref_squeeze %dma_wait3A_3604 : memref<1x128x128xf32, #tpu.memory_space<vmem>> -> memref<128x128xf32, #tpu.memory_space<vmem>>
      %dma_wait3A_3606 = arith.constant 0 : i32
      %dma_wait3A_3607 = tpu.memref_slice %arg8[%dma_wait3A_3599, %dma_wait3A_3606] : memref<5x128xi32, #tpu.memory_space<vmem>> -> memref<1x128xi32, #tpu.memory_space<vmem>>
      %dma_wait3A_3608 = tpu.memref_squeeze %dma_wait3A_3607 : memref<1x128xi32, #tpu.memory_space<vmem>> -> memref<128xi32, #tpu.memory_space<vmem>>
      %dma_wait3A_3609 = arith.constant 0 : i32
      %dma_wait3A_3610 = arith.constant 0 : i32
      %dma_wait3A_3611 = tpu.memref_slice %arg10[%dma_wait3A_3609, %dma_wait3A_3610] : memref<75x128xf32, #tpu.memory_space<vmem_shared>> -> memref<75x128xf32, #tpu.memory_space<vmem_shared>>
      %dma_wait3A_3612 = tpu.memref_slice %arg12[%dma_wait3A_3601] : memref<5x!tpu.dma_semaphore, #tpu.memory_space<semaphore_mem>> -> memref<1x!tpu.dma_semaphore, #tpu.memory_space<semaphore_mem>>
      %dma_wait3A_3613 = tpu.memref_squeeze %dma_wait3A_3612 : memref<1x!tpu.dma_semaphore, #tpu.memory_space<semaphore_mem>> -> memref<!tpu.dma_semaphore, #tpu.memory_space<semaphore_mem>>
      tpu.wait_indirect_dma semaphore(%dma_wait3A_3613 : memref<!tpu.dma_semaphore, #tpu.memory_space<semaphore_mem>>) src(%dma_wait3A_3611 : memref<75x128xf32, #tpu.memory_space<vmem_shared>>) dst(%dma_wait3A_3605 : memref<128x128xf32, #tpu.memory_space<vmem>>)
      %mul3A_3614 = arith.constant 128 : i32
      %mul3A_3615 = arith.muli %add3A_3598, %mul3A_3614 : i32
      %add3A_3616 = arith.addi %mul3A_2, %mul3A_3615 : i32
      %dma_start3A_3617 = arith.constant 2 : i32
      %dma_start3A_3618 = arith.constant 2 : i32
      %dma_start3A_3619 = arith.constant 0 : i32
      %dma_start3A_3620 = arith.constant 0 : i32
      %dma_start3A_3621 = tpu.memref_slice %arg9[%dma_start3A_3617, %dma_start3A_3619, %dma_start3A_3620] : memref<5x128x128xf32, #tpu.memory_space<vmem>> -> memref<1x128x128xf32, #tpu.memory_space<vmem>>
      %dma_start3A_3622 = tpu.memref_squeeze %dma_start3A_3621 : memref<1x128x128xf32, #tpu.memory_space<vmem>> -> memref<128x128xf32, #tpu.memory_space<vmem>>
      %dma_start3A_3623 = arith.constant 0 : i32
      %dma_start3A_3624 = tpu.memref_slice %arg5[%add3A_3616, %dma_start3A_3623] : memref<3276800x128xf32, #tpu.memory_space<hbm>> -> memref<128x128xf32, #tpu.memory_space<hbm>>
      %dma_start3A_3625 = tpu.memref_slice %arg13[%dma_start3A_3618] : memref<5x!tpu.dma_semaphore, #tpu.memory_space<semaphore_mem>> -> memref<1x!tpu.dma_semaphore, #tpu.memory_space<semaphore_mem>>
      %dma_start3A_3626 = tpu.memref_squeeze %dma_start3A_3625 : memref<1x!tpu.dma_semaphore, #tpu.memory_space<semaphore_mem>> -> memref<!tpu.dma_semaphore, #tpu.memory_space<semaphore_mem>>
      %dma_start3A_3627 = arith.constant 0 : i32
      %dma_start3A_3628 = tpu.memref_slice %arg5[%add3A_3616, %dma_start3A_3627] : memref<3276800x128xf32, #tpu.memory_space<hbm>> -> memref<128x128xf32, #tpu.memory_space<hbm>>
      %dma_start3A_3629 = arith.constant 0 : i32
      %dma_start3A_3630 = arith.constant 0 : i32
      %dma_start3A_3631 = tpu.memref_slice %arg9[%dma_start3A_3617, %dma_start3A_3629, %dma_start3A_3630] : memref<5x128x128xf32, #tpu.memory_space<vmem>> -> memref<1x128x128xf32, #tpu.memory_space<vmem>>
      %dma_start3A_3632 = tpu.memref_squeeze %dma_start3A_3631 : memref<1x128x128xf32, #tpu.memory_space<vmem>> -> memref<128x128xf32, #tpu.memory_space<vmem>>
      tpu.enqueue_dma source(%dma_start3A_3632 : memref<128x128xf32, #tpu.memory_space<vmem>>) target(%dma_start3A_3628 : memref<128x128xf32, #tpu.memory_space<hbm>>) target_semaphore(%dma_start3A_3626 : memref<!tpu.dma_semaphore, #tpu.memory_space<semaphore_mem>>)
      %add3A_3633 = arith.constant 5 : i32
      %add3A_3634 = arith.addi %add3A_3598, %add3A_3633 : i32
      %mul3A_3635 = arith.constant 128 : i32
      %mul3A_3636 = arith.muli %add3A_3634, %mul3A_3635 : i32
      %add3A_3637 = arith.addi %mul3A_2, %mul3A_3636 : i32
      %dma_start3A_3638 = arith.constant 2 : i32
      %dma_start3A_3639 = arith.constant 2 : i32
      %dma_start3A_3640 = arith.constant 0 : i32
      %dma_start3A_3641 = tpu.memref_slice %arg6[%dma_start3A_3638, %dma_start3A_3640] : memref<5x128xi32, #tpu.memory_space<vmem>> -> memref<1x128xi32, #tpu.memory_space<vmem>>
      %dma_start3A_3642 = tpu.memref_squeeze %dma_start3A_3641 : memref<1x128xi32, #tpu.memory_space<vmem>> -> memref<128xi32, #tpu.memory_space<vmem>>
      %dma_start3A_3643 = tpu.memref_slice %arg2[%add3A_3637] : memref<3276800xi32, #tpu.memory_space<hbm>> -> memref<128xi32, #tpu.memory_space<hbm>>
      %dma_start3A_3644 = tpu.memref_slice %arg11[%dma_start3A_3639] : memref<5x!tpu.dma_semaphore, #tpu.memory_space<semaphore_mem>> -> memref<1x!tpu.dma_semaphore, #tpu.memory_space<semaphore_mem>>
      %dma_start3A_3645 = tpu.memref_squeeze %dma_start3A_3644 : memref<1x!tpu.dma_semaphore, #tpu.memory_space<semaphore_mem>> -> memref<!tpu.dma_semaphore, #tpu.memory_space<semaphore_mem>>
      %dma_start3A_3646 = arith.constant 0 : i32
      %dma_start3A_3647 = tpu.memref_slice %arg6[%dma_start3A_3638, %dma_start3A_3646] : memref<5x128xi32, #tpu.memory_space<vmem>> -> memref<1x128xi32, #tpu.memory_space<vmem>>
      %dma_start3A_3648 = tpu.memref_squeeze %dma_start3A_3647 : memref<1x128xi32, #tpu.memory_space<vmem>> -> memref<128xi32, #tpu.memory_space<vmem>>
      %dma_start3A_3649 = tpu.memref_slice %arg2[%add3A_3637] : memref<3276800xi32, #tpu.memory_space<hbm>> -> memref<128xi32, #tpu.memory_space<hbm>>
      tpu.enqueue_dma source(%dma_start3A_3649 : memref<128xi32, #tpu.memory_space<hbm>>) target(%dma_start3A_3648 : memref<128xi32, #tpu.memory_space<vmem>>) target_semaphore(%dma_start3A_3645 : memref<!tpu.dma_semaphore, #tpu.memory_space<semaphore_mem>>)
      %dma_start3A_3650 = arith.constant 2 : i32
      %dma_start3A_3651 = arith.constant 2 : i32
      %dma_start3A_3652 = arith.constant 0 : i32
      %dma_start3A_3653 = tpu.memref_slice %arg7[%dma_start3A_3650, %dma_start3A_3652] : memref<5x128xi32, #tpu.memory_space<vmem>> -> memref<1x128xi32, #tpu.memory_space<vmem>>
      %dma_start3A_3654 = tpu.memref_squeeze %dma_start3A_3653 : memref<1x128xi32, #tpu.memory_space<vmem>> -> memref<128xi32, #tpu.memory_space<vmem>>
      %dma_start3A_3655 = tpu.memref_slice %arg3[%add3A_3637] : memref<3276800xi32, #tpu.memory_space<hbm>> -> memref<128xi32, #tpu.memory_space<hbm>>
      %dma_start3A_3656 = tpu.memref_slice %arg11[%dma_start3A_3651] : memref<5x!tpu.dma_semaphore, #tpu.memory_space<semaphore_mem>> -> memref<1x!tpu.dma_semaphore, #tpu.memory_space<semaphore_mem>>
      %dma_start3A_3657 = tpu.memref_squeeze %dma_start3A_3656 : memref<1x!tpu.dma_semaphore, #tpu.memory_space<semaphore_mem>> -> memref<!tpu.dma_semaphore, #tpu.memory_space<semaphore_mem>>
      %dma_start3A_3658 = arith.constant 0 : i32
      %dma_start3A_3659 = tpu.memref_slice %arg7[%dma_start3A_3650, %dma_start3A_3658] : memref<5x128xi32, #tpu.memory_space<vmem>> -> memref<1x128xi32, #tpu.memory_space<vmem>>
      %dma_start3A_3660 = tpu.memref_squeeze %dma_start3A_3659 : memref<1x128xi32, #tpu.memory_space<vmem>> -> memref<128xi32, #tpu.memory_space<vmem>>
      %dma_start3A_3661 = tpu.memref_slice %arg3[%add3A_3637] : memref<3276800xi32, #tpu.memory_space<hbm>> -> memref<128xi32, #tpu.memory_space<hbm>>
      tpu.enqueue_dma source(%dma_start3A_3661 : memref<128xi32, #tpu.memory_space<hbm>>) target(%dma_start3A_3660 : memref<128xi32, #tpu.memory_space<vmem>>) target_semaphore(%dma_start3A_3657 : memref<!tpu.dma_semaphore, #tpu.memory_space<semaphore_mem>>)
      %dma_wait3A_3662 = arith.constant 0 : i32
      %dma_wait3A_3663 = arith.constant 0 : i32
      %dma_wait3A_3664 = arith.constant 0 : i32
      %dma_wait3A_3665 = tpu.memref_slice %arg6[%dma_wait3A_3662, %dma_wait3A_3664] : memref<5x128xi32, #tpu.memory_space<vmem>> -> memref<1x128xi32, #tpu.memory_space<vmem>>
      %dma_wait3A_3666 = tpu.memref_squeeze %dma_wait3A_3665 : memref<1x128xi32, #tpu.memory_space<vmem>> -> memref<128xi32, #tpu.memory_space<vmem>>
      %dma_wait3A_3667 = tpu.memref_slice %arg2[%mul3A_2] : memref<3276800xi32, #tpu.memory_space<hbm>> -> memref<128xi32, #tpu.memory_space<hbm>>
      %dma_wait3A_3668 = tpu.memref_slice %arg11[%dma_wait3A_3663] : memref<5x!tpu.dma_semaphore, #tpu.memory_space<semaphore_mem>> -> memref<1x!tpu.dma_semaphore, #tpu.memory_space<semaphore_mem>>
      %dma_wait3A_3669 = tpu.memref_squeeze %dma_wait3A_3668 : memref<1x!tpu.dma_semaphore, #tpu.memory_space<semaphore_mem>> -> memref<!tpu.dma_semaphore, #tpu.memory_space<semaphore_mem>>
      %dma_wait3A_3670 = arith.constant 0 : i32
      %dma_wait3A_3671 = tpu.memref_slice %arg6[%dma_wait3A_3662, %dma_wait3A_3670] : memref<5x128xi32, #tpu.memory_space<vmem>> -> memref<1x128xi32, #tpu.memory_space<vmem>>
      %dma_wait3A_3672 = tpu.memref_squeeze %dma_wait3A_3671 : memref<1x128xi32, #tpu.memory_space<vmem>> -> memref<128xi32, #tpu.memory_space<vmem>>
      %dma_wait3A_3673 = tpu.memref_slice %arg2[%mul3A_2] : memref<3276800xi32, #tpu.memory_space<hbm>> -> memref<128xi32, #tpu.memory_space<hbm>>
      tpu.wait_dma2 semaphore(%dma_wait3A_3669 : memref<!tpu.dma_semaphore, #tpu.memory_space<semaphore_mem>>) src(%dma_wait3A_3673 : memref<128xi32, #tpu.memory_space<hbm>>) dst(%dma_wait3A_3672 : memref<128xi32, #tpu.memory_space<vmem>>)
      %dma_wait3A_3674 = arith.constant 0 : i32
      %dma_wait3A_3675 = arith.constant 0 : i32
      %dma_wait3A_3676 = arith.constant 0 : i32
      %dma_wait3A_3677 = tpu.memref_slice %arg7[%dma_wait3A_3674, %dma_wait3A_3676] : memref<5x128xi32, #tpu.memory_space<vmem>> -> memref<1x128xi32, #tpu.memory_space<vmem>>
      %dma_wait3A_3678 = tpu.memref_squeeze %dma_wait3A_3677 : memref<1x128xi32, #tpu.memory_space<vmem>> -> memref<128xi32, #tpu.memory_space<vmem>>
      %dma_wait3A_3679 = tpu.memref_slice %arg3[%mul3A_2] : memref<3276800xi32, #tpu.memory_space<hbm>> -> memref<128xi32, #tpu.memory_space<hbm>>
      %dma_wait3A_3680 = tpu.memref_slice %arg11[%dma_wait3A_3675] : memref<5x!tpu.dma_semaphore, #tpu.memory_space<semaphore_mem>> -> memref<1x!tpu.dma_semaphore, #tpu.memory_space<semaphore_mem>>
      %dma_wait3A_3681 = tpu.memref_squeeze %dma_wait3A_3680 : memref<1x!tpu.dma_semaphore, #tpu.memory_space<semaphore_mem>> -> memref<!tpu.dma_semaphore, #tpu.memory_space<semaphore_mem>>
      %dma_wait3A_3682 = arith.constant 0 : i32
      %dma_wait3A_3683 = tpu.memref_slice %arg7[%dma_wait3A_3674, %dma_wait3A_3682] : memref<5x128xi32, #tpu.memory_space<vmem>> -> memref<1x128xi32, #tpu.memory_space<vmem>>
      %dma_wait3A_3684 = tpu.memref_squeeze %dma_wait3A_3683 : memref<1x128xi32, #tpu.memory_space<vmem>> -> memref<128xi32, #tpu.memory_space<vmem>>
      %dma_wait3A_3685 = tpu.memref_slice %arg3[%mul3A_2] : memref<3276800xi32, #tpu.memory_space<hbm>> -> memref<128xi32, #tpu.memory_space<hbm>>
      tpu.wait_dma2 semaphore(%dma_wait3A_3681 : memref<!tpu.dma_semaphore, #tpu.memory_space<semaphore_mem>>) src(%dma_wait3A_3685 : memref<128xi32, #tpu.memory_space<hbm>>) dst(%dma_wait3A_3684 : memref<128xi32, #tpu.memory_space<vmem>>)
      %get3A_3686 = arith.constant 0 : i32
      %get3A_3687 = arith.index_cast %get3A_3686 : i32 to index
      %get3A_3688 = arith.constant 0 : index
      %get3A_3689 = tpu.vector_load %arg6[%get3A_3687, %get3A_3688] {strides = array<i32>} : memref<5x128xi32, #tpu.memory_space<vmem>>, vector<1x16xi32>,
      %get3A_3690 = vector.shape_cast %get3A_3689 : vector<1x16xi32> to vector<16xi32>
      %mul3A_3691 = arith.constant 5 : i32
      %mul3A_3692 = vector.broadcast %mul3A_3691 : i32 to vector<16xi32>
      %mul3A_3693 = arith.muli %get3A_3690, %mul3A_3692 : vector<16xi32>
      %get3A_3694 = arith.constant 0 : i32
      %get3A_3695 = arith.index_cast %get3A_3694 : i32 to index
      %get3A_3696 = arith.constant 0 : index
      %get3A_3697 = tpu.vector_load %arg7[%get3A_3695, %get3A_3696] {strides = array<i32>} : memref<5x128xi32, #tpu.memory_space<vmem>>, vector<1x16xi32>,
      %get3A_3698 = vector.shape_cast %get3A_3697 : vector<1x16xi32> to vector<16xi32>
      %add3A_3699 = arith.addi %mul3A_3693, %get3A_3698 : vector<16xi32>
      %sub3A_3700 = arith.constant 1 : i32
      %sub3A_3701 = vector.broadcast %sub3A_3700 : i32 to vector<16xi32>
      %sub3A_3702 = arith.subi %add3A_3699, %sub3A_3701 : vector<16xi32>
      %swap3A_3703 = arith.constant 0 : i32
      %swap3A_3704 = arith.index_cast %swap3A_3703 : i32 to index
      %swap3A_3705 = arith.constant 0 : index
      %swap3A_3706 = tpu.vector_load %arg8[%swap3A_3704, %swap3A_3705] {strides = array<i32>} : memref<5x128xi32, #tpu.memory_space<vmem>>, vector<1x16xi32>,
      %swap3A_3707 = vector.shape_cast %swap3A_3706 : vector<1x16xi32> to vector<16xi32>
      %swap3A_3708 = vector.shape_cast %sub3A_3702 : vector<16xi32> to vector<1x16xi32>
      tpu.vector_store %arg8[%swap3A_3704, %swap3A_3705], %swap3A_3708 {strides = array<i32>} : memref<5x128xi32, #tpu.memory_space<vmem>>, vector<1x16xi32>,
      %get3A_3709 = arith.constant 0 : i32
      %get3A_3710 = arith.index_cast %get3A_3709 : i32 to index
      %get3A_3711 = arith.constant 16 : index
      %get3A_3712 = tpu.vector_load %arg6[%get3A_3710, %get3A_3711] {strides = array<i32>} : memref<5x128xi32, #tpu.memory_space<vmem>>, vector<1x16xi32>,
      %get3A_3713 = vector.shape_cast %get3A_3712 : vector<1x16xi32> to vector<16xi32>
      %mul3A_3714 = arith.constant 5 : i32
      %mul3A_3715 = vector.broadcast %mul3A_3714 : i32 to vector<16xi32>
      %mul3A_3716 = arith.muli %get3A_3713, %mul3A_3715 : vector<16xi32>
      %get3A_3717 = arith.constant 0 : i32
      %get3A_3718 = arith.index_cast %get3A_3717 : i32 to index
      %get3A_3719 = arith.constant 16 : index
      %get3A_3720 = tpu.vector_load %arg7[%get3A_3718, %get3A_3719] {strides = array<i32>} : memref<5x128xi32, #tpu.memory_space<vmem>>, vector<1x16xi32>,
      %get3A_3721 = vector.shape_cast %get3A_3720 : vector<1x16xi32> to vector<16xi32>
      %add3A_3722 = arith.addi %mul3A_3716, %get3A_3721 : vector<16xi32>
      %sub3A_3723 = arith.constant 1 : i32
      %sub3A_3724 = vector.broadcast %sub3A_3723 : i32 to vector<16xi32>
      %sub3A_3725 = arith.subi %add3A_3722, %sub3A_3724 : vector<16xi32>
      %swap3A_3726 = arith.constant 0 : i32
      %swap3A_3727 = arith.index_cast %swap3A_3726 : i32 to index
      %swap3A_3728 = arith.constant 16 : index
      %swap3A_3729 = tpu.vector_load %arg8[%swap3A_3727, %swap3A_3728] {strides = array<i32>} : memref<5x128xi32, #tpu.memory_space<vmem>>, vector<1x16xi32>,
      %swap3A_3730 = vector.shape_cast %swap3A_3729 : vector<1x16xi32> to vector<16xi32>
      %swap3A_3731 = vector.shape_cast %sub3A_3725 : vector<16xi32> to vector<1x16xi32>
      tpu.vector_store %arg8[%swap3A_3727, %swap3A_3728], %swap3A_3731 {strides = array<i32>} : memref<5x128xi32, #tpu.memory_space<vmem>>, vector<1x16xi32>,
      %get3A_3732 = arith.constant 0 : i32
      %get3A_3733 = arith.index_cast %get3A_3732 : i32 to index
      %get3A_3734 = arith.constant 32 : index
      %get3A_3735 = tpu.vector_load %arg6[%get3A_3733, %get3A_3734] {strides = array<i32>} : memref<5x128xi32, #tpu.memory_space<vmem>>, vector<1x16xi32>,
      %get3A_3736 = vector.shape_cast %get3A_3735 : vector<1x16xi32> to vector<16xi32>
      %mul3A_3737 = arith.constant 5 : i32
      %mul3A_3738 = vector.broadcast %mul3A_3737 : i32 to vector<16xi32>
      %mul3A_3739 = arith.muli %get3A_3736, %mul3A_3738 : vector<16xi32>
      %get3A_3740 = arith.constant 0 : i32
      %get3A_3741 = arith.index_cast %get3A_3740 : i32 to index
      %get3A_3742 = arith.constant 32 : index
      %get3A_3743 = tpu.vector_load %arg7[%get3A_3741, %get3A_3742] {strides = array<i32>} : memref<5x128xi32, #tpu.memory_space<vmem>>, vector<1x16xi32>,
      %get3A_3744 = vector.shape_cast %get3A_3743 : vector<1x16xi32> to vector<16xi32>
      %add3A_3745 = arith.addi %mul3A_3739, %get3A_3744 : vector<16xi32>
      %sub3A_3746 = arith.constant 1 : i32
      %sub3A_3747 = vector.broadcast %sub3A_3746 : i32 to vector<16xi32>
      %sub3A_3748 = arith.subi %add3A_3745, %sub3A_3747 : vector<16xi32>
      %swap3A_3749 = arith.constant 0 : i32
      %swap3A_3750 = arith.index_cast %swap3A_3749 : i32 to index
      %swap3A_3751 = arith.constant 32 : index
      %swap3A_3752 = tpu.vector_load %arg8[%swap3A_3750, %swap3A_3751] {strides = array<i32>} : memref<5x128xi32, #tpu.memory_space<vmem>>, vector<1x16xi32>,
      %swap3A_3753 = vector.shape_cast %swap3A_3752 : vector<1x16xi32> to vector<16xi32>
      %swap3A_3754 = vector.shape_cast %sub3A_3748 : vector<16xi32> to vector<1x16xi32>
      tpu.vector_store %arg8[%swap3A_3750, %swap3A_3751], %swap3A_3754 {strides = array<i32>} : memref<5x128xi32, #tpu.memory_space<vmem>>, vector<1x16xi32>,
      %get3A_3755 = arith.constant 0 : i32
      %get3A_3756 = arith.index_cast %get3A_3755 : i32 to index
      %get3A_3757 = arith.constant 48 : index
      %get3A_3758 = tpu.vector_load %arg6[%get3A_3756, %get3A_3757] {strides = array<i32>} : memref<5x128xi32, #tpu.memory_space<vmem>>, vector<1x16xi32>,
      %get3A_3759 = vector.shape_cast %get3A_3758 : vector<1x16xi32> to vector<16xi32>
      %mul3A_3760 = arith.constant 5 : i32
      %mul3A_3761 = vector.broadcast %mul3A_3760 : i32 to vector<16xi32>
      %mul3A_3762 = arith.muli %get3A_3759, %mul3A_3761 : vector<16xi32>
      %get3A_3763 = arith.constant 0 : i32
      %get3A_3764 = arith.index_cast %get3A_3763 : i32 to index
      %get3A_3765 = arith.constant 48 : index
      %get3A_3766 = tpu.vector_load %arg7[%get3A_3764, %get3A_3765] {strides = array<i32>} : memref<5x128xi32, #tpu.memory_space<vmem>>, vector<1x16xi32>,
      %get3A_3767 = vector.shape_cast %get3A_3766 : vector<1x16xi32> to vector<16xi32>
      %add3A_3768 = arith.addi %mul3A_3762, %get3A_3767 : vector<16xi32>
      %sub3A_3769 = arith.constant 1 : i32
      %sub3A_3770 = vector.broadcast %sub3A_3769 : i32 to vector<16xi32>
      %sub3A_3771 = arith.subi %add3A_3768, %sub3A_3770 : vector<16xi32>
      %swap3A_3772 = arith.constant 0 : i32
      %swap3A_3773 = arith.index_cast %swap3A_3772 : i32 to index
      %swap3A_3774 = arith.constant 48 : index
      %swap3A_3775 = tpu.vector_load %arg8[%swap3A_3773, %swap3A_3774] {strides = array<i32>} : memref<5x128xi32, #tpu.memory_space<vmem>>, vector<1x16xi32>,
      %swap3A_3776 = vector.shape_cast %swap3A_3775 : vector<1x16xi32> to vector<16xi32>
      %swap3A_3777 = vector.shape_cast %sub3A_3771 : vector<16xi32> to vector<1x16xi32>
      tpu.vector_store %arg8[%swap3A_3773, %swap3A_3774], %swap3A_3777 {strides = array<i32>} : memref<5x128xi32, #tpu.memory_space<vmem>>, vector<1x16xi32>,
      %get3A_3778 = arith.constant 0 : i32
      %get3A_3779 = arith.index_cast %get3A_3778 : i32 to index
      %get3A_3780 = arith.constant 64 : index
      %get3A_3781 = tpu.vector_load %arg6[%get3A_3779, %get3A_3780] {strides = array<i32>} : memref<5x128xi32, #tpu.memory_space<vmem>>, vector<1x16xi32>,
      %get3A_3782 = vector.shape_cast %get3A_3781 : vector<1x16xi32> to vector<16xi32>
      %mul3A_3783 = arith.constant 5 : i32
      %mul3A_3784 = vector.broadcast %mul3A_3783 : i32 to vector<16xi32>
      %mul3A_3785 = arith.muli %get3A_3782, %mul3A_3784 : vector<16xi32>
      %get3A_3786 = arith.constant 0 : i32
      %get3A_3787 = arith.index_cast %get3A_3786 : i32 to index
      %get3A_3788 = arith.constant 64 : index
      %get3A_3789 = tpu.vector_load %arg7[%get3A_3787, %get3A_3788] {strides = array<i32>} : memref<5x128xi32, #tpu.memory_space<vmem>>, vector<1x16xi32>,
      %get3A_3790 = vector.shape_cast %get3A_3789 : vector<1x16xi32> to vector<16xi32>
      %add3A_3791 = arith.addi %mul3A_3785, %get3A_3790 : vector<16xi32>
      %sub3A_3792 = arith.constant 1 : i32
      %sub3A_3793 = vector.broadcast %sub3A_3792 : i32 to vector<16xi32>
      %sub3A_3794 = arith.subi %add3A_3791, %sub3A_3793 : vector<16xi32>
      %swap3A_3795 = arith.constant 0 : i32
      %swap3A_3796 = arith.index_cast %swap3A_3795 : i32 to index
      %swap3A_3797 = arith.constant 64 : index
      %swap3A_3798 = tpu.vector_load %arg8[%swap3A_3796, %swap3A_3797] {strides = array<i32>} : memref<5x128xi32, #tpu.memory_space<vmem>>, vector<1x16xi32>,
      %swap3A_3799 = vector.shape_cast %swap3A_3798 : vector<1x16xi32> to vector<16xi32>
      %swap3A_3800 = vector.shape_cast %sub3A_3794 : vector<16xi32> to vector<1x16xi32>
      tpu.vector_store %arg8[%swap3A_3796, %swap3A_3797], %swap3A_3800 {strides = array<i32>} : memref<5x128xi32, #tpu.memory_space<vmem>>, vector<1x16xi32>,
      %get3A_3801 = arith.constant 0 : i32
      %get3A_3802 = arith.index_cast %get3A_3801 : i32 to index
      %get3A_3803 = arith.constant 80 : index
      %get3A_3804 = tpu.vector_load %arg6[%get3A_3802, %get3A_3803] {strides = array<i32>} : memref<5x128xi32, #tpu.memory_space<vmem>>, vector<1x16xi32>,
      %get3A_3805 = vector.shape_cast %get3A_3804 : vector<1x16xi32> to vector<16xi32>
      %mul3A_3806 = arith.constant 5 : i32
      %mul3A_3807 = vector.broadcast %mul3A_3806 : i32 to vector<16xi32>
      %mul3A_3808 = arith.muli %get3A_3805, %mul3A_3807 : vector<16xi32>
      %get3A_3809 = arith.constant 0 : i32
      %get3A_3810 = arith.index_cast %get3A_3809 : i32 to index
      %get3A_3811 = arith.constant 80 : index
      %get3A_3812 = tpu.vector_load %arg7[%get3A_3810, %get3A_3811] {strides = array<i32>} : memref<5x128xi32, #tpu.memory_space<vmem>>, vector<1x16xi32>,
      %get3A_3813 = vector.shape_cast %get3A_3812 : vector<1x16xi32> to vector<16xi32>
      %add3A_3814 = arith.addi %mul3A_3808, %get3A_3813 : vector<16xi32>
      %sub3A_3815 = arith.constant 1 : i32
      %sub3A_3816 = vector.broadcast %sub3A_3815 : i32 to vector<16xi32>
      %sub3A_3817 = arith.subi %add3A_3814, %sub3A_3816 : vector<16xi32>
      %swap3A_3818 = arith.constant 0 : i32
      %swap3A_3819 = arith.index_cast %swap3A_3818 : i32 to index
      %swap3A_3820 = arith.constant 80 : index
      %swap3A_3821 = tpu.vector_load %arg8[%swap3A_3819, %swap3A_3820] {strides = array<i32>} : memref<5x128xi32, #tpu.memory_space<vmem>>, vector<1x16xi32>,
      %swap3A_3822 = vector.shape_cast %swap3A_3821 : vector<1x16xi32> to vector<16xi32>
      %swap3A_3823 = vector.shape_cast %sub3A_3817 : vector<16xi32> to vector<1x16xi32>
      tpu.vector_store %arg8[%swap3A_3819, %swap3A_3820], %swap3A_3823 {strides = array<i32>} : memref<5x128xi32, #tpu.memory_space<vmem>>, vector<1x16xi32>,
      %get3A_3824 = arith.constant 0 : i32
      %get3A_3825 = arith.index_cast %get3A_3824 : i32 to index
      %get3A_3826 = arith.constant 96 : index
      %get3A_3827 = tpu.vector_load %arg6[%get3A_3825, %get3A_3826] {strides = array<i32>} : memref<5x128xi32, #tpu.memory_space<vmem>>, vector<1x16xi32>,
      %get3A_3828 = vector.shape_cast %get3A_3827 : vector<1x16xi32> to vector<16xi32>
      %mul3A_3829 = arith.constant 5 : i32
      %mul3A_3830 = vector.broadcast %mul3A_3829 : i32 to vector<16xi32>
      %mul3A_3831 = arith.muli %get3A_3828, %mul3A_3830 : vector<16xi32>
      %get3A_3832 = arith.constant 0 : i32
      %get3A_3833 = arith.index_cast %get3A_3832 : i32 to index
      %get3A_3834 = arith.constant 96 : index
      %get3A_3835 = tpu.vector_load %arg7[%get3A_3833, %get3A_3834] {strides = array<i32>} : memref<5x128xi32, #tpu.memory_space<vmem>>, vector<1x16xi32>,
      %get3A_3836 = vector.shape_cast %get3A_3835 : vector<1x16xi32> to vector<16xi32>
      %add3A_3837 = arith.addi %mul3A_3831, %get3A_3836 : vector<16xi32>
      %sub3A_3838 = arith.constant 1 : i32
      %sub3A_3839 = vector.broadcast %sub3A_3838 : i32 to vector<16xi32>
      %sub3A_3840 = arith.subi %add3A_3837, %sub3A_3839 : vector<16xi32>
      %swap3A_3841 = arith.constant 0 : i32
      %swap3A_3842 = arith.index_cast %swap3A_3841 : i32 to index
      %swap3A_3843 = arith.constant 96 : index
      %swap3A_3844 = tpu.vector_load %arg8[%swap3A_3842, %swap3A_3843] {strides = array<i32>} : memref<5x128xi32, #tpu.memory_space<vmem>>, vector<1x16xi32>,
      %swap3A_3845 = vector.shape_cast %swap3A_3844 : vector<1x16xi32> to vector<16xi32>
      %swap3A_3846 = vector.shape_cast %sub3A_3840 : vector<16xi32> to vector<1x16xi32>
      tpu.vector_store %arg8[%swap3A_3842, %swap3A_3843], %swap3A_3846 {strides = array<i32>} : memref<5x128xi32, #tpu.memory_space<vmem>>, vector<1x16xi32>,
      %get3A_3847 = arith.constant 0 : i32
      %get3A_3848 = arith.index_cast %get3A_3847 : i32 to index
      %get3A_3849 = arith.constant 112 : index
      %get3A_3850 = tpu.vector_load %arg6[%get3A_3848, %get3A_3849] {strides = array<i32>} : memref<5x128xi32, #tpu.memory_space<vmem>>, vector<1x16xi32>,
      %get3A_3851 = vector.shape_cast %get3A_3850 : vector<1x16xi32> to vector<16xi32>
      %mul3A_3852 = arith.constant 5 : i32
      %mul3A_3853 = vector.broadcast %mul3A_3852 : i32 to vector<16xi32>
      %mul3A_3854 = arith.muli %get3A_3851, %mul3A_3853 : vector<16xi32>
      %get3A_3855 = arith.constant 0 : i32
      %get3A_3856 = arith.index_cast %get3A_3855 : i32 to index
      %get3A_3857 = arith.constant 112 : index
      %get3A_3858 = tpu.vector_load %arg7[%get3A_3856, %get3A_3857] {strides = array<i32>} : memref<5x128xi32, #tpu.memory_space<vmem>>, vector<1x16xi32>,
      %get3A_3859 = vector.shape_cast %get3A_3858 : vector<1x16xi32> to vector<16xi32>
      %add3A_3860 = arith.addi %mul3A_3854, %get3A_3859 : vector<16xi32>
      %sub3A_3861 = arith.constant 1 : i32
      %sub3A_3862 = vector.broadcast %sub3A_3861 : i32 to vector<16xi32>
      %sub3A_3863 = arith.subi %add3A_3860, %sub3A_3862 : vector<16xi32>
      %swap3A_3864 = arith.constant 0 : i32
      %swap3A_3865 = arith.index_cast %swap3A_3864 : i32 to index
      %swap3A_3866 = arith.constant 112 : index
      %swap3A_3867 = tpu.vector_load %arg8[%swap3A_3865, %swap3A_3866] {strides = array<i32>} : memref<5x128xi32, #tpu.memory_space<vmem>>, vector<1x16xi32>,
      %swap3A_3868 = vector.shape_cast %swap3A_3867 : vector<1x16xi32> to vector<16xi32>
      %swap3A_3869 = vector.shape_cast %sub3A_3863 : vector<16xi32> to vector<1x16xi32>
      tpu.vector_store %arg8[%swap3A_3865, %swap3A_3866], %swap3A_3869 {strides = array<i32>} : memref<5x128xi32, #tpu.memory_space<vmem>>, vector<1x16xi32>,
      %dma_wait3A_3870 = arith.constant 4 : i32
      %dma_wait3A_3871 = arith.constant 4 : i32
      %dma_wait3A_3872 = arith.constant 0 : i32
      %dma_wait3A_3873 = arith.constant 0 : i32
      %dma_wait3A_3874 = tpu.memref_slice %arg9[%dma_wait3A_3870, %dma_wait3A_3872, %dma_wait3A_3873] : memref<5x128x128xf32, #tpu.memory_space<vmem>> -> memref<1x128x128xf32, #tpu.memory_space<vmem>>
      %dma_wait3A_3875 = tpu.memref_squeeze %dma_wait3A_3874 : memref<1x128x128xf32, #tpu.memory_space<vmem>> -> memref<128x128xf32, #tpu.memory_space<vmem>>
      %dma_wait3A_3876 = arith.constant 0 : i32
      %dma_wait3A_3877 = tpu.memref_slice %arg5[%mul3A_2, %dma_wait3A_3876] : memref<3276800x128xf32, #tpu.memory_space<hbm>> -> memref<128x128xf32, #tpu.memory_space<hbm>>
      %dma_wait3A_3878 = tpu.memref_slice %arg13[%dma_wait3A_3871] : memref<5x!tpu.dma_semaphore, #tpu.memory_space<semaphore_mem>> -> memref<1x!tpu.dma_semaphore, #tpu.memory_space<semaphore_mem>>
      %dma_wait3A_3879 = tpu.memref_squeeze %dma_wait3A_3878 : memref<1x!tpu.dma_semaphore, #tpu.memory_space<semaphore_mem>> -> memref<!tpu.dma_semaphore, #tpu.memory_space<semaphore_mem>>
      %dma_wait3A_3880 = arith.constant 0 : i32
      %dma_wait3A_3881 = tpu.memref_slice %arg5[%mul3A_2, %dma_wait3A_3880] : memref<3276800x128xf32, #tpu.memory_space<hbm>> -> memref<128x128xf32, #tpu.memory_space<hbm>>
      %dma_wait3A_3882 = arith.constant 0 : i32
      %dma_wait3A_3883 = arith.constant 0 : i32
      %dma_wait3A_3884 = tpu.memref_slice %arg9[%dma_wait3A_3870, %dma_wait3A_3882, %dma_wait3A_3883] : memref<5x128x128xf32, #tpu.memory_space<vmem>> -> memref<1x128x128xf32, #tpu.memory_space<vmem>>
      %dma_wait3A_3885 = tpu.memref_squeeze %dma_wait3A_3884 : memref<1x128x128xf32, #tpu.memory_space<vmem>> -> memref<128x128xf32, #tpu.memory_space<vmem>>
      tpu.wait_dma2 semaphore(%dma_wait3A_3879 : memref<!tpu.dma_semaphore, #tpu.memory_space<semaphore_mem>>) src(%dma_wait3A_3885 : memref<128x128xf32, #tpu.memory_space<vmem>>) dst(%dma_wait3A_3881 : memref<128x128xf32, #tpu.memory_space<hbm>>)
      %dma_start3A_3886 = arith.constant 4 : i32
      %dma_start3A_3887 = arith.constant 4 : i32
      %dma_start3A_3888 = arith.constant 4 : i32
      %dma_start3A_3889 = arith.constant 0 : i32
      %dma_start3A_3890 = arith.constant 0 : i32
      %dma_start3A_3891 = tpu.memref_slice %arg9[%dma_start3A_3887, %dma_start3A_3889, %dma_start3A_3890] : memref<5x128x128xf32, #tpu.memory_space<vmem>> -> memref<1x128x128xf32, #tpu.memory_space<vmem>>
      %dma_start3A_3892 = tpu.memref_squeeze %dma_start3A_3891 : memref<1x128x128xf32, #tpu.memory_space<vmem>> -> memref<128x128xf32, #tpu.memory_space<vmem>>
      %dma_start3A_3893 = arith.constant 0 : i32
      %dma_start3A_3894 = tpu.memref_slice %arg8[%dma_start3A_3886, %dma_start3A_3893] : memref<5x128xi32, #tpu.memory_space<vmem>> -> memref<1x128xi32, #tpu.memory_space<vmem>>
      %dma_start3A_3895 = tpu.memref_squeeze %dma_start3A_3894 : memref<1x128xi32, #tpu.memory_space<vmem>> -> memref<128xi32, #tpu.memory_space<vmem>>
      %dma_start3A_3896 = arith.constant 0 : i32
      %dma_start3A_3897 = arith.constant 0 : i32
      %dma_start3A_3898 = tpu.memref_slice %arg10[%dma_start3A_3896, %dma_start3A_3897] : memref<75x128xf32, #tpu.memory_space<vmem_shared>> -> memref<75x128xf32, #tpu.memory_space<vmem_shared>>
      %dma_start3A_3899 = tpu.memref_slice %arg12[%dma_start3A_3888] : memref<5x!tpu.dma_semaphore, #tpu.memory_space<semaphore_mem>> -> memref<1x!tpu.dma_semaphore, #tpu.memory_space<semaphore_mem>>
      %dma_start3A_3900 = tpu.memref_squeeze %dma_start3A_3899 : memref<1x!tpu.dma_semaphore, #tpu.memory_space<semaphore_mem>> -> memref<!tpu.dma_semaphore, #tpu.memory_space<semaphore_mem>>
      tpu.enqueue_indirect_dma source(%dma_start3A_3898 : memref<75x128xf32, #tpu.memory_space<vmem_shared>>) target(%dma_start3A_3892 : memref<128x128xf32, #tpu.memory_space<vmem>>) offsets(%dma_start3A_3895 : memref<128xi32, #tpu.memory_space<vmem>>) semaphore(%dma_start3A_3900 : memref<!tpu.dma_semaphore, #tpu.memory_space<semaphore_mem>>)
      %add3A_3901 = arith.constant 3 : i32
      %add3A_3902 = arith.addi %add3A_2988, %add3A_3901 : i32
      %dma_wait3A_3903 = arith.constant 3 : i32
      %dma_wait3A_3904 = arith.constant 3 : i32
      %dma_wait3A_3905 = arith.constant 3 : i32
      %dma_wait3A_3906 = arith.constant 0 : i32
      %dma_wait3A_3907 = arith.constant 0 : i32
      %dma_wait3A_3908 = tpu.memref_slice %arg9[%dma_wait3A_3904, %dma_wait3A_3906, %dma_wait3A_3907] : memref<5x128x128xf32, #tpu.memory_space<vmem>> -> memref<1x128x128xf32, #tpu.memory_space<vmem>>
      %dma_wait3A_3909 = tpu.memref_squeeze %dma_wait3A_3908 : memref<1x128x128xf32, #tpu.memory_space<vmem>> -> memref<128x128xf32, #tpu.memory_space<vmem>>
      %dma_wait3A_3910 = arith.constant 0 : i32
      %dma_wait3A_3911 = tpu.memref_slice %arg8[%dma_wait3A_3903, %dma_wait3A_3910] : memref<5x128xi32, #tpu.memory_space<vmem>> -> memref<1x128xi32, #tpu.memory_space<vmem>>
      %dma_wait3A_3912 = tpu.memref_squeeze %dma_wait3A_3911 : memref<1x128xi32, #tpu.memory_space<vmem>> -> memref<128xi32, #tpu.memory_space<vmem>>
      %dma_wait3A_3913 = arith.constant 0 : i32
      %dma_wait3A_3914 = arith.constant 0 : i32
      %dma_wait3A_3915 = tpu.memref_slice %arg10[%dma_wait3A_3913, %dma_wait3A_3914] : memref<75x128xf32, #tpu.memory_space<vmem_shared>> -> memref<75x128xf32, #tpu.memory_space<vmem_shared>>
      %dma_wait3A_3916 = tpu.memref_slice %arg12[%dma_wait3A_3905] : memref<5x!tpu.dma_semaphore, #tpu.memory_space<semaphore_mem>> -> memref<1x!tpu.dma_semaphore, #tpu.memory_space<semaphore_mem>>
      %dma_wait3A_3917 = tpu.memref_squeeze %dma_wait3A_3916 : memref<1x!tpu.dma_semaphore, #tpu.memory_space<semaphore_mem>> -> memref<!tpu.dma_semaphore, #tpu.memory_space<semaphore_mem>>
      tpu.wait_indirect_dma semaphore(%dma_wait3A_3917 : memref<!tpu.dma_semaphore, #tpu.memory_space<semaphore_mem>>) src(%dma_wait3A_3915 : memref<75x128xf32, #tpu.memory_space<vmem_shared>>) dst(%dma_wait3A_3909 : memref<128x128xf32, #tpu.memory_space<vmem>>)
      %mul3A_3918 = arith.constant 128 : i32
      %mul3A_3919 = arith.muli %add3A_3902, %mul3A_3918 : i32
      %add3A_3920 = arith.addi %mul3A_2, %mul3A_3919 : i32
      %dma_start3A_3921 = arith.constant 3 : i32
      %dma_start3A_3922 = arith.constant 3 : i32
      %dma_start3A_3923 = arith.constant 0 : i32
      %dma_start3A_3924 = arith.constant 0 : i32
      %dma_start3A_3925 = tpu.memref_slice %arg9[%dma_start3A_3921, %dma_start3A_3923, %dma_start3A_3924] : memref<5x128x128xf32, #tpu.memory_space<vmem>> -> memref<1x128x128xf32, #tpu.memory_space<vmem>>
      %dma_start3A_3926 = tpu.memref_squeeze %dma_start3A_3925 : memref<1x128x128xf32, #tpu.memory_space<vmem>> -> memref<128x128xf32, #tpu.memory_space<vmem>>
      %dma_start3A_3927 = arith.constant 0 : i32
      %dma_start3A_3928 = tpu.memref_slice %arg5[%add3A_3920, %dma_start3A_3927] : memref<3276800x128xf32, #tpu.memory_space<hbm>> -> memref<128x128xf32, #tpu.memory_space<hbm>>
      %dma_start3A_3929 = tpu.memref_slice %arg13[%dma_start3A_3922] : memref<5x!tpu.dma_semaphore, #tpu.memory_space<semaphore_mem>> -> memref<1x!tpu.dma_semaphore, #tpu.memory_space<semaphore_mem>>
      %dma_start3A_3930 = tpu.memref_squeeze %dma_start3A_3929 : memref<1x!tpu.dma_semaphore, #tpu.memory_space<semaphore_mem>> -> memref<!tpu.dma_semaphore, #tpu.memory_space<semaphore_mem>>
      %dma_start3A_3931 = arith.constant 0 : i32
      %dma_start3A_3932 = tpu.memref_slice %arg5[%add3A_3920, %dma_start3A_3931] : memref<3276800x128xf32, #tpu.memory_space<hbm>> -> memref<128x128xf32, #tpu.memory_space<hbm>>
      %dma_start3A_3933 = arith.constant 0 : i32
      %dma_start3A_3934 = arith.constant 0 : i32
      %dma_start3A_3935 = tpu.memref_slice %arg9[%dma_start3A_3921, %dma_start3A_3933, %dma_start3A_3934] : memref<5x128x128xf32, #tpu.memory_space<vmem>> -> memref<1x128x128xf32, #tpu.memory_space<vmem>>
      %dma_start3A_3936 = tpu.memref_squeeze %dma_start3A_3935 : memref<1x128x128xf32, #tpu.memory_space<vmem>> -> memref<128x128xf32, #tpu.memory_space<vmem>>
      tpu.enqueue_dma source(%dma_start3A_3936 : memref<128x128xf32, #tpu.memory_space<vmem>>) target(%dma_start3A_3932 : memref<128x128xf32, #tpu.memory_space<hbm>>) target_semaphore(%dma_start3A_3930 : memref<!tpu.dma_semaphore, #tpu.memory_space<semaphore_mem>>)
      %add3A_3937 = arith.constant 5 : i32
      %add3A_3938 = arith.addi %add3A_3902, %add3A_3937 : i32
      %mul3A_3939 = arith.constant 128 : i32
      %mul3A_3940 = arith.muli %add3A_3938, %mul3A_3939 : i32
      %add3A_3941 = arith.addi %mul3A_2, %mul3A_3940 : i32
      %dma_start3A_3942 = arith.constant 3 : i32
      %dma_start3A_3943 = arith.constant 3 : i32
      %dma_start3A_3944 = arith.constant 0 : i32
      %dma_start3A_3945 = tpu.memref_slice %arg6[%dma_start3A_3942, %dma_start3A_3944] : memref<5x128xi32, #tpu.memory_space<vmem>> -> memref<1x128xi32, #tpu.memory_space<vmem>>
      %dma_start3A_3946 = tpu.memref_squeeze %dma_start3A_3945 : memref<1x128xi32, #tpu.memory_space<vmem>> -> memref<128xi32, #tpu.memory_space<vmem>>
      %dma_start3A_3947 = tpu.memref_slice %arg2[%add3A_3941] : memref<3276800xi32, #tpu.memory_space<hbm>> -> memref<128xi32, #tpu.memory_space<hbm>>
      %dma_start3A_3948 = tpu.memref_slice %arg11[%dma_start3A_3943] : memref<5x!tpu.dma_semaphore, #tpu.memory_space<semaphore_mem>> -> memref<1x!tpu.dma_semaphore, #tpu.memory_space<semaphore_mem>>
      %dma_start3A_3949 = tpu.memref_squeeze %dma_start3A_3948 : memref<1x!tpu.dma_semaphore, #tpu.memory_space<semaphore_mem>> -> memref<!tpu.dma_semaphore, #tpu.memory_space<semaphore_mem>>
      %dma_start3A_3950 = arith.constant 0 : i32
      %dma_start3A_3951 = tpu.memref_slice %arg6[%dma_start3A_3942, %dma_start3A_3950] : memref<5x128xi32, #tpu.memory_space<vmem>> -> memref<1x128xi32, #tpu.memory_space<vmem>>
      %dma_start3A_3952 = tpu.memref_squeeze %dma_start3A_3951 : memref<1x128xi32, #tpu.memory_space<vmem>> -> memref<128xi32, #tpu.memory_space<vmem>>
      %dma_start3A_3953 = tpu.memref_slice %arg2[%add3A_3941] : memref<3276800xi32, #tpu.memory_space<hbm>> -> memref<128xi32, #tpu.memory_space<hbm>>
      tpu.enqueue_dma source(%dma_start3A_3953 : memref<128xi32, #tpu.memory_space<hbm>>) target(%dma_start3A_3952 : memref<128xi32, #tpu.memory_space<vmem>>) target_semaphore(%dma_start3A_3949 : memref<!tpu.dma_semaphore, #tpu.memory_space<semaphore_mem>>)
      %dma_start3A_3954 = arith.constant 3 : i32
      %dma_start3A_3955 = arith.constant 3 : i32
      %dma_start3A_3956 = arith.constant 0 : i32
      %dma_start3A_3957 = tpu.memref_slice %arg7[%dma_start3A_3954, %dma_start3A_3956] : memref<5x128xi32, #tpu.memory_space<vmem>> -> memref<1x128xi32, #tpu.memory_space<vmem>>
      %dma_start3A_3958 = tpu.memref_squeeze %dma_start3A_3957 : memref<1x128xi32, #tpu.memory_space<vmem>> -> memref<128xi32, #tpu.memory_space<vmem>>
      %dma_start3A_3959 = tpu.memref_slice %arg3[%add3A_3941] : memref<3276800xi32, #tpu.memory_space<hbm>> -> memref<128xi32, #tpu.memory_space<hbm>>
      %dma_start3A_3960 = tpu.memref_slice %arg11[%dma_start3A_3955] : memref<5x!tpu.dma_semaphore, #tpu.memory_space<semaphore_mem>> -> memref<1x!tpu.dma_semaphore, #tpu.memory_space<semaphore_mem>>
      %dma_start3A_3961 = tpu.memref_squeeze %dma_start3A_3960 : memref<1x!tpu.dma_semaphore, #tpu.memory_space<semaphore_mem>> -> memref<!tpu.dma_semaphore, #tpu.memory_space<semaphore_mem>>
      %dma_start3A_3962 = arith.constant 0 : i32
      %dma_start3A_3963 = tpu.memref_slice %arg7[%dma_start3A_3954, %dma_start3A_3962] : memref<5x128xi32, #tpu.memory_space<vmem>> -> memref<1x128xi32, #tpu.memory_space<vmem>>
      %dma_start3A_3964 = tpu.memref_squeeze %dma_start3A_3963 : memref<1x128xi32, #tpu.memory_space<vmem>> -> memref<128xi32, #tpu.memory_space<vmem>>
      %dma_start3A_3965 = tpu.memref_slice %arg3[%add3A_3941] : memref<3276800xi32, #tpu.memory_space<hbm>> -> memref<128xi32, #tpu.memory_space<hbm>>
      tpu.enqueue_dma source(%dma_start3A_3965 : memref<128xi32, #tpu.memory_space<hbm>>) target(%dma_start3A_3964 : memref<128xi32, #tpu.memory_space<vmem>>) target_semaphore(%dma_start3A_3961 : memref<!tpu.dma_semaphore, #tpu.memory_space<semaphore_mem>>)
      %dma_wait3A_3966 = arith.constant 1 : i32
      %dma_wait3A_3967 = arith.constant 1 : i32
      %dma_wait3A_3968 = arith.constant 0 : i32
      %dma_wait3A_3969 = tpu.memref_slice %arg6[%dma_wait3A_3966, %dma_wait3A_3968] : memref<5x128xi32, #tpu.memory_space<vmem>> -> memref<1x128xi32, #tpu.memory_space<vmem>>
      %dma_wait3A_3970 = tpu.memref_squeeze %dma_wait3A_3969 : memref<1x128xi32, #tpu.memory_space<vmem>> -> memref<128xi32, #tpu.memory_space<vmem>>
      %dma_wait3A_3971 = tpu.memref_slice %arg2[%mul3A_2] : memref<3276800xi32, #tpu.memory_space<hbm>> -> memref<128xi32, #tpu.memory_space<hbm>>
      %dma_wait3A_3972 = tpu.memref_slice %arg11[%dma_wait3A_3967] : memref<5x!tpu.dma_semaphore, #tpu.memory_space<semaphore_mem>> -> memref<1x!tpu.dma_semaphore, #tpu.memory_space<semaphore_mem>>
      %dma_wait3A_3973 = tpu.memref_squeeze %dma_wait3A_3972 : memref<1x!tpu.dma_semaphore, #tpu.memory_space<semaphore_mem>> -> memref<!tpu.dma_semaphore, #tpu.memory_space<semaphore_mem>>
      %dma_wait3A_3974 = arith.constant 0 : i32
      %dma_wait3A_3975 = tpu.memref_slice %arg6[%dma_wait3A_3966, %dma_wait3A_3974] : memref<5x128xi32, #tpu.memory_space<vmem>> -> memref<1x128xi32, #tpu.memory_space<vmem>>
      %dma_wait3A_3976 = tpu.memref_squeeze %dma_wait3A_3975 : memref<1x128xi32, #tpu.memory_space<vmem>> -> memref<128xi32, #tpu.memory_space<vmem>>
      %dma_wait3A_3977 = tpu.memref_slice %arg2[%mul3A_2] : memref<3276800xi32, #tpu.memory_space<hbm>> -> memref<128xi32, #tpu.memory_space<hbm>>
      tpu.wait_dma2 semaphore(%dma_wait3A_3973 : memref<!tpu.dma_semaphore, #tpu.memory_space<semaphore_mem>>) src(%dma_wait3A_3977 : memref<128xi32, #tpu.memory_space<hbm>>) dst(%dma_wait3A_3976 : memref<128xi32, #tpu.memory_space<vmem>>)
      %dma_wait3A_3978 = arith.constant 1 : i32
      %dma_wait3A_3979 = arith.constant 1 : i32
      %dma_wait3A_3980 = arith.constant 0 : i32
      %dma_wait3A_3981 = tpu.memref_slice %arg7[%dma_wait3A_3978, %dma_wait3A_3980] : memref<5x128xi32, #tpu.memory_space<vmem>> -> memref<1x128xi32, #tpu.memory_space<vmem>>
      %dma_wait3A_3982 = tpu.memref_squeeze %dma_wait3A_3981 : memref<1x128xi32, #tpu.memory_space<vmem>> -> memref<128xi32, #tpu.memory_space<vmem>>
      %dma_wait3A_3983 = tpu.memref_slice %arg3[%mul3A_2] : memref<3276800xi32, #tpu.memory_space<hbm>> -> memref<128xi32, #tpu.memory_space<hbm>>
      %dma_wait3A_3984 = tpu.memref_slice %arg11[%dma_wait3A_3979] : memref<5x!tpu.dma_semaphore, #tpu.memory_space<semaphore_mem>> -> memref<1x!tpu.dma_semaphore, #tpu.memory_space<semaphore_mem>>
      %dma_wait3A_3985 = tpu.memref_squeeze %dma_wait3A_3984 : memref<1x!tpu.dma_semaphore, #tpu.memory_space<semaphore_mem>> -> memref<!tpu.dma_semaphore, #tpu.memory_space<semaphore_mem>>
      %dma_wait3A_3986 = arith.constant 0 : i32
      %dma_wait3A_3987 = tpu.memref_slice %arg7[%dma_wait3A_3978, %dma_wait3A_3986] : memref<5x128xi32, #tpu.memory_space<vmem>> -> memref<1x128xi32, #tpu.memory_space<vmem>>
      %dma_wait3A_3988 = tpu.memref_squeeze %dma_wait3A_3987 : memref<1x128xi32, #tpu.memory_space<vmem>> -> memref<128xi32, #tpu.memory_space<vmem>>
      %dma_wait3A_3989 = tpu.memref_slice %arg3[%mul3A_2] : memref<3276800xi32, #tpu.memory_space<hbm>> -> memref<128xi32, #tpu.memory_space<hbm>>
      tpu.wait_dma2 semaphore(%dma_wait3A_3985 : memref<!tpu.dma_semaphore, #tpu.memory_space<semaphore_mem>>) src(%dma_wait3A_3989 : memref<128xi32, #tpu.memory_space<hbm>>) dst(%dma_wait3A_3988 : memref<128xi32, #tpu.memory_space<vmem>>)
      %get3A_3990 = arith.constant 1 : i32
      %get3A_3991 = arith.index_cast %get3A_3990 : i32 to index
      %get3A_3992 = arith.constant 0 : index
      %get3A_3993 = tpu.vector_load %arg6[%get3A_3991, %get3A_3992] {strides = array<i32>} : memref<5x128xi32, #tpu.memory_space<vmem>>, vector<1x16xi32>,
      %get3A_3994 = vector.shape_cast %get3A_3993 : vector<1x16xi32> to vector<16xi32>
      %mul3A_3995 = arith.constant 5 : i32
      %mul3A_3996 = vector.broadcast %mul3A_3995 : i32 to vector<16xi32>
      %mul3A_3997 = arith.muli %get3A_3994, %mul3A_3996 : vector<16xi32>
      %get3A_3998 = arith.constant 1 : i32
      %get3A_3999 = arith.index_cast %get3A_3998 : i32 to index
      %get3A_4000 = arith.constant 0 : index
      %get3A_4001 = tpu.vector_load %arg7[%get3A_3999, %get3A_4000] {strides = array<i32>} : memref<5x128xi32, #tpu.memory_space<vmem>>, vector<1x16xi32>,
      %get3A_4002 = vector.shape_cast %get3A_4001 : vector<1x16xi32> to vector<16xi32>
      %add3A_4003 = arith.addi %mul3A_3997, %get3A_4002 : vector<16xi32>
      %sub3A_4004 = arith.constant 1 : i32
      %sub3A_4005 = vector.broadcast %sub3A_4004 : i32 to vector<16xi32>
      %sub3A_4006 = arith.subi %add3A_4003, %sub3A_4005 : vector<16xi32>
      %swap3A_4007 = arith.constant 1 : i32
      %swap3A_4008 = arith.index_cast %swap3A_4007 : i32 to index
      %swap3A_4009 = arith.constant 0 : index
      %swap3A_4010 = tpu.vector_load %arg8[%swap3A_4008, %swap3A_4009] {strides = array<i32>} : memref<5x128xi32, #tpu.memory_space<vmem>>, vector<1x16xi32>,
      %swap3A_4011 = vector.shape_cast %swap3A_4010 : vector<1x16xi32> to vector<16xi32>
      %swap3A_4012 = vector.shape_cast %sub3A_4006 : vector<16xi32> to vector<1x16xi32>
      tpu.vector_store %arg8[%swap3A_4008, %swap3A_4009], %swap3A_4012 {strides = array<i32>} : memref<5x128xi32, #tpu.memory_space<vmem>>, vector<1x16xi32>,
      %get3A_4013 = arith.constant 1 : i32
      %get3A_4014 = arith.index_cast %get3A_4013 : i32 to index
      %get3A_4015 = arith.constant 16 : index
      %get3A_4016 = tpu.vector_load %arg6[%get3A_4014, %get3A_4015] {strides = array<i32>} : memref<5x128xi32, #tpu.memory_space<vmem>>, vector<1x16xi32>,
      %get3A_4017 = vector.shape_cast %get3A_4016 : vector<1x16xi32> to vector<16xi32>
      %mul3A_4018 = arith.constant 5 : i32
      %mul3A_4019 = vector.broadcast %mul3A_4018 : i32 to vector<16xi32>
      %mul3A_4020 = arith.muli %get3A_4017, %mul3A_4019 : vector<16xi32>
      %get3A_4021 = arith.constant 1 : i32
      %get3A_4022 = arith.index_cast %get3A_4021 : i32 to index
      %get3A_4023 = arith.constant 16 : index
      %get3A_4024 = tpu.vector_load %arg7[%get3A_4022, %get3A_4023] {strides = array<i32>} : memref<5x128xi32, #tpu.memory_space<vmem>>, vector<1x16xi32>,
      %get3A_4025 = vector.shape_cast %get3A_4024 : vector<1x16xi32> to vector<16xi32>
      %add3A_4026 = arith.addi %mul3A_4020, %get3A_4025 : vector<16xi32>
      %sub3A_4027 = arith.constant 1 : i32
      %sub3A_4028 = vector.broadcast %sub3A_4027 : i32 to vector<16xi32>
      %sub3A_4029 = arith.subi %add3A_4026, %sub3A_4028 : vector<16xi32>
      %swap3A_4030 = arith.constant 1 : i32
      %swap3A_4031 = arith.index_cast %swap3A_4030 : i32 to index
      %swap3A_4032 = arith.constant 16 : index
      %swap3A_4033 = tpu.vector_load %arg8[%swap3A_4031, %swap3A_4032] {strides = array<i32>} : memref<5x128xi32, #tpu.memory_space<vmem>>, vector<1x16xi32>,
      %swap3A_4034 = vector.shape_cast %swap3A_4033 : vector<1x16xi32> to vector<16xi32>
      %swap3A_4035 = vector.shape_cast %sub3A_4029 : vector<16xi32> to vector<1x16xi32>
      tpu.vector_store %arg8[%swap3A_4031, %swap3A_4032], %swap3A_4035 {strides = array<i32>} : memref<5x128xi32, #tpu.memory_space<vmem>>, vector<1x16xi32>,
      %get3A_4036 = arith.constant 1 : i32
      %get3A_4037 = arith.index_cast %get3A_4036 : i32 to index
      %get3A_4038 = arith.constant 32 : index
      %get3A_4039 = tpu.vector_load %arg6[%get3A_4037, %get3A_4038] {strides = array<i32>} : memref<5x128xi32, #tpu.memory_space<vmem>>, vector<1x16xi32>,
      %get3A_4040 = vector.shape_cast %get3A_4039 : vector<1x16xi32> to vector<16xi32>
      %mul3A_4041 = arith.constant 5 : i32
      %mul3A_4042 = vector.broadcast %mul3A_4041 : i32 to vector<16xi32>
      %mul3A_4043 = arith.muli %get3A_4040, %mul3A_4042 : vector<16xi32>
      %get3A_4044 = arith.constant 1 : i32
      %get3A_4045 = arith.index_cast %get3A_4044 : i32 to index
      %get3A_4046 = arith.constant 32 : index
      %get3A_4047 = tpu.vector_load %arg7[%get3A_4045, %get3A_4046] {strides = array<i32>} : memref<5x128xi32, #tpu.memory_space<vmem>>, vector<1x16xi32>,
      %get3A_4048 = vector.shape_cast %get3A_4047 : vector<1x16xi32> to vector<16xi32>
      %add3A_4049 = arith.addi %mul3A_4043, %get3A_4048 : vector<16xi32>
      %sub3A_4050 = arith.constant 1 : i32
      %sub3A_4051 = vector.broadcast %sub3A_4050 : i32 to vector<16xi32>
      %sub3A_4052 = arith.subi %add3A_4049, %sub3A_4051 : vector<16xi32>
      %swap3A_4053 = arith.constant 1 : i32
      %swap3A_4054 = arith.index_cast %swap3A_4053 : i32 to index
      %swap3A_4055 = arith.constant 32 : index
      %swap3A_4056 = tpu.vector_load %arg8[%swap3A_4054, %swap3A_4055] {strides = array<i32>} : memref<5x128xi32, #tpu.memory_space<vmem>>, vector<1x16xi32>,
      %swap3A_4057 = vector.shape_cast %swap3A_4056 : vector<1x16xi32> to vector<16xi32>
      %swap3A_4058 = vector.shape_cast %sub3A_4052 : vector<16xi32> to vector<1x16xi32>
      tpu.vector_store %arg8[%swap3A_4054, %swap3A_4055], %swap3A_4058 {strides = array<i32>} : memref<5x128xi32, #tpu.memory_space<vmem>>, vector<1x16xi32>,
      %get3A_4059 = arith.constant 1 : i32
      %get3A_4060 = arith.index_cast %get3A_4059 : i32 to index
      %get3A_4061 = arith.constant 48 : index
      %get3A_4062 = tpu.vector_load %arg6[%get3A_4060, %get3A_4061] {strides = array<i32>} : memref<5x128xi32, #tpu.memory_space<vmem>>, vector<1x16xi32>,
      %get3A_4063 = vector.shape_cast %get3A_4062 : vector<1x16xi32> to vector<16xi32>
      %mul3A_4064 = arith.constant 5 : i32
      %mul3A_4065 = vector.broadcast %mul3A_4064 : i32 to vector<16xi32>
      %mul3A_4066 = arith.muli %get3A_4063, %mul3A_4065 : vector<16xi32>
      %get3A_4067 = arith.constant 1 : i32
      %get3A_4068 = arith.index_cast %get3A_4067 : i32 to index
      %get3A_4069 = arith.constant 48 : index
      %get3A_4070 = tpu.vector_load %arg7[%get3A_4068, %get3A_4069] {strides = array<i32>} : memref<5x128xi32, #tpu.memory_space<vmem>>, vector<1x16xi32>,
      %get3A_4071 = vector.shape_cast %get3A_4070 : vector<1x16xi32> to vector<16xi32>
      %add3A_4072 = arith.addi %mul3A_4066, %get3A_4071 : vector<16xi32>
      %sub3A_4073 = arith.constant 1 : i32
      %sub3A_4074 = vector.broadcast %sub3A_4073 : i32 to vector<16xi32>
      %sub3A_4075 = arith.subi %add3A_4072, %sub3A_4074 : vector<16xi32>
      %swap3A_4076 = arith.constant 1 : i32
      %swap3A_4077 = arith.index_cast %swap3A_4076 : i32 to index
      %swap3A_4078 = arith.constant 48 : index
      %swap3A_4079 = tpu.vector_load %arg8[%swap3A_4077, %swap3A_4078] {strides = array<i32>} : memref<5x128xi32, #tpu.memory_space<vmem>>, vector<1x16xi32>,
      %swap3A_4080 = vector.shape_cast %swap3A_4079 : vector<1x16xi32> to vector<16xi32>
      %swap3A_4081 = vector.shape_cast %sub3A_4075 : vector<16xi32> to vector<1x16xi32>
      tpu.vector_store %arg8[%swap3A_4077, %swap3A_4078], %swap3A_4081 {strides = array<i32>} : memref<5x128xi32, #tpu.memory_space<vmem>>, vector<1x16xi32>,
      %get3A_4082 = arith.constant 1 : i32
      %get3A_4083 = arith.index_cast %get3A_4082 : i32 to index
      %get3A_4084 = arith.constant 64 : index
      %get3A_4085 = tpu.vector_load %arg6[%get3A_4083, %get3A_4084] {strides = array<i32>} : memref<5x128xi32, #tpu.memory_space<vmem>>, vector<1x16xi32>,
      %get3A_4086 = vector.shape_cast %get3A_4085 : vector<1x16xi32> to vector<16xi32>
      %mul3A_4087 = arith.constant 5 : i32
      %mul3A_4088 = vector.broadcast %mul3A_4087 : i32 to vector<16xi32>
      %mul3A_4089 = arith.muli %get3A_4086, %mul3A_4088 : vector<16xi32>
      %get3A_4090 = arith.constant 1 : i32
      %get3A_4091 = arith.index_cast %get3A_4090 : i32 to index
      %get3A_4092 = arith.constant 64 : index
      %get3A_4093 = tpu.vector_load %arg7[%get3A_4091, %get3A_4092] {strides = array<i32>} : memref<5x128xi32, #tpu.memory_space<vmem>>, vector<1x16xi32>,
      %get3A_4094 = vector.shape_cast %get3A_4093 : vector<1x16xi32> to vector<16xi32>
      %add3A_4095 = arith.addi %mul3A_4089, %get3A_4094 : vector<16xi32>
      %sub3A_4096 = arith.constant 1 : i32
      %sub3A_4097 = vector.broadcast %sub3A_4096 : i32 to vector<16xi32>
      %sub3A_4098 = arith.subi %add3A_4095, %sub3A_4097 : vector<16xi32>
      %swap3A_4099 = arith.constant 1 : i32
      %swap3A_4100 = arith.index_cast %swap3A_4099 : i32 to index
      %swap3A_4101 = arith.constant 64 : index
      %swap3A_4102 = tpu.vector_load %arg8[%swap3A_4100, %swap3A_4101] {strides = array<i32>} : memref<5x128xi32, #tpu.memory_space<vmem>>, vector<1x16xi32>,
      %swap3A_4103 = vector.shape_cast %swap3A_4102 : vector<1x16xi32> to vector<16xi32>
      %swap3A_4104 = vector.shape_cast %sub3A_4098 : vector<16xi32> to vector<1x16xi32>
      tpu.vector_store %arg8[%swap3A_4100, %swap3A_4101], %swap3A_4104 {strides = array<i32>} : memref<5x128xi32, #tpu.memory_space<vmem>>, vector<1x16xi32>,
      %get3A_4105 = arith.constant 1 : i32
      %get3A_4106 = arith.index_cast %get3A_4105 : i32 to index
      %get3A_4107 = arith.constant 80 : index
      %get3A_4108 = tpu.vector_load %arg6[%get3A_4106, %get3A_4107] {strides = array<i32>} : memref<5x128xi32, #tpu.memory_space<vmem>>, vector<1x16xi32>,
      %get3A_4109 = vector.shape_cast %get3A_4108 : vector<1x16xi32> to vector<16xi32>
      %mul3A_4110 = arith.constant 5 : i32
      %mul3A_4111 = vector.broadcast %mul3A_4110 : i32 to vector<16xi32>
      %mul3A_4112 = arith.muli %get3A_4109, %mul3A_4111 : vector<16xi32>
      %get3A_4113 = arith.constant 1 : i32
      %get3A_4114 = arith.index_cast %get3A_4113 : i32 to index
      %get3A_4115 = arith.constant 80 : index
      %get3A_4116 = tpu.vector_load %arg7[%get3A_4114, %get3A_4115] {strides = array<i32>} : memref<5x128xi32, #tpu.memory_space<vmem>>, vector<1x16xi32>,
      %get3A_4117 = vector.shape_cast %get3A_4116 : vector<1x16xi32> to vector<16xi32>
      %add3A_4118 = arith.addi %mul3A_4112, %get3A_4117 : vector<16xi32>
      %sub3A_4119 = arith.constant 1 : i32
      %sub3A_4120 = vector.broadcast %sub3A_4119 : i32 to vector<16xi32>
      %sub3A_4121 = arith.subi %add3A_4118, %sub3A_4120 : vector<16xi32>
      %swap3A_4122 = arith.constant 1 : i32
      %swap3A_4123 = arith.index_cast %swap3A_4122 : i32 to index
      %swap3A_4124 = arith.constant 80 : index
      %swap3A_4125 = tpu.vector_load %arg8[%swap3A_4123, %swap3A_4124] {strides = array<i32>} : memref<5x128xi32, #tpu.memory_space<vmem>>, vector<1x16xi32>,
      %swap3A_4126 = vector.shape_cast %swap3A_4125 : vector<1x16xi32> to vector<16xi32>
      %swap3A_4127 = vector.shape_cast %sub3A_4121 : vector<16xi32> to vector<1x16xi32>
      tpu.vector_store %arg8[%swap3A_4123, %swap3A_4124], %swap3A_4127 {strides = array<i32>} : memref<5x128xi32, #tpu.memory_space<vmem>>, vector<1x16xi32>,
      %get3A_4128 = arith.constant 1 : i32
      %get3A_4129 = arith.index_cast %get3A_4128 : i32 to index
      %get3A_4130 = arith.constant 96 : index
      %get3A_4131 = tpu.vector_load %arg6[%get3A_4129, %get3A_4130] {strides = array<i32>} : memref<5x128xi32, #tpu.memory_space<vmem>>, vector<1x16xi32>,
      %get3A_4132 = vector.shape_cast %get3A_4131 : vector<1x16xi32> to vector<16xi32>
      %mul3A_4133 = arith.constant 5 : i32
      %mul3A_4134 = vector.broadcast %mul3A_4133 : i32 to vector<16xi32>
      %mul3A_4135 = arith.muli %get3A_4132, %mul3A_4134 : vector<16xi32>
      %get3A_4136 = arith.constant 1 : i32
      %get3A_4137 = arith.index_cast %get3A_4136 : i32 to index
      %get3A_4138 = arith.constant 96 : index
      %get3A_4139 = tpu.vector_load %arg7[%get3A_4137, %get3A_4138] {strides = array<i32>} : memref<5x128xi32, #tpu.memory_space<vmem>>, vector<1x16xi32>,
      %get3A_4140 = vector.shape_cast %get3A_4139 : vector<1x16xi32> to vector<16xi32>
      %add3A_4141 = arith.addi %mul3A_4135, %get3A_4140 : vector<16xi32>
      %sub3A_4142 = arith.constant 1 : i32
      %sub3A_4143 = vector.broadcast %sub3A_4142 : i32 to vector<16xi32>
      %sub3A_4144 = arith.subi %add3A_4141, %sub3A_4143 : vector<16xi32>
      %swap3A_4145 = arith.constant 1 : i32
      %swap3A_4146 = arith.index_cast %swap3A_4145 : i32 to index
      %swap3A_4147 = arith.constant 96 : index
      %swap3A_4148 = tpu.vector_load %arg8[%swap3A_4146, %swap3A_4147] {strides = array<i32>} : memref<5x128xi32, #tpu.memory_space<vmem>>, vector<1x16xi32>,
      %swap3A_4149 = vector.shape_cast %swap3A_4148 : vector<1x16xi32> to vector<16xi32>
      %swap3A_4150 = vector.shape_cast %sub3A_4144 : vector<16xi32> to vector<1x16xi32>
      tpu.vector_store %arg8[%swap3A_4146, %swap3A_4147], %swap3A_4150 {strides = array<i32>} : memref<5x128xi32, #tpu.memory_space<vmem>>, vector<1x16xi32>,
      %get3A_4151 = arith.constant 1 : i32
      %get3A_4152 = arith.index_cast %get3A_4151 : i32 to index
      %get3A_4153 = arith.constant 112 : index
      %get3A_4154 = tpu.vector_load %arg6[%get3A_4152, %get3A_4153] {strides = array<i32>} : memref<5x128xi32, #tpu.memory_space<vmem>>, vector<1x16xi32>,
      %get3A_4155 = vector.shape_cast %get3A_4154 : vector<1x16xi32> to vector<16xi32>
      %mul3A_4156 = arith.constant 5 : i32
      %mul3A_4157 = vector.broadcast %mul3A_4156 : i32 to vector<16xi32>
      %mul3A_4158 = arith.muli %get3A_4155, %mul3A_4157 : vector<16xi32>
      %get3A_4159 = arith.constant 1 : i32
      %get3A_4160 = arith.index_cast %get3A_4159 : i32 to index
      %get3A_4161 = arith.constant 112 : index
      %get3A_4162 = tpu.vector_load %arg7[%get3A_4160, %get3A_4161] {strides = array<i32>} : memref<5x128xi32, #tpu.memory_space<vmem>>, vector<1x16xi32>,
      %get3A_4163 = vector.shape_cast %get3A_4162 : vector<1x16xi32> to vector<16xi32>
      %add3A_4164 = arith.addi %mul3A_4158, %get3A_4163 : vector<16xi32>
      %sub3A_4165 = arith.constant 1 : i32
      %sub3A_4166 = vector.broadcast %sub3A_4165 : i32 to vector<16xi32>
      %sub3A_4167 = arith.subi %add3A_4164, %sub3A_4166 : vector<16xi32>
      %swap3A_4168 = arith.constant 1 : i32
      %swap3A_4169 = arith.index_cast %swap3A_4168 : i32 to index
      %swap3A_4170 = arith.constant 112 : index
      %swap3A_4171 = tpu.vector_load %arg8[%swap3A_4169, %swap3A_4170] {strides = array<i32>} : memref<5x128xi32, #tpu.memory_space<vmem>>, vector<1x16xi32>,
      %swap3A_4172 = vector.shape_cast %swap3A_4171 : vector<1x16xi32> to vector<16xi32>
      %swap3A_4173 = vector.shape_cast %sub3A_4167 : vector<16xi32> to vector<1x16xi32>
      tpu.vector_store %arg8[%swap3A_4169, %swap3A_4170], %swap3A_4173 {strides = array<i32>} : memref<5x128xi32, #tpu.memory_space<vmem>>, vector<1x16xi32>,
      %dma_wait3A_4174 = arith.constant 0 : i32
      %dma_wait3A_4175 = arith.constant 0 : i32
      %dma_wait3A_4176 = arith.constant 0 : i32
      %dma_wait3A_4177 = arith.constant 0 : i32
      %dma_wait3A_4178 = tpu.memref_slice %arg9[%dma_wait3A_4174, %dma_wait3A_4176, %dma_wait3A_4177] : memref<5x128x128xf32, #tpu.memory_space<vmem>> -> memref<1x128x128xf32, #tpu.memory_space<vmem>>
      %dma_wait3A_4179 = tpu.memref_squeeze %dma_wait3A_4178 : memref<1x128x128xf32, #tpu.memory_space<vmem>> -> memref<128x128xf32, #tpu.memory_space<vmem>>
      %dma_wait3A_4180 = arith.constant 0 : i32
      %dma_wait3A_4181 = tpu.memref_slice %arg5[%mul3A_2, %dma_wait3A_4180] : memref<3276800x128xf32, #tpu.memory_space<hbm>> -> memref<128x128xf32, #tpu.memory_space<hbm>>
      %dma_wait3A_4182 = tpu.memref_slice %arg13[%dma_wait3A_4175] : memref<5x!tpu.dma_semaphore, #tpu.memory_space<semaphore_mem>> -> memref<1x!tpu.dma_semaphore, #tpu.memory_space<semaphore_mem>>
      %dma_wait3A_4183 = tpu.memref_squeeze %dma_wait3A_4182 : memref<1x!tpu.dma_semaphore, #tpu.memory_space<semaphore_mem>> -> memref<!tpu.dma_semaphore, #tpu.memory_space<semaphore_mem>>
      %dma_wait3A_4184 = arith.constant 0 : i32
      %dma_wait3A_4185 = tpu.memref_slice %arg5[%mul3A_2, %dma_wait3A_4184] : memref<3276800x128xf32, #tpu.memory_space<hbm>> -> memref<128x128xf32, #tpu.memory_space<hbm>>
      %dma_wait3A_4186 = arith.constant 0 : i32
      %dma_wait3A_4187 = arith.constant 0 : i32
      %dma_wait3A_4188 = tpu.memref_slice %arg9[%dma_wait3A_4174, %dma_wait3A_4186, %dma_wait3A_4187] : memref<5x128x128xf32, #tpu.memory_space<vmem>> -> memref<1x128x128xf32, #tpu.memory_space<vmem>>
      %dma_wait3A_4189 = tpu.memref_squeeze %dma_wait3A_4188 : memref<1x128x128xf32, #tpu.memory_space<vmem>> -> memref<128x128xf32, #tpu.memory_space<vmem>>
      tpu.wait_dma2 semaphore(%dma_wait3A_4183 : memref<!tpu.dma_semaphore, #tpu.memory_space<semaphore_mem>>) src(%dma_wait3A_4189 : memref<128x128xf32, #tpu.memory_space<vmem>>) dst(%dma_wait3A_4185 : memref<128x128xf32, #tpu.memory_space<hbm>>)
      %dma_start3A_4190 = arith.constant 0 : i32
      %dma_start3A_4191 = arith.constant 0 : i32
      %dma_start3A_4192 = arith.constant 0 : i32
      %dma_start3A_4193 = arith.constant 0 : i32
      %dma_start3A_4194 = arith.constant 0 : i32
      %dma_start3A_4195 = tpu.memref_slice %arg9[%dma_start3A_4191, %dma_start3A_4193, %dma_start3A_4194] : memref<5x128x128xf32, #tpu.memory_space<vmem>> -> memref<1x128x128xf32, #tpu.memory_space<vmem>>
      %dma_start3A_4196 = tpu.memref_squeeze %dma_start3A_4195 : memref<1x128x128xf32, #tpu.memory_space<vmem>> -> memref<128x128xf32, #tpu.memory_space<vmem>>
      %dma_start3A_4197 = arith.constant 0 : i32
      %dma_start3A_4198 = tpu.memref_slice %arg8[%dma_start3A_4190, %dma_start3A_4197] : memref<5x128xi32, #tpu.memory_space<vmem>> -> memref<1x128xi32, #tpu.memory_space<vmem>>
      %dma_start3A_4199 = tpu.memref_squeeze %dma_start3A_4198 : memref<1x128xi32, #tpu.memory_space<vmem>> -> memref<128xi32, #tpu.memory_space<vmem>>
      %dma_start3A_4200 = arith.constant 0 : i32
      %dma_start3A_4201 = arith.constant 0 : i32
      %dma_start3A_4202 = tpu.memref_slice %arg10[%dma_start3A_4200, %dma_start3A_4201] : memref<75x128xf32, #tpu.memory_space<vmem_shared>> -> memref<75x128xf32, #tpu.memory_space<vmem_shared>>
      %dma_start3A_4203 = tpu.memref_slice %arg12[%dma_start3A_4192] : memref<5x!tpu.dma_semaphore, #tpu.memory_space<semaphore_mem>> -> memref<1x!tpu.dma_semaphore, #tpu.memory_space<semaphore_mem>>
      %dma_start3A_4204 = tpu.memref_squeeze %dma_start3A_4203 : memref<1x!tpu.dma_semaphore, #tpu.memory_space<semaphore_mem>> -> memref<!tpu.dma_semaphore, #tpu.memory_space<semaphore_mem>>
      tpu.enqueue_indirect_dma source(%dma_start3A_4202 : memref<75x128xf32, #tpu.memory_space<vmem_shared>>) target(%dma_start3A_4196 : memref<128x128xf32, #tpu.memory_space<vmem>>) offsets(%dma_start3A_4199 : memref<128xi32, #tpu.memory_space<vmem>>) semaphore(%dma_start3A_4204 : memref<!tpu.dma_semaphore, #tpu.memory_space<semaphore_mem>>)
      %add3A_4205 = arith.constant 4 : i32
      %add3A_4206 = arith.addi %add3A_2988, %add3A_4205 : i32
      %dma_wait3A_4207 = arith.constant 4 : i32
      %dma_wait3A_4208 = arith.constant 4 : i32
      %dma_wait3A_4209 = arith.constant 4 : i32
      %dma_wait3A_4210 = arith.constant 0 : i32
      %dma_wait3A_4211 = arith.constant 0 : i32
      %dma_wait3A_4212 = tpu.memref_slice %arg9[%dma_wait3A_4208, %dma_wait3A_4210, %dma_wait3A_4211] : memref<5x128x128xf32, #tpu.memory_space<vmem>> -> memref<1x128x128xf32, #tpu.memory_space<vmem>>
      %dma_wait3A_4213 = tpu.memref_squeeze %dma_wait3A_4212 : memref<1x128x128xf32, #tpu.memory_space<vmem>> -> memref<128x128xf32, #tpu.memory_space<vmem>>
      %dma_wait3A_4214 = arith.constant 0 : i32
      %dma_wait3A_4215 = tpu.memref_slice %arg8[%dma_wait3A_4207, %dma_wait3A_4214] : memref<5x128xi32, #tpu.memory_space<vmem>> -> memref<1x128xi32, #tpu.memory_space<vmem>>
      %dma_wait3A_4216 = tpu.memref_squeeze %dma_wait3A_4215 : memref<1x128xi32, #tpu.memory_space<vmem>> -> memref<128xi32, #tpu.memory_space<vmem>>
      %dma_wait3A_4217 = arith.constant 0 : i32
      %dma_wait3A_4218 = arith.constant 0 : i32
      %dma_wait3A_4219 = tpu.memref_slice %arg10[%dma_wait3A_4217, %dma_wait3A_4218] : memref<75x128xf32, #tpu.memory_space<vmem_shared>> -> memref<75x128xf32, #tpu.memory_space<vmem_shared>>
      %dma_wait3A_4220 = tpu.memref_slice %arg12[%dma_wait3A_4209] : memref<5x!tpu.dma_semaphore, #tpu.memory_space<semaphore_mem>> -> memref<1x!tpu.dma_semaphore, #tpu.memory_space<semaphore_mem>>
      %dma_wait3A_4221 = tpu.memref_squeeze %dma_wait3A_4220 : memref<1x!tpu.dma_semaphore, #tpu.memory_space<semaphore_mem>> -> memref<!tpu.dma_semaphore, #tpu.memory_space<semaphore_mem>>
      tpu.wait_indirect_dma semaphore(%dma_wait3A_4221 : memref<!tpu.dma_semaphore, #tpu.memory_space<semaphore_mem>>) src(%dma_wait3A_4219 : memref<75x128xf32, #tpu.memory_space<vmem_shared>>) dst(%dma_wait3A_4213 : memref<128x128xf32, #tpu.memory_space<vmem>>)
      %mul3A_4222 = arith.constant 128 : i32
      %mul3A_4223 = arith.muli %add3A_4206, %mul3A_4222 : i32
      %add3A_4224 = arith.addi %mul3A_2, %mul3A_4223 : i32
      %dma_start3A_4225 = arith.constant 4 : i32
      %dma_start3A_4226 = arith.constant 4 : i32
      %dma_start3A_4227 = arith.constant 0 : i32
      %dma_start3A_4228 = arith.constant 0 : i32
      %dma_start3A_4229 = tpu.memref_slice %arg9[%dma_start3A_4225, %dma_start3A_4227, %dma_start3A_4228] : memref<5x128x128xf32, #tpu.memory_space<vmem>> -> memref<1x128x128xf32, #tpu.memory_space<vmem>>
      %dma_start3A_4230 = tpu.memref_squeeze %dma_start3A_4229 : memref<1x128x128xf32, #tpu.memory_space<vmem>> -> memref<128x128xf32, #tpu.memory_space<vmem>>
      %dma_start3A_4231 = arith.constant 0 : i32
      %dma_start3A_4232 = tpu.memref_slice %arg5[%add3A_4224, %dma_start3A_4231] : memref<3276800x128xf32, #tpu.memory_space<hbm>> -> memref<128x128xf32, #tpu.memory_space<hbm>>
      %dma_start3A_4233 = tpu.memref_slice %arg13[%dma_start3A_4226] : memref<5x!tpu.dma_semaphore, #tpu.memory_space<semaphore_mem>> -> memref<1x!tpu.dma_semaphore, #tpu.memory_space<semaphore_mem>>
      %dma_start3A_4234 = tpu.memref_squeeze %dma_start3A_4233 : memref<1x!tpu.dma_semaphore, #tpu.memory_space<semaphore_mem>> -> memref<!tpu.dma_semaphore, #tpu.memory_space<semaphore_mem>>
      %dma_start3A_4235 = arith.constant 0 : i32
      %dma_start3A_4236 = tpu.memref_slice %arg5[%add3A_4224, %dma_start3A_4235] : memref<3276800x128xf32, #tpu.memory_space<hbm>> -> memref<128x128xf32, #tpu.memory_space<hbm>>
      %dma_start3A_4237 = arith.constant 0 : i32
      %dma_start3A_4238 = arith.constant 0 : i32
      %dma_start3A_4239 = tpu.memref_slice %arg9[%dma_start3A_4225, %dma_start3A_4237, %dma_start3A_4238] : memref<5x128x128xf32, #tpu.memory_space<vmem>> -> memref<1x128x128xf32, #tpu.memory_space<vmem>>
      %dma_start3A_4240 = tpu.memref_squeeze %dma_start3A_4239 : memref<1x128x128xf32, #tpu.memory_space<vmem>> -> memref<128x128xf32, #tpu.memory_space<vmem>>
      tpu.enqueue_dma source(%dma_start3A_4240 : memref<128x128xf32, #tpu.memory_space<vmem>>) target(%dma_start3A_4236 : memref<128x128xf32, #tpu.memory_space<hbm>>) target_semaphore(%dma_start3A_4234 : memref<!tpu.dma_semaphore, #tpu.memory_space<semaphore_mem>>)
      %add3A_4241 = arith.constant 5 : i32
      %add3A_4242 = arith.addi %add3A_4206, %add3A_4241 : i32
      %mul3A_4243 = arith.constant 128 : i32
      %mul3A_4244 = arith.muli %add3A_4242, %mul3A_4243 : i32
      %add3A_4245 = arith.addi %mul3A_2, %mul3A_4244 : i32
      %dma_start3A_4246 = arith.constant 4 : i32
      %dma_start3A_4247 = arith.constant 4 : i32
      %dma_start3A_4248 = arith.constant 0 : i32
      %dma_start3A_4249 = tpu.memref_slice %arg6[%dma_start3A_4246, %dma_start3A_4248] : memref<5x128xi32, #tpu.memory_space<vmem>> -> memref<1x128xi32, #tpu.memory_space<vmem>>
      %dma_start3A_4250 = tpu.memref_squeeze %dma_start3A_4249 : memref<1x128xi32, #tpu.memory_space<vmem>> -> memref<128xi32, #tpu.memory_space<vmem>>
      %dma_start3A_4251 = tpu.memref_slice %arg2[%add3A_4245] : memref<3276800xi32, #tpu.memory_space<hbm>> -> memref<128xi32, #tpu.memory_space<hbm>>
      %dma_start3A_4252 = tpu.memref_slice %arg11[%dma_start3A_4247] : memref<5x!tpu.dma_semaphore, #tpu.memory_space<semaphore_mem>> -> memref<1x!tpu.dma_semaphore, #tpu.memory_space<semaphore_mem>>
      %dma_start3A_4253 = tpu.memref_squeeze %dma_start3A_4252 : memref<1x!tpu.dma_semaphore, #tpu.memory_space<semaphore_mem>> -> memref<!tpu.dma_semaphore, #tpu.memory_space<semaphore_mem>>
      %dma_start3A_4254 = arith.constant 0 : i32
      %dma_start3A_4255 = tpu.memref_slice %arg6[%dma_start3A_4246, %dma_start3A_4254] : memref<5x128xi32, #tpu.memory_space<vmem>> -> memref<1x128xi32, #tpu.memory_space<vmem>>
      %dma_start3A_4256 = tpu.memref_squeeze %dma_start3A_4255 : memref<1x128xi32, #tpu.memory_space<vmem>> -> memref<128xi32, #tpu.memory_space<vmem>>
      %dma_start3A_4257 = tpu.memref_slice %arg2[%add3A_4245] : memref<3276800xi32, #tpu.memory_space<hbm>> -> memref<128xi32, #tpu.memory_space<hbm>>
      tpu.enqueue_dma source(%dma_start3A_4257 : memref<128xi32, #tpu.memory_space<hbm>>) target(%dma_start3A_4256 : memref<128xi32, #tpu.memory_space<vmem>>) target_semaphore(%dma_start3A_4253 : memref<!tpu.dma_semaphore, #tpu.memory_space<semaphore_mem>>)
      %dma_start3A_4258 = arith.constant 4 : i32
      %dma_start3A_4259 = arith.constant 4 : i32
      %dma_start3A_4260 = arith.constant 0 : i32
      %dma_start3A_4261 = tpu.memref_slice %arg7[%dma_start3A_4258, %dma_start3A_4260] : memref<5x128xi32, #tpu.memory_space<vmem>> -> memref<1x128xi32, #tpu.memory_space<vmem>>
      %dma_start3A_4262 = tpu.memref_squeeze %dma_start3A_4261 : memref<1x128xi32, #tpu.memory_space<vmem>> -> memref<128xi32, #tpu.memory_space<vmem>>
      %dma_start3A_4263 = tpu.memref_slice %arg3[%add3A_4245] : memref<3276800xi32, #tpu.memory_space<hbm>> -> memref<128xi32, #tpu.memory_space<hbm>>
      %dma_start3A_4264 = tpu.memref_slice %arg11[%dma_start3A_4259] : memref<5x!tpu.dma_semaphore, #tpu.memory_space<semaphore_mem>> -> memref<1x!tpu.dma_semaphore, #tpu.memory_space<semaphore_mem>>
      %dma_start3A_4265 = tpu.memref_squeeze %dma_start3A_4264 : memref<1x!tpu.dma_semaphore, #tpu.memory_space<semaphore_mem>> -> memref<!tpu.dma_semaphore, #tpu.memory_space<semaphore_mem>>
      %dma_start3A_4266 = arith.constant 0 : i32
      %dma_start3A_4267 = tpu.memref_slice %arg7[%dma_start3A_4258, %dma_start3A_4266] : memref<5x128xi32, #tpu.memory_space<vmem>> -> memref<1x128xi32, #tpu.memory_space<vmem>>
      %dma_start3A_4268 = tpu.memref_squeeze %dma_start3A_4267 : memref<1x128xi32, #tpu.memory_space<vmem>> -> memref<128xi32, #tpu.memory_space<vmem>>
      %dma_start3A_4269 = tpu.memref_slice %arg3[%add3A_4245] : memref<3276800xi32, #tpu.memory_space<hbm>> -> memref<128xi32, #tpu.memory_space<hbm>>
      tpu.enqueue_dma source(%dma_start3A_4269 : memref<128xi32, #tpu.memory_space<hbm>>) target(%dma_start3A_4268 : memref<128xi32, #tpu.memory_space<vmem>>) target_semaphore(%dma_start3A_4265 : memref<!tpu.dma_semaphore, #tpu.memory_space<semaphore_mem>>)
      %dma_wait3A_4270 = arith.constant 2 : i32
      %dma_wait3A_4271 = arith.constant 2 : i32
      %dma_wait3A_4272 = arith.constant 0 : i32
      %dma_wait3A_4273 = tpu.memref_slice %arg6[%dma_wait3A_4270, %dma_wait3A_4272] : memref<5x128xi32, #tpu.memory_space<vmem>> -> memref<1x128xi32, #tpu.memory_space<vmem>>
      %dma_wait3A_4274 = tpu.memref_squeeze %dma_wait3A_4273 : memref<1x128xi32, #tpu.memory_space<vmem>> -> memref<128xi32, #tpu.memory_space<vmem>>
      %dma_wait3A_4275 = tpu.memref_slice %arg2[%mul3A_2] : memref<3276800xi32, #tpu.memory_space<hbm>> -> memref<128xi32, #tpu.memory_space<hbm>>
      %dma_wait3A_4276 = tpu.memref_slice %arg11[%dma_wait3A_4271] : memref<5x!tpu.dma_semaphore, #tpu.memory_space<semaphore_mem>> -> memref<1x!tpu.dma_semaphore, #tpu.memory_space<semaphore_mem>>
      %dma_wait3A_4277 = tpu.memref_squeeze %dma_wait3A_4276 : memref<1x!tpu.dma_semaphore, #tpu.memory_space<semaphore_mem>> -> memref<!tpu.dma_semaphore, #tpu.memory_space<semaphore_mem>>
      %dma_wait3A_4278 = arith.constant 0 : i32
      %dma_wait3A_4279 = tpu.memref_slice %arg6[%dma_wait3A_4270, %dma_wait3A_4278] : memref<5x128xi32, #tpu.memory_space<vmem>> -> memref<1x128xi32, #tpu.memory_space<vmem>>
      %dma_wait3A_4280 = tpu.memref_squeeze %dma_wait3A_4279 : memref<1x128xi32, #tpu.memory_space<vmem>> -> memref<128xi32, #tpu.memory_space<vmem>>
      %dma_wait3A_4281 = tpu.memref_slice %arg2[%mul3A_2] : memref<3276800xi32, #tpu.memory_space<hbm>> -> memref<128xi32, #tpu.memory_space<hbm>>
      tpu.wait_dma2 semaphore(%dma_wait3A_4277 : memref<!tpu.dma_semaphore, #tpu.memory_space<semaphore_mem>>) src(%dma_wait3A_4281 : memref<128xi32, #tpu.memory_space<hbm>>) dst(%dma_wait3A_4280 : memref<128xi32, #tpu.memory_space<vmem>>)
      %dma_wait3A_4282 = arith.constant 2 : i32
      %dma_wait3A_4283 = arith.constant 2 : i32
      %dma_wait3A_4284 = arith.constant 0 : i32
      %dma_wait3A_4285 = tpu.memref_slice %arg7[%dma_wait3A_4282, %dma_wait3A_4284] : memref<5x128xi32, #tpu.memory_space<vmem>> -> memref<1x128xi32, #tpu.memory_space<vmem>>
      %dma_wait3A_4286 = tpu.memref_squeeze %dma_wait3A_4285 : memref<1x128xi32, #tpu.memory_space<vmem>> -> memref<128xi32, #tpu.memory_space<vmem>>
      %dma_wait3A_4287 = tpu.memref_slice %arg3[%mul3A_2] : memref<3276800xi32, #tpu.memory_space<hbm>> -> memref<128xi32, #tpu.memory_space<hbm>>
      %dma_wait3A_4288 = tpu.memref_slice %arg11[%dma_wait3A_4283] : memref<5x!tpu.dma_semaphore, #tpu.memory_space<semaphore_mem>> -> memref<1x!tpu.dma_semaphore, #tpu.memory_space<semaphore_mem>>
      %dma_wait3A_4289 = tpu.memref_squeeze %dma_wait3A_4288 : memref<1x!tpu.dma_semaphore, #tpu.memory_space<semaphore_mem>> -> memref<!tpu.dma_semaphore, #tpu.memory_space<semaphore_mem>>
      %dma_wait3A_4290 = arith.constant 0 : i32
      %dma_wait3A_4291 = tpu.memref_slice %arg7[%dma_wait3A_4282, %dma_wait3A_4290] : memref<5x128xi32, #tpu.memory_space<vmem>> -> memref<1x128xi32, #tpu.memory_space<vmem>>
      %dma_wait3A_4292 = tpu.memref_squeeze %dma_wait3A_4291 : memref<1x128xi32, #tpu.memory_space<vmem>> -> memref<128xi32, #tpu.memory_space<vmem>>
      %dma_wait3A_4293 = tpu.memref_slice %arg3[%mul3A_2] : memref<3276800xi32, #tpu.memory_space<hbm>> -> memref<128xi32, #tpu.memory_space<hbm>>
      tpu.wait_dma2 semaphore(%dma_wait3A_4289 : memref<!tpu.dma_semaphore, #tpu.memory_space<semaphore_mem>>) src(%dma_wait3A_4293 : memref<128xi32, #tpu.memory_space<hbm>>) dst(%dma_wait3A_4292 : memref<128xi32, #tpu.memory_space<vmem>>)
      %get3A_4294 = arith.constant 2 : i32
      %get3A_4295 = arith.index_cast %get3A_4294 : i32 to index
      %get3A_4296 = arith.constant 0 : index
      %get3A_4297 = tpu.vector_load %arg6[%get3A_4295, %get3A_4296] {strides = array<i32>} : memref<5x128xi32, #tpu.memory_space<vmem>>, vector<1x16xi32>,
      %get3A_4298 = vector.shape_cast %get3A_4297 : vector<1x16xi32> to vector<16xi32>
      %mul3A_4299 = arith.constant 5 : i32
      %mul3A_4300 = vector.broadcast %mul3A_4299 : i32 to vector<16xi32>
      %mul3A_4301 = arith.muli %get3A_4298, %mul3A_4300 : vector<16xi32>
      %get3A_4302 = arith.constant 2 : i32
      %get3A_4303 = arith.index_cast %get3A_4302 : i32 to index
      %get3A_4304 = arith.constant 0 : index
      %get3A_4305 = tpu.vector_load %arg7[%get3A_4303, %get3A_4304] {strides = array<i32>} : memref<5x128xi32, #tpu.memory_space<vmem>>, vector<1x16xi32>,
      %get3A_4306 = vector.shape_cast %get3A_4305 : vector<1x16xi32> to vector<16xi32>
      %add3A_4307 = arith.addi %mul3A_4301, %get3A_4306 : vector<16xi32>
      %sub3A_4308 = arith.constant 1 : i32
      %sub3A_4309 = vector.broadcast %sub3A_4308 : i32 to vector<16xi32>
      %sub3A_4310 = arith.subi %add3A_4307, %sub3A_4309 : vector<16xi32>
      %swap3A_4311 = arith.constant 2 : i32
      %swap3A_4312 = arith.index_cast %swap3A_4311 : i32 to index
      %swap3A_4313 = arith.constant 0 : index
      %swap3A_4314 = tpu.vector_load %arg8[%swap3A_4312, %swap3A_4313] {strides = array<i32>} : memref<5x128xi32, #tpu.memory_space<vmem>>, vector<1x16xi32>,
      %swap3A_4315 = vector.shape_cast %swap3A_4314 : vector<1x16xi32> to vector<16xi32>
      %swap3A_4316 = vector.shape_cast %sub3A_4310 : vector<16xi32> to vector<1x16xi32>
      tpu.vector_store %arg8[%swap3A_4312, %swap3A_4313], %swap3A_4316 {strides = array<i32>} : memref<5x128xi32, #tpu.memory_space<vmem>>, vector<1x16xi32>,
      %get3A_4317 = arith.constant 2 : i32
      %get3A_4318 = arith.index_cast %get3A_4317 : i32 to index
      %get3A_4319 = arith.constant 16 : index
      %get3A_4320 = tpu.vector_load %arg6[%get3A_4318, %get3A_4319] {strides = array<i32>} : memref<5x128xi32, #tpu.memory_space<vmem>>, vector<1x16xi32>,
      %get3A_4321 = vector.shape_cast %get3A_4320 : vector<1x16xi32> to vector<16xi32>
      %mul3A_4322 = arith.constant 5 : i32
      %mul3A_4323 = vector.broadcast %mul3A_4322 : i32 to vector<16xi32>
      %mul3A_4324 = arith.muli %get3A_4321, %mul3A_4323 : vector<16xi32>
      %get3A_4325 = arith.constant 2 : i32
      %get3A_4326 = arith.index_cast %get3A_4325 : i32 to index
      %get3A_4327 = arith.constant 16 : index
      %get3A_4328 = tpu.vector_load %arg7[%get3A_4326, %get3A_4327] {strides = array<i32>} : memref<5x128xi32, #tpu.memory_space<vmem>>, vector<1x16xi32>,
      %get3A_4329 = vector.shape_cast %get3A_4328 : vector<1x16xi32> to vector<16xi32>
      %add3A_4330 = arith.addi %mul3A_4324, %get3A_4329 : vector<16xi32>
      %sub3A_4331 = arith.constant 1 : i32
      %sub3A_4332 = vector.broadcast %sub3A_4331 : i32 to vector<16xi32>
      %sub3A_4333 = arith.subi %add3A_4330, %sub3A_4332 : vector<16xi32>
      %swap3A_4334 = arith.constant 2 : i32
      %swap3A_4335 = arith.index_cast %swap3A_4334 : i32 to index
      %swap3A_4336 = arith.constant 16 : index
      %swap3A_4337 = tpu.vector_load %arg8[%swap3A_4335, %swap3A_4336] {strides = array<i32>} : memref<5x128xi32, #tpu.memory_space<vmem>>, vector<1x16xi32>,
      %swap3A_4338 = vector.shape_cast %swap3A_4337 : vector<1x16xi32> to vector<16xi32>
      %swap3A_4339 = vector.shape_cast %sub3A_4333 : vector<16xi32> to vector<1x16xi32>
      tpu.vector_store %arg8[%swap3A_4335, %swap3A_4336], %swap3A_4339 {strides = array<i32>} : memref<5x128xi32, #tpu.memory_space<vmem>>, vector<1x16xi32>,
      %get3A_4340 = arith.constant 2 : i32
      %get3A_4341 = arith.index_cast %get3A_4340 : i32 to index
      %get3A_4342 = arith.constant 32 : index
      %get3A_4343 = tpu.vector_load %arg6[%get3A_4341, %get3A_4342] {strides = array<i32>} : memref<5x128xi32, #tpu.memory_space<vmem>>, vector<1x16xi32>,
      %get3A_4344 = vector.shape_cast %get3A_4343 : vector<1x16xi32> to vector<16xi32>
      %mul3A_4345 = arith.constant 5 : i32
      %mul3A_4346 = vector.broadcast %mul3A_4345 : i32 to vector<16xi32>
      %mul3A_4347 = arith.muli %get3A_4344, %mul3A_4346 : vector<16xi32>
      %get3A_4348 = arith.constant 2 : i32
      %get3A_4349 = arith.index_cast %get3A_4348 : i32 to index
      %get3A_4350 = arith.constant 32 : index
      %get3A_4351 = tpu.vector_load %arg7[%get3A_4349, %get3A_4350] {strides = array<i32>} : memref<5x128xi32, #tpu.memory_space<vmem>>, vector<1x16xi32>,
      %get3A_4352 = vector.shape_cast %get3A_4351 : vector<1x16xi32> to vector<16xi32>
      %add3A_4353 = arith.addi %mul3A_4347, %get3A_4352 : vector<16xi32>
      %sub3A_4354 = arith.constant 1 : i32
      %sub3A_4355 = vector.broadcast %sub3A_4354 : i32 to vector<16xi32>
      %sub3A_4356 = arith.subi %add3A_4353, %sub3A_4355 : vector<16xi32>
      %swap3A_4357 = arith.constant 2 : i32
      %swap3A_4358 = arith.index_cast %swap3A_4357 : i32 to index
      %swap3A_4359 = arith.constant 32 : index
      %swap3A_4360 = tpu.vector_load %arg8[%swap3A_4358, %swap3A_4359] {strides = array<i32>} : memref<5x128xi32, #tpu.memory_space<vmem>>, vector<1x16xi32>,
      %swap3A_4361 = vector.shape_cast %swap3A_4360 : vector<1x16xi32> to vector<16xi32>
      %swap3A_4362 = vector.shape_cast %sub3A_4356 : vector<16xi32> to vector<1x16xi32>
      tpu.vector_store %arg8[%swap3A_4358, %swap3A_4359], %swap3A_4362 {strides = array<i32>} : memref<5x128xi32, #tpu.memory_space<vmem>>, vector<1x16xi32>,
      %get3A_4363 = arith.constant 2 : i32
      %get3A_4364 = arith.index_cast %get3A_4363 : i32 to index
      %get3A_4365 = arith.constant 48 : index
      %get3A_4366 = tpu.vector_load %arg6[%get3A_4364, %get3A_4365] {strides = array<i32>} : memref<5x128xi32, #tpu.memory_space<vmem>>, vector<1x16xi32>,
      %get3A_4367 = vector.shape_cast %get3A_4366 : vector<1x16xi32> to vector<16xi32>
      %mul3A_4368 = arith.constant 5 : i32
      %mul3A_4369 = vector.broadcast %mul3A_4368 : i32 to vector<16xi32>
      %mul3A_4370 = arith.muli %get3A_4367, %mul3A_4369 : vector<16xi32>
      %get3A_4371 = arith.constant 2 : i32
      %get3A_4372 = arith.index_cast %get3A_4371 : i32 to index
      %get3A_4373 = arith.constant 48 : index
      %get3A_4374 = tpu.vector_load %arg7[%get3A_4372, %get3A_4373] {strides = array<i32>} : memref<5x128xi32, #tpu.memory_space<vmem>>, vector<1x16xi32>,
      %get3A_4375 = vector.shape_cast %get3A_4374 : vector<1x16xi32> to vector<16xi32>
      %add3A_4376 = arith.addi %mul3A_4370, %get3A_4375 : vector<16xi32>
      %sub3A_4377 = arith.constant 1 : i32
      %sub3A_4378 = vector.broadcast %sub3A_4377 : i32 to vector<16xi32>
      %sub3A_4379 = arith.subi %add3A_4376, %sub3A_4378 : vector<16xi32>
      %swap3A_4380 = arith.constant 2 : i32
      %swap3A_4381 = arith.index_cast %swap3A_4380 : i32 to index
      %swap3A_4382 = arith.constant 48 : index
      %swap3A_4383 = tpu.vector_load %arg8[%swap3A_4381, %swap3A_4382] {strides = array<i32>} : memref<5x128xi32, #tpu.memory_space<vmem>>, vector<1x16xi32>,
      %swap3A_4384 = vector.shape_cast %swap3A_4383 : vector<1x16xi32> to vector<16xi32>
      %swap3A_4385 = vector.shape_cast %sub3A_4379 : vector<16xi32> to vector<1x16xi32>
      tpu.vector_store %arg8[%swap3A_4381, %swap3A_4382], %swap3A_4385 {strides = array<i32>} : memref<5x128xi32, #tpu.memory_space<vmem>>, vector<1x16xi32>,
      %get3A_4386 = arith.constant 2 : i32
      %get3A_4387 = arith.index_cast %get3A_4386 : i32 to index
      %get3A_4388 = arith.constant 64 : index
      %get3A_4389 = tpu.vector_load %arg6[%get3A_4387, %get3A_4388] {strides = array<i32>} : memref<5x128xi32, #tpu.memory_space<vmem>>, vector<1x16xi32>,
      %get3A_4390 = vector.shape_cast %get3A_4389 : vector<1x16xi32> to vector<16xi32>
      %mul3A_4391 = arith.constant 5 : i32
      %mul3A_4392 = vector.broadcast %mul3A_4391 : i32 to vector<16xi32>
      %mul3A_4393 = arith.muli %get3A_4390, %mul3A_4392 : vector<16xi32>
      %get3A_4394 = arith.constant 2 : i32
      %get3A_4395 = arith.index_cast %get3A_4394 : i32 to index
      %get3A_4396 = arith.constant 64 : index
      %get3A_4397 = tpu.vector_load %arg7[%get3A_4395, %get3A_4396] {strides = array<i32>} : memref<5x128xi32, #tpu.memory_space<vmem>>, vector<1x16xi32>,
      %get3A_4398 = vector.shape_cast %get3A_4397 : vector<1x16xi32> to vector<16xi32>
      %add3A_4399 = arith.addi %mul3A_4393, %get3A_4398 : vector<16xi32>
      %sub3A_4400 = arith.constant 1 : i32
      %sub3A_4401 = vector.broadcast %sub3A_4400 : i32 to vector<16xi32>
      %sub3A_4402 = arith.subi %add3A_4399, %sub3A_4401 : vector<16xi32>
      %swap3A_4403 = arith.constant 2 : i32
      %swap3A_4404 = arith.index_cast %swap3A_4403 : i32 to index
      %swap3A_4405 = arith.constant 64 : index
      %swap3A_4406 = tpu.vector_load %arg8[%swap3A_4404, %swap3A_4405] {strides = array<i32>} : memref<5x128xi32, #tpu.memory_space<vmem>>, vector<1x16xi32>,
      %swap3A_4407 = vector.shape_cast %swap3A_4406 : vector<1x16xi32> to vector<16xi32>
      %swap3A_4408 = vector.shape_cast %sub3A_4402 : vector<16xi32> to vector<1x16xi32>
      tpu.vector_store %arg8[%swap3A_4404, %swap3A_4405], %swap3A_4408 {strides = array<i32>} : memref<5x128xi32, #tpu.memory_space<vmem>>, vector<1x16xi32>,
      %get3A_4409 = arith.constant 2 : i32
      %get3A_4410 = arith.index_cast %get3A_4409 : i32 to index
      %get3A_4411 = arith.constant 80 : index
      %get3A_4412 = tpu.vector_load %arg6[%get3A_4410, %get3A_4411] {strides = array<i32>} : memref<5x128xi32, #tpu.memory_space<vmem>>, vector<1x16xi32>,
      %get3A_4413 = vector.shape_cast %get3A_4412 : vector<1x16xi32> to vector<16xi32>
      %mul3A_4414 = arith.constant 5 : i32
      %mul3A_4415 = vector.broadcast %mul3A_4414 : i32 to vector<16xi32>
      %mul3A_4416 = arith.muli %get3A_4413, %mul3A_4415 : vector<16xi32>
      %get3A_4417 = arith.constant 2 : i32
      %get3A_4418 = arith.index_cast %get3A_4417 : i32 to index
      %get3A_4419 = arith.constant 80 : index
      %get3A_4420 = tpu.vector_load %arg7[%get3A_4418, %get3A_4419] {strides = array<i32>} : memref<5x128xi32, #tpu.memory_space<vmem>>, vector<1x16xi32>,
      %get3A_4421 = vector.shape_cast %get3A_4420 : vector<1x16xi32> to vector<16xi32>
      %add3A_4422 = arith.addi %mul3A_4416, %get3A_4421 : vector<16xi32>
      %sub3A_4423 = arith.constant 1 : i32
      %sub3A_4424 = vector.broadcast %sub3A_4423 : i32 to vector<16xi32>
      %sub3A_4425 = arith.subi %add3A_4422, %sub3A_4424 : vector<16xi32>
      %swap3A_4426 = arith.constant 2 : i32
      %swap3A_4427 = arith.index_cast %swap3A_4426 : i32 to index
      %swap3A_4428 = arith.constant 80 : index
      %swap3A_4429 = tpu.vector_load %arg8[%swap3A_4427, %swap3A_4428] {strides = array<i32>} : memref<5x128xi32, #tpu.memory_space<vmem>>, vector<1x16xi32>,
      %swap3A_4430 = vector.shape_cast %swap3A_4429 : vector<1x16xi32> to vector<16xi32>
      %swap3A_4431 = vector.shape_cast %sub3A_4425 : vector<16xi32> to vector<1x16xi32>
      tpu.vector_store %arg8[%swap3A_4427, %swap3A_4428], %swap3A_4431 {strides = array<i32>} : memref<5x128xi32, #tpu.memory_space<vmem>>, vector<1x16xi32>,
      %get3A_4432 = arith.constant 2 : i32
      %get3A_4433 = arith.index_cast %get3A_4432 : i32 to index
      %get3A_4434 = arith.constant 96 : index
      %get3A_4435 = tpu.vector_load %arg6[%get3A_4433, %get3A_4434] {strides = array<i32>} : memref<5x128xi32, #tpu.memory_space<vmem>>, vector<1x16xi32>,
      %get3A_4436 = vector.shape_cast %get3A_4435 : vector<1x16xi32> to vector<16xi32>
      %mul3A_4437 = arith.constant 5 : i32
      %mul3A_4438 = vector.broadcast %mul3A_4437 : i32 to vector<16xi32>
      %mul3A_4439 = arith.muli %get3A_4436, %mul3A_4438 : vector<16xi32>
      %get3A_4440 = arith.constant 2 : i32
      %get3A_4441 = arith.index_cast %get3A_4440 : i32 to index
      %get3A_4442 = arith.constant 96 : index
      %get3A_4443 = tpu.vector_load %arg7[%get3A_4441, %get3A_4442] {strides = array<i32>} : memref<5x128xi32, #tpu.memory_space<vmem>>, vector<1x16xi32>,
      %get3A_4444 = vector.shape_cast %get3A_4443 : vector<1x16xi32> to vector<16xi32>
      %add3A_4445 = arith.addi %mul3A_4439, %get3A_4444 : vector<16xi32>
      %sub3A_4446 = arith.constant 1 : i32
      %sub3A_4447 = vector.broadcast %sub3A_4446 : i32 to vector<16xi32>
      %sub3A_4448 = arith.subi %add3A_4445, %sub3A_4447 : vector<16xi32>
      %swap3A_4449 = arith.constant 2 : i32
      %swap3A_4450 = arith.index_cast %swap3A_4449 : i32 to index
      %swap3A_4451 = arith.constant 96 : index
      %swap3A_4452 = tpu.vector_load %arg8[%swap3A_4450, %swap3A_4451] {strides = array<i32>} : memref<5x128xi32, #tpu.memory_space<vmem>>, vector<1x16xi32>,
      %swap3A_4453 = vector.shape_cast %swap3A_4452 : vector<1x16xi32> to vector<16xi32>
      %swap3A_4454 = vector.shape_cast %sub3A_4448 : vector<16xi32> to vector<1x16xi32>
      tpu.vector_store %arg8[%swap3A_4450, %swap3A_4451], %swap3A_4454 {strides = array<i32>} : memref<5x128xi32, #tpu.memory_space<vmem>>, vector<1x16xi32>,
      %get3A_4455 = arith.constant 2 : i32
      %get3A_4456 = arith.index_cast %get3A_4455 : i32 to index
      %get3A_4457 = arith.constant 112 : index
      %get3A_4458 = tpu.vector_load %arg6[%get3A_4456, %get3A_4457] {strides = array<i32>} : memref<5x128xi32, #tpu.memory_space<vmem>>, vector<1x16xi32>,
      %get3A_4459 = vector.shape_cast %get3A_4458 : vector<1x16xi32> to vector<16xi32>
      %mul3A_4460 = arith.constant 5 : i32
      %mul3A_4461 = vector.broadcast %mul3A_4460 : i32 to vector<16xi32>
      %mul3A_4462 = arith.muli %get3A_4459, %mul3A_4461 : vector<16xi32>
      %get3A_4463 = arith.constant 2 : i32
      %get3A_4464 = arith.index_cast %get3A_4463 : i32 to index
      %get3A_4465 = arith.constant 112 : index
      %get3A_4466 = tpu.vector_load %arg7[%get3A_4464, %get3A_4465] {strides = array<i32>} : memref<5x128xi32, #tpu.memory_space<vmem>>, vector<1x16xi32>,
      %get3A_4467 = vector.shape_cast %get3A_4466 : vector<1x16xi32> to vector<16xi32>
      %add3A_4468 = arith.addi %mul3A_4462, %get3A_4467 : vector<16xi32>
      %sub3A_4469 = arith.constant 1 : i32
      %sub3A_4470 = vector.broadcast %sub3A_4469 : i32 to vector<16xi32>
      %sub3A_4471 = arith.subi %add3A_4468, %sub3A_4470 : vector<16xi32>
      %swap3A_4472 = arith.constant 2 : i32
      %swap3A_4473 = arith.index_cast %swap3A_4472 : i32 to index
      %swap3A_4474 = arith.constant 112 : index
      %swap3A_4475 = tpu.vector_load %arg8[%swap3A_4473, %swap3A_4474] {strides = array<i32>} : memref<5x128xi32, #tpu.memory_space<vmem>>, vector<1x16xi32>,
      %swap3A_4476 = vector.shape_cast %swap3A_4475 : vector<1x16xi32> to vector<16xi32>
      %swap3A_4477 = vector.shape_cast %sub3A_4471 : vector<16xi32> to vector<1x16xi32>
      tpu.vector_store %arg8[%swap3A_4473, %swap3A_4474], %swap3A_4477 {strides = array<i32>} : memref<5x128xi32, #tpu.memory_space<vmem>>, vector<1x16xi32>,
      %dma_wait3A_4478 = arith.constant 1 : i32
      %dma_wait3A_4479 = arith.constant 1 : i32
      %dma_wait3A_4480 = arith.constant 0 : i32
      %dma_wait3A_4481 = arith.constant 0 : i32
      %dma_wait3A_4482 = tpu.memref_slice %arg9[%dma_wait3A_4478, %dma_wait3A_4480, %dma_wait3A_4481] : memref<5x128x128xf32, #tpu.memory_space<vmem>> -> memref<1x128x128xf32, #tpu.memory_space<vmem>>
      %dma_wait3A_4483 = tpu.memref_squeeze %dma_wait3A_4482 : memref<1x128x128xf32, #tpu.memory_space<vmem>> -> memref<128x128xf32, #tpu.memory_space<vmem>>
      %dma_wait3A_4484 = arith.constant 0 : i32
      %dma_wait3A_4485 = tpu.memref_slice %arg5[%mul3A_2, %dma_wait3A_4484] : memref<3276800x128xf32, #tpu.memory_space<hbm>> -> memref<128x128xf32, #tpu.memory_space<hbm>>
      %dma_wait3A_4486 = tpu.memref_slice %arg13[%dma_wait3A_4479] : memref<5x!tpu.dma_semaphore, #tpu.memory_space<semaphore_mem>> -> memref<1x!tpu.dma_semaphore, #tpu.memory_space<semaphore_mem>>
      %dma_wait3A_4487 = tpu.memref_squeeze %dma_wait3A_4486 : memref<1x!tpu.dma_semaphore, #tpu.memory_space<semaphore_mem>> -> memref<!tpu.dma_semaphore, #tpu.memory_space<semaphore_mem>>
      %dma_wait3A_4488 = arith.constant 0 : i32
      %dma_wait3A_4489 = tpu.memref_slice %arg5[%mul3A_2, %dma_wait3A_4488] : memref<3276800x128xf32, #tpu.memory_space<hbm>> -> memref<128x128xf32, #tpu.memory_space<hbm>>
      %dma_wait3A_4490 = arith.constant 0 : i32
      %dma_wait3A_4491 = arith.constant 0 : i32
      %dma_wait3A_4492 = tpu.memref_slice %arg9[%dma_wait3A_4478, %dma_wait3A_4490, %dma_wait3A_4491] : memref<5x128x128xf32, #tpu.memory_space<vmem>> -> memref<1x128x128xf32, #tpu.memory_space<vmem>>
      %dma_wait3A_4493 = tpu.memref_squeeze %dma_wait3A_4492 : memref<1x128x128xf32, #tpu.memory_space<vmem>> -> memref<128x128xf32, #tpu.memory_space<vmem>>
      tpu.wait_dma2 semaphore(%dma_wait3A_4487 : memref<!tpu.dma_semaphore, #tpu.memory_space<semaphore_mem>>) src(%dma_wait3A_4493 : memref<128x128xf32, #tpu.memory_space<vmem>>) dst(%dma_wait3A_4489 : memref<128x128xf32, #tpu.memory_space<hbm>>)
      %dma_start3A_4494 = arith.constant 1 : i32
      %dma_start3A_4495 = arith.constant 1 : i32
      %dma_start3A_4496 = arith.constant 1 : i32
      %dma_start3A_4497 = arith.constant 0 : i32
      %dma_start3A_4498 = arith.constant 0 : i32
      %dma_start3A_4499 = tpu.memref_slice %arg9[%dma_start3A_4495, %dma_start3A_4497, %dma_start3A_4498] : memref<5x128x128xf32, #tpu.memory_space<vmem>> -> memref<1x128x128xf32, #tpu.memory_space<vmem>>
      %dma_start3A_4500 = tpu.memref_squeeze %dma_start3A_4499 : memref<1x128x128xf32, #tpu.memory_space<vmem>> -> memref<128x128xf32, #tpu.memory_space<vmem>>
      %dma_start3A_4501 = arith.constant 0 : i32
      %dma_start3A_4502 = tpu.memref_slice %arg8[%dma_start3A_4494, %dma_start3A_4501] : memref<5x128xi32, #tpu.memory_space<vmem>> -> memref<1x128xi32, #tpu.memory_space<vmem>>
      %dma_start3A_4503 = tpu.memref_squeeze %dma_start3A_4502 : memref<1x128xi32, #tpu.memory_space<vmem>> -> memref<128xi32, #tpu.memory_space<vmem>>
      %dma_start3A_4504 = arith.constant 0 : i32
      %dma_start3A_4505 = arith.constant 0 : i32
      %dma_start3A_4506 = tpu.memref_slice %arg10[%dma_start3A_4504, %dma_start3A_4505] : memref<75x128xf32, #tpu.memory_space<vmem_shared>> -> memref<75x128xf32, #tpu.memory_space<vmem_shared>>
      %dma_start3A_4507 = tpu.memref_slice %arg12[%dma_start3A_4496] : memref<5x!tpu.dma_semaphore, #tpu.memory_space<semaphore_mem>> -> memref<1x!tpu.dma_semaphore, #tpu.memory_space<semaphore_mem>>
      %dma_start3A_4508 = tpu.memref_squeeze %dma_start3A_4507 : memref<1x!tpu.dma_semaphore, #tpu.memory_space<semaphore_mem>> -> memref<!tpu.dma_semaphore, #tpu.memory_space<semaphore_mem>>
      tpu.enqueue_indirect_dma source(%dma_start3A_4506 : memref<75x128xf32, #tpu.memory_space<vmem_shared>>) target(%dma_start3A_4500 : memref<128x128xf32, #tpu.memory_space<vmem>>) offsets(%dma_start3A_4503 : memref<128xi32, #tpu.memory_space<vmem>>) semaphore(%dma_start3A_4508 : memref<!tpu.dma_semaphore, #tpu.memory_space<semaphore_mem>>)
    }
    %scan3A_2229 = arith.constant 158 : i32
    %dma_wait3A_2230 = arith.constant 0 : i32
    %dma_wait3A_2231 = arith.constant 0 : i32
    %dma_wait3A_2232 = arith.constant 0 : i32
    %dma_wait3A_2233 = arith.constant 0 : i32
    %dma_wait3A_2234 = arith.constant 0 : i32
    %dma_wait3A_2235 = tpu.memref_slice %arg9[%dma_wait3A_2231, %dma_wait3A_2233, %dma_wait3A_2234] : memref<5x128x128xf32, #tpu.memory_space<vmem>> -> memref<1x128x128xf32, #tpu.memory_space<vmem>>
    %dma_wait3A_2236 = tpu.memref_squeeze %dma_wait3A_2235 : memref<1x128x128xf32, #tpu.memory_space<vmem>> -> memref<128x128xf32, #tpu.memory_space<vmem>>
    %dma_wait3A_2237 = arith.constant 0 : i32
    %dma_wait3A_2238 = tpu.memref_slice %arg8[%dma_wait3A_2230, %dma_wait3A_2237] : memref<5x128xi32, #tpu.memory_space<vmem>> -> memref<1x128xi32, #tpu.memory_space<vmem>>
    %dma_wait3A_2239 = tpu.memref_squeeze %dma_wait3A_2238 : memref<1x128xi32, #tpu.memory_space<vmem>> -> memref<128xi32, #tpu.memory_space<vmem>>
    %dma_wait3A_2240 = arith.constant 0 : i32
    %dma_wait3A_2241 = arith.constant 0 : i32
    %dma_wait3A_2242 = tpu.memref_slice %arg10[%dma_wait3A_2240, %dma_wait3A_2241] : memref<75x128xf32, #tpu.memory_space<vmem_shared>> -> memref<75x128xf32, #tpu.memory_space<vmem_shared>>
    %dma_wait3A_2243 = tpu.memref_slice %arg12[%dma_wait3A_2232] : memref<5x!tpu.dma_semaphore, #tpu.memory_space<semaphore_mem>> -> memref<1x!tpu.dma_semaphore, #tpu.memory_space<semaphore_mem>>
    %dma_wait3A_2244 = tpu.memref_squeeze %dma_wait3A_2243 : memref<1x!tpu.dma_semaphore, #tpu.memory_space<semaphore_mem>> -> memref<!tpu.dma_semaphore, #tpu.memory_space<semaphore_mem>>
    tpu.wait_indirect_dma semaphore(%dma_wait3A_2244 : memref<!tpu.dma_semaphore, #tpu.memory_space<semaphore_mem>>) src(%dma_wait3A_2242 : memref<75x128xf32, #tpu.memory_space<vmem_shared>>) dst(%dma_wait3A_2236 : memref<128x128xf32, #tpu.memory_space<vmem>>)
    %add3A_2245 = arith.constant 101760 : i32
    %add3A_2246 = arith.addi %mul3A_2, %add3A_2245 : i32
    %dma_start3A_2247 = arith.constant 0 : i32
    %dma_start3A_2248 = arith.constant 0 : i32
    %dma_start3A_2249 = arith.constant 0 : i32
    %dma_start3A_2250 = arith.constant 0 : i32
    %dma_start3A_2251 = tpu.memref_slice %arg9[%dma_start3A_2247, %dma_start3A_2249, %dma_start3A_2250] : memref<5x128x128xf32, #tpu.memory_space<vmem>> -> memref<1x128x128xf32, #tpu.memory_space<vmem>>
    %dma_start3A_2252 = tpu.memref_squeeze %dma_start3A_2251 : memref<1x128x128xf32, #tpu.memory_space<vmem>> -> memref<128x128xf32, #tpu.memory_space<vmem>>
    %dma_start3A_2253 = arith.constant 0 : i32
    %dma_start3A_2254 = tpu.memref_slice %arg5[%add3A_2246, %dma_start3A_2253] : memref<3276800x128xf32, #tpu.memory_space<hbm>> -> memref<128x128xf32, #tpu.memory_space<hbm>>
    %dma_start3A_2255 = tpu.memref_slice %arg13[%dma_start3A_2248] : memref<5x!tpu.dma_semaphore, #tpu.memory_space<semaphore_mem>> -> memref<1x!tpu.dma_semaphore, #tpu.memory_space<semaphore_mem>>
    %dma_start3A_2256 = tpu.memref_squeeze %dma_start3A_2255 : memref<1x!tpu.dma_semaphore, #tpu.memory_space<semaphore_mem>> -> memref<!tpu.dma_semaphore, #tpu.memory_space<semaphore_mem>>
    %dma_start3A_2257 = arith.constant 0 : i32
    %dma_start3A_2258 = tpu.memref_slice %arg5[%add3A_2246, %dma_start3A_2257] : memref<3276800x128xf32, #tpu.memory_space<hbm>> -> memref<128x128xf32, #tpu.memory_space<hbm>>
    %dma_start3A_2259 = arith.constant 0 : i32
    %dma_start3A_2260 = arith.constant 0 : i32
    %dma_start3A_2261 = tpu.memref_slice %arg9[%dma_start3A_2247, %dma_start3A_2259, %dma_start3A_2260] : memref<5x128x128xf32, #tpu.memory_space<vmem>> -> memref<1x128x128xf32, #tpu.memory_space<vmem>>
    %dma_start3A_2262 = tpu.memref_squeeze %dma_start3A_2261 : memref<1x128x128xf32, #tpu.memory_space<vmem>> -> memref<128x128xf32, #tpu.memory_space<vmem>>
    tpu.enqueue_dma source(%dma_start3A_2262 : memref<128x128xf32, #tpu.memory_space<vmem>>) target(%dma_start3A_2258 : memref<128x128xf32, #tpu.memory_space<hbm>>) target_semaphore(%dma_start3A_2256 : memref<!tpu.dma_semaphore, #tpu.memory_space<semaphore_mem>>)
    %dma_wait3A_2263 = arith.constant 3 : i32
    %dma_wait3A_2264 = arith.constant 3 : i32
    %dma_wait3A_2265 = arith.constant 0 : i32
    %dma_wait3A_2266 = tpu.memref_slice %arg6[%dma_wait3A_2263, %dma_wait3A_2265] : memref<5x128xi32, #tpu.memory_space<vmem>> -> memref<1x128xi32, #tpu.memory_space<vmem>>
    %dma_wait3A_2267 = tpu.memref_squeeze %dma_wait3A_2266 : memref<1x128xi32, #tpu.memory_space<vmem>> -> memref<128xi32, #tpu.memory_space<vmem>>
    %dma_wait3A_2268 = tpu.memref_slice %arg2[%mul3A_2] : memref<3276800xi32, #tpu.memory_space<hbm>> -> memref<128xi32, #tpu.memory_space<hbm>>
    %dma_wait3A_2269 = tpu.memref_slice %arg11[%dma_wait3A_2264] : memref<5x!tpu.dma_semaphore, #tpu.memory_space<semaphore_mem>> -> memref<1x!tpu.dma_semaphore, #tpu.memory_space<semaphore_mem>>
    %dma_wait3A_2270 = tpu.memref_squeeze %dma_wait3A_2269 : memref<1x!tpu.dma_semaphore, #tpu.memory_space<semaphore_mem>> -> memref<!tpu.dma_semaphore, #tpu.memory_space<semaphore_mem>>
    %dma_wait3A_2271 = arith.constant 0 : i32
    %dma_wait3A_2272 = tpu.memref_slice %arg6[%dma_wait3A_2263, %dma_wait3A_2271] : memref<5x128xi32, #tpu.memory_space<vmem>> -> memref<1x128xi32, #tpu.memory_space<vmem>>
    %dma_wait3A_2273 = tpu.memref_squeeze %dma_wait3A_2272 : memref<1x128xi32, #tpu.memory_space<vmem>> -> memref<128xi32, #tpu.memory_space<vmem>>
    %dma_wait3A_2274 = tpu.memref_slice %arg2[%mul3A_2] : memref<3276800xi32, #tpu.memory_space<hbm>> -> memref<128xi32, #tpu.memory_space<hbm>>
    tpu.wait_dma2 semaphore(%dma_wait3A_2270 : memref<!tpu.dma_semaphore, #tpu.memory_space<semaphore_mem>>) src(%dma_wait3A_2274 : memref<128xi32, #tpu.memory_space<hbm>>) dst(%dma_wait3A_2273 : memref<128xi32, #tpu.memory_space<vmem>>)
    %dma_wait3A_2275 = arith.constant 3 : i32
    %dma_wait3A_2276 = arith.constant 3 : i32
    %dma_wait3A_2277 = arith.constant 0 : i32
    %dma_wait3A_2278 = tpu.memref_slice %arg7[%dma_wait3A_2275, %dma_wait3A_2277] : memref<5x128xi32, #tpu.memory_space<vmem>> -> memref<1x128xi32, #tpu.memory_space<vmem>>
    %dma_wait3A_2279 = tpu.memref_squeeze %dma_wait3A_2278 : memref<1x128xi32, #tpu.memory_space<vmem>> -> memref<128xi32, #tpu.memory_space<vmem>>
    %dma_wait3A_2280 = tpu.memref_slice %arg3[%mul3A_2] : memref<3276800xi32, #tpu.memory_space<hbm>> -> memref<128xi32, #tpu.memory_space<hbm>>
    %dma_wait3A_2281 = tpu.memref_slice %arg11[%dma_wait3A_2276] : memref<5x!tpu.dma_semaphore, #tpu.memory_space<semaphore_mem>> -> memref<1x!tpu.dma_semaphore, #tpu.memory_space<semaphore_mem>>
    %dma_wait3A_2282 = tpu.memref_squeeze %dma_wait3A_2281 : memref<1x!tpu.dma_semaphore, #tpu.memory_space<semaphore_mem>> -> memref<!tpu.dma_semaphore, #tpu.memory_space<semaphore_mem>>
    %dma_wait3A_2283 = arith.constant 0 : i32
    %dma_wait3A_2284 = tpu.memref_slice %arg7[%dma_wait3A_2275, %dma_wait3A_2283] : memref<5x128xi32, #tpu.memory_space<vmem>> -> memref<1x128xi32, #tpu.memory_space<vmem>>
    %dma_wait3A_2285 = tpu.memref_squeeze %dma_wait3A_2284 : memref<1x128xi32, #tpu.memory_space<vmem>> -> memref<128xi32, #tpu.memory_space<vmem>>
    %dma_wait3A_2286 = tpu.memref_slice %arg3[%mul3A_2] : memref<3276800xi32, #tpu.memory_space<hbm>> -> memref<128xi32, #tpu.memory_space<hbm>>
    tpu.wait_dma2 semaphore(%dma_wait3A_2282 : memref<!tpu.dma_semaphore, #tpu.memory_space<semaphore_mem>>) src(%dma_wait3A_2286 : memref<128xi32, #tpu.memory_space<hbm>>) dst(%dma_wait3A_2285 : memref<128xi32, #tpu.memory_space<vmem>>)
    %get3A_2287 = arith.constant 3 : i32
    %get3A_2288 = arith.index_cast %get3A_2287 : i32 to index
    %get3A_2289 = arith.constant 0 : index
    %get3A_2290 = tpu.vector_load %arg6[%get3A_2288, %get3A_2289] {strides = array<i32>} : memref<5x128xi32, #tpu.memory_space<vmem>>, vector<1x16xi32>,
    %get3A_2291 = vector.shape_cast %get3A_2290 : vector<1x16xi32> to vector<16xi32>
    %mul3A_2292 = arith.constant 5 : i32
    %mul3A_2293 = vector.broadcast %mul3A_2292 : i32 to vector<16xi32>
    %mul3A_2294 = arith.muli %get3A_2291, %mul3A_2293 : vector<16xi32>
    %get3A_2295 = arith.constant 3 : i32
    %get3A_2296 = arith.index_cast %get3A_2295 : i32 to index
    %get3A_2297 = arith.constant 0 : index
    %get3A_2298 = tpu.vector_load %arg7[%get3A_2296, %get3A_2297] {strides = array<i32>} : memref<5x128xi32, #tpu.memory_space<vmem>>, vector<1x16xi32>,
    %get3A_2299 = vector.shape_cast %get3A_2298 : vector<1x16xi32> to vector<16xi32>
    %add3A_2300 = arith.addi %mul3A_2294, %get3A_2299 : vector<16xi32>
    %sub3A_2301 = arith.constant 1 : i32
    %sub3A_2302 = vector.broadcast %sub3A_2301 : i32 to vector<16xi32>
    %sub3A_2303 = arith.subi %add3A_2300, %sub3A_2302 : vector<16xi32>
    %swap3A_2304 = arith.constant 3 : i32
    %swap3A_2305 = arith.index_cast %swap3A_2304 : i32 to index
    %swap3A_2306 = arith.constant 0 : index
    %swap3A_2307 = tpu.vector_load %arg8[%swap3A_2305, %swap3A_2306] {strides = array<i32>} : memref<5x128xi32, #tpu.memory_space<vmem>>, vector<1x16xi32>,
    %swap3A_2308 = vector.shape_cast %swap3A_2307 : vector<1x16xi32> to vector<16xi32>
    %swap3A_2309 = vector.shape_cast %sub3A_2303 : vector<16xi32> to vector<1x16xi32>
    tpu.vector_store %arg8[%swap3A_2305, %swap3A_2306], %swap3A_2309 {strides = array<i32>} : memref<5x128xi32, #tpu.memory_space<vmem>>, vector<1x16xi32>,
    %get3A_2310 = arith.constant 3 : i32
    %get3A_2311 = arith.index_cast %get3A_2310 : i32 to index
    %get3A_2312 = arith.constant 16 : index
    %get3A_2313 = tpu.vector_load %arg6[%get3A_2311, %get3A_2312] {strides = array<i32>} : memref<5x128xi32, #tpu.memory_space<vmem>>, vector<1x16xi32>,
    %get3A_2314 = vector.shape_cast %get3A_2313 : vector<1x16xi32> to vector<16xi32>
    %mul3A_2315 = arith.constant 5 : i32
    %mul3A_2316 = vector.broadcast %mul3A_2315 : i32 to vector<16xi32>
    %mul3A_2317 = arith.muli %get3A_2314, %mul3A_2316 : vector<16xi32>
    %get3A_2318 = arith.constant 3 : i32
    %get3A_2319 = arith.index_cast %get3A_2318 : i32 to index
    %get3A_2320 = arith.constant 16 : index
    %get3A_2321 = tpu.vector_load %arg7[%get3A_2319, %get3A_2320] {strides = array<i32>} : memref<5x128xi32, #tpu.memory_space<vmem>>, vector<1x16xi32>,
    %get3A_2322 = vector.shape_cast %get3A_2321 : vector<1x16xi32> to vector<16xi32>
    %add3A_2323 = arith.addi %mul3A_2317, %get3A_2322 : vector<16xi32>
    %sub3A_2324 = arith.constant 1 : i32
    %sub3A_2325 = vector.broadcast %sub3A_2324 : i32 to vector<16xi32>
    %sub3A_2326 = arith.subi %add3A_2323, %sub3A_2325 : vector<16xi32>
    %swap3A_2327 = arith.constant 3 : i32
    %swap3A_2328 = arith.index_cast %swap3A_2327 : i32 to index
    %swap3A_2329 = arith.constant 16 : index
    %swap3A_2330 = tpu.vector_load %arg8[%swap3A_2328, %swap3A_2329] {strides = array<i32>} : memref<5x128xi32, #tpu.memory_space<vmem>>, vector<1x16xi32>,
    %swap3A_2331 = vector.shape_cast %swap3A_2330 : vector<1x16xi32> to vector<16xi32>
    %swap3A_2332 = vector.shape_cast %sub3A_2326 : vector<16xi32> to vector<1x16xi32>
    tpu.vector_store %arg8[%swap3A_2328, %swap3A_2329], %swap3A_2332 {strides = array<i32>} : memref<5x128xi32, #tpu.memory_space<vmem>>, vector<1x16xi32>,
    %get3A_2333 = arith.constant 3 : i32
    %get3A_2334 = arith.index_cast %get3A_2333 : i32 to index
    %get3A_2335 = arith.constant 32 : index
    %get3A_2336 = tpu.vector_load %arg6[%get3A_2334, %get3A_2335] {strides = array<i32>} : memref<5x128xi32, #tpu.memory_space<vmem>>, vector<1x16xi32>,
    %get3A_2337 = vector.shape_cast %get3A_2336 : vector<1x16xi32> to vector<16xi32>
    %mul3A_2338 = arith.constant 5 : i32
    %mul3A_2339 = vector.broadcast %mul3A_2338 : i32 to vector<16xi32>
    %mul3A_2340 = arith.muli %get3A_2337, %mul3A_2339 : vector<16xi32>
    %get3A_2341 = arith.constant 3 : i32
    %get3A_2342 = arith.index_cast %get3A_2341 : i32 to index
    %get3A_2343 = arith.constant 32 : index
    %get3A_2344 = tpu.vector_load %arg7[%get3A_2342, %get3A_2343] {strides = array<i32>} : memref<5x128xi32, #tpu.memory_space<vmem>>, vector<1x16xi32>,
    %get3A_2345 = vector.shape_cast %get3A_2344 : vector<1x16xi32> to vector<16xi32>
    %add3A_2346 = arith.addi %mul3A_2340, %get3A_2345 : vector<16xi32>
    %sub3A_2347 = arith.constant 1 : i32
    %sub3A_2348 = vector.broadcast %sub3A_2347 : i32 to vector<16xi32>
    %sub3A_2349 = arith.subi %add3A_2346, %sub3A_2348 : vector<16xi32>
    %swap3A_2350 = arith.constant 3 : i32
    %swap3A_2351 = arith.index_cast %swap3A_2350 : i32 to index
    %swap3A_2352 = arith.constant 32 : index
    %swap3A_2353 = tpu.vector_load %arg8[%swap3A_2351, %swap3A_2352] {strides = array<i32>} : memref<5x128xi32, #tpu.memory_space<vmem>>, vector<1x16xi32>,
    %swap3A_2354 = vector.shape_cast %swap3A_2353 : vector<1x16xi32> to vector<16xi32>
    %swap3A_2355 = vector.shape_cast %sub3A_2349 : vector<16xi32> to vector<1x16xi32>
    tpu.vector_store %arg8[%swap3A_2351, %swap3A_2352], %swap3A_2355 {strides = array<i32>} : memref<5x128xi32, #tpu.memory_space<vmem>>, vector<1x16xi32>,
    %get3A_2356 = arith.constant 3 : i32
    %get3A_2357 = arith.index_cast %get3A_2356 : i32 to index
    %get3A_2358 = arith.constant 48 : index
    %get3A_2359 = tpu.vector_load %arg6[%get3A_2357, %get3A_2358] {strides = array<i32>} : memref<5x128xi32, #tpu.memory_space<vmem>>, vector<1x16xi32>,
    %get3A_2360 = vector.shape_cast %get3A_2359 : vector<1x16xi32> to vector<16xi32>
    %mul3A_2361 = arith.constant 5 : i32
    %mul3A_2362 = vector.broadcast %mul3A_2361 : i32 to vector<16xi32>
    %mul3A_2363 = arith.muli %get3A_2360, %mul3A_2362 : vector<16xi32>
    %get3A_2364 = arith.constant 3 : i32
    %get3A_2365 = arith.index_cast %get3A_2364 : i32 to index
    %get3A_2366 = arith.constant 48 : index
    %get3A_2367 = tpu.vector_load %arg7[%get3A_2365, %get3A_2366] {strides = array<i32>} : memref<5x128xi32, #tpu.memory_space<vmem>>, vector<1x16xi32>,
    %get3A_2368 = vector.shape_cast %get3A_2367 : vector<1x16xi32> to vector<16xi32>
    %add3A_2369 = arith.addi %mul3A_2363, %get3A_2368 : vector<16xi32>
    %sub3A_2370 = arith.constant 1 : i32
    %sub3A_2371 = vector.broadcast %sub3A_2370 : i32 to vector<16xi32>
    %sub3A_2372 = arith.subi %add3A_2369, %sub3A_2371 : vector<16xi32>
    %swap3A_2373 = arith.constant 3 : i32
    %swap3A_2374 = arith.index_cast %swap3A_2373 : i32 to index
    %swap3A_2375 = arith.constant 48 : index
    %swap3A_2376 = tpu.vector_load %arg8[%swap3A_2374, %swap3A_2375] {strides = array<i32>} : memref<5x128xi32, #tpu.memory_space<vmem>>, vector<1x16xi32>,
    %swap3A_2377 = vector.shape_cast %swap3A_2376 : vector<1x16xi32> to vector<16xi32>
    %swap3A_2378 = vector.shape_cast %sub3A_2372 : vector<16xi32> to vector<1x16xi32>
    tpu.vector_store %arg8[%swap3A_2374, %swap3A_2375], %swap3A_2378 {strides = array<i32>} : memref<5x128xi32, #tpu.memory_space<vmem>>, vector<1x16xi32>,
    %get3A_2379 = arith.constant 3 : i32
    %get3A_2380 = arith.index_cast %get3A_2379 : i32 to index
    %get3A_2381 = arith.constant 64 : index
    %get3A_2382 = tpu.vector_load %arg6[%get3A_2380, %get3A_2381] {strides = array<i32>} : memref<5x128xi32, #tpu.memory_space<vmem>>, vector<1x16xi32>,
    %get3A_2383 = vector.shape_cast %get3A_2382 : vector<1x16xi32> to vector<16xi32>
    %mul3A_2384 = arith.constant 5 : i32
    %mul3A_2385 = vector.broadcast %mul3A_2384 : i32 to vector<16xi32>
    %mul3A_2386 = arith.muli %get3A_2383, %mul3A_2385 : vector<16xi32>
    %get3A_2387 = arith.constant 3 : i32
    %get3A_2388 = arith.index_cast %get3A_2387 : i32 to index
    %get3A_2389 = arith.constant 64 : index
    %get3A_2390 = tpu.vector_load %arg7[%get3A_2388, %get3A_2389] {strides = array<i32>} : memref<5x128xi32, #tpu.memory_space<vmem>>, vector<1x16xi32>,
    %get3A_2391 = vector.shape_cast %get3A_2390 : vector<1x16xi32> to vector<16xi32>
    %add3A_2392 = arith.addi %mul3A_2386, %get3A_2391 : vector<16xi32>
    %sub3A_2393 = arith.constant 1 : i32
    %sub3A_2394 = vector.broadcast %sub3A_2393 : i32 to vector<16xi32>
    %sub3A_2395 = arith.subi %add3A_2392, %sub3A_2394 : vector<16xi32>
    %swap3A_2396 = arith.constant 3 : i32
    %swap3A_2397 = arith.index_cast %swap3A_2396 : i32 to index
    %swap3A_2398 = arith.constant 64 : index
    %swap3A_2399 = tpu.vector_load %arg8[%swap3A_2397, %swap3A_2398] {strides = array<i32>} : memref<5x128xi32, #tpu.memory_space<vmem>>, vector<1x16xi32>,
    %swap3A_2400 = vector.shape_cast %swap3A_2399 : vector<1x16xi32> to vector<16xi32>
    %swap3A_2401 = vector.shape_cast %sub3A_2395 : vector<16xi32> to vector<1x16xi32>
    tpu.vector_store %arg8[%swap3A_2397, %swap3A_2398], %swap3A_2401 {strides = array<i32>} : memref<5x128xi32, #tpu.memory_space<vmem>>, vector<1x16xi32>,
    %get3A_2402 = arith.constant 3 : i32
    %get3A_2403 = arith.index_cast %get3A_2402 : i32 to index
    %get3A_2404 = arith.constant 80 : index
    %get3A_2405 = tpu.vector_load %arg6[%get3A_2403, %get3A_2404] {strides = array<i32>} : memref<5x128xi32, #tpu.memory_space<vmem>>, vector<1x16xi32>,
    %get3A_2406 = vector.shape_cast %get3A_2405 : vector<1x16xi32> to vector<16xi32>
    %mul3A_2407 = arith.constant 5 : i32
    %mul3A_2408 = vector.broadcast %mul3A_2407 : i32 to vector<16xi32>
    %mul3A_2409 = arith.muli %get3A_2406, %mul3A_2408 : vector<16xi32>
    %get3A_2410 = arith.constant 3 : i32
    %get3A_2411 = arith.index_cast %get3A_2410 : i32 to index
    %get3A_2412 = arith.constant 80 : index
    %get3A_2413 = tpu.vector_load %arg7[%get3A_2411, %get3A_2412] {strides = array<i32>} : memref<5x128xi32, #tpu.memory_space<vmem>>, vector<1x16xi32>,
    %get3A_2414 = vector.shape_cast %get3A_2413 : vector<1x16xi32> to vector<16xi32>
    %add3A_2415 = arith.addi %mul3A_2409, %get3A_2414 : vector<16xi32>
    %sub3A_2416 = arith.constant 1 : i32
    %sub3A_2417 = vector.broadcast %sub3A_2416 : i32 to vector<16xi32>
    %sub3A_2418 = arith.subi %add3A_2415, %sub3A_2417 : vector<16xi32>
    %swap3A_2419 = arith.constant 3 : i32
    %swap3A_2420 = arith.index_cast %swap3A_2419 : i32 to index
    %swap3A_2421 = arith.constant 80 : index
    %swap3A_2422 = tpu.vector_load %arg8[%swap3A_2420, %swap3A_2421] {strides = array<i32>} : memref<5x128xi32, #tpu.memory_space<vmem>>, vector<1x16xi32>,
    %swap3A_2423 = vector.shape_cast %swap3A_2422 : vector<1x16xi32> to vector<16xi32>
    %swap3A_2424 = vector.shape_cast %sub3A_2418 : vector<16xi32> to vector<1x16xi32>
    tpu.vector_store %arg8[%swap3A_2420, %swap3A_2421], %swap3A_2424 {strides = array<i32>} : memref<5x128xi32, #tpu.memory_space<vmem>>, vector<1x16xi32>,
    %get3A_2425 = arith.constant 3 : i32
    %get3A_2426 = arith.index_cast %get3A_2425 : i32 to index
    %get3A_2427 = arith.constant 96 : index
    %get3A_2428 = tpu.vector_load %arg6[%get3A_2426, %get3A_2427] {strides = array<i32>} : memref<5x128xi32, #tpu.memory_space<vmem>>, vector<1x16xi32>,
    %get3A_2429 = vector.shape_cast %get3A_2428 : vector<1x16xi32> to vector<16xi32>
    %mul3A_2430 = arith.constant 5 : i32
    %mul3A_2431 = vector.broadcast %mul3A_2430 : i32 to vector<16xi32>
    %mul3A_2432 = arith.muli %get3A_2429, %mul3A_2431 : vector<16xi32>
    %get3A_2433 = arith.constant 3 : i32
    %get3A_2434 = arith.index_cast %get3A_2433 : i32 to index
    %get3A_2435 = arith.constant 96 : index
    %get3A_2436 = tpu.vector_load %arg7[%get3A_2434, %get3A_2435] {strides = array<i32>} : memref<5x128xi32, #tpu.memory_space<vmem>>, vector<1x16xi32>,
    %get3A_2437 = vector.shape_cast %get3A_2436 : vector<1x16xi32> to vector<16xi32>
    %add3A_2438 = arith.addi %mul3A_2432, %get3A_2437 : vector<16xi32>
    %sub3A_2439 = arith.constant 1 : i32
    %sub3A_2440 = vector.broadcast %sub3A_2439 : i32 to vector<16xi32>
    %sub3A_2441 = arith.subi %add3A_2438, %sub3A_2440 : vector<16xi32>
    %swap3A_2442 = arith.constant 3 : i32
    %swap3A_2443 = arith.index_cast %swap3A_2442 : i32 to index
    %swap3A_2444 = arith.constant 96 : index
    %swap3A_2445 = tpu.vector_load %arg8[%swap3A_2443, %swap3A_2444] {strides = array<i32>} : memref<5x128xi32, #tpu.memory_space<vmem>>, vector<1x16xi32>,
    %swap3A_2446 = vector.shape_cast %swap3A_2445 : vector<1x16xi32> to vector<16xi32>
    %swap3A_2447 = vector.shape_cast %sub3A_2441 : vector<16xi32> to vector<1x16xi32>
    tpu.vector_store %arg8[%swap3A_2443, %swap3A_2444], %swap3A_2447 {strides = array<i32>} : memref<5x128xi32, #tpu.memory_space<vmem>>, vector<1x16xi32>,
    %get3A_2448 = arith.constant 3 : i32
    %get3A_2449 = arith.index_cast %get3A_2448 : i32 to index
    %get3A_2450 = arith.constant 112 : index
    %get3A_2451 = tpu.vector_load %arg6[%get3A_2449, %get3A_2450] {strides = array<i32>} : memref<5x128xi32, #tpu.memory_space<vmem>>, vector<1x16xi32>,
    %get3A_2452 = vector.shape_cast %get3A_2451 : vector<1x16xi32> to vector<16xi32>
    %mul3A_2453 = arith.constant 5 : i32
    %mul3A_2454 = vector.broadcast %mul3A_2453 : i32 to vector<16xi32>
    %mul3A_2455 = arith.muli %get3A_2452, %mul3A_2454 : vector<16xi32>
    %get3A_2456 = arith.constant 3 : i32
    %get3A_2457 = arith.index_cast %get3A_2456 : i32 to index
    %get3A_2458 = arith.constant 112 : index
    %get3A_2459 = tpu.vector_load %arg7[%get3A_2457, %get3A_2458] {strides = array<i32>} : memref<5x128xi32, #tpu.memory_space<vmem>>, vector<1x16xi32>,
    %get3A_2460 = vector.shape_cast %get3A_2459 : vector<1x16xi32> to vector<16xi32>
    %add3A_2461 = arith.addi %mul3A_2455, %get3A_2460 : vector<16xi32>
    %sub3A_2462 = arith.constant 1 : i32
    %sub3A_2463 = vector.broadcast %sub3A_2462 : i32 to vector<16xi32>
    %sub3A_2464 = arith.subi %add3A_2461, %sub3A_2463 : vector<16xi32>
    %swap3A_2465 = arith.constant 3 : i32
    %swap3A_2466 = arith.index_cast %swap3A_2465 : i32 to index
    %swap3A_2467 = arith.constant 112 : index
    %swap3A_2468 = tpu.vector_load %arg8[%swap3A_2466, %swap3A_2467] {strides = array<i32>} : memref<5x128xi32, #tpu.memory_space<vmem>>, vector<1x16xi32>,
    %swap3A_2469 = vector.shape_cast %swap3A_2468 : vector<1x16xi32> to vector<16xi32>
    %swap3A_2470 = vector.shape_cast %sub3A_2464 : vector<16xi32> to vector<1x16xi32>
    tpu.vector_store %arg8[%swap3A_2466, %swap3A_2467], %swap3A_2470 {strides = array<i32>} : memref<5x128xi32, #tpu.memory_space<vmem>>, vector<1x16xi32>,
    %dma_wait3A_2471 = arith.constant 2 : i32
    %dma_wait3A_2472 = arith.constant 2 : i32
    %dma_wait3A_2473 = arith.constant 0 : i32
    %dma_wait3A_2474 = arith.constant 0 : i32
    %dma_wait3A_2475 = tpu.memref_slice %arg9[%dma_wait3A_2471, %dma_wait3A_2473, %dma_wait3A_2474] : memref<5x128x128xf32, #tpu.memory_space<vmem>> -> memref<1x128x128xf32, #tpu.memory_space<vmem>>
    %dma_wait3A_2476 = tpu.memref_squeeze %dma_wait3A_2475 : memref<1x128x128xf32, #tpu.memory_space<vmem>> -> memref<128x128xf32, #tpu.memory_space<vmem>>
    %dma_wait3A_2477 = arith.constant 0 : i32
    %dma_wait3A_2478 = tpu.memref_slice %arg5[%mul3A_2, %dma_wait3A_2477] : memref<3276800x128xf32, #tpu.memory_space<hbm>> -> memref<128x128xf32, #tpu.memory_space<hbm>>
    %dma_wait3A_2479 = tpu.memref_slice %arg13[%dma_wait3A_2472] : memref<5x!tpu.dma_semaphore, #tpu.memory_space<semaphore_mem>> -> memref<1x!tpu.dma_semaphore, #tpu.memory_space<semaphore_mem>>
    %dma_wait3A_2480 = tpu.memref_squeeze %dma_wait3A_2479 : memref<1x!tpu.dma_semaphore, #tpu.memory_space<semaphore_mem>> -> memref<!tpu.dma_semaphore, #tpu.memory_space<semaphore_mem>>
    %dma_wait3A_2481 = arith.constant 0 : i32
    %dma_wait3A_2482 = tpu.memref_slice %arg5[%mul3A_2, %dma_wait3A_2481] : memref<3276800x128xf32, #tpu.memory_space<hbm>> -> memref<128x128xf32, #tpu.memory_space<hbm>>
    %dma_wait3A_2483 = arith.constant 0 : i32
    %dma_wait3A_2484 = arith.constant 0 : i32
    %dma_wait3A_2485 = tpu.memref_slice %arg9[%dma_wait3A_2471, %dma_wait3A_2483, %dma_wait3A_2484] : memref<5x128x128xf32, #tpu.memory_space<vmem>> -> memref<1x128x128xf32, #tpu.memory_space<vmem>>
    %dma_wait3A_2486 = tpu.memref_squeeze %dma_wait3A_2485 : memref<1x128x128xf32, #tpu.memory_space<vmem>> -> memref<128x128xf32, #tpu.memory_space<vmem>>
    tpu.wait_dma2 semaphore(%dma_wait3A_2480 : memref<!tpu.dma_semaphore, #tpu.memory_space<semaphore_mem>>) src(%dma_wait3A_2486 : memref<128x128xf32, #tpu.memory_space<vmem>>) dst(%dma_wait3A_2482 : memref<128x128xf32, #tpu.memory_space<hbm>>)
    %dma_start3A_2487 = arith.constant 2 : i32
    %dma_start3A_2488 = arith.constant 2 : i32
    %dma_start3A_2489 = arith.constant 2 : i32
    %dma_start3A_2490 = arith.constant 0 : i32
    %dma_start3A_2491 = arith.constant 0 : i32
    %dma_start3A_2492 = tpu.memref_slice %arg9[%dma_start3A_2488, %dma_start3A_2490, %dma_start3A_2491] : memref<5x128x128xf32, #tpu.memory_space<vmem>> -> memref<1x128x128xf32, #tpu.memory_space<vmem>>
    %dma_start3A_2493 = tpu.memref_squeeze %dma_start3A_2492 : memref<1x128x128xf32, #tpu.memory_space<vmem>> -> memref<128x128xf32, #tpu.memory_space<vmem>>
    %dma_start3A_2494 = arith.constant 0 : i32
    %dma_start3A_2495 = tpu.memref_slice %arg8[%dma_start3A_2487, %dma_start3A_2494] : memref<5x128xi32, #tpu.memory_space<vmem>> -> memref<1x128xi32, #tpu.memory_space<vmem>>
    %dma_start3A_2496 = tpu.memref_squeeze %dma_start3A_2495 : memref<1x128xi32, #tpu.memory_space<vmem>> -> memref<128xi32, #tpu.memory_space<vmem>>
    %dma_start3A_2497 = arith.constant 0 : i32
    %dma_start3A_2498 = arith.constant 0 : i32
    %dma_start3A_2499 = tpu.memref_slice %arg10[%dma_start3A_2497, %dma_start3A_2498] : memref<75x128xf32, #tpu.memory_space<vmem_shared>> -> memref<75x128xf32, #tpu.memory_space<vmem_shared>>
    %dma_start3A_2500 = tpu.memref_slice %arg12[%dma_start3A_2489] : memref<5x!tpu.dma_semaphore, #tpu.memory_space<semaphore_mem>> -> memref<1x!tpu.dma_semaphore, #tpu.memory_space<semaphore_mem>>
    %dma_start3A_2501 = tpu.memref_squeeze %dma_start3A_2500 : memref<1x!tpu.dma_semaphore, #tpu.memory_space<semaphore_mem>> -> memref<!tpu.dma_semaphore, #tpu.memory_space<semaphore_mem>>
    tpu.enqueue_indirect_dma source(%dma_start3A_2499 : memref<75x128xf32, #tpu.memory_space<vmem_shared>>) target(%dma_start3A_2493 : memref<128x128xf32, #tpu.memory_space<vmem>>) offsets(%dma_start3A_2496 : memref<128xi32, #tpu.memory_space<vmem>>) semaphore(%dma_start3A_2501 : memref<!tpu.dma_semaphore, #tpu.memory_space<semaphore_mem>>)
    %dma_wait3A_2502 = arith.constant 1 : i32
    %dma_wait3A_2503 = arith.constant 1 : i32
    %dma_wait3A_2504 = arith.constant 1 : i32
    %dma_wait3A_2505 = arith.constant 0 : i32
    %dma_wait3A_2506 = arith.constant 0 : i32
    %dma_wait3A_2507 = tpu.memref_slice %arg9[%dma_wait3A_2503, %dma_wait3A_2505, %dma_wait3A_2506] : memref<5x128x128xf32, #tpu.memory_space<vmem>> -> memref<1x128x128xf32, #tpu.memory_space<vmem>>
    %dma_wait3A_2508 = tpu.memref_squeeze %dma_wait3A_2507 : memref<1x128x128xf32, #tpu.memory_space<vmem>> -> memref<128x128xf32, #tpu.memory_space<vmem>>
    %dma_wait3A_2509 = arith.constant 0 : i32
    %dma_wait3A_2510 = tpu.memref_slice %arg8[%dma_wait3A_2502, %dma_wait3A_2509] : memref<5x128xi32, #tpu.memory_space<vmem>> -> memref<1x128xi32, #tpu.memory_space<vmem>>
    %dma_wait3A_2511 = tpu.memref_squeeze %dma_wait3A_2510 : memref<1x128xi32, #tpu.memory_space<vmem>> -> memref<128xi32, #tpu.memory_space<vmem>>
    %dma_wait3A_2512 = arith.constant 0 : i32
    %dma_wait3A_2513 = arith.constant 0 : i32
    %dma_wait3A_2514 = tpu.memref_slice %arg10[%dma_wait3A_2512, %dma_wait3A_2513] : memref<75x128xf32, #tpu.memory_space<vmem_shared>> -> memref<75x128xf32, #tpu.memory_space<vmem_shared>>
    %dma_wait3A_2515 = tpu.memref_slice %arg12[%dma_wait3A_2504] : memref<5x!tpu.dma_semaphore, #tpu.memory_space<semaphore_mem>> -> memref<1x!tpu.dma_semaphore, #tpu.memory_space<semaphore_mem>>
    %dma_wait3A_2516 = tpu.memref_squeeze %dma_wait3A_2515 : memref<1x!tpu.dma_semaphore, #tpu.memory_space<semaphore_mem>> -> memref<!tpu.dma_semaphore, #tpu.memory_space<semaphore_mem>>
    tpu.wait_indirect_dma semaphore(%dma_wait3A_2516 : memref<!tpu.dma_semaphore, #tpu.memory_space<semaphore_mem>>) src(%dma_wait3A_2514 : memref<75x128xf32, #tpu.memory_space<vmem_shared>>) dst(%dma_wait3A_2508 : memref<128x128xf32, #tpu.memory_space<vmem>>)
    %add3A_2517 = arith.constant 101888 : i32
    %add3A_2518 = arith.addi %mul3A_2, %add3A_2517 : i32
    %dma_start3A_2519 = arith.constant 1 : i32
    %dma_start3A_2520 = arith.constant 1 : i32
    %dma_start3A_2521 = arith.constant 0 : i32
    %dma_start3A_2522 = arith.constant 0 : i32
    %dma_start3A_2523 = tpu.memref_slice %arg9[%dma_start3A_2519, %dma_start3A_2521, %dma_start3A_2522] : memref<5x128x128xf32, #tpu.memory_space<vmem>> -> memref<1x128x128xf32, #tpu.memory_space<vmem>>
    %dma_start3A_2524 = tpu.memref_squeeze %dma_start3A_2523 : memref<1x128x128xf32, #tpu.memory_space<vmem>> -> memref<128x128xf32, #tpu.memory_space<vmem>>
    %dma_start3A_2525 = arith.constant 0 : i32
    %dma_start3A_2526 = tpu.memref_slice %arg5[%add3A_2518, %dma_start3A_2525] : memref<3276800x128xf32, #tpu.memory_space<hbm>> -> memref<128x128xf32, #tpu.memory_space<hbm>>
    %dma_start3A_2527 = tpu.memref_slice %arg13[%dma_start3A_2520] : memref<5x!tpu.dma_semaphore, #tpu.memory_space<semaphore_mem>> -> memref<1x!tpu.dma_semaphore, #tpu.memory_space<semaphore_mem>>
    %dma_start3A_2528 = tpu.memref_squeeze %dma_start3A_2527 : memref<1x!tpu.dma_semaphore, #tpu.memory_space<semaphore_mem>> -> memref<!tpu.dma_semaphore, #tpu.memory_space<semaphore_mem>>
    %dma_start3A_2529 = arith.constant 0 : i32
    %dma_start3A_2530 = tpu.memref_slice %arg5[%add3A_2518, %dma_start3A_2529] : memref<3276800x128xf32, #tpu.memory_space<hbm>> -> memref<128x128xf32, #tpu.memory_space<hbm>>
    %dma_start3A_2531 = arith.constant 0 : i32
    %dma_start3A_2532 = arith.constant 0 : i32
    %dma_start3A_2533 = tpu.memref_slice %arg9[%dma_start3A_2519, %dma_start3A_2531, %dma_start3A_2532] : memref<5x128x128xf32, #tpu.memory_space<vmem>> -> memref<1x128x128xf32, #tpu.memory_space<vmem>>
    %dma_start3A_2534 = tpu.memref_squeeze %dma_start3A_2533 : memref<1x128x128xf32, #tpu.memory_space<vmem>> -> memref<128x128xf32, #tpu.memory_space<vmem>>
    tpu.enqueue_dma source(%dma_start3A_2534 : memref<128x128xf32, #tpu.memory_space<vmem>>) target(%dma_start3A_2530 : memref<128x128xf32, #tpu.memory_space<hbm>>) target_semaphore(%dma_start3A_2528 : memref<!tpu.dma_semaphore, #tpu.memory_space<semaphore_mem>>)
    %dma_wait3A_2535 = arith.constant 4 : i32
    %dma_wait3A_2536 = arith.constant 4 : i32
    %dma_wait3A_2537 = arith.constant 0 : i32
    %dma_wait3A_2538 = tpu.memref_slice %arg6[%dma_wait3A_2535, %dma_wait3A_2537] : memref<5x128xi32, #tpu.memory_space<vmem>> -> memref<1x128xi32, #tpu.memory_space<vmem>>
    %dma_wait3A_2539 = tpu.memref_squeeze %dma_wait3A_2538 : memref<1x128xi32, #tpu.memory_space<vmem>> -> memref<128xi32, #tpu.memory_space<vmem>>
    %dma_wait3A_2540 = tpu.memref_slice %arg2[%mul3A_2] : memref<3276800xi32, #tpu.memory_space<hbm>> -> memref<128xi32, #tpu.memory_space<hbm>>
    %dma_wait3A_2541 = tpu.memref_slice %arg11[%dma_wait3A_2536] : memref<5x!tpu.dma_semaphore, #tpu.memory_space<semaphore_mem>> -> memref<1x!tpu.dma_semaphore, #tpu.memory_space<semaphore_mem>>
    %dma_wait3A_2542 = tpu.memref_squeeze %dma_wait3A_2541 : memref<1x!tpu.dma_semaphore, #tpu.memory_space<semaphore_mem>> -> memref<!tpu.dma_semaphore, #tpu.memory_space<semaphore_mem>>
    %dma_wait3A_2543 = arith.constant 0 : i32
    %dma_wait3A_2544 = tpu.memref_slice %arg6[%dma_wait3A_2535, %dma_wait3A_2543] : memref<5x128xi32, #tpu.memory_space<vmem>> -> memref<1x128xi32, #tpu.memory_space<vmem>>
    %dma_wait3A_2545 = tpu.memref_squeeze %dma_wait3A_2544 : memref<1x128xi32, #tpu.memory_space<vmem>> -> memref<128xi32, #tpu.memory_space<vmem>>
    %dma_wait3A_2546 = tpu.memref_slice %arg2[%mul3A_2] : memref<3276800xi32, #tpu.memory_space<hbm>> -> memref<128xi32, #tpu.memory_space<hbm>>
    tpu.wait_dma2 semaphore(%dma_wait3A_2542 : memref<!tpu.dma_semaphore, #tpu.memory_space<semaphore_mem>>) src(%dma_wait3A_2546 : memref<128xi32, #tpu.memory_space<hbm>>) dst(%dma_wait3A_2545 : memref<128xi32, #tpu.memory_space<vmem>>)
    %dma_wait3A_2547 = arith.constant 4 : i32
    %dma_wait3A_2548 = arith.constant 4 : i32
    %dma_wait3A_2549 = arith.constant 0 : i32
    %dma_wait3A_2550 = tpu.memref_slice %arg7[%dma_wait3A_2547, %dma_wait3A_2549] : memref<5x128xi32, #tpu.memory_space<vmem>> -> memref<1x128xi32, #tpu.memory_space<vmem>>
    %dma_wait3A_2551 = tpu.memref_squeeze %dma_wait3A_2550 : memref<1x128xi32, #tpu.memory_space<vmem>> -> memref<128xi32, #tpu.memory_space<vmem>>
    %dma_wait3A_2552 = tpu.memref_slice %arg3[%mul3A_2] : memref<3276800xi32, #tpu.memory_space<hbm>> -> memref<128xi32, #tpu.memory_space<hbm>>
    %dma_wait3A_2553 = tpu.memref_slice %arg11[%dma_wait3A_2548] : memref<5x!tpu.dma_semaphore, #tpu.memory_space<semaphore_mem>> -> memref<1x!tpu.dma_semaphore, #tpu.memory_space<semaphore_mem>>
    %dma_wait3A_2554 = tpu.memref_squeeze %dma_wait3A_2553 : memref<1x!tpu.dma_semaphore, #tpu.memory_space<semaphore_mem>> -> memref<!tpu.dma_semaphore, #tpu.memory_space<semaphore_mem>>
    %dma_wait3A_2555 = arith.constant 0 : i32
    %dma_wait3A_2556 = tpu.memref_slice %arg7[%dma_wait3A_2547, %dma_wait3A_2555] : memref<5x128xi32, #tpu.memory_space<vmem>> -> memref<1x128xi32, #tpu.memory_space<vmem>>
    %dma_wait3A_2557 = tpu.memref_squeeze %dma_wait3A_2556 : memref<1x128xi32, #tpu.memory_space<vmem>> -> memref<128xi32, #tpu.memory_space<vmem>>
    %dma_wait3A_2558 = tpu.memref_slice %arg3[%mul3A_2] : memref<3276800xi32, #tpu.memory_space<hbm>> -> memref<128xi32, #tpu.memory_space<hbm>>
    tpu.wait_dma2 semaphore(%dma_wait3A_2554 : memref<!tpu.dma_semaphore, #tpu.memory_space<semaphore_mem>>) src(%dma_wait3A_2558 : memref<128xi32, #tpu.memory_space<hbm>>) dst(%dma_wait3A_2557 : memref<128xi32, #tpu.memory_space<vmem>>)
    %get3A_2559 = arith.constant 4 : i32
    %get3A_2560 = arith.index_cast %get3A_2559 : i32 to index
    %get3A_2561 = arith.constant 0 : index
    %get3A_2562 = tpu.vector_load %arg6[%get3A_2560, %get3A_2561] {strides = array<i32>} : memref<5x128xi32, #tpu.memory_space<vmem>>, vector<1x16xi32>,
    %get3A_2563 = vector.shape_cast %get3A_2562 : vector<1x16xi32> to vector<16xi32>
    %mul3A_2564 = arith.constant 5 : i32
    %mul3A_2565 = vector.broadcast %mul3A_2564 : i32 to vector<16xi32>
    %mul3A_2566 = arith.muli %get3A_2563, %mul3A_2565 : vector<16xi32>
    %get3A_2567 = arith.constant 4 : i32
    %get3A_2568 = arith.index_cast %get3A_2567 : i32 to index
    %get3A_2569 = arith.constant 0 : index
    %get3A_2570 = tpu.vector_load %arg7[%get3A_2568, %get3A_2569] {strides = array<i32>} : memref<5x128xi32, #tpu.memory_space<vmem>>, vector<1x16xi32>,
    %get3A_2571 = vector.shape_cast %get3A_2570 : vector<1x16xi32> to vector<16xi32>
    %add3A_2572 = arith.addi %mul3A_2566, %get3A_2571 : vector<16xi32>
    %sub3A_2573 = arith.constant 1 : i32
    %sub3A_2574 = vector.broadcast %sub3A_2573 : i32 to vector<16xi32>
    %sub3A_2575 = arith.subi %add3A_2572, %sub3A_2574 : vector<16xi32>
    %swap3A_2576 = arith.constant 4 : i32
    %swap3A_2577 = arith.index_cast %swap3A_2576 : i32 to index
    %swap3A_2578 = arith.constant 0 : index
    %swap3A_2579 = tpu.vector_load %arg8[%swap3A_2577, %swap3A_2578] {strides = array<i32>} : memref<5x128xi32, #tpu.memory_space<vmem>>, vector<1x16xi32>,
    %swap3A_2580 = vector.shape_cast %swap3A_2579 : vector<1x16xi32> to vector<16xi32>
    %swap3A_2581 = vector.shape_cast %sub3A_2575 : vector<16xi32> to vector<1x16xi32>
    tpu.vector_store %arg8[%swap3A_2577, %swap3A_2578], %swap3A_2581 {strides = array<i32>} : memref<5x128xi32, #tpu.memory_space<vmem>>, vector<1x16xi32>,
    %get3A_2582 = arith.constant 4 : i32
    %get3A_2583 = arith.index_cast %get3A_2582 : i32 to index
    %get3A_2584 = arith.constant 16 : index
    %get3A_2585 = tpu.vector_load %arg6[%get3A_2583, %get3A_2584] {strides = array<i32>} : memref<5x128xi32, #tpu.memory_space<vmem>>, vector<1x16xi32>,
    %get3A_2586 = vector.shape_cast %get3A_2585 : vector<1x16xi32> to vector<16xi32>
    %mul3A_2587 = arith.constant 5 : i32
    %mul3A_2588 = vector.broadcast %mul3A_2587 : i32 to vector<16xi32>
    %mul3A_2589 = arith.muli %get3A_2586, %mul3A_2588 : vector<16xi32>
    %get3A_2590 = arith.constant 4 : i32
    %get3A_2591 = arith.index_cast %get3A_2590 : i32 to index
    %get3A_2592 = arith.constant 16 : index
    %get3A_2593 = tpu.vector_load %arg7[%get3A_2591, %get3A_2592] {strides = array<i32>} : memref<5x128xi32, #tpu.memory_space<vmem>>, vector<1x16xi32>,
    %get3A_2594 = vector.shape_cast %get3A_2593 : vector<1x16xi32> to vector<16xi32>
    %add3A_2595 = arith.addi %mul3A_2589, %get3A_2594 : vector<16xi32>
    %sub3A_2596 = arith.constant 1 : i32
    %sub3A_2597 = vector.broadcast %sub3A_2596 : i32 to vector<16xi32>
    %sub3A_2598 = arith.subi %add3A_2595, %sub3A_2597 : vector<16xi32>
    %swap3A_2599 = arith.constant 4 : i32
    %swap3A_2600 = arith.index_cast %swap3A_2599 : i32 to index
    %swap3A_2601 = arith.constant 16 : index
    %swap3A_2602 = tpu.vector_load %arg8[%swap3A_2600, %swap3A_2601] {strides = array<i32>} : memref<5x128xi32, #tpu.memory_space<vmem>>, vector<1x16xi32>,
    %swap3A_2603 = vector.shape_cast %swap3A_2602 : vector<1x16xi32> to vector<16xi32>
    %swap3A_2604 = vector.shape_cast %sub3A_2598 : vector<16xi32> to vector<1x16xi32>
    tpu.vector_store %arg8[%swap3A_2600, %swap3A_2601], %swap3A_2604 {strides = array<i32>} : memref<5x128xi32, #tpu.memory_space<vmem>>, vector<1x16xi32>,
    %get3A_2605 = arith.constant 4 : i32
    %get3A_2606 = arith.index_cast %get3A_2605 : i32 to index
    %get3A_2607 = arith.constant 32 : index
    %get3A_2608 = tpu.vector_load %arg6[%get3A_2606, %get3A_2607] {strides = array<i32>} : memref<5x128xi32, #tpu.memory_space<vmem>>, vector<1x16xi32>,
    %get3A_2609 = vector.shape_cast %get3A_2608 : vector<1x16xi32> to vector<16xi32>
    %mul3A_2610 = arith.constant 5 : i32
    %mul3A_2611 = vector.broadcast %mul3A_2610 : i32 to vector<16xi32>
    %mul3A_2612 = arith.muli %get3A_2609, %mul3A_2611 : vector<16xi32>
    %get3A_2613 = arith.constant 4 : i32
    %get3A_2614 = arith.index_cast %get3A_2613 : i32 to index
    %get3A_2615 = arith.constant 32 : index
    %get3A_2616 = tpu.vector_load %arg7[%get3A_2614, %get3A_2615] {strides = array<i32>} : memref<5x128xi32, #tpu.memory_space<vmem>>, vector<1x16xi32>,
    %get3A_2617 = vector.shape_cast %get3A_2616 : vector<1x16xi32> to vector<16xi32>
    %add3A_2618 = arith.addi %mul3A_2612, %get3A_2617 : vector<16xi32>
    %sub3A_2619 = arith.constant 1 : i32
    %sub3A_2620 = vector.broadcast %sub3A_2619 : i32 to vector<16xi32>
    %sub3A_2621 = arith.subi %add3A_2618, %sub3A_2620 : vector<16xi32>
    %swap3A_2622 = arith.constant 4 : i32
    %swap3A_2623 = arith.index_cast %swap3A_2622 : i32 to index
    %swap3A_2624 = arith.constant 32 : index
    %swap3A_2625 = tpu.vector_load %arg8[%swap3A_2623, %swap3A_2624] {strides = array<i32>} : memref<5x128xi32, #tpu.memory_space<vmem>>, vector<1x16xi32>,
    %swap3A_2626 = vector.shape_cast %swap3A_2625 : vector<1x16xi32> to vector<16xi32>
    %swap3A_2627 = vector.shape_cast %sub3A_2621 : vector<16xi32> to vector<1x16xi32>
    tpu.vector_store %arg8[%swap3A_2623, %swap3A_2624], %swap3A_2627 {strides = array<i32>} : memref<5x128xi32, #tpu.memory_space<vmem>>, vector<1x16xi32>,
    %get3A_2628 = arith.constant 4 : i32
    %get3A_2629 = arith.index_cast %get3A_2628 : i32 to index
    %get3A_2630 = arith.constant 48 : index
    %get3A_2631 = tpu.vector_load %arg6[%get3A_2629, %get3A_2630] {strides = array<i32>} : memref<5x128xi32, #tpu.memory_space<vmem>>, vector<1x16xi32>,
    %get3A_2632 = vector.shape_cast %get3A_2631 : vector<1x16xi32> to vector<16xi32>
    %mul3A_2633 = arith.constant 5 : i32
    %mul3A_2634 = vector.broadcast %mul3A_2633 : i32 to vector<16xi32>
    %mul3A_2635 = arith.muli %get3A_2632, %mul3A_2634 : vector<16xi32>
    %get3A_2636 = arith.constant 4 : i32
    %get3A_2637 = arith.index_cast %get3A_2636 : i32 to index
    %get3A_2638 = arith.constant 48 : index
    %get3A_2639 = tpu.vector_load %arg7[%get3A_2637, %get3A_2638] {strides = array<i32>} : memref<5x128xi32, #tpu.memory_space<vmem>>, vector<1x16xi32>,
    %get3A_2640 = vector.shape_cast %get3A_2639 : vector<1x16xi32> to vector<16xi32>
    %add3A_2641 = arith.addi %mul3A_2635, %get3A_2640 : vector<16xi32>
    %sub3A_2642 = arith.constant 1 : i32
    %sub3A_2643 = vector.broadcast %sub3A_2642 : i32 to vector<16xi32>
    %sub3A_2644 = arith.subi %add3A_2641, %sub3A_2643 : vector<16xi32>
    %swap3A_2645 = arith.constant 4 : i32
    %swap3A_2646 = arith.index_cast %swap3A_2645 : i32 to index
    %swap3A_2647 = arith.constant 48 : index
    %swap3A_2648 = tpu.vector_load %arg8[%swap3A_2646, %swap3A_2647] {strides = array<i32>} : memref<5x128xi32, #tpu.memory_space<vmem>>, vector<1x16xi32>,
    %swap3A_2649 = vector.shape_cast %swap3A_2648 : vector<1x16xi32> to vector<16xi32>
    %swap3A_2650 = vector.shape_cast %sub3A_2644 : vector<16xi32> to vector<1x16xi32>
    tpu.vector_store %arg8[%swap3A_2646, %swap3A_2647], %swap3A_2650 {strides = array<i32>} : memref<5x128xi32, #tpu.memory_space<vmem>>, vector<1x16xi32>,
    %get3A_2651 = arith.constant 4 : i32
    %get3A_2652 = arith.index_cast %get3A_2651 : i32 to index
    %get3A_2653 = arith.constant 64 : index
    %get3A_2654 = tpu.vector_load %arg6[%get3A_2652, %get3A_2653] {strides = array<i32>} : memref<5x128xi32, #tpu.memory_space<vmem>>, vector<1x16xi32>,
    %get3A_2655 = vector.shape_cast %get3A_2654 : vector<1x16xi32> to vector<16xi32>
    %mul3A_2656 = arith.constant 5 : i32
    %mul3A_2657 = vector.broadcast %mul3A_2656 : i32 to vector<16xi32>
    %mul3A_2658 = arith.muli %get3A_2655, %mul3A_2657 : vector<16xi32>
    %get3A_2659 = arith.constant 4 : i32
    %get3A_2660 = arith.index_cast %get3A_2659 : i32 to index
    %get3A_2661 = arith.constant 64 : index
    %get3A_2662 = tpu.vector_load %arg7[%get3A_2660, %get3A_2661] {strides = array<i32>} : memref<5x128xi32, #tpu.memory_space<vmem>>, vector<1x16xi32>,
    %get3A_2663 = vector.shape_cast %get3A_2662 : vector<1x16xi32> to vector<16xi32>
    %add3A_2664 = arith.addi %mul3A_2658, %get3A_2663 : vector<16xi32>
    %sub3A_2665 = arith.constant 1 : i32
    %sub3A_2666 = vector.broadcast %sub3A_2665 : i32 to vector<16xi32>
    %sub3A_2667 = arith.subi %add3A_2664, %sub3A_2666 : vector<16xi32>
    %swap3A_2668 = arith.constant 4 : i32
    %swap3A_2669 = arith.index_cast %swap3A_2668 : i32 to index
    %swap3A_2670 = arith.constant 64 : index
    %swap3A_2671 = tpu.vector_load %arg8[%swap3A_2669, %swap3A_2670] {strides = array<i32>} : memref<5x128xi32, #tpu.memory_space<vmem>>, vector<1x16xi32>,
    %swap3A_2672 = vector.shape_cast %swap3A_2671 : vector<1x16xi32> to vector<16xi32>
    %swap3A_2673 = vector.shape_cast %sub3A_2667 : vector<16xi32> to vector<1x16xi32>
    tpu.vector_store %arg8[%swap3A_2669, %swap3A_2670], %swap3A_2673 {strides = array<i32>} : memref<5x128xi32, #tpu.memory_space<vmem>>, vector<1x16xi32>,
    %get3A_2674 = arith.constant 4 : i32
    %get3A_2675 = arith.index_cast %get3A_2674 : i32 to index
    %get3A_2676 = arith.constant 80 : index
    %get3A_2677 = tpu.vector_load %arg6[%get3A_2675, %get3A_2676] {strides = array<i32>} : memref<5x128xi32, #tpu.memory_space<vmem>>, vector<1x16xi32>,
    %get3A_2678 = vector.shape_cast %get3A_2677 : vector<1x16xi32> to vector<16xi32>
    %mul3A_2679 = arith.constant 5 : i32
    %mul3A_2680 = vector.broadcast %mul3A_2679 : i32 to vector<16xi32>
    %mul3A_2681 = arith.muli %get3A_2678, %mul3A_2680 : vector<16xi32>
    %get3A_2682 = arith.constant 4 : i32
    %get3A_2683 = arith.index_cast %get3A_2682 : i32 to index
    %get3A_2684 = arith.constant 80 : index
    %get3A_2685 = tpu.vector_load %arg7[%get3A_2683, %get3A_2684] {strides = array<i32>} : memref<5x128xi32, #tpu.memory_space<vmem>>, vector<1x16xi32>,
    %get3A_2686 = vector.shape_cast %get3A_2685 : vector<1x16xi32> to vector<16xi32>
    %add3A_2687 = arith.addi %mul3A_2681, %get3A_2686 : vector<16xi32>
    %sub3A_2688 = arith.constant 1 : i32
    %sub3A_2689 = vector.broadcast %sub3A_2688 : i32 to vector<16xi32>
    %sub3A_2690 = arith.subi %add3A_2687, %sub3A_2689 : vector<16xi32>
    %swap3A_2691 = arith.constant 4 : i32
    %swap3A_2692 = arith.index_cast %swap3A_2691 : i32 to index
    %swap3A_2693 = arith.constant 80 : index
    %swap3A_2694 = tpu.vector_load %arg8[%swap3A_2692, %swap3A_2693] {strides = array<i32>} : memref<5x128xi32, #tpu.memory_space<vmem>>, vector<1x16xi32>,
    %swap3A_2695 = vector.shape_cast %swap3A_2694 : vector<1x16xi32> to vector<16xi32>
    %swap3A_2696 = vector.shape_cast %sub3A_2690 : vector<16xi32> to vector<1x16xi32>
    tpu.vector_store %arg8[%swap3A_2692, %swap3A_2693], %swap3A_2696 {strides = array<i32>} : memref<5x128xi32, #tpu.memory_space<vmem>>, vector<1x16xi32>,
    %get3A_2697 = arith.constant 4 : i32
    %get3A_2698 = arith.index_cast %get3A_2697 : i32 to index
    %get3A_2699 = arith.constant 96 : index
    %get3A_2700 = tpu.vector_load %arg6[%get3A_2698, %get3A_2699] {strides = array<i32>} : memref<5x128xi32, #tpu.memory_space<vmem>>, vector<1x16xi32>,
    %get3A_2701 = vector.shape_cast %get3A_2700 : vector<1x16xi32> to vector<16xi32>
    %mul3A_2702 = arith.constant 5 : i32
    %mul3A_2703 = vector.broadcast %mul3A_2702 : i32 to vector<16xi32>
    %mul3A_2704 = arith.muli %get3A_2701, %mul3A_2703 : vector<16xi32>
    %get3A_2705 = arith.constant 4 : i32
    %get3A_2706 = arith.index_cast %get3A_2705 : i32 to index
    %get3A_2707 = arith.constant 96 : index
    %get3A_2708 = tpu.vector_load %arg7[%get3A_2706, %get3A_2707] {strides = array<i32>} : memref<5x128xi32, #tpu.memory_space<vmem>>, vector<1x16xi32>,
    %get3A_2709 = vector.shape_cast %get3A_2708 : vector<1x16xi32> to vector<16xi32>
    %add3A_2710 = arith.addi %mul3A_2704, %get3A_2709 : vector<16xi32>
    %sub3A_2711 = arith.constant 1 : i32
    %sub3A_2712 = vector.broadcast %sub3A_2711 : i32 to vector<16xi32>
    %sub3A_2713 = arith.subi %add3A_2710, %sub3A_2712 : vector<16xi32>
    %swap3A_2714 = arith.constant 4 : i32
    %swap3A_2715 = arith.index_cast %swap3A_2714 : i32 to index
    %swap3A_2716 = arith.constant 96 : index
    %swap3A_2717 = tpu.vector_load %arg8[%swap3A_2715, %swap3A_2716] {strides = array<i32>} : memref<5x128xi32, #tpu.memory_space<vmem>>, vector<1x16xi32>,
    %swap3A_2718 = vector.shape_cast %swap3A_2717 : vector<1x16xi32> to vector<16xi32>
    %swap3A_2719 = vector.shape_cast %sub3A_2713 : vector<16xi32> to vector<1x16xi32>
    tpu.vector_store %arg8[%swap3A_2715, %swap3A_2716], %swap3A_2719 {strides = array<i32>} : memref<5x128xi32, #tpu.memory_space<vmem>>, vector<1x16xi32>,
    %get3A_2720 = arith.constant 4 : i32
    %get3A_2721 = arith.index_cast %get3A_2720 : i32 to index
    %get3A_2722 = arith.constant 112 : index
    %get3A_2723 = tpu.vector_load %arg6[%get3A_2721, %get3A_2722] {strides = array<i32>} : memref<5x128xi32, #tpu.memory_space<vmem>>, vector<1x16xi32>,
    %get3A_2724 = vector.shape_cast %get3A_2723 : vector<1x16xi32> to vector<16xi32>
    %mul3A_2725 = arith.constant 5 : i32
    %mul3A_2726 = vector.broadcast %mul3A_2725 : i32 to vector<16xi32>
    %mul3A_2727 = arith.muli %get3A_2724, %mul3A_2726 : vector<16xi32>
    %get3A_2728 = arith.constant 4 : i32
    %get3A_2729 = arith.index_cast %get3A_2728 : i32 to index
    %get3A_2730 = arith.constant 112 : index
    %get3A_2731 = tpu.vector_load %arg7[%get3A_2729, %get3A_2730] {strides = array<i32>} : memref<5x128xi32, #tpu.memory_space<vmem>>, vector<1x16xi32>,
    %get3A_2732 = vector.shape_cast %get3A_2731 : vector<1x16xi32> to vector<16xi32>
    %add3A_2733 = arith.addi %mul3A_2727, %get3A_2732 : vector<16xi32>
    %sub3A_2734 = arith.constant 1 : i32
    %sub3A_2735 = vector.broadcast %sub3A_2734 : i32 to vector<16xi32>
    %sub3A_2736 = arith.subi %add3A_2733, %sub3A_2735 : vector<16xi32>
    %swap3A_2737 = arith.constant 4 : i32
    %swap3A_2738 = arith.index_cast %swap3A_2737 : i32 to index
    %swap3A_2739 = arith.constant 112 : index
    %swap3A_2740 = tpu.vector_load %arg8[%swap3A_2738, %swap3A_2739] {strides = array<i32>} : memref<5x128xi32, #tpu.memory_space<vmem>>, vector<1x16xi32>,
    %swap3A_2741 = vector.shape_cast %swap3A_2740 : vector<1x16xi32> to vector<16xi32>
    %swap3A_2742 = vector.shape_cast %sub3A_2736 : vector<16xi32> to vector<1x16xi32>
    tpu.vector_store %arg8[%swap3A_2738, %swap3A_2739], %swap3A_2742 {strides = array<i32>} : memref<5x128xi32, #tpu.memory_space<vmem>>, vector<1x16xi32>,
    %dma_wait3A_2743 = arith.constant 3 : i32
    %dma_wait3A_2744 = arith.constant 3 : i32
    %dma_wait3A_2745 = arith.constant 0 : i32
    %dma_wait3A_2746 = arith.constant 0 : i32
    %dma_wait3A_2747 = tpu.memref_slice %arg9[%dma_wait3A_2743, %dma_wait3A_2745, %dma_wait3A_2746] : memref<5x128x128xf32, #tpu.memory_space<vmem>> -> memref<1x128x128xf32, #tpu.memory_space<vmem>>
    %dma_wait3A_2748 = tpu.memref_squeeze %dma_wait3A_2747 : memref<1x128x128xf32, #tpu.memory_space<vmem>> -> memref<128x128xf32, #tpu.memory_space<vmem>>
    %dma_wait3A_2749 = arith.constant 0 : i32
    %dma_wait3A_2750 = tpu.memref_slice %arg5[%mul3A_2, %dma_wait3A_2749] : memref<3276800x128xf32, #tpu.memory_space<hbm>> -> memref<128x128xf32, #tpu.memory_space<hbm>>
    %dma_wait3A_2751 = tpu.memref_slice %arg13[%dma_wait3A_2744] : memref<5x!tpu.dma_semaphore, #tpu.memory_space<semaphore_mem>> -> memref<1x!tpu.dma_semaphore, #tpu.memory_space<semaphore_mem>>
    %dma_wait3A_2752 = tpu.memref_squeeze %dma_wait3A_2751 : memref<1x!tpu.dma_semaphore, #tpu.memory_space<semaphore_mem>> -> memref<!tpu.dma_semaphore, #tpu.memory_space<semaphore_mem>>
    %dma_wait3A_2753 = arith.constant 0 : i32
    %dma_wait3A_2754 = tpu.memref_slice %arg5[%mul3A_2, %dma_wait3A_2753] : memref<3276800x128xf32, #tpu.memory_space<hbm>> -> memref<128x128xf32, #tpu.memory_space<hbm>>
    %dma_wait3A_2755 = arith.constant 0 : i32
    %dma_wait3A_2756 = arith.constant 0 : i32
    %dma_wait3A_2757 = tpu.memref_slice %arg9[%dma_wait3A_2743, %dma_wait3A_2755, %dma_wait3A_2756] : memref<5x128x128xf32, #tpu.memory_space<vmem>> -> memref<1x128x128xf32, #tpu.memory_space<vmem>>
    %dma_wait3A_2758 = tpu.memref_squeeze %dma_wait3A_2757 : memref<1x128x128xf32, #tpu.memory_space<vmem>> -> memref<128x128xf32, #tpu.memory_space<vmem>>
    tpu.wait_dma2 semaphore(%dma_wait3A_2752 : memref<!tpu.dma_semaphore, #tpu.memory_space<semaphore_mem>>) src(%dma_wait3A_2758 : memref<128x128xf32, #tpu.memory_space<vmem>>) dst(%dma_wait3A_2754 : memref<128x128xf32, #tpu.memory_space<hbm>>)
    %dma_start3A_2759 = arith.constant 3 : i32
    %dma_start3A_2760 = arith.constant 3 : i32
    %dma_start3A_2761 = arith.constant 3 : i32
    %dma_start3A_2762 = arith.constant 0 : i32
    %dma_start3A_2763 = arith.constant 0 : i32
    %dma_start3A_2764 = tpu.memref_slice %arg9[%dma_start3A_2760, %dma_start3A_2762, %dma_start3A_2763] : memref<5x128x128xf32, #tpu.memory_space<vmem>> -> memref<1x128x128xf32, #tpu.memory_space<vmem>>
    %dma_start3A_2765 = tpu.memref_squeeze %dma_start3A_2764 : memref<1x128x128xf32, #tpu.memory_space<vmem>> -> memref<128x128xf32, #tpu.memory_space<vmem>>
    %dma_start3A_2766 = arith.constant 0 : i32
    %dma_start3A_2767 = tpu.memref_slice %arg8[%dma_start3A_2759, %dma_start3A_2766] : memref<5x128xi32, #tpu.memory_space<vmem>> -> memref<1x128xi32, #tpu.memory_space<vmem>>
    %dma_start3A_2768 = tpu.memref_squeeze %dma_start3A_2767 : memref<1x128xi32, #tpu.memory_space<vmem>> -> memref<128xi32, #tpu.memory_space<vmem>>
    %dma_start3A_2769 = arith.constant 0 : i32
    %dma_start3A_2770 = arith.constant 0 : i32
    %dma_start3A_2771 = tpu.memref_slice %arg10[%dma_start3A_2769, %dma_start3A_2770] : memref<75x128xf32, #tpu.memory_space<vmem_shared>> -> memref<75x128xf32, #tpu.memory_space<vmem_shared>>
    %dma_start3A_2772 = tpu.memref_slice %arg12[%dma_start3A_2761] : memref<5x!tpu.dma_semaphore, #tpu.memory_space<semaphore_mem>> -> memref<1x!tpu.dma_semaphore, #tpu.memory_space<semaphore_mem>>
    %dma_start3A_2773 = tpu.memref_squeeze %dma_start3A_2772 : memref<1x!tpu.dma_semaphore, #tpu.memory_space<semaphore_mem>> -> memref<!tpu.dma_semaphore, #tpu.memory_space<semaphore_mem>>
    tpu.enqueue_indirect_dma source(%dma_start3A_2771 : memref<75x128xf32, #tpu.memory_space<vmem_shared>>) target(%dma_start3A_2765 : memref<128x128xf32, #tpu.memory_space<vmem>>) offsets(%dma_start3A_2768 : memref<128xi32, #tpu.memory_space<vmem>>) semaphore(%dma_start3A_2773 : memref<!tpu.dma_semaphore, #tpu.memory_space<semaphore_mem>>)
    %dma_wait3A_2774 = arith.constant 2 : i32
    %dma_wait3A_2775 = arith.constant 2 : i32
    %dma_wait3A_2776 = arith.constant 2 : i32
    %dma_wait3A_2777 = arith.constant 0 : i32
    %dma_wait3A_2778 = arith.constant 0 : i32
    %dma_wait3A_2779 = tpu.memref_slice %arg9[%dma_wait3A_2775, %dma_wait3A_2777, %dma_wait3A_2778] : memref<5x128x128xf32, #tpu.memory_space<vmem>> -> memref<1x128x128xf32, #tpu.memory_space<vmem>>
    %dma_wait3A_2780 = tpu.memref_squeeze %dma_wait3A_2779 : memref<1x128x128xf32, #tpu.memory_space<vmem>> -> memref<128x128xf32, #tpu.memory_space<vmem>>
    %dma_wait3A_2781 = arith.constant 0 : i32
    %dma_wait3A_2782 = tpu.memref_slice %arg8[%dma_wait3A_2774, %dma_wait3A_2781] : memref<5x128xi32, #tpu.memory_space<vmem>> -> memref<1x128xi32, #tpu.memory_space<vmem>>
    %dma_wait3A_2783 = tpu.memref_squeeze %dma_wait3A_2782 : memref<1x128xi32, #tpu.memory_space<vmem>> -> memref<128xi32, #tpu.memory_space<vmem>>
    %dma_wait3A_2784 = arith.constant 0 : i32
    %dma_wait3A_2785 = arith.constant 0 : i32
    %dma_wait3A_2786 = tpu.memref_slice %arg10[%dma_wait3A_2784, %dma_wait3A_2785] : memref<75x128xf32, #tpu.memory_space<vmem_shared>> -> memref<75x128xf32, #tpu.memory_space<vmem_shared>>
    %dma_wait3A_2787 = tpu.memref_slice %arg12[%dma_wait3A_2776] : memref<5x!tpu.dma_semaphore, #tpu.memory_space<semaphore_mem>> -> memref<1x!tpu.dma_semaphore, #tpu.memory_space<semaphore_mem>>
    %dma_wait3A_2788 = tpu.memref_squeeze %dma_wait3A_2787 : memref<1x!tpu.dma_semaphore, #tpu.memory_space<semaphore_mem>> -> memref<!tpu.dma_semaphore, #tpu.memory_space<semaphore_mem>>
    tpu.wait_indirect_dma semaphore(%dma_wait3A_2788 : memref<!tpu.dma_semaphore, #tpu.memory_space<semaphore_mem>>) src(%dma_wait3A_2786 : memref<75x128xf32, #tpu.memory_space<vmem_shared>>) dst(%dma_wait3A_2780 : memref<128x128xf32, #tpu.memory_space<vmem>>)
    %add3A_2789 = arith.constant 102016 : i32
    %add3A_2790 = arith.addi %mul3A_2, %add3A_2789 : i32
    %dma_start3A_2791 = arith.constant 2 : i32
    %dma_start3A_2792 = arith.constant 2 : i32
    %dma_start3A_2793 = arith.constant 0 : i32
    %dma_start3A_2794 = arith.constant 0 : i32
    %dma_start3A_2795 = tpu.memref_slice %arg9[%dma_start3A_2791, %dma_start3A_2793, %dma_start3A_2794] : memref<5x128x128xf32, #tpu.memory_space<vmem>> -> memref<1x128x128xf32, #tpu.memory_space<vmem>>
    %dma_start3A_2796 = tpu.memref_squeeze %dma_start3A_2795 : memref<1x128x128xf32, #tpu.memory_space<vmem>> -> memref<128x128xf32, #tpu.memory_space<vmem>>
    %dma_start3A_2797 = arith.constant 0 : i32
    %dma_start3A_2798 = tpu.memref_slice %arg5[%add3A_2790, %dma_start3A_2797] : memref<3276800x128xf32, #tpu.memory_space<hbm>> -> memref<128x128xf32, #tpu.memory_space<hbm>>
    %dma_start3A_2799 = tpu.memref_slice %arg13[%dma_start3A_2792] : memref<5x!tpu.dma_semaphore, #tpu.memory_space<semaphore_mem>> -> memref<1x!tpu.dma_semaphore, #tpu.memory_space<semaphore_mem>>
    %dma_start3A_2800 = tpu.memref_squeeze %dma_start3A_2799 : memref<1x!tpu.dma_semaphore, #tpu.memory_space<semaphore_mem>> -> memref<!tpu.dma_semaphore, #tpu.memory_space<semaphore_mem>>
    %dma_start3A_2801 = arith.constant 0 : i32
    %dma_start3A_2802 = tpu.memref_slice %arg5[%add3A_2790, %dma_start3A_2801] : memref<3276800x128xf32, #tpu.memory_space<hbm>> -> memref<128x128xf32, #tpu.memory_space<hbm>>
    %dma_start3A_2803 = arith.constant 0 : i32
    %dma_start3A_2804 = arith.constant 0 : i32
    %dma_start3A_2805 = tpu.memref_slice %arg9[%dma_start3A_2791, %dma_start3A_2803, %dma_start3A_2804] : memref<5x128x128xf32, #tpu.memory_space<vmem>> -> memref<1x128x128xf32, #tpu.memory_space<vmem>>
    %dma_start3A_2806 = tpu.memref_squeeze %dma_start3A_2805 : memref<1x128x128xf32, #tpu.memory_space<vmem>> -> memref<128x128xf32, #tpu.memory_space<vmem>>
    tpu.enqueue_dma source(%dma_start3A_2806 : memref<128x128xf32, #tpu.memory_space<vmem>>) target(%dma_start3A_2802 : memref<128x128xf32, #tpu.memory_space<hbm>>) target_semaphore(%dma_start3A_2800 : memref<!tpu.dma_semaphore, #tpu.memory_space<semaphore_mem>>)
    %dma_wait3A_2807 = arith.constant 4 : i32
    %dma_wait3A_2808 = arith.constant 4 : i32
    %dma_wait3A_2809 = arith.constant 0 : i32
    %dma_wait3A_2810 = arith.constant 0 : i32
    %dma_wait3A_2811 = tpu.memref_slice %arg9[%dma_wait3A_2807, %dma_wait3A_2809, %dma_wait3A_2810] : memref<5x128x128xf32, #tpu.memory_space<vmem>> -> memref<1x128x128xf32, #tpu.memory_space<vmem>>
    %dma_wait3A_2812 = tpu.memref_squeeze %dma_wait3A_2811 : memref<1x128x128xf32, #tpu.memory_space<vmem>> -> memref<128x128xf32, #tpu.memory_space<vmem>>
    %dma_wait3A_2813 = arith.constant 0 : i32
    %dma_wait3A_2814 = tpu.memref_slice %arg5[%mul3A_2, %dma_wait3A_2813] : memref<3276800x128xf32, #tpu.memory_space<hbm>> -> memref<128x128xf32, #tpu.memory_space<hbm>>
    %dma_wait3A_2815 = tpu.memref_slice %arg13[%dma_wait3A_2808] : memref<5x!tpu.dma_semaphore, #tpu.memory_space<semaphore_mem>> -> memref<1x!tpu.dma_semaphore, #tpu.memory_space<semaphore_mem>>
    %dma_wait3A_2816 = tpu.memref_squeeze %dma_wait3A_2815 : memref<1x!tpu.dma_semaphore, #tpu.memory_space<semaphore_mem>> -> memref<!tpu.dma_semaphore, #tpu.memory_space<semaphore_mem>>
    %dma_wait3A_2817 = arith.constant 0 : i32
    %dma_wait3A_2818 = tpu.memref_slice %arg5[%mul3A_2, %dma_wait3A_2817] : memref<3276800x128xf32, #tpu.memory_space<hbm>> -> memref<128x128xf32, #tpu.memory_space<hbm>>
    %dma_wait3A_2819 = arith.constant 0 : i32
    %dma_wait3A_2820 = arith.constant 0 : i32
    %dma_wait3A_2821 = tpu.memref_slice %arg9[%dma_wait3A_2807, %dma_wait3A_2819, %dma_wait3A_2820] : memref<5x128x128xf32, #tpu.memory_space<vmem>> -> memref<1x128x128xf32, #tpu.memory_space<vmem>>
    %dma_wait3A_2822 = tpu.memref_squeeze %dma_wait3A_2821 : memref<1x128x128xf32, #tpu.memory_space<vmem>> -> memref<128x128xf32, #tpu.memory_space<vmem>>
    tpu.wait_dma2 semaphore(%dma_wait3A_2816 : memref<!tpu.dma_semaphore, #tpu.memory_space<semaphore_mem>>) src(%dma_wait3A_2822 : memref<128x128xf32, #tpu.memory_space<vmem>>) dst(%dma_wait3A_2818 : memref<128x128xf32, #tpu.memory_space<hbm>>)
    %dma_start3A_2823 = arith.constant 4 : i32
    %dma_start3A_2824 = arith.constant 4 : i32
    %dma_start3A_2825 = arith.constant 4 : i32
    %dma_start3A_2826 = arith.constant 0 : i32
    %dma_start3A_2827 = arith.constant 0 : i32
    %dma_start3A_2828 = tpu.memref_slice %arg9[%dma_start3A_2824, %dma_start3A_2826, %dma_start3A_2827] : memref<5x128x128xf32, #tpu.memory_space<vmem>> -> memref<1x128x128xf32, #tpu.memory_space<vmem>>
    %dma_start3A_2829 = tpu.memref_squeeze %dma_start3A_2828 : memref<1x128x128xf32, #tpu.memory_space<vmem>> -> memref<128x128xf32, #tpu.memory_space<vmem>>
    %dma_start3A_2830 = arith.constant 0 : i32
    %dma_start3A_2831 = tpu.memref_slice %arg8[%dma_start3A_2823, %dma_start3A_2830] : memref<5x128xi32, #tpu.memory_space<vmem>> -> memref<1x128xi32, #tpu.memory_space<vmem>>
    %dma_start3A_2832 = tpu.memref_squeeze %dma_start3A_2831 : memref<1x128xi32, #tpu.memory_space<vmem>> -> memref<128xi32, #tpu.memory_space<vmem>>
    %dma_start3A_2833 = arith.constant 0 : i32
    %dma_start3A_2834 = arith.constant 0 : i32
    %dma_start3A_2835 = tpu.memref_slice %arg10[%dma_start3A_2833, %dma_start3A_2834] : memref<75x128xf32, #tpu.memory_space<vmem_shared>> -> memref<75x128xf32, #tpu.memory_space<vmem_shared>>
    %dma_start3A_2836 = tpu.memref_slice %arg12[%dma_start3A_2825] : memref<5x!tpu.dma_semaphore, #tpu.memory_space<semaphore_mem>> -> memref<1x!tpu.dma_semaphore, #tpu.memory_space<semaphore_mem>>
    %dma_start3A_2837 = tpu.memref_squeeze %dma_start3A_2836 : memref<1x!tpu.dma_semaphore, #tpu.memory_space<semaphore_mem>> -> memref<!tpu.dma_semaphore, #tpu.memory_space<semaphore_mem>>
    tpu.enqueue_indirect_dma source(%dma_start3A_2835 : memref<75x128xf32, #tpu.memory_space<vmem_shared>>) target(%dma_start3A_2829 : memref<128x128xf32, #tpu.memory_space<vmem>>) offsets(%dma_start3A_2832 : memref<128xi32, #tpu.memory_space<vmem>>) semaphore(%dma_start3A_2837 : memref<!tpu.dma_semaphore, #tpu.memory_space<semaphore_mem>>)
    %dma_wait3A_2838 = arith.constant 3 : i32
    %dma_wait3A_2839 = arith.constant 3 : i32
    %dma_wait3A_2840 = arith.constant 3 : i32
    %dma_wait3A_2841 = arith.constant 0 : i32
    %dma_wait3A_2842 = arith.constant 0 : i32
    %dma_wait3A_2843 = tpu.memref_slice %arg9[%dma_wait3A_2839, %dma_wait3A_2841, %dma_wait3A_2842] : memref<5x128x128xf32, #tpu.memory_space<vmem>> -> memref<1x128x128xf32, #tpu.memory_space<vmem>>
    %dma_wait3A_2844 = tpu.memref_squeeze %dma_wait3A_2843 : memref<1x128x128xf32, #tpu.memory_space<vmem>> -> memref<128x128xf32, #tpu.memory_space<vmem>>
    %dma_wait3A_2845 = arith.constant 0 : i32
    %dma_wait3A_2846 = tpu.memref_slice %arg8[%dma_wait3A_2838, %dma_wait3A_2845] : memref<5x128xi32, #tpu.memory_space<vmem>> -> memref<1x128xi32, #tpu.memory_space<vmem>>
    %dma_wait3A_2847 = tpu.memref_squeeze %dma_wait3A_2846 : memref<1x128xi32, #tpu.memory_space<vmem>> -> memref<128xi32, #tpu.memory_space<vmem>>
    %dma_wait3A_2848 = arith.constant 0 : i32
    %dma_wait3A_2849 = arith.constant 0 : i32
    %dma_wait3A_2850 = tpu.memref_slice %arg10[%dma_wait3A_2848, %dma_wait3A_2849] : memref<75x128xf32, #tpu.memory_space<vmem_shared>> -> memref<75x128xf32, #tpu.memory_space<vmem_shared>>
    %dma_wait3A_2851 = tpu.memref_slice %arg12[%dma_wait3A_2840] : memref<5x!tpu.dma_semaphore, #tpu.memory_space<semaphore_mem>> -> memref<1x!tpu.dma_semaphore, #tpu.memory_space<semaphore_mem>>
    %dma_wait3A_2852 = tpu.memref_squeeze %dma_wait3A_2851 : memref<1x!tpu.dma_semaphore, #tpu.memory_space<semaphore_mem>> -> memref<!tpu.dma_semaphore, #tpu.memory_space<semaphore_mem>>
    tpu.wait_indirect_dma semaphore(%dma_wait3A_2852 : memref<!tpu.dma_semaphore, #tpu.memory_space<semaphore_mem>>) src(%dma_wait3A_2850 : memref<75x128xf32, #tpu.memory_space<vmem_shared>>) dst(%dma_wait3A_2844 : memref<128x128xf32, #tpu.memory_space<vmem>>)
    %add3A_2853 = arith.constant 102144 : i32
    %add3A_2854 = arith.addi %mul3A_2, %add3A_2853 : i32
    %dma_start3A_2855 = arith.constant 3 : i32
    %dma_start3A_2856 = arith.constant 3 : i32
    %dma_start3A_2857 = arith.constant 0 : i32
    %dma_start3A_2858 = arith.constant 0 : i32
    %dma_start3A_2859 = tpu.memref_slice %arg9[%dma_start3A_2855, %dma_start3A_2857, %dma_start3A_2858] : memref<5x128x128xf32, #tpu.memory_space<vmem>> -> memref<1x128x128xf32, #tpu.memory_space<vmem>>
    %dma_start3A_2860 = tpu.memref_squeeze %dma_start3A_2859 : memref<1x128x128xf32, #tpu.memory_space<vmem>> -> memref<128x128xf32, #tpu.memory_space<vmem>>
    %dma_start3A_2861 = arith.constant 0 : i32
    %dma_start3A_2862 = tpu.memref_slice %arg5[%add3A_2854, %dma_start3A_2861] : memref<3276800x128xf32, #tpu.memory_space<hbm>> -> memref<128x128xf32, #tpu.memory_space<hbm>>
    %dma_start3A_2863 = tpu.memref_slice %arg13[%dma_start3A_2856] : memref<5x!tpu.dma_semaphore, #tpu.memory_space<semaphore_mem>> -> memref<1x!tpu.dma_semaphore, #tpu.memory_space<semaphore_mem>>
    %dma_start3A_2864 = tpu.memref_squeeze %dma_start3A_2863 : memref<1x!tpu.dma_semaphore, #tpu.memory_space<semaphore_mem>> -> memref<!tpu.dma_semaphore, #tpu.memory_space<semaphore_mem>>
    %dma_start3A_2865 = arith.constant 0 : i32
    %dma_start3A_2866 = tpu.memref_slice %arg5[%add3A_2854, %dma_start3A_2865] : memref<3276800x128xf32, #tpu.memory_space<hbm>> -> memref<128x128xf32, #tpu.memory_space<hbm>>
    %dma_start3A_2867 = arith.constant 0 : i32
    %dma_start3A_2868 = arith.constant 0 : i32
    %dma_start3A_2869 = tpu.memref_slice %arg9[%dma_start3A_2855, %dma_start3A_2867, %dma_start3A_2868] : memref<5x128x128xf32, #tpu.memory_space<vmem>> -> memref<1x128x128xf32, #tpu.memory_space<vmem>>
    %dma_start3A_2870 = tpu.memref_squeeze %dma_start3A_2869 : memref<1x128x128xf32, #tpu.memory_space<vmem>> -> memref<128x128xf32, #tpu.memory_space<vmem>>
    tpu.enqueue_dma source(%dma_start3A_2870 : memref<128x128xf32, #tpu.memory_space<vmem>>) target(%dma_start3A_2866 : memref<128x128xf32, #tpu.memory_space<hbm>>) target_semaphore(%dma_start3A_2864 : memref<!tpu.dma_semaphore, #tpu.memory_space<semaphore_mem>>)
    %dma_wait3A_2871 = arith.constant 4 : i32
    %dma_wait3A_2872 = arith.constant 4 : i32
    %dma_wait3A_2873 = arith.constant 4 : i32
    %dma_wait3A_2874 = arith.constant 0 : i32
    %dma_wait3A_2875 = arith.constant 0 : i32
    %dma_wait3A_2876 = tpu.memref_slice %arg9[%dma_wait3A_2872, %dma_wait3A_2874, %dma_wait3A_2875] : memref<5x128x128xf32, #tpu.memory_space<vmem>> -> memref<1x128x128xf32, #tpu.memory_space<vmem>>
    %dma_wait3A_2877 = tpu.memref_squeeze %dma_wait3A_2876 : memref<1x128x128xf32, #tpu.memory_space<vmem>> -> memref<128x128xf32, #tpu.memory_space<vmem>>
    %dma_wait3A_2878 = arith.constant 0 : i32
    %dma_wait3A_2879 = tpu.memref_slice %arg8[%dma_wait3A_2871, %dma_wait3A_2878] : memref<5x128xi32, #tpu.memory_space<vmem>> -> memref<1x128xi32, #tpu.memory_space<vmem>>
    %dma_wait3A_2880 = tpu.memref_squeeze %dma_wait3A_2879 : memref<1x128xi32, #tpu.memory_space<vmem>> -> memref<128xi32, #tpu.memory_space<vmem>>
    %dma_wait3A_2881 = arith.constant 0 : i32
    %dma_wait3A_2882 = arith.constant 0 : i32
    %dma_wait3A_2883 = tpu.memref_slice %arg10[%dma_wait3A_2881, %dma_wait3A_2882] : memref<75x128xf32, #tpu.memory_space<vmem_shared>> -> memref<75x128xf32, #tpu.memory_space<vmem_shared>>
    %dma_wait3A_2884 = tpu.memref_slice %arg12[%dma_wait3A_2873] : memref<5x!tpu.dma_semaphore, #tpu.memory_space<semaphore_mem>> -> memref<1x!tpu.dma_semaphore, #tpu.memory_space<semaphore_mem>>
    %dma_wait3A_2885 = tpu.memref_squeeze %dma_wait3A_2884 : memref<1x!tpu.dma_semaphore, #tpu.memory_space<semaphore_mem>> -> memref<!tpu.dma_semaphore, #tpu.memory_space<semaphore_mem>>
    tpu.wait_indirect_dma semaphore(%dma_wait3A_2885 : memref<!tpu.dma_semaphore, #tpu.memory_space<semaphore_mem>>) src(%dma_wait3A_2883 : memref<75x128xf32, #tpu.memory_space<vmem_shared>>) dst(%dma_wait3A_2877 : memref<128x128xf32, #tpu.memory_space<vmem>>)
    %add3A_2886 = arith.constant 102272 : i32
    %add3A_2887 = arith.addi %mul3A_2, %add3A_2886 : i32
    %dma_start3A_2888 = arith.constant 4 : i32
    %dma_start3A_2889 = arith.constant 4 : i32
    %dma_start3A_2890 = arith.constant 0 : i32
    %dma_start3A_2891 = arith.constant 0 : i32
    %dma_start3A_2892 = tpu.memref_slice %arg9[%dma_start3A_2888, %dma_start3A_2890, %dma_start3A_2891] : memref<5x128x128xf32, #tpu.memory_space<vmem>> -> memref<1x128x128xf32, #tpu.memory_space<vmem>>
    %dma_start3A_2893 = tpu.memref_squeeze %dma_start3A_2892 : memref<1x128x128xf32, #tpu.memory_space<vmem>> -> memref<128x128xf32, #tpu.memory_space<vmem>>
    %dma_start3A_2894 = arith.constant 0 : i32
    %dma_start3A_2895 = tpu.memref_slice %arg5[%add3A_2887, %dma_start3A_2894] : memref<3276800x128xf32, #tpu.memory_space<hbm>> -> memref<128x128xf32, #tpu.memory_space<hbm>>
    %dma_start3A_2896 = tpu.memref_slice %arg13[%dma_start3A_2889] : memref<5x!tpu.dma_semaphore, #tpu.memory_space<semaphore_mem>> -> memref<1x!tpu.dma_semaphore, #tpu.memory_space<semaphore_mem>>
    %dma_start3A_2897 = tpu.memref_squeeze %dma_start3A_2896 : memref<1x!tpu.dma_semaphore, #tpu.memory_space<semaphore_mem>> -> memref<!tpu.dma_semaphore, #tpu.memory_space<semaphore_mem>>
    %dma_start3A_2898 = arith.constant 0 : i32
    %dma_start3A_2899 = tpu.memref_slice %arg5[%add3A_2887, %dma_start3A_2898] : memref<3276800x128xf32, #tpu.memory_space<hbm>> -> memref<128x128xf32, #tpu.memory_space<hbm>>
    %dma_start3A_2900 = arith.constant 0 : i32
    %dma_start3A_2901 = arith.constant 0 : i32
    %dma_start3A_2902 = tpu.memref_slice %arg9[%dma_start3A_2888, %dma_start3A_2900, %dma_start3A_2901] : memref<5x128x128xf32, #tpu.memory_space<vmem>> -> memref<1x128x128xf32, #tpu.memory_space<vmem>>
    %dma_start3A_2903 = tpu.memref_squeeze %dma_start3A_2902 : memref<1x128x128xf32, #tpu.memory_space<vmem>> -> memref<128x128xf32, #tpu.memory_space<vmem>>
    tpu.enqueue_dma source(%dma_start3A_2903 : memref<128x128xf32, #tpu.memory_space<vmem>>) target(%dma_start3A_2899 : memref<128x128xf32, #tpu.memory_space<hbm>>) target_semaphore(%dma_start3A_2897 : memref<!tpu.dma_semaphore, #tpu.memory_space<semaphore_mem>>)
    %dma_wait3A_2904 = arith.constant 0 : i32
    %dma_wait3A_2905 = arith.constant 0 : i32
    %dma_wait3A_2906 = arith.constant 0 : i32
    %dma_wait3A_2907 = arith.constant 0 : i32
    %dma_wait3A_2908 = tpu.memref_slice %arg9[%dma_wait3A_2904, %dma_wait3A_2906, %dma_wait3A_2907] : memref<5x128x128xf32, #tpu.memory_space<vmem>> -> memref<1x128x128xf32, #tpu.memory_space<vmem>>
    %dma_wait3A_2909 = tpu.memref_squeeze %dma_wait3A_2908 : memref<1x128x128xf32, #tpu.memory_space<vmem>> -> memref<128x128xf32, #tpu.memory_space<vmem>>
    %dma_wait3A_2910 = arith.constant 0 : i32
    %dma_wait3A_2911 = tpu.memref_slice %arg5[%mul3A_2, %dma_wait3A_2910] : memref<3276800x128xf32, #tpu.memory_space<hbm>> -> memref<128x128xf32, #tpu.memory_space<hbm>>
    %dma_wait3A_2912 = tpu.memref_slice %arg13[%dma_wait3A_2905] : memref<5x!tpu.dma_semaphore, #tpu.memory_space<semaphore_mem>> -> memref<1x!tpu.dma_semaphore, #tpu.memory_space<semaphore_mem>>
    %dma_wait3A_2913 = tpu.memref_squeeze %dma_wait3A_2912 : memref<1x!tpu.dma_semaphore, #tpu.memory_space<semaphore_mem>> -> memref<!tpu.dma_semaphore, #tpu.memory_space<semaphore_mem>>
    %dma_wait3A_2914 = arith.constant 0 : i32
    %dma_wait3A_2915 = tpu.memref_slice %arg5[%mul3A_2, %dma_wait3A_2914] : memref<3276800x128xf32, #tpu.memory_space<hbm>> -> memref<128x128xf32, #tpu.memory_space<hbm>>
    %dma_wait3A_2916 = arith.constant 0 : i32
    %dma_wait3A_2917 = arith.constant 0 : i32
    %dma_wait3A_2918 = tpu.memref_slice %arg9[%dma_wait3A_2904, %dma_wait3A_2916, %dma_wait3A_2917] : memref<5x128x128xf32, #tpu.memory_space<vmem>> -> memref<1x128x128xf32, #tpu.memory_space<vmem>>
    %dma_wait3A_2919 = tpu.memref_squeeze %dma_wait3A_2918 : memref<1x128x128xf32, #tpu.memory_space<vmem>> -> memref<128x128xf32, #tpu.memory_space<vmem>>
    tpu.wait_dma2 semaphore(%dma_wait3A_2913 : memref<!tpu.dma_semaphore, #tpu.memory_space<semaphore_mem>>) src(%dma_wait3A_2919 : memref<128x128xf32, #tpu.memory_space<vmem>>) dst(%dma_wait3A_2915 : memref<128x128xf32, #tpu.memory_space<hbm>>)
    %dma_wait3A_2920 = arith.constant 1 : i32
    %dma_wait3A_2921 = arith.constant 1 : i32
    %dma_wait3A_2922 = arith.constant 0 : i32
    %dma_wait3A_2923 = arith.constant 0 : i32
    %dma_wait3A_2924 = tpu.memref_slice %arg9[%dma_wait3A_2920, %dma_wait3A_2922, %dma_wait3A_2923] : memref<5x128x128xf32, #tpu.memory_space<vmem>> -> memref<1x128x128xf32, #tpu.memory_space<vmem>>
    %dma_wait3A_2925 = tpu.memref_squeeze %dma_wait3A_2924 : memref<1x128x128xf32, #tpu.memory_space<vmem>> -> memref<128x128xf32, #tpu.memory_space<vmem>>
    %dma_wait3A_2926 = arith.constant 0 : i32
    %dma_wait3A_2927 = tpu.memref_slice %arg5[%mul3A_2, %dma_wait3A_2926] : memref<3276800x128xf32, #tpu.memory_space<hbm>> -> memref<128x128xf32, #tpu.memory_space<hbm>>
    %dma_wait3A_2928 = tpu.memref_slice %arg13[%dma_wait3A_2921] : memref<5x!tpu.dma_semaphore, #tpu.memory_space<semaphore_mem>> -> memref<1x!tpu.dma_semaphore, #tpu.memory_space<semaphore_mem>>
    %dma_wait3A_2929 = tpu.memref_squeeze %dma_wait3A_2928 : memref<1x!tpu.dma_semaphore, #tpu.memory_space<semaphore_mem>> -> memref<!tpu.dma_semaphore, #tpu.memory_space<semaphore_mem>>
    %dma_wait3A_2930 = arith.constant 0 : i32
    %dma_wait3A_2931 = tpu.memref_slice %arg5[%mul3A_2, %dma_wait3A_2930] : memref<3276800x128xf32, #tpu.memory_space<hbm>> -> memref<128x128xf32, #tpu.memory_space<hbm>>
    %dma_wait3A_2932 = arith.constant 0 : i32
    %dma_wait3A_2933 = arith.constant 0 : i32
    %dma_wait3A_2934 = tpu.memref_slice %arg9[%dma_wait3A_2920, %dma_wait3A_2932, %dma_wait3A_2933] : memref<5x128x128xf32, #tpu.memory_space<vmem>> -> memref<1x128x128xf32, #tpu.memory_space<vmem>>
    %dma_wait3A_2935 = tpu.memref_squeeze %dma_wait3A_2934 : memref<1x128x128xf32, #tpu.memory_space<vmem>> -> memref<128x128xf32, #tpu.memory_space<vmem>>
    tpu.wait_dma2 semaphore(%dma_wait3A_2929 : memref<!tpu.dma_semaphore, #tpu.memory_space<semaphore_mem>>) src(%dma_wait3A_2935 : memref<128x128xf32, #tpu.memory_space<vmem>>) dst(%dma_wait3A_2931 : memref<128x128xf32, #tpu.memory_space<hbm>>)
    %dma_wait3A_2936 = arith.constant 2 : i32
    %dma_wait3A_2937 = arith.constant 2 : i32
    %dma_wait3A_2938 = arith.constant 0 : i32
    %dma_wait3A_2939 = arith.constant 0 : i32
    %dma_wait3A_2940 = tpu.memref_slice %arg9[%dma_wait3A_2936, %dma_wait3A_2938, %dma_wait3A_2939] : memref<5x128x128xf32, #tpu.memory_space<vmem>> -> memref<1x128x128xf32, #tpu.memory_space<vmem>>
    %dma_wait3A_2941 = tpu.memref_squeeze %dma_wait3A_2940 : memref<1x128x128xf32, #tpu.memory_space<vmem>> -> memref<128x128xf32, #tpu.memory_space<vmem>>
    %dma_wait3A_2942 = arith.constant 0 : i32
    %dma_wait3A_2943 = tpu.memref_slice %arg5[%mul3A_2, %dma_wait3A_2942] : memref<3276800x128xf32, #tpu.memory_space<hbm>> -> memref<128x128xf32, #tpu.memory_space<hbm>>
    %dma_wait3A_2944 = tpu.memref_slice %arg13[%dma_wait3A_2937] : memref<5x!tpu.dma_semaphore, #tpu.memory_space<semaphore_mem>> -> memref<1x!tpu.dma_semaphore, #tpu.memory_space<semaphore_mem>>
    %dma_wait3A_2945 = tpu.memref_squeeze %dma_wait3A_2944 : memref<1x!tpu.dma_semaphore, #tpu.memory_space<semaphore_mem>> -> memref<!tpu.dma_semaphore, #tpu.memory_space<semaphore_mem>>
    %dma_wait3A_2946 = arith.constant 0 : i32
    %dma_wait3A_2947 = tpu.memref_slice %arg5[%mul3A_2, %dma_wait3A_2946] : memref<3276800x128xf32, #tpu.memory_space<hbm>> -> memref<128x128xf32, #tpu.memory_space<hbm>>
    %dma_wait3A_2948 = arith.constant 0 : i32
    %dma_wait3A_2949 = arith.constant 0 : i32
    %dma_wait3A_2950 = tpu.memref_slice %arg9[%dma_wait3A_2936, %dma_wait3A_2948, %dma_wait3A_2949] : memref<5x128x128xf32, #tpu.memory_space<vmem>> -> memref<1x128x128xf32, #tpu.memory_space<vmem>>
    %dma_wait3A_2951 = tpu.memref_squeeze %dma_wait3A_2950 : memref<1x128x128xf32, #tpu.memory_space<vmem>> -> memref<128x128xf32, #tpu.memory_space<vmem>>
    tpu.wait_dma2 semaphore(%dma_wait3A_2945 : memref<!tpu.dma_semaphore, #tpu.memory_space<semaphore_mem>>) src(%dma_wait3A_2951 : memref<128x128xf32, #tpu.memory_space<vmem>>) dst(%dma_wait3A_2947 : memref<128x128xf32, #tpu.memory_space<hbm>>)
    %dma_wait3A_2952 = arith.constant 3 : i32
    %dma_wait3A_2953 = arith.constant 3 : i32
    %dma_wait3A_2954 = arith.constant 0 : i32
    %dma_wait3A_2955 = arith.constant 0 : i32
    %dma_wait3A_2956 = tpu.memref_slice %arg9[%dma_wait3A_2952, %dma_wait3A_2954, %dma_wait3A_2955] : memref<5x128x128xf32, #tpu.memory_space<vmem>> -> memref<1x128x128xf32, #tpu.memory_space<vmem>>
    %dma_wait3A_2957 = tpu.memref_squeeze %dma_wait3A_2956 : memref<1x128x128xf32, #tpu.memory_space<vmem>> -> memref<128x128xf32, #tpu.memory_space<vmem>>
    %dma_wait3A_2958 = arith.constant 0 : i32
    %dma_wait3A_2959 = tpu.memref_slice %arg5[%mul3A_2, %dma_wait3A_2958] : memref<3276800x128xf32, #tpu.memory_space<hbm>> -> memref<128x128xf32, #tpu.memory_space<hbm>>
    %dma_wait3A_2960 = tpu.memref_slice %arg13[%dma_wait3A_2953] : memref<5x!tpu.dma_semaphore, #tpu.memory_space<semaphore_mem>> -> memref<1x!tpu.dma_semaphore, #tpu.memory_space<semaphore_mem>>
    %dma_wait3A_2961 = tpu.memref_squeeze %dma_wait3A_2960 : memref<1x!tpu.dma_semaphore, #tpu.memory_space<semaphore_mem>> -> memref<!tpu.dma_semaphore, #tpu.memory_space<semaphore_mem>>
    %dma_wait3A_2962 = arith.constant 0 : i32
    %dma_wait3A_2963 = tpu.memref_slice %arg5[%mul3A_2, %dma_wait3A_2962] : memref<3276800x128xf32, #tpu.memory_space<hbm>> -> memref<128x128xf32, #tpu.memory_space<hbm>>
    %dma_wait3A_2964 = arith.constant 0 : i32
    %dma_wait3A_2965 = arith.constant 0 : i32
    %dma_wait3A_2966 = tpu.memref_slice %arg9[%dma_wait3A_2952, %dma_wait3A_2964, %dma_wait3A_2965] : memref<5x128x128xf32, #tpu.memory_space<vmem>> -> memref<1x128x128xf32, #tpu.memory_space<vmem>>
    %dma_wait3A_2967 = tpu.memref_squeeze %dma_wait3A_2966 : memref<1x128x128xf32, #tpu.memory_space<vmem>> -> memref<128x128xf32, #tpu.memory_space<vmem>>
    tpu.wait_dma2 semaphore(%dma_wait3A_2961 : memref<!tpu.dma_semaphore, #tpu.memory_space<semaphore_mem>>) src(%dma_wait3A_2967 : memref<128x128xf32, #tpu.memory_space<vmem>>) dst(%dma_wait3A_2963 : memref<128x128xf32, #tpu.memory_space<hbm>>)
    %dma_wait3A_2968 = arith.constant 4 : i32
    %dma_wait3A_2969 = arith.constant 4 : i32
    %dma_wait3A_2970 = arith.constant 0 : i32
    %dma_wait3A_2971 = arith.constant 0 : i32
    %dma_wait3A_2972 = tpu.memref_slice %arg9[%dma_wait3A_2968, %dma_wait3A_2970, %dma_wait3A_2971] : memref<5x128x128xf32, #tpu.memory_space<vmem>> -> memref<1x128x128xf32, #tpu.memory_space<vmem>>
    %dma_wait3A_2973 = tpu.memref_squeeze %dma_wait3A_2972 : memref<1x128x128xf32, #tpu.memory_space<vmem>> -> memref<128x128xf32, #tpu.memory_space<vmem>>
    %dma_wait3A_2974 = arith.constant 0 : i32
    %dma_wait3A_2975 = tpu.memref_slice %arg5[%mul3A_2, %dma_wait3A_2974] : memref<3276800x128xf32, #tpu.memory_space<hbm>> -> memref<128x128xf32, #tpu.memory_space<hbm>>
    %dma_wait3A_2976 = tpu.memref_slice %arg13[%dma_wait3A_2969] : memref<5x!tpu.dma_semaphore, #tpu.memory_space<semaphore_mem>> -> memref<1x!tpu.dma_semaphore, #tpu.memory_space<semaphore_mem>>
    %dma_wait3A_2977 = tpu.memref_squeeze %dma_wait3A_2976 : memref<1x!tpu.dma_semaphore, #tpu.memory_space<semaphore_mem>> -> memref<!tpu.dma_semaphore, #tpu.memory_space<semaphore_mem>>
    %dma_wait3A_2978 = arith.constant 0 : i32
    %dma_wait3A_2979 = tpu.memref_slice %arg5[%mul3A_2, %dma_wait3A_2978] : memref<3276800x128xf32, #tpu.memory_space<hbm>> -> memref<128x128xf32, #tpu.memory_space<hbm>>
    %dma_wait3A_2980 = arith.constant 0 : i32
    %dma_wait3A_2981 = arith.constant 0 : i32
    %dma_wait3A_2982 = tpu.memref_slice %arg9[%dma_wait3A_2968, %dma_wait3A_2980, %dma_wait3A_2981] : memref<5x128x128xf32, #tpu.memory_space<vmem>> -> memref<1x128x128xf32, #tpu.memory_space<vmem>>
    %dma_wait3A_2983 = tpu.memref_squeeze %dma_wait3A_2982 : memref<1x128x128xf32, #tpu.memory_space<vmem>> -> memref<128x128xf32, #tpu.memory_space<vmem>>
    tpu.wait_dma2 semaphore(%dma_wait3A_2977 : memref<!tpu.dma_semaphore, #tpu.memory_space<semaphore_mem>>) src(%dma_wait3A_2983 : memref<128x128xf32, #tpu.memory_space<vmem>>) dst(%dma_wait3A_2979 : memref<128x128xf32, #tpu.memory_space<hbm>>)
    return
  }
}

module attributes {stable_mosaic.version = 14 : i64} {
  func.func @_fused_body(%arg0: memref<15x128xf32, #tpu.memory_space<vmem>>, %arg1: memref<5x128xf32, #tpu.memory_space<vmem>>, %arg2: memref<15x5x128xf32, #tpu.memory_space<vmem>>) attributes {dimension_semantics = [], scalar_prefetch = 0 : i64, scratch_operands = 0 : i64, tpu.core_type = #tpu.core_type<tc>} {
    %get3A = arith.constant 0 : index
    %get3A_0 = arith.constant 0 : index
    %get3A_1 = vector.load %arg0[%get3A, %get3A_0] : memref<15x128xf32, #tpu.memory_space<vmem>>, vector<15x128xf32>
    %broadcast_in_dim3A = vector.shape_cast %get3A_1 : vector<15x128xf32> to vector<15x1x128xf32>
    %get3A_2 = arith.constant 0 : index
    %get3A_3 = arith.constant 0 : index
    %get3A_4 = vector.load %arg1[%get3A_2, %get3A_3] : memref<5x128xf32, #tpu.memory_space<vmem>>, vector<5x128xf32>
    %broadcast_in_dim3A_5 = vector.shape_cast %get3A_4 : vector<5x128xf32> to vector<1x5x128xf32>
    %add3A = vector.broadcast %broadcast_in_dim3A : vector<15x1x128xf32> to vector<15x5x128xf32>
    %add3A_6 = vector.broadcast %broadcast_in_dim3A_5 : vector<1x5x128xf32> to vector<15x5x128xf32>
    %add3A_7 = arith.addf %add3A, %add3A_6 : vector<15x5x128xf32>
    %swap3A = arith.constant 0 : index
    %swap3A_8 = arith.constant 0 : index
    %swap3A_9 = arith.constant 0 : index
    %swap3A_10 = vector.load %arg2[%swap3A, %swap3A_8, %swap3A_9] : memref<15x5x128xf32, #tpu.memory_space<vmem>>, vector<15x5x128xf32>
    tpu.vector_store %arg2[%swap3A, %swap3A_8, %swap3A_9], %add3A_7 {strides = array<i32>} : memref<15x5x128xf32, #tpu.memory_space<vmem>>, vector<15x5x128xf32>,
    return
  }
}

</mosaic_0001>

<sc_bundles>
// kernel: kernel.4.cloned.1.call-start
scs
__scs_entry_jumppad:
0x0: {  	(pc) =	sbr.rel $0x88, $3  }
0x1: {  	(tag) =	ssettag $0x0;
	lr =	simm.s32 $0x1  }
0x2: {  	[smem:$0x3F9D] =	sst lr;
	_ =	strace $0xD0000000  }
0x3: {  	_ = 	snop  }
0x4: {  	_ = 	snop  }
0x5: {  	_ = 	snop  }
0x6: {  	_ = 	snop  }
0x7: {  	_ = 	snop  }
__scs_overlays_trampoline_lowered:
0x8: {  	[smem:$0x3FAC] =	sst s0  }
0x9: {  	[smem:$0x3FAD] =	sst s1  }
0xa: {  	[smem:$0x3FAE] =	sst s2  }
0xb: {  	[smem:$0x3FAF] =	sst s3  }
0xc: {  	[smem:$0x3FB0] =	sst s4  }
0xd: {  	[smem:$0x3FB1] =	sst s5  }
0xe: {  	[smem:$0x3FB2] =	sst s6  }
0xf: {  	[smem:$0x3FB3] =	sst s7  }
0x10: {  	[smem:$0x3FB4] =	sst s8  }
0x11: {  	[smem:$0x3FB5] =	sst s9;
	s0 =	simm.s32 @!p0 $0x0  }
0x12: {  	s1 =	sld [smem:$0x3F9B];
	s0 =	simm.s32 @p0 $0x1  }
0x13: {  	[smem:$0x3FB6] =	sst s0;
	s0 =	simm.s32 @!p1 $0x0  }
0x14: {  	s2 =	sld [smem:$0x3F9A];
	s0 =	simm.s32 @p1 $0x1  }
0x15: {  	[smem:$0x3FB7] =	sst s0;
	s0 =	simm.s32 @!p2 $0x0  }
0x16: {  	s3 =	sld [smem:$0x3FDB];
	s0 =	simm.s32 @p2 $0x1  }
0x17: {  	s4 =	simm.s32 $0x1BF5;
	[smem:$0x3FB9] =	sst s0  }
0x18: {  	s0 =	sld [smem:$0x3F9C];
	_ =	swait.ge [sflag:s4], $0x0  }
0x19: {  	s7 =	sld [smem:$0x3F9D]  }
0x1a: {  	s8 =	sadd.s32 $0xFFFFE003, lr  }
0x1b: {  	s9 =	sadd.s32 $0xFFFFFEF7, lr;
	s5 =	simm.s32 $0xFFFFFFFF;
	p2 =	slt.u32 s8, $0xFFFFF086  }
0x1c: {  	p1 =	slt.u32 s9, $0xF7A;
	s5 =	simm.s32 @!p2 $0x0  }
0x1d: {  	s5 =	simm.s32 @p1 $0x1;
	p0 =	seq.s32 s7, s2  }
0x1e: {  	s7 =	smul.u32 @!p0 $0xF7A, s2;
	p2 =	seq.s32 @!p0 s5, $0x0  }
0x1f: {  	s9 =	smul.u32 $0xF7A, s1;
	s8 =	simm.s32 @!p0 $0x1BF5;
	p2 =	por !p2, p0  }
0x20: {  	[sflag:s8] =	ssyncset.s32 @!p0 $0xFFFFF086;
	s6 =	sadd.s32 @!p0 s3, s7;
	s7 =	simm.s32 @!p0 $0x108  }
0x21: {  	s3 =	sadd.s32 s3, s9;
	s6 =	sadd.s32 @!p0 $0x88, s6;
	s7 =	simm.s32 @p2 $0x1082  }
0x22: {  	[simem:s7], [sflag:s8] =	dma.local @!p0 [hbm:s6], $0xF7A  }
0x23: {  	s9 =	sor.u32 $0xD0000000, s2;
	s6 =	simm.s32 $0x108;
	_ =	swait.ge @!p0 [sflag:s8], $0x0  }
0x24: {  	s3 =	sadd.s32 $0x88, s3;
	s6 =	simm.s32 @!p1 $0x1082;
	[sflag:s4] =	ssyncset.s32 $0xFFFFF086  }
0x25: {  	[simem:s6], [sflag:s4] =	dma.local [hbm:s3], $0xF7A  }
0x26: {  	[smem:$0x3F9D] =	sst s1;
	(tag) =	ssettag s2;
	_ =	strace s9  }
0x27: {  	s1 =	sld [smem:$0x3FAD]  }
0x28: {  	s2 =	sld [smem:$0x3FAE]  }
0x29: {  	s4 =	sld [smem:$0x3FB0]  }
0x2a: {  	p0 =	seq.s32 s5, $0x0;
	s5 =	sld [smem:$0x3FB1]  }
0x2b: {  	s6 =	sld [smem:$0x3FB2]  }
0x2c: {  	s7 =	sld [smem:$0x3FB3]  }
0x2d: {  	s3 =	simm.s32 $0x108;
	s8 =	sld [smem:$0x3FB4]  }
0x2e: {  	s3 =	simm.s32 @!p0 $0x1082;
	s9 =	sld [smem:$0x3FB5]  }
0x2f: {  	lr =	sadd.s32 s0, s3;
	s0 =	sld [smem:$0x3FAC]  }
0x30: {  	s3 =	sld [smem:$0x3FAF]  }
0x31: {  	[smem:$0x3FB8] =	sst s10  }
0x32: {  	s10 =	sld [smem:$0x3FB6];
	_ =	sdelay $0x3  }
0x33: {  	p0 =	seq.s32 s10, $0x1;
	s10 =	sld [smem:$0x3FB8];
	_ =	sdelay $0x3  }
0x34: {  	[smem:$0x3FB8] =	sst s10  }
0x35: {  	s10 =	sld [smem:$0x3FB7];
	_ =	sdelay $0x3  }
0x36: {  	p1 =	seq.s32 s10, $0x1;
	s10 =	sld [smem:$0x3FB8];
	_ =	sdelay $0x3  }
0x37: {  	[smem:$0x3FB8] =	sst s10  }
0x38: {  	s10 =	sld [smem:$0x3FB9]  }
0x39: {  	_ = 	snop;
	(pc) =	sbr.ind lr, $3  }
0x3a: {  	_ = 	snop  }
0x3b: {  	_ = 	snop  }
0x3c: {  	p2 =	seq.s32 s10, $0x1;
	s10 =	sld [smem:$0x3FB8]  }
0x3d: {  	_ =	shalt  }
0x3e: {  	_ =	shalt  }
0x3f: {  	_ =	shalt  }
0x40: {  	_ =	shalt  }
0x41: {  	_ =	shalt  }
0x42: {  	_ =	shalt  }
0x43: {  	_ =	shalt  }
0x44: {  	_ =	shalt  }
0x45: {  	_ =	shalt  }
0x46: {  	_ =	shalt  }
0x47: {  	_ =	shalt  }
0x48: {  	_ =	shalt  }
0x49: {  	_ =	shalt  }
0x4a: {  	_ =	shalt  }
0x4b: {  	_ =	shalt  }
0x4c: {  	_ =	shalt  }
0x4d: {  	_ =	shalt  }
0x4e: {  	_ =	shalt  }
0x4f: {  	_ =	shalt  }
0x50: {  	_ =	shalt  }
0x51: {  	_ =	shalt  }
0x52: {  	_ =	shalt  }
0x53: {  	_ =	shalt  }
0x54: {  	_ =	shalt  }
0x55: {  	_ =	shalt  }
0x56: {  	_ =	shalt  }
0x57: {  	_ =	shalt  }
0x58: {  	_ =	shalt  }
0x59: {  	_ =	shalt  }
0x5a: {  	_ =	shalt  }
0x5b: {  	_ =	shalt  }
0x5c: {  	_ =	shalt  }
0x5d: {  	_ =	shalt  }
0x5e: {  	_ =	shalt  }
0x5f: {  	_ =	shalt  }
0x60: {  	_ =	shalt  }
0x61: {  	_ =	shalt  }
0x62: {  	_ =	shalt  }
0x63: {  	_ =	shalt  }
0x64: {  	_ =	shalt  }
0x65: {  	_ =	shalt  }
0x66: {  	_ =	shalt  }
0x67: {  	_ =	shalt  }
0x68: {  	_ =	shalt  }
0x69: {  	_ =	shalt  }
0x6a: {  	_ =	shalt  }
0x6b: {  	_ =	shalt  }
0x6c: {  	_ =	shalt  }
0x6d: {  	_ =	shalt  }
0x6e: {  	_ =	shalt  }
0x6f: {  	_ =	shalt  }
0x70: {  	_ =	shalt  }
0x71: {  	_ =	shalt  }
0x72: {  	_ =	shalt  }
0x73: {  	_ =	shalt  }
0x74: {  	_ =	shalt  }
0x75: {  	_ =	shalt  }
0x76: {  	_ =	shalt  }
0x77: {  	_ =	shalt  }
0x78: {  	_ =	shalt  }
0x79: {  	_ =	shalt  }
0x7a: {  	_ =	shalt  }
0x7b: {  	_ =	shalt  }
0x7c: {  	_ =	shalt  }
0x7d: {  	_ =	shalt  }
0x7e: {  	_ =	shalt  }
0x7f: {  	_ =	shalt  }
0x80: {  	_ =	shalt  }
0x81: {  	_ =	shalt  }
0x82: {  	_ =	shalt  }
0x83: {  	_ =	shalt  }
0x84: {  	_ =	shalt  }
0x85: {  	_ =	shalt  }
0x86: {  	_ =	shalt  }
0x87: {  	_ =	shalt  }
.Lfunc_end0:
.L_simem_size_0:
called_computation_lowered:
.L_overlay_start_0:
0x88: {  	s2 =	sld [smem:$0x3FD9]  }
0x89: {  	s3 =	sld [smem:$0x3FFE];
	_ =	sdelay $0x1  }
0x8a: {  	s1 =	srdreg.scid  }
0x8b: {  	s0 =	sand.u32 $0x1, s1  }
0x8c: {  	s17 =	sshll.u32 s0, $0xA;
	s2 =	sadd.s32 s3, s2  }
0x8d: {  	s2 =	sadd.s32 s2, s17  }
0x8e: {  	[smem:$0x3FC4] =	sst s2  }
0x8f: {  	_ = 	snop  }
0x90: {  	s2 =	sld [smem:$0x3FD0];
	(tm) =	ssettm $0x1  }
0x91: {  	s18 =	sld [smem:$0x3FFB];
	_ =	sdelay $0x3  }
0x92: {  	_ =	strace s18  }
0x93: {  	s3 =	sld [smem:$0x3FFC];
	_ =	sdelay $0x3  }
0x94: {  	_ =	strace s3  }
0x95: {  	s3 =	sld [smem:$0x3FFD];
	_ =	sdelay $0x3  }
0x96: {  	_ =	strace s3  }
0x97: {  	_ =	strace $0x8FFFFFFF  }
0x98: {  	s19 =	sld [smem:$0x3FDB];
	_ =	sdelay $0x1  }
0x99: {  	s4 =	simm.s32 $_scs_section_size  }
0x9a: {  	s5 =	simm.s32 $_size__tile_overlayer_lowered;
	s6 =	simm.s32 $_tile_overlayer_lowered  }
0x9b: {  	s22 =	simm.s32 $0x1BFF;
	s21 =	sshll.u32 s6, $0x1;
	s3 =	sadd.s32 s4, s19  }
0x9c: {  	s7 =	simm.s32 $0x0;
	s20 =	sshll.u32 s5, $0x1;
	s5 =	sadd.s32 s21, s3  }
0x9d: {  	[timem:s7], [sflag:s22] =	dma.local [hbm:s5], s20  }
0x9e: {  	_ =	swait.ge [sflag:s22], s20  }
0x9f: {  	s4 =	ssub.s32 $0x0, s20;
	[sflag:s22] =	ssyncset.done $0x0  }
0xa0: {  	[sflag:s22] =	ssyncadd.s32 s4;
	_ =	sdelay $0x1  }
0xa1: {  	s23 =	simm.s32 $0x1B8B  }
0xa2: {  	_ =	swait.ge [sflag:s23], $0x1  }
0xa3: {  	[sflag:s23] =	ssyncset.done $0x0  }
0xa4: {  	s25 =	simm.s32 $0x1B8E;
	s24 =	sld [smem:$0x3FFE];
	[sflag:s23] =	ssyncadd.s32 $0xFFFFFFFF  }
0xa5: {  	s26 =	simm.s32 $execute0_lowered;
	[smem:$0x3FD2] =	sst s25  }
0xa6: {  	s5 =	sshll.u32 s26, $0x1;
	_ =	strace $0x80000046;
	[dreg:$0x1] =	wrdreg $0xFFFFFFFF  }
0xa7: {  	s28 =	simm.s32 $_size_execute0_lowered;
	s3 =	sadd.s32 s3, s5;
	[dreg:$0x0] =	wrdreg $0x0  }
0xa8: {  	s5 =	sshll.u32 s28, $0x1;
	[dreg:$0x2] =	wrdreg s3  }
0xa9: {  	[dreg:$0x3] =	wrdreg s5  }
0xaa: {  	[dreg:$0x4] =	wrdreg $0xC0  }
0xab: {  	_ =	task [dreg:s7], $0x5FFFF  }
0xac: {  	[dreg:$0x1] =	wrdreg $0xFFFFFFFF  }
0xad: {  	[dreg:$0x0] =	wrdreg $0x60  }
0xae: {  	[dreg:$0x2] =	wrdreg s24  }
0xaf: {  	[dreg:$0x3] =	wrdreg s2  }
0xb0: {  	[dreg:$0x4] =	wrdreg $0x14C000  }
0xb1: {  	[dreg:$0x5] =	wrdreg $0x9  }
0xb2: {  	_ =	task.clear_ibuf [dreg:s7], $0x6FFFF;
	_ =	strace $0x90000046  }
0xb3: {  	s29 =	simm.s32 $0x9;
	_ =	strace $0x80000048  }
0xb4: {  	_ =	swait.ge [sflag:s29], $0x1  }
0xb5: {  	[sflag:s29] =	ssyncadd.s32 $0xFFFFFFFF  }
0xb6: {  	_ =	strace $0x90000048  }
0xb7: {  	_ =	sfence  }
0xb8: {  	s30 =	sld [smem:$0x0];
	_ =	sdelay $0x2  }
0xb9: {  	s31 =	sshll.u32 s1, $0xD;
	s1 =	sshrl.u32 s1, $0x2  }
0xba: {  	s3 =	sand.u32 $0x4000, s31;
	s1 =	sadd.s32 s1, s30  }
0xbb: {  	s0 =	sor.u32 s3, s0;
	s1 =	sshll.u32 s1, $0x11  }
0xbc: {  	s0 =	sor.u32 s1, s0  }
0xbd: {  	s0 =	sadd.s32 $0x8F2B, s0  }
0xbe: {  	[sflag:s0] =	ssyncadd.remote.s32 $0x1  }
0xbf: {  	_ =	sfence.sel $0xFFFF  }
0xc0: {  	[dreg:$0x0] =	wrdreg $0xFFFFFFFF;
	(pc) =	sbr.abs _section_cstart, $3  }
0xc1: {  	[dreg:$0x1] =	wrdreg $0xFFFFFFFF  }
0xc2: {  	_ =	task.clear_ibuf [dreg:s7], $0x2FFFF;
	_ =	strace $0x9FFFFFFF  }
0xc3: {  	(tm) =	ssettm $0x7FFFFFFF  }
tec
execute0_lowered:
.L_overlay_start_1:
0x0: {  	(tag) =	ssettag $0x1  }
0x1: {  	s0 =	rddreg [dreg:$0x0]  }
0x2: {  	s9 =	rddreg [dreg:$0x1]  }
0x3: {  	s2 =	srdreg.scid;
	s3 =	stileid.u32  }
0x4: {  	s1 =	rddreg [dreg:$0x2];
	s30 =	simm.s32 $0x180;
	s31 =	simm.s32 $0x800  }
0x5: {  	s28 =	simm.s32 $0x7;
	s8 =	sand.u32 $0x1, s2;
	s4 =	sshll.u32 s3, $0x1  }
0x6: {  	s2 =	simm.s32 $0x0;
	s5 =	sadd.s32 $0x1E00, s0;
	s15 =	smul.u32 $0x32000, s3  }
0x7: {  	s6 =	sadd.s32 $0x65E00, s0;
	s10 =	sor.u32 s8, s4;
	s18 =	smul.u32 $0x19000, s8  }
0x8: {  	s0 =	sadd.s32 $0x1800, s0;
	[smem:$0x7FF] =	sst s2;
	s11 =	smul.u32 $0x19000, s10  }
0x9: {  	s19 =	ssub.s32 $0x2, s8;
	_ =	strace $0x80000047;
	s20 =	smul.u32 $0x190000, s10  }
0xa: {  	s7 =	sshrl.u32 s19, $0x1;
	s10 =	smul.u32 $0xC80000, s10;
	[smem:$0x7F7] =	sst s0  }
0xb: {  	s4 =	ssub.s32 s19, s7;
	s12 =	sor.u32 $0x80, s11;
	s7 =	sshrl.u32 s11, $0x3  }
0xc: {  	s21 =	sor.u32 $0x100, s11;
	s17 =	sor.u32 $0x180, s11;
	s11 =	sor.u32 $0x200, s11  }
0xd: {  	s10 =	sshrl.u32 s10, $0x3;
	s13 =	sshrl.u32 s12, $0x3;
	s16 =	sshrl.u32 s21, $0x3  }
0xe: {  	s12 =	sshll.u32 s12, $0x4;
	s22 =	sshll.u32 s21, $0x4;
	s14 =	sadd.s32 s5, s13  }
0xf: {  	s23 =	sshll.u32 s17, $0x4;
	s13 =	sadd.s32 s6, s13;
	[dreg:$0xe] =	wrdreg s14  }
0x10: {  	s25 =	sshll.u32 s11, $0x4;
	s12 =	sadd.s32 s9, s12;
	[dreg:$0xf] =	wrdreg s13  }
0x11: {  	s21 =	smul.u32 $0x320000, s3;
	s14 =	sadd.s32 s9, s20;
	[dreg:$0x11] =	wrdreg s12  }
0x12: {  	s10 =	sadd.s32 s9, s10;
	s12 =	sadd.s32 s9, s22;
	[dreg:$0x10] =	wrdreg s14  }
0x13: {  	s13 =	sadd.s32 s18, s15;
	[dreg:$0x12] =	wrdreg s12;
	s12 =	sadd.s32 s9, s23  }
0x14: {  	s24 =	sor.u32 $0x700, s13;
	[dreg:$0x13] =	wrdreg s12;
	s12 =	sadd.s32 s9, s25  }
0x15: {  	s14 =	sshrl.u32 s24, $0x3;
	s24 =	sadd.s32 s5, s16;
	[dreg:$0x14] =	wrdreg s12  }
0x16: {  	s11 =	sshrl.u32 s11, $0x3;
	s16 =	sadd.s32 s6, s16;
	[dreg:$0x15] =	wrdreg s24  }
0x17: {  	s9 =	sadd.s32 s21, s9;
	s21 =	sadd.s32 s5, s11;
	[dreg:$0x16] =	wrdreg s16  }
0x18: {  	s29 =	simm.s32 $0x5;
	s11 =	sadd.s32 s6, s11;
	[dreg:$0x19] =	wrdreg s21  }
0x19: {  	s18 =	sor.u32 $0x680, s13;
	s26 =	sadd.s32 s14, s6;
	[dreg:$0x1a] =	wrdreg s11  }
0x1a: {  	s18 =	sshrl.u32 s18, $0x3;
	s14 =	sadd.s32 s14, s5;
	[dreg:$0x4] =	wrdreg s26  }
0x1b: {  	p0 =	sne.s32 s3, $0x0;
	s19 =	sadd.s32 s18, s6;
	[dreg:$0x5] =	wrdreg s14  }
0x1c: {  	s25 =	sshrl.u32 s17, $0x3;
	s15 =	sadd.s32 s18, s5;
	[dreg:$0x6] =	wrdreg s19  }
0x1d: {  	s8 =	smul.u32 $0x190000, s8;
	s16 =	sadd.s32 s5, s25;
	[dreg:$0x7] =	wrdreg s15  }
0x1e: {  	s20 =	sor.u32 $0x600, s13;
	s17 =	sadd.s32 s6, s25;
	[dreg:$0x17] =	wrdreg s16  }
0x1f: {  	s12 =	sshrl.u32 s20, $0x3;
	s21 =	sadd.s32 $0x18E000, s10;
	[dreg:$0x18] =	wrdreg s17  }
0x20: {  	s0 =	simm.s32 $0x8;
	s22 =	sadd.s32 s12, s6;
	[smem:$0x7F8] =	sst s21  }
0x21: {  	s24 =	sor.u32 $0x60, s7;
	s12 =	sadd.s32 s12, s5;
	[dreg:$0x8] =	wrdreg s22  }
0x22: {  	s3 =	simm.s32 $0x500;
	s25 =	sadd.s32 s5, s24;
	[dreg:$0x9] =	wrdreg s12  }
0x23: {  	s23 =	sor.u32 $0x580, s13;
	s11 =	sadd.s32 s6, s24;
	[dreg:$0x1d] =	wrdreg s25  }
0x24: {  	s18 =	sor.u32 $0x500, s13;
	s17 =	sadd.s32 s5, s7;
	[dreg:$0x1e] =	wrdreg s11  }
0x25: {  	s14 =	sshrl.u32 s23, $0x3;
	s24 =	sadd.s32 $0x18F800, s10;
	[smem:$0x7F2] =	sst s17  }
0x26: {  	s8 =	sadd.s32 s8, s9;
	s26 =	sadd.s32 s14, s6;
	[smem:$0x7FB] =	sst s24  }
0x27: {  	s21 =	simm.s32 $0x480;
	s19 =	sadd.s32 s14, s5;
	[dreg:$0xa] =	wrdreg s26  }
0x28: {  	s12 =	sshrl.u32 s18, $0x3;
	s18 =	sadd.s32 s6, s7;
	[dreg:$0xb] =	wrdreg s19  }
0x29: {  	s22 =	sor.u32 $0x50, s7;
	s25 =	smax.u32 s4, $0x1;
	[smem:$0x7F3] =	sst s18  }
0x2a: {  	s14 =	sor.u32 $0x80, s7;
	s20 =	sadd.s32 s12, s6;
	[smem:$0x7FC] =	sst s25  }
0x2b: {  	s17 =	simm.s32 $0x2;
	s23 =	sadd.s32 s5, s22;
	[dreg:$0xc] =	wrdreg s20  }
0x2c: {  	s24 =	simm.s32 $0x4;
	s9 =	sadd.s32 s6, s22;
	[dreg:$0x1b] =	wrdreg s23  }
0x2d: {  	s11 =	simm.s32 $0xE;
	s15 =	sadd.s32 s5, s14;
	[dreg:$0x1c] =	wrdreg s9  }
0x2e: {  	s4 =	simm.s32 $0x0;
	s16 =	sadd.s32 s6, s14;
	[smem:$0x7F0] =	sst s15  }
0x2f: {  	s26 =	sor.u32 $0x70, s7;
	s22 =	sadd.s32 $0x18E800, s10;
	[smem:$0x7F1] =	sst s16  }
0x30: {  	s7 =	sor.u32 $0x90, s7;
	s13 =	sadd.s32 s5, s26;
	[smem:$0x7F9] =	sst s22  }
0x31: {  	s25 =	simm.s32 $0x100;
	s9 =	sadd.s32 s6, s26;
	[dreg:$0x1f] =	wrdreg s13  }
0x32: {  	s18 =	simm.s32 $0x3;
	s6 =	sadd.s32 s6, s7;
	[smem:$0x7EF] =	sst s9  }
0x33: {  	s19 =	sadd.s32 s5, s7;
	s5 =	sadd.s32 s12, s5;
	[smem:$0x7F4] =	sst s6  }
0x34: {  	s20 =	sadd.s32 $0x18D800, s10;
	s23 =	sadd.s32 $0x18F000, s10;
	[smem:$0x7F5] =	sst s19  }
0x35: {  	s26 =	sadd.s32 $0x4800, s8;
	s8 =	simm.s32 $0x80;
	[dreg:$0xd] =	wrdreg s5  }
0x36: {  	s22 =	simm.s32 $0x200;
	s16 =	simm.s32 $0x1;
	[smem:$0x7F6] =	sst s20  }
0x37: {  	s7 =	simm.s32 $0xA;
	s10 =	simm.s32 $0xD;
	[smem:$0x7FA] =	sst s23  }
0x38: {  	s12 =	simm.s32 $0xF;
	[smem:$0x7FD] =	sst s26;
	s19 =	simm.s32 $0x400  }
0x39: {  	s20 =	simm.s32 $0x580;
	s26 =	simm.s32 $0x600;
	s23 =	simm.s32 $0x6  }
0x3a: {  	s5 =	simm.s32 $0x9;
	s6 =	simm.s32 $0xB;
	s9 =	simm.s32 $0xC  }
.LBB2_1:
0x3b: {  	s15 =	sld [smem:$0x7F7];
	_ =	sdelay $0x1  }
0x3c: {  	[smem:$0x7EE] =	sst s4;
	s13 =	sshrl.u32 @!p0 s1, $0x3;
	s14 =	simm.s32 @!p0 $0x1C10  }
0x3d: {  	[spmem:s13], [sflag:s14] =	dma.local @!p0 [hbm:s15], $0x4B0  }
0x3e: {  	s13 =	simm.s32 @!p0 $0x10  }
0x3f: {  	_ =	swait.ge @!p0 [sflag:s13], $0x4B0  }
0x40: {  	[sflag:s13] =	ssyncset.done @!p0 $0x0  }
0x41: {  	[sflag:s13] =	ssyncadd.s32 @!p0 $0xFFFFFB50  }
0x42: {  	[bflag:$0x0] =	sbarrier.arrive $0xFFFF  }
0x43: {  	s14 =	sld [smem:$0x7F2];
	_ =	sdelay $0x1  }
0x44: {  	s15 =	sld [smem:$0x7F3]  }
0x45: {  	[tilespmem:s2], [sflag:$0x1] =	stream.linear.gather [hbm4b:s14+s2], $0x80, $0x38;
	[tilespmem:$0x14E58] =	vst v63  }
0x46: {  	_ = 	snop  }
0x47: {  	[tilespmem:s19], [sflag:$0x1] =	stream.linear.gather [hbm4b:s15+s2], $0x80, $0x38;
	[tilespmem:$0x14E58] =	vst v63  }
0x48: {  	s4 =	rddreg [dreg:$0xe]  }
0x49: {  	[tilespmem:s8], [sflag:$0x2] =	stream.linear.gather [hbm4b:s4+s2], $0x80, $0x38;
	[tilespmem:$0x14E58] =	vst v63  }
0x4a: {  	s14 =	rddreg [dreg:$0xf]  }
0x4b: {  	[tilespmem:s21], [sflag:$0x2] =	stream.linear.gather [hbm4b:s14+s2], $0x80, $0x38;
	[tilespmem:$0x14E58] =	vst v63  }
0x4c: {  	s15 =	rddreg [dreg:$0x15]  }
0x4d: {  	[tilespmem:s25], [sflag:$0x3] =	stream.linear.gather [hbm4b:s15+s2], $0x80, $0x38;
	[tilespmem:$0x14E58] =	vst v63  }
0x4e: {  	s4 =	rddreg [dreg:$0x16]  }
0x4f: {  	[tilespmem:s3], [sflag:$0x3] =	stream.linear.gather [hbm4b:s4+s2], $0x80, $0x38;
	[tilespmem:$0x14E58] =	vst v63  }
0x50: {  	s14 =	rddreg [dreg:$0x17]  }
0x51: {  	[tilespmem:s30], [sflag:$0x4] =	stream.linear.gather [hbm4b:s14+s2], $0x80, $0x38;
	[tilespmem:$0x14E58] =	vst v63  }
0x52: {  	s15 =	rddreg [dreg:$0x18]  }
0x53: {  	[tilespmem:s20], [sflag:$0x4] =	stream.linear.gather [hbm4b:s15+s2], $0x80, $0x38;
	[tilespmem:$0x14E58] =	vst v63  }
0x54: {  	s4 =	rddreg [dreg:$0x19]  }
0x55: {  	[tilespmem:s22], [sflag:$0x5] =	stream.linear.gather [hbm4b:s4+s2], $0x80, $0x38;
	[tilespmem:$0x14E58] =	vst v63  }
0x56: {  	s14 =	rddreg [dreg:$0x1a]  }
0x57: {  	[tilespmem:s26], [sflag:$0x5] =	stream.linear.gather [hbm4b:s14+s2], $0x80, $0x38;
	[tilespmem:$0x14E58] =	vst v63  }
0x58: {  	_ =	swait.ge [sflag:s16], $0x80  }
0x59: {  	[sflag:s16] =	ssyncset.done $0x0  }
0x5a: {  	[sflag:s16] =	ssyncadd.s32 $0xFFFFFF80  }
0x5b: {  	_ =	swait.ge [sflag:s16], $0x80  }
0x5c: {  	[sflag:s16] =	ssyncset.done $0x0  }
0x5d: {  	[sflag:s16] =	ssyncadd.s32 $0xFFFFFF80  }
0x5e: {  	v0 =	vld [tilespmem:$0x0]  }
0x5f: {  	v1 =	vld [tilespmem:$0x400]  }
0x60: {  	v2 =	vld [tilespmem:$0x10]  }
0x61: {  	v3 =	vld [tilespmem:$0x410]  }
0x62: {  	v4 =	vld [tilespmem:$0x20]  }
0x63: {  	v5 =	vld [tilespmem:$0x420]  }
0x64: {  	v6 =	vld [tilespmem:$0x30]  }
0x65: {  	v7 =	vld [tilespmem:$0x430]  }
0x66: {  	v8 =	vld [tilespmem:$0x40]  }
0x67: {  	v9 =	vld [tilespmem:$0x440]  }
0x68: {  	v10 =	vld [tilespmem:$0x50]  }
0x69: {  	v11 =	vld [tilespmem:$0x450];
	v0 =	vmul.u32 $0x5, v0  }
0x6a: {  	v12 =	vld [tilespmem:$0x60];
	v2 =	vmul.u32 $0x5, v2  }
0x6b: {  	v22 =	vld [tilespmem:$0x70];
	v21 =	vmul.u32 $0x5, v4;
	v0 =	vadd.s32 v0, v1  }
0x6c: {  	v24 =	vld [tilespmem:$0x460];
	v23 =	vmul.u32 $0x5, v6;
	v2 =	vadd.s32 v2, v3;
	v0 =	vadd.s32 $0xFFFFFFFF, v0  }
0x6d: {  	v27 =	vld [tilespmem:$0x470];
	v26 =	vmul.u32 $0x5, v8;
	v1 =	vadd.s32 v21, v5;
	v25 =	vadd.s32 $0xFFFFFFFF, v2;
	[tilespmem:$0x800] =	vst v0  }
0x6e: {  	v30 =	vmul.u32 $0x5, v10;
	v29 =	vadd.s32 v23, v7;
	v28 =	vadd.s32 $0xFFFFFFFF, v1;
	[tilespmem:$0x810] =	vst v25  }
0x6f: {  	v33 =	vmul.u32 $0x5, v12;
	v32 =	vadd.s32 v26, v9;
	v31 =	vadd.s32 $0xFFFFFFFF, v29;
	[tilespmem:$0x820] =	vst v28  }
0x70: {  	v36 =	vmul.u32 $0x5, v22;
	v35 =	vadd.s32 v30, v11;
	v34 =	vadd.s32 $0xFFFFFFFF, v32;
	[tilespmem:$0x830] =	vst v31  }
0x71: {  	v38 =	vadd.s32 v33, v24;
	v37 =	vadd.s32 $0xFFFFFFFF, v35;
	[tilespmem:$0x840] =	vst v34  }
0x72: {  	v40 =	vadd.s32 v36, v27;
	v39 =	vadd.s32 $0xFFFFFFFF, v38;
	[tilespmem:$0x850] =	vst v37  }
0x73: {  	v41 =	vadd.s32 $0xFFFFFFFF, v40;
	[tilespmem:$0x860] =	vst v39  }
0x74: {  	[tilespmem:$0x870] =	vst v41  }
0x75: {  	_ =	swait.ge [sflag:s17], $0x80  }
0x76: {  	[sflag:s17] =	ssyncset.done $0x0  }
0x77: {  	[sflag:s17] =	ssyncadd.s32 $0xFFFFFF80  }
0x78: {  	_ =	swait.ge [sflag:s17], $0x80  }
0x79: {  	[sflag:s17] =	ssyncset.done $0x0  }
0x7a: {  	[sflag:s17] =	ssyncadd.s32 $0xFFFFFF80  }
0x7b: {  	v42 =	vld [tilespmem:$0x80]  }
0x7c: {  	v43 =	vld [tilespmem:$0x480]  }
0x7d: {  	v44 =	vld [tilespmem:$0x90]  }
0x7e: {  	v45 =	vld [tilespmem:$0x490]  }
0x7f: {  	v46 =	vld [tilespmem:$0xA0]  }
0x80: {  	v47 =	vld [tilespmem:$0x4A0]  }
0x81: {  	v48 =	vld [tilespmem:$0xB0]  }
0x82: {  	v49 =	vld [tilespmem:$0x4B0]  }
0x83: {  	v50 =	vld [tilespmem:$0xC0]  }
0x84: {  	v51 =	vld [tilespmem:$0x4C0]  }
0x85: {  	v52 =	vld [tilespmem:$0xD0]  }
0x86: {  	v53 =	vld [tilespmem:$0x4D0];
	v0 =	vmul.u32 $0x5, v42  }
0x87: {  	v54 =	vld [tilespmem:$0xE0];
	v2 =	vmul.u32 $0x5, v44  }
0x88: {  	v56 =	vld [tilespmem:$0xF0];
	v55 =	vmul.u32 $0x5, v46;
	v0 =	vadd.s32 v0, v43  }
0x89: {  	v58 =	vld [tilespmem:$0x4E0];
	v57 =	vmul.u32 $0x5, v48;
	v2 =	vadd.s32 v2, v45;
	v0 =	vadd.s32 $0xFFFFFFFF, v0  }
0x8a: {  	v61 =	vld [tilespmem:$0x4F0];
	v60 =	vmul.u32 $0x5, v50;
	v1 =	vadd.s32 v55, v47;
	v59 =	vadd.s32 $0xFFFFFFFF, v2;
	[tilespmem:$0x880] =	vst v0  }
0x8b: {  	v7 =	vmul.u32 $0x5, v52;
	v63 =	vadd.s32 v57, v49;
	v62 =	vadd.s32 $0xFFFFFFFF, v1;
	[tilespmem:$0x890] =	vst v59  }
0x8c: {  	v10 =	vmul.u32 $0x5, v54;
	v9 =	vadd.s32 v60, v51;
	v8 =	vadd.s32 $0xFFFFFFFF, v63;
	[tilespmem:$0x8A0] =	vst v62  }
0x8d: {  	v14 =	vmul.u32 $0x5, v56;
	v13 =	vadd.s32 v7, v53;
	v12 =	vadd.s32 $0xFFFFFFFF, v9;
	[tilespmem:$0x8B0] =	vst v8  }
0x8e: {  	v16 =	vadd.s32 v10, v58;
	v15 =	vadd.s32 $0xFFFFFFFF, v13;
	[tilespmem:$0x8C0] =	vst v12  }
0x8f: {  	v18 =	vadd.s32 v14, v61;
	v17 =	vadd.s32 $0xFFFFFFFF, v16;
	[tilespmem:$0x8D0] =	vst v15  }
0x90: {  	v19 =	vadd.s32 $0xFFFFFFFF, v18;
	[tilespmem:$0x8E0] =	vst v17  }
0x91: {  	[tilespmem:$0x8F0] =	vst v19  }
0x92: {  	_ =	swait.ge [sflag:s18], $0x80  }
0x93: {  	[sflag:s18] =	ssyncset.done $0x0  }
0x94: {  	[sflag:s18] =	ssyncadd.s32 $0xFFFFFF80  }
0x95: {  	_ =	swait.ge [sflag:s18], $0x80  }
0x96: {  	[sflag:s18] =	ssyncset.done $0x0  }
0x97: {  	[sflag:s18] =	ssyncadd.s32 $0xFFFFFF80  }
0x98: {  	v20 =	vld [tilespmem:$0x100]  }
0x99: {  	v21 =	vld [tilespmem:$0x500]  }
0x9a: {  	v22 =	vld [tilespmem:$0x110]  }
0x9b: {  	v23 =	vld [tilespmem:$0x510]  }
0x9c: {  	v24 =	vld [tilespmem:$0x120]  }
0x9d: {  	v25 =	vld [tilespmem:$0x520]  }
0x9e: {  	v26 =	vld [tilespmem:$0x130]  }
0x9f: {  	v27 =	vld [tilespmem:$0x530]  }
0xa0: {  	v28 =	vld [tilespmem:$0x140]  }
0xa1: {  	v29 =	vld [tilespmem:$0x540]  }
0xa2: {  	v30 =	vld [tilespmem:$0x150]  }
0xa3: {  	v31 =	vld [tilespmem:$0x550];
	v0 =	vmul.u32 $0x5, v20  }
0xa4: {  	v32 =	vld [tilespmem:$0x160];
	v2 =	vmul.u32 $0x5, v22  }
0xa5: {  	v34 =	vld [tilespmem:$0x170];
	v33 =	vmul.u32 $0x5, v24;
	v0 =	vadd.s32 v0, v21  }
0xa6: {  	v36 =	vld [tilespmem:$0x560];
	v35 =	vmul.u32 $0x5, v26;
	v2 =	vadd.s32 v2, v23;
	v0 =	vadd.s32 $0xFFFFFFFF, v0  }
0xa7: {  	v39 =	vld [tilespmem:$0x570];
	v38 =	vmul.u32 $0x5, v28;
	v1 =	vadd.s32 v33, v25;
	v37 =	vadd.s32 $0xFFFFFFFF, v2;
	[tilespmem:$0x900] =	vst v0  }
0xa8: {  	v42 =	vmul.u32 $0x5, v30;
	v41 =	vadd.s32 v35, v27;
	v40 =	vadd.s32 $0xFFFFFFFF, v1;
	[tilespmem:$0x910] =	vst v37  }
0xa9: {  	v45 =	vmul.u32 $0x5, v32;
	v44 =	vadd.s32 v38, v29;
	v43 =	vadd.s32 $0xFFFFFFFF, v41;
	[tilespmem:$0x920] =	vst v40  }
0xaa: {  	v48 =	vmul.u32 $0x5, v34;
	v47 =	vadd.s32 v42, v31;
	v46 =	vadd.s32 $0xFFFFFFFF, v44;
	[tilespmem:$0x930] =	vst v43  }
0xab: {  	v50 =	vadd.s32 v45, v36;
	v49 =	vadd.s32 $0xFFFFFFFF, v47;
	[tilespmem:$0x940] =	vst v46  }
0xac: {  	v52 =	vadd.s32 v48, v39;
	v51 =	vadd.s32 $0xFFFFFFFF, v50;
	[tilespmem:$0x950] =	vst v49  }
0xad: {  	v53 =	vadd.s32 $0xFFFFFFFF, v52;
	[tilespmem:$0x960] =	vst v51  }
0xae: {  	s4 =	simm.s32 $0xC00;
	[tilespmem:$0x970] =	vst v53  }
0xaf: {  	[tilespmem:s4], [sflag:$0x6] =	stream.indirect.gather [spmem:s1], $0x80, s31, s8, $0xb8;
	[tilespmem:$0x14E58] =	vst v63  }
0xb0: {  	s15 =	simm.s32 $0x880;
	s14 =	simm.s32 $0x4C00  }
0xb1: {  	[tilespmem:s14], [sflag:$0x7] =	stream.indirect.gather [spmem:s1], $0x80, s15, s8, $0xb8;
	[tilespmem:$0x14E58] =	vst v63  }
0xb2: {  	_ =	swait.ge [sflag:s23], $0x4000  }
0xb3: {  	[sflag:s23] =	ssyncset.done $0x0  }
0xb4: {  	s15 =	rddreg [dreg:$0x10];
	[sflag:s23] =	ssyncadd.s32 $0xFFFFC000  }
0xb5: {  	[hbm4b:s15+s2] =	stream.linear.scatter [tilespmem:s4], [sflag:$0xB], $0x4000, $0x38;
	[tilespmem:$0x14E58] =	vst v63  }
0xb6: {  	s15 =	rddreg [dreg:$0x1b]  }
0xb7: {  	[tilespmem:s2], [sflag:$0x1] =	stream.linear.gather [hbm4b:s15+s2], $0x80, $0x38;
	[tilespmem:$0x14E58] =	vst v63  }
0xb8: {  	s15 =	rddreg [dreg:$0x1c]  }
0xb9: {  	[tilespmem:s19], [sflag:$0x1] =	stream.linear.gather [hbm4b:s15+s2], $0x80, $0x38;
	[tilespmem:$0x14E58] =	vst v63  }
0xba: {  	_ =	swait.ge [sflag:s24], $0x80  }
0xbb: {  	[sflag:s24] =	ssyncset.done $0x0  }
0xbc: {  	[sflag:s24] =	ssyncadd.s32 $0xFFFFFF80  }
0xbd: {  	_ =	swait.ge [sflag:s24], $0x80  }
0xbe: {  	[sflag:s24] =	ssyncset.done $0x0  }
0xbf: {  	[sflag:s24] =	ssyncadd.s32 $0xFFFFFF80  }
0xc0: {  	v54 =	vld [tilespmem:$0x180]  }
0xc1: {  	v55 =	vld [tilespmem:$0x580]  }
0xc2: {  	v56 =	vld [tilespmem:$0x190]  }
0xc3: {  	v57 =	vld [tilespmem:$0x590]  }
0xc4: {  	v58 =	vld [tilespmem:$0x1A0]  }
0xc5: {  	v59 =	vld [tilespmem:$0x5A0]  }
0xc6: {  	v60 =	vld [tilespmem:$0x1B0]  }
0xc7: {  	v61 =	vld [tilespmem:$0x5B0]  }
0xc8: {  	v62 =	vld [tilespmem:$0x1C0]  }
0xc9: {  	v63 =	vld [tilespmem:$0x5C0]  }
0xca: {  	v16 =	vld [tilespmem:$0x1D0]  }
0xcb: {  	v17 =	vld [tilespmem:$0x5D0];
	v0 =	vmul.u32 $0x5, v54  }
0xcc: {  	v18 =	vld [tilespmem:$0x1E0];
	v2 =	vmul.u32 $0x5, v56  }
0xcd: {  	v20 =	vld [tilespmem:$0x1F0];
	v19 =	vmul.u32 $0x5, v58;
	v0 =	vadd.s32 v0, v55  }
0xce: {  	v22 =	vld [tilespmem:$0x5E0];
	v21 =	vmul.u32 $0x5, v60;
	v2 =	vadd.s32 v2, v57;
	v0 =	vadd.s32 $0xFFFFFFFF, v0  }
0xcf: {  	v25 =	vld [tilespmem:$0x5F0];
	v24 =	vmul.u32 $0x5, v62;
	v1 =	vadd.s32 v19, v59;
	v23 =	vadd.s32 $0xFFFFFFFF, v2;
	[tilespmem:$0x980] =	vst v0  }
0xd0: {  	v28 =	vmul.u32 $0x5, v16;
	v27 =	vadd.s32 v21, v61;
	v26 =	vadd.s32 $0xFFFFFFFF, v1;
	[tilespmem:$0x990] =	vst v23  }
0xd1: {  	v31 =	vmul.u32 $0x5, v18;
	v30 =	vadd.s32 v24, v63;
	v29 =	vadd.s32 $0xFFFFFFFF, v27;
	[tilespmem:$0x9A0] =	vst v26  }
0xd2: {  	v34 =	vmul.u32 $0x5, v20;
	v33 =	vadd.s32 v28, v17;
	v32 =	vadd.s32 $0xFFFFFFFF, v30;
	[tilespmem:$0x9B0] =	vst v29  }
0xd3: {  	v36 =	vadd.s32 v31, v22;
	v35 =	vadd.s32 $0xFFFFFFFF, v33;
	[tilespmem:$0x9C0] =	vst v32  }
0xd4: {  	v38 =	vadd.s32 v34, v25;
	v37 =	vadd.s32 $0xFFFFFFFF, v36;
	[tilespmem:$0x9D0] =	vst v35  }
0xd5: {  	v39 =	vadd.s32 $0xFFFFFFFF, v38;
	[tilespmem:$0x9E0] =	vst v37  }
0xd6: {  	s15 =	simm.s32 $0x8C00;
	s19 =	simm.s32 $0x900;
	[tilespmem:$0x9F0] =	vst v39  }
0xd7: {  	[tilespmem:s15], [sflag:$0x8] =	stream.indirect.gather [spmem:s1], $0x80, s19, s8, $0xb8;
	[tilespmem:$0x14E58] =	vst v63  }
0xd8: {  	_ =	swait.ge [sflag:s28], $0x4000  }
0xd9: {  	[sflag:s28] =	ssyncset.done $0x0  }
0xda: {  	s19 =	rddreg [dreg:$0x11];
	[sflag:s28] =	ssyncadd.s32 $0xFFFFC000  }
0xdb: {  	[hbm4b:s19+s2] =	stream.linear.scatter [tilespmem:s14], [sflag:$0xC], $0x4000, $0x38;
	[tilespmem:$0x14E58] =	vst v63  }
0xdc: {  	s19 =	rddreg [dreg:$0x1d]  }
0xdd: {  	[tilespmem:s8], [sflag:$0x2] =	stream.linear.gather [hbm4b:s19+s2], $0x80, $0x38;
	[tilespmem:$0x14E58] =	vst v63  }
0xde: {  	s19 =	rddreg [dreg:$0x1e]  }
0xdf: {  	[tilespmem:s21], [sflag:$0x2] =	stream.linear.gather [hbm4b:s19+s2], $0x80, $0x38;
	[tilespmem:$0x14E58] =	vst v63  }
0xe0: {  	_ =	swait.ge [sflag:s29], $0x80  }
0xe1: {  	[sflag:s29] =	ssyncset.done $0x0  }
0xe2: {  	[sflag:s29] =	ssyncadd.s32 $0xFFFFFF80  }
0xe3: {  	_ =	swait.ge [sflag:s29], $0x80  }
0xe4: {  	[sflag:s29] =	ssyncset.done $0x0  }
0xe5: {  	[sflag:s29] =	ssyncadd.s32 $0xFFFFFF80  }
0xe6: {  	v40 =	vld [tilespmem:$0x200]  }
0xe7: {  	v41 =	vld [tilespmem:$0x600]  }
0xe8: {  	v42 =	vld [tilespmem:$0x210]  }
0xe9: {  	v43 =	vld [tilespmem:$0x610]  }
0xea: {  	v44 =	vld [tilespmem:$0x220]  }
0xeb: {  	v45 =	vld [tilespmem:$0x620]  }
0xec: {  	v46 =	vld [tilespmem:$0x230]  }
0xed: {  	v47 =	vld [tilespmem:$0x630]  }
0xee: {  	v48 =	vld [tilespmem:$0x240]  }
0xef: {  	v49 =	vld [tilespmem:$0x640]  }
0xf0: {  	v50 =	vld [tilespmem:$0x250]  }
0xf1: {  	v51 =	vld [tilespmem:$0x650];
	v0 =	vmul.u32 $0x5, v40  }
0xf2: {  	v52 =	vld [tilespmem:$0x260];
	v2 =	vmul.u32 $0x5, v42  }
0xf3: {  	v54 =	vld [tilespmem:$0x270];
	v53 =	vmul.u32 $0x5, v44;
	v0 =	vadd.s32 v0, v41  }
0xf4: {  	v56 =	vld [tilespmem:$0x660];
	v55 =	vmul.u32 $0x5, v46;
	v2 =	vadd.s32 v2, v43;
	v0 =	vadd.s32 $0xFFFFFFFF, v0  }
0xf5: {  	v59 =	vld [tilespmem:$0x670];
	v58 =	vmul.u32 $0x5, v48;
	v1 =	vadd.s32 v53, v45;
	v57 =	vadd.s32 $0xFFFFFFFF, v2;
	[tilespmem:$0xA00] =	vst v0  }
0xf6: {  	v62 =	vmul.u32 $0x5, v50;
	v61 =	vadd.s32 v55, v47;
	v60 =	vadd.s32 $0xFFFFFFFF, v1;
	[tilespmem:$0xA10] =	vst v57  }
0xf7: {  	v8 =	vmul.u32 $0x5, v52;
	v7 =	vadd.s32 v58, v49;
	v63 =	vadd.s32 $0xFFFFFFFF, v61;
	[tilespmem:$0xA20] =	vst v60  }
0xf8: {  	v11 =	vmul.u32 $0x5, v54;
	v10 =	vadd.s32 v62, v51;
	v9 =	vadd.s32 $0xFFFFFFFF, v7;
	[tilespmem:$0xA30] =	vst v63  }
0xf9: {  	v13 =	vadd.s32 v8, v56;
	v12 =	vadd.s32 $0xFFFFFFFF, v10;
	[tilespmem:$0xA40] =	vst v9  }
0xfa: {  	v15 =	vadd.s32 v11, v59;
	v14 =	vadd.s32 $0xFFFFFFFF, v13;
	[tilespmem:$0xA50] =	vst v12  }
0xfb: {  	v16 =	vadd.s32 $0xFFFFFFFF, v15;
	[tilespmem:$0xA60] =	vst v14  }
0xfc: {  	s19 =	simm.s32 $0xCC00;
	s21 =	simm.s32 $0x980;
	[tilespmem:$0xA70] =	vst v16  }
0xfd: {  	[tilespmem:s19], [sflag:$0x9] =	stream.indirect.gather [spmem:s1], $0x80, s21, s8, $0xb8;
	[tilespmem:$0x14E58] =	vst v63  }
0xfe: {  	_ =	swait.ge [sflag:s0], $0x4000  }
0xff: {  	[sflag:s0] =	ssyncset.done $0x0  }
0x100: {  	s21 =	rddreg [dreg:$0x12];
	[sflag:s0] =	ssyncadd.s32 $0xFFFFC000  }
0x101: {  	[hbm4b:s21+s2] =	stream.linear.scatter [tilespmem:s15], [sflag:$0xD], $0x4000, $0x38;
	[tilespmem:$0x14E58] =	vst v63  }
0x102: {  	s21 =	rddreg [dreg:$0x1f]  }
0x103: {  	s15 =	sld [smem:$0x7EF]  }
0x104: {  	[tilespmem:s25], [sflag:$0x3] =	stream.linear.gather [hbm4b:s21+s2], $0x80, $0x38;
	[tilespmem:$0x14E58] =	vst v63  }
0x105: {  	_ = 	snop  }
0x106: {  	[tilespmem:s3], [sflag:$0x3] =	stream.linear.gather [hbm4b:s15+s2], $0x80, $0x38;
	[tilespmem:$0x14E58] =	vst v63  }
0x107: {  	_ =	swait.ge [sflag:s16], $0x80  }
0x108: {  	[sflag:s16] =	ssyncset.done $0x0  }
0x109: {  	[sflag:s16] =	ssyncadd.s32 $0xFFFFFF80  }
0x10a: {  	_ =	swait.ge [sflag:s16], $0x80  }
0x10b: {  	[sflag:s16] =	ssyncset.done $0x0  }
0x10c: {  	[sflag:s16] =	ssyncadd.s32 $0xFFFFFF80  }
0x10d: {  	v17 =	vld [tilespmem:$0x0]  }
0x10e: {  	v18 =	vld [tilespmem:$0x400]  }
0x10f: {  	v19 =	vld [tilespmem:$0x10]  }
0x110: {  	v20 =	vld [tilespmem:$0x410]  }
0x111: {  	v21 =	vld [tilespmem:$0x20]  }
0x112: {  	v22 =	vld [tilespmem:$0x420]  }
0x113: {  	v23 =	vld [tilespmem:$0x30]  }
0x114: {  	v24 =	vld [tilespmem:$0x430]  }
0x115: {  	v25 =	vld [tilespmem:$0x40]  }
0x116: {  	v26 =	vld [tilespmem:$0x440]  }
0x117: {  	v27 =	vld [tilespmem:$0x50]  }
0x118: {  	v28 =	vld [tilespmem:$0x450];
	v0 =	vmul.u32 $0x5, v17  }
0x119: {  	v29 =	vld [tilespmem:$0x60];
	v2 =	vmul.u32 $0x5, v19  }
0x11a: {  	v31 =	vld [tilespmem:$0x70];
	v30 =	vmul.u32 $0x5, v21;
	v0 =	vadd.s32 v0, v18  }
0x11b: {  	v33 =	vld [tilespmem:$0x460];
	v32 =	vmul.u32 $0x5, v23;
	v2 =	vadd.s32 v2, v20;
	v0 =	vadd.s32 $0xFFFFFFFF, v0  }
0x11c: {  	v36 =	vld [tilespmem:$0x470];
	v35 =	vmul.u32 $0x5, v25;
	v1 =	vadd.s32 v30, v22;
	v34 =	vadd.s32 $0xFFFFFFFF, v2;
	[tilespmem:$0x800] =	vst v0  }
0x11d: {  	v39 =	vmul.u32 $0x5, v27;
	v38 =	vadd.s32 v32, v24;
	v37 =	vadd.s32 $0xFFFFFFFF, v1;
	[tilespmem:$0x810] =	vst v34  }
0x11e: {  	v42 =	vmul.u32 $0x5, v29;
	v41 =	vadd.s32 v35, v26;
	v40 =	vadd.s32 $0xFFFFFFFF, v38;
	[tilespmem:$0x820] =	vst v37  }
0x11f: {  	v45 =	vmul.u32 $0x5, v31;
	v44 =	vadd.s32 v39, v28;
	v43 =	vadd.s32 $0xFFFFFFFF, v41;
	[tilespmem:$0x830] =	vst v40  }
0x120: {  	v47 =	vadd.s32 v42, v33;
	v46 =	vadd.s32 $0xFFFFFFFF, v44;
	[tilespmem:$0x840] =	vst v43  }
0x121: {  	v49 =	vadd.s32 v45, v36;
	v48 =	vadd.s32 $0xFFFFFFFF, v47;
	[tilespmem:$0x850] =	vst v46  }
0x122: {  	v50 =	vadd.s32 $0xFFFFFFFF, v49;
	[tilespmem:$0x860] =	vst v48  }
0x123: {  	s21 =	simm.s32 $0xA00;
	s3 =	simm.s32 $0x10C00;
	[tilespmem:$0x870] =	vst v50  }
0x124: {  	[tilespmem:s3], [sflag:$0xA] =	stream.indirect.gather [spmem:s1], $0x80, s21, s8, $0xb8;
	[tilespmem:$0x14E58] =	vst v63  }
0x125: {  	_ =	swait.ge [sflag:s5], $0x4000  }
0x126: {  	[sflag:s5] =	ssyncset.done $0x0;
	s25 =	rddreg [dreg:$0x13]  }
0x127: {  	s15 =	sld [smem:$0x7F0];
	[sflag:s5] =	ssyncadd.s32 $0xFFFFC000  }
0x128: {  	[hbm4b:s25+s2] =	stream.linear.scatter [tilespmem:s19], [sflag:$0xE], $0x4000, $0x38;
	[tilespmem:$0x14E58] =	vst v63  }
0x129: {  	s19 =	sld [smem:$0x7F1]  }
0x12a: {  	[tilespmem:s30], [sflag:$0x4] =	stream.linear.gather [hbm4b:s15+s2], $0x80, $0x38;
	[tilespmem:$0x14E58] =	vst v63  }
0x12b: {  	_ = 	snop  }
0x12c: {  	[tilespmem:s20], [sflag:$0x4] =	stream.linear.gather [hbm4b:s19+s2], $0x80, $0x38;
	[tilespmem:$0x14E58] =	vst v63  }
0x12d: {  	_ =	swait.ge [sflag:s17], $0x80  }
0x12e: {  	[sflag:s17] =	ssyncset.done $0x0  }
0x12f: {  	[sflag:s17] =	ssyncadd.s32 $0xFFFFFF80  }
0x130: {  	_ =	swait.ge [sflag:s17], $0x80  }
0x131: {  	[sflag:s17] =	ssyncset.done $0x0  }
0x132: {  	[sflag:s17] =	ssyncadd.s32 $0xFFFFFF80  }
0x133: {  	v51 =	vld [tilespmem:$0x80]  }
0x134: {  	v52 =	vld [tilespmem:$0x480]  }
0x135: {  	v53 =	vld [tilespmem:$0x90]  }
0x136: {  	v54 =	vld [tilespmem:$0x490]  }
0x137: {  	v55 =	vld [tilespmem:$0xA0]  }
0x138: {  	v56 =	vld [tilespmem:$0x4A0]  }
0x139: {  	v57 =	vld [tilespmem:$0xB0]  }
0x13a: {  	v58 =	vld [tilespmem:$0x4B0]  }
0x13b: {  	v59 =	vld [tilespmem:$0xC0]  }
0x13c: {  	v60 =	vld [tilespmem:$0x4C0]  }
0x13d: {  	v61 =	vld [tilespmem:$0xD0]  }
0x13e: {  	v62 =	vld [tilespmem:$0x4D0];
	v0 =	vmul.u32 $0x5, v51  }
0x13f: {  	v63 =	vld [tilespmem:$0xE0];
	v2 =	vmul.u32 $0x5, v53  }
0x140: {  	v16 =	vld [tilespmem:$0xF0];
	v15 =	vmul.u32 $0x5, v55;
	v0 =	vadd.s32 v0, v52  }
0x141: {  	v18 =	vld [tilespmem:$0x4E0];
	v17 =	vmul.u32 $0x5, v57;
	v2 =	vadd.s32 v2, v54;
	v0 =	vadd.s32 $0xFFFFFFFF, v0  }
0x142: {  	v21 =	vld [tilespmem:$0x4F0];
	v20 =	vmul.u32 $0x5, v59;
	v1 =	vadd.s32 v15, v56;
	v19 =	vadd.s32 $0xFFFFFFFF, v2;
	[tilespmem:$0x880] =	vst v0  }
0x143: {  	v24 =	vmul.u32 $0x5, v61;
	v23 =	vadd.s32 v17, v58;
	v22 =	vadd.s32 $0xFFFFFFFF, v1;
	[tilespmem:$0x890] =	vst v19  }
0x144: {  	v27 =	vmul.u32 $0x5, v63;
	v26 =	vadd.s32 v20, v60;
	v25 =	vadd.s32 $0xFFFFFFFF, v23;
	[tilespmem:$0x8A0] =	vst v22  }
0x145: {  	v30 =	vmul.u32 $0x5, v16;
	v29 =	vadd.s32 v24, v62;
	v28 =	vadd.s32 $0xFFFFFFFF, v26;
	[tilespmem:$0x8B0] =	vst v25  }
0x146: {  	v32 =	vadd.s32 v27, v18;
	v31 =	vadd.s32 $0xFFFFFFFF, v29;
	[tilespmem:$0x8C0] =	vst v28  }
0x147: {  	v34 =	vadd.s32 v30, v21;
	v33 =	vadd.s32 $0xFFFFFFFF, v32;
	[tilespmem:$0x8D0] =	vst v31  }
0x148: {  	v35 =	vadd.s32 $0xFFFFFFFF, v34;
	[tilespmem:$0x8E0] =	vst v33  }
0x149: {  	[tilespmem:$0x8F0] =	vst v35  }
0x14a: {  	_ =	swait.ge [sflag:s6], $0x4000  }
0x14b: {  	[sflag:s6] =	ssyncset.done $0x0  }
0x14c: {  	[sflag:s6] =	ssyncadd.s32 $0xFFFFC000  }
0x14d: {  	[tilespmem:s4], [sflag:$0x6] =	stream.indirect.gather [spmem:s1], $0x80, s31, s8, $0xb8;
	[tilespmem:$0x14E58] =	vst v63  }
0x14e: {  	_ =	swait.ge [sflag:s7], $0x4000  }
0x14f: {  	[sflag:s7] =	ssyncset.done $0x0;
	s20 =	rddreg [dreg:$0x14]  }
0x150: {  	s21 =	sld [smem:$0x7F5];
	[sflag:s7] =	ssyncadd.s32 $0xFFFFC000  }
0x151: {  	[hbm4b:s20+s2] =	stream.linear.scatter [tilespmem:s3], [sflag:$0xF], $0x4000, $0x38;
	[tilespmem:$0x14E58] =	vst v63  }
0x152: {  	s25 =	sld [smem:$0x7F4]  }
0x153: {  	[tilespmem:s22], [sflag:$0x5] =	stream.linear.gather [hbm4b:s21+s2], $0x80, $0x38;
	[tilespmem:$0x14E58] =	vst v63  }
0x154: {  	_ = 	snop  }
0x155: {  	[tilespmem:s26], [sflag:$0x5] =	stream.linear.gather [hbm4b:s25+s2], $0x80, $0x38;
	[tilespmem:$0x14E58] =	vst v63  }
0x156: {  	_ =	swait.ge [sflag:s18], $0x80  }
0x157: {  	[sflag:s18] =	ssyncset.done $0x0  }
0x158: {  	[sflag:s18] =	ssyncadd.s32 $0xFFFFFF80  }
0x159: {  	_ =	swait.ge [sflag:s18], $0x80  }
0x15a: {  	[sflag:s18] =	ssyncset.done $0x0  }
0x15b: {  	[sflag:s18] =	ssyncadd.s32 $0xFFFFFF80  }
0x15c: {  	v36 =	vld [tilespmem:$0x100]  }
0x15d: {  	v37 =	vld [tilespmem:$0x500]  }
0x15e: {  	v38 =	vld [tilespmem:$0x110]  }
0x15f: {  	v39 =	vld [tilespmem:$0x510]  }
0x160: {  	v40 =	vld [tilespmem:$0x120]  }
0x161: {  	v41 =	vld [tilespmem:$0x520]  }
0x162: {  	v42 =	vld [tilespmem:$0x130]  }
0x163: {  	v43 =	vld [tilespmem:$0x530]  }
0x164: {  	v44 =	vld [tilespmem:$0x140]  }
0x165: {  	v45 =	vld [tilespmem:$0x540]  }
0x166: {  	v46 =	vld [tilespmem:$0x150]  }
0x167: {  	v47 =	vld [tilespmem:$0x550];
	v0 =	vmul.u32 $0x5, v36  }
0x168: {  	v48 =	vld [tilespmem:$0x160];
	v2 =	vmul.u32 $0x5, v38  }
0x169: {  	v50 =	vld [tilespmem:$0x170];
	v49 =	vmul.u32 $0x5, v40;
	v0 =	vadd.s32 v0, v37  }
0x16a: {  	v52 =	vld [tilespmem:$0x560];
	v51 =	vmul.u32 $0x5, v42;
	v2 =	vadd.s32 v2, v39;
	v0 =	vadd.s32 $0xFFFFFFFF, v0  }
0x16b: {  	v55 =	vld [tilespmem:$0x570];
	v54 =	vmul.u32 $0x5, v44;
	v1 =	vadd.s32 v49, v41;
	v53 =	vadd.s32 $0xFFFFFFFF, v2;
	[tilespmem:$0x900] =	vst v0  }
0x16c: {  	v57 =	vmul.u32 $0x5, v46;
	v56 =	vadd.s32 v51, v43;
	v1 =	vadd.s32 $0xFFFFFFFF, v1;
	[tilespmem:$0x910] =	vst v53  }
0x16d: {  	v59 =	vmul.u32 $0x5, v48;
	v58 =	vadd.s32 v54, v45;
	[tilespmem:$0x920] =	vst v1;
	v0 =	vadd.s32 $0xFFFFFFFF, v56  }
0x16e: {  	v61 =	vmul.u32 $0x5, v50;
	v60 =	vadd.s32 v57, v47;
	v1 =	vadd.s32 $0xFFFFFFFF, v58;
	[tilespmem:$0x930] =	vst v0  }
0x16f: {  	v62 =	vadd.s32 v59, v52;
	[tilespmem:$0x940] =	vst v1;
	v0 =	vadd.s32 $0xFFFFFFFF, v60  }
0x170: {  	v63 =	vadd.s32 v61, v55;
	v1 =	vadd.s32 $0xFFFFFFFF, v62;
	[tilespmem:$0x950] =	vst v0  }
0x171: {  	[tilespmem:$0x960] =	vst v1;
	v0 =	vadd.s32 $0xFFFFFFFF, v63  }
0x172: {  	[tilespmem:$0x970] =	vst v0  }
0x173: {  	_ =	swait.ge [sflag:s9], $0x4000  }
0x174: {  	s30 =	simm.s32 $0x880;
	s4 =	simm.s32 $0x800;
	[sflag:s9] =	ssyncset.done $0x0  }
0x175: {  	s31 =	simm.s32 $0x600;
	s13 =	sld [smem:$0x7FD];
	[sflag:s9] =	ssyncadd.s32 $0xFFFFC000  }
0x176: {  	[tilespmem:s14], [sflag:$0x7] =	stream.indirect.gather [spmem:s1], $0x80, s30, s8, $0xb8;
	[tilespmem:$0x14E58] =	vst v63  }
0x177: {  	s20 =	simm.s32 $0x180;
	s26 =	simm.s32 $0x200;
	s14 =	simm.s32 $0x0  }
.LBB2_2:
0x178: {  	_ =	swait.ge [sflag:s23], $0x4000  }
0x179: {  	s15 =	sadd.s32 $0xFFFFE000, s13;
	[sflag:s23] =	ssyncset.done $0x0  }
0x17a: {  	s3 =	simm.s32 $0xC00;
	s19 =	rddreg [dreg:$0xd];
	[sflag:s23] =	ssyncadd.s32 $0xFFFFC000  }
0x17b: {  	[hbm4b:s15+s2] =	stream.linear.scatter [tilespmem:s3], [sflag:$0xB], $0x4000, $0x38;
	[tilespmem:$0x14E58] =	vst v63  }
0x17c: {  	s22 =	rddreg [dreg:$0xc];
	s19 =	sadd.s32 s14, s19  }
0x17d: {  	[tilespmem:s2], [sflag:$0x1] =	stream.linear.gather [hbm4b:s19+s2], $0x80, $0x38;
	[tilespmem:$0x14E58] =	vst v63  }
0x17e: {  	s25 =	simm.s32 $0x400;
	s15 =	sadd.s32 s14, s22  }
0x17f: {  	[tilespmem:s25], [sflag:$0x1] =	stream.linear.gather [hbm4b:s15+s2], $0x80, $0x38;
	[tilespmem:$0x14E58] =	vst v63  }
0x180: {  	_ =	swait.ge [sflag:s24], $0x80  }
0x181: {  	[sflag:s24] =	ssyncset.done $0x0  }
0x182: {  	[sflag:s24] =	ssyncadd.s32 $0xFFFFFF80  }
0x183: {  	_ =	swait.ge [sflag:s24], $0x80  }
0x184: {  	[sflag:s24] =	ssyncset.done $0x0  }
0x185: {  	[sflag:s24] =	ssyncadd.s32 $0xFFFFFF80  }
0x186: {  	v0 =	vld [tilespmem:$0x180]  }
0x187: {  	v1 =	vld [tilespmem:$0x580]  }
0x188: {  	v2 =	vld [tilespmem:$0x190]  }
0x189: {  	v3 =	vld [tilespmem:$0x590]  }
0x18a: {  	v4 =	vld [tilespmem:$0x1A0]  }
0x18b: {  	v5 =	vld [tilespmem:$0x5A0]  }
0x18c: {  	v6 =	vld [tilespmem:$0x1B0]  }
0x18d: {  	v7 =	vld [tilespmem:$0x5B0]  }
0x18e: {  	v8 =	vld [tilespmem:$0x1C0]  }
0x18f: {  	v9 =	vld [tilespmem:$0x5C0]  }
0x190: {  	v10 =	vld [tilespmem:$0x1D0]  }
0x191: {  	v11 =	vld [tilespmem:$0x5D0];
	v0 =	vmul.u32 $0x5, v0  }
0x192: {  	v12 =	vld [tilespmem:$0x1E0];
	v2 =	vmul.u32 $0x5, v2  }
0x193: {  	v20 =	vld [tilespmem:$0x1F0];
	v19 =	vmul.u32 $0x5, v4;
	v0 =	vadd.s32 v0, v1  }
0x194: {  	v22 =	vld [tilespmem:$0x5E0];
	v21 =	vmul.u32 $0x5, v6;
	v2 =	vadd.s32 v2, v3;
	v0 =	vadd.s32 $0xFFFFFFFF, v0  }
0x195: {  	v25 =	vld [tilespmem:$0x5F0];
	v24 =	vmul.u32 $0x5, v8;
	v1 =	vadd.s32 v19, v5;
	v23 =	vadd.s32 $0xFFFFFFFF, v2;
	[tilespmem:$0x980] =	vst v0  }
0x196: {  	v28 =	vmul.u32 $0x5, v10;
	v27 =	vadd.s32 v21, v7;
	v26 =	vadd.s32 $0xFFFFFFFF, v1;
	[tilespmem:$0x990] =	vst v23  }
0x197: {  	v31 =	vmul.u32 $0x5, v12;
	v30 =	vadd.s32 v24, v9;
	v29 =	vadd.s32 $0xFFFFFFFF, v27;
	[tilespmem:$0x9A0] =	vst v26  }
0x198: {  	v34 =	vmul.u32 $0x5, v20;
	v33 =	vadd.s32 v28, v11;
	v32 =	vadd.s32 $0xFFFFFFFF, v30;
	[tilespmem:$0x9B0] =	vst v29  }
0x199: {  	v36 =	vadd.s32 v31, v22;
	v35 =	vadd.s32 $0xFFFFFFFF, v33;
	[tilespmem:$0x9C0] =	vst v32  }
0x19a: {  	v38 =	vadd.s32 v34, v25;
	v37 =	vadd.s32 $0xFFFFFFFF, v36;
	[tilespmem:$0x9D0] =	vst v35  }
0x19b: {  	v39 =	vadd.s32 $0xFFFFFFFF, v38;
	[tilespmem:$0x9E0] =	vst v37  }
0x19c: {  	[tilespmem:$0x9F0] =	vst v39  }
0x19d: {  	_ =	swait.ge [sflag:s10], $0x4000  }
0x19e: {  	[sflag:s10] =	ssyncset.done $0x0  }
0x19f: {  	s30 =	simm.s32 $0x900;
	s25 =	simm.s32 $0x8C00;
	[sflag:s10] =	ssyncadd.s32 $0xFFFFC000  }
0x1a0: {  	[tilespmem:s25], [sflag:$0x8] =	stream.indirect.gather [spmem:s1], $0x80, s30, s8, $0xb8;
	[tilespmem:$0x14E58] =	vst v63  }
0x1a1: {  	_ =	swait.ge [sflag:s28], $0x4000  }
0x1a2: {  	s21 =	simm.s32 $0x4C00;
	[sflag:s28] =	ssyncset.done $0x0  }
0x1a3: {  	s19 =	sadd.s32 $0xFFFFE800, s13;
	s22 =	rddreg [dreg:$0xb];
	[sflag:s28] =	ssyncadd.s32 $0xFFFFC000  }
0x1a4: {  	[hbm4b:s19+s2] =	stream.linear.scatter [tilespmem:s21], [sflag:$0xC], $0x4000, $0x38;
	[tilespmem:$0x14E58] =	vst v63  }
0x1a5: {  	s30 =	rddreg [dreg:$0xa];
	s19 =	sadd.s32 s14, s22  }
0x1a6: {  	[tilespmem:s8], [sflag:$0x2] =	stream.linear.gather [hbm4b:s19+s2], $0x80, $0x38;
	[tilespmem:$0x14E58] =	vst v63  }
0x1a7: {  	s15 =	sadd.s32 s14, s30;
	s22 =	simm.s32 $0x480  }
0x1a8: {  	[tilespmem:s22], [sflag:$0x2] =	stream.linear.gather [hbm4b:s15+s2], $0x80, $0x38;
	[tilespmem:$0x14E58] =	vst v63  }
0x1a9: {  	_ =	swait.ge [sflag:s29], $0x80  }
0x1aa: {  	[sflag:s29] =	ssyncset.done $0x0  }
0x1ab: {  	[sflag:s29] =	ssyncadd.s32 $0xFFFFFF80  }
0x1ac: {  	_ =	swait.ge [sflag:s29], $0x80  }
0x1ad: {  	[sflag:s29] =	ssyncset.done $0x0  }
0x1ae: {  	[sflag:s29] =	ssyncadd.s32 $0xFFFFFF80  }
0x1af: {  	v40 =	vld [tilespmem:$0x200]  }
0x1b0: {  	v41 =	vld [tilespmem:$0x600]  }
0x1b1: {  	v42 =	vld [tilespmem:$0x210]  }
0x1b2: {  	v43 =	vld [tilespmem:$0x610]  }
0x1b3: {  	v44 =	vld [tilespmem:$0x220]  }
0x1b4: {  	v45 =	vld [tilespmem:$0x620]  }
0x1b5: {  	v46 =	vld [tilespmem:$0x230]  }
0x1b6: {  	v47 =	vld [tilespmem:$0x630]  }
0x1b7: {  	v48 =	vld [tilespmem:$0x240]  }
0x1b8: {  	v49 =	vld [tilespmem:$0x640]  }
0x1b9: {  	v50 =	vld [tilespmem:$0x250]  }
0x1ba: {  	v51 =	vld [tilespmem:$0x650];
	v0 =	vmul.u32 $0x5, v40  }
0x1bb: {  	v52 =	vld [tilespmem:$0x260];
	v2 =	vmul.u32 $0x5, v42  }
0x1bc: {  	v54 =	vld [tilespmem:$0x270];
	v53 =	vmul.u32 $0x5, v44;
	v0 =	vadd.s32 v0, v41  }
0x1bd: {  	v56 =	vld [tilespmem:$0x660];
	v55 =	vmul.u32 $0x5, v46;
	v2 =	vadd.s32 v2, v43;
	v0 =	vadd.s32 $0xFFFFFFFF, v0  }
0x1be: {  	v59 =	vld [tilespmem:$0x670];
	v58 =	vmul.u32 $0x5, v48;
	v1 =	vadd.s32 v53, v45;
	v57 =	vadd.s32 $0xFFFFFFFF, v2;
	[tilespmem:$0xA00] =	vst v0  }
0x1bf: {  	v62 =	vmul.u32 $0x5, v50;
	v61 =	vadd.s32 v55, v47;
	v60 =	vadd.s32 $0xFFFFFFFF, v1;
	[tilespmem:$0xA10] =	vst v57  }
0x1c0: {  	v8 =	vmul.u32 $0x5, v52;
	v7 =	vadd.s32 v58, v49;
	v63 =	vadd.s32 $0xFFFFFFFF, v61;
	[tilespmem:$0xA20] =	vst v60  }
0x1c1: {  	v11 =	vmul.u32 $0x5, v54;
	v10 =	vadd.s32 v62, v51;
	v9 =	vadd.s32 $0xFFFFFFFF, v7;
	[tilespmem:$0xA30] =	vst v63  }
0x1c2: {  	v13 =	vadd.s32 v8, v56;
	v12 =	vadd.s32 $0xFFFFFFFF, v10;
	[tilespmem:$0xA40] =	vst v9  }
0x1c3: {  	v15 =	vadd.s32 v11, v59;
	v14 =	vadd.s32 $0xFFFFFFFF, v13;
	[tilespmem:$0xA50] =	vst v12  }
0x1c4: {  	v16 =	vadd.s32 $0xFFFFFFFF, v15;
	[tilespmem:$0xA60] =	vst v14  }
0x1c5: {  	[tilespmem:$0xA70] =	vst v16  }
0x1c6: {  	_ =	swait.ge [sflag:s11], $0x4000  }
0x1c7: {  	[sflag:s11] =	ssyncset.done $0x0  }
0x1c8: {  	s30 =	simm.s32 $0x980;
	s22 =	simm.s32 $0xCC00;
	[sflag:s11] =	ssyncadd.s32 $0xFFFFC000  }
0x1c9: {  	[tilespmem:s22], [sflag:$0x9] =	stream.indirect.gather [spmem:s1], $0x80, s30, s8, $0xb8;
	[tilespmem:$0x14E58] =	vst v63  }
0x1ca: {  	_ =	swait.ge [sflag:s0], $0x4000  }
0x1cb: {  	[sflag:s0] =	ssyncset.done $0x0  }
0x1cc: {  	s19 =	sadd.s32 $0xFFFFF000, s13;
	s30 =	rddreg [dreg:$0x9];
	[sflag:s0] =	ssyncadd.s32 $0xFFFFC000  }
0x1cd: {  	[hbm4b:s19+s2] =	stream.linear.scatter [tilespmem:s25], [sflag:$0xD], $0x4000, $0x38;
	[tilespmem:$0x14E58] =	vst v63  }
0x1ce: {  	s15 =	rddreg [dreg:$0x8];
	s19 =	sadd.s32 s14, s30;
	s30 =	simm.s32 $0x100  }
0x1cf: {  	[tilespmem:s30], [sflag:$0x3] =	stream.linear.gather [hbm4b:s19+s2], $0x80, $0x38;
	[tilespmem:$0x14E58] =	vst v63  }
0x1d0: {  	s15 =	sadd.s32 s14, s15;
	s30 =	simm.s32 $0x500  }
0x1d1: {  	[tilespmem:s30], [sflag:$0x3] =	stream.linear.gather [hbm4b:s15+s2], $0x80, $0x38;
	[tilespmem:$0x14E58] =	vst v63  }
0x1d2: {  	_ =	swait.ge [sflag:s16], $0x80  }
0x1d3: {  	[sflag:s16] =	ssyncset.done $0x0  }
0x1d4: {  	[sflag:s16] =	ssyncadd.s32 $0xFFFFFF80  }
0x1d5: {  	_ =	swait.ge [sflag:s16], $0x80  }
0x1d6: {  	[sflag:s16] =	ssyncset.done $0x0  }
0x1d7: {  	[sflag:s16] =	ssyncadd.s32 $0xFFFFFF80  }
0x1d8: {  	v17 =	vld [tilespmem:$0x0]  }
0x1d9: {  	v18 =	vld [tilespmem:$0x400]  }
0x1da: {  	v19 =	vld [tilespmem:$0x10]  }
0x1db: {  	v20 =	vld [tilespmem:$0x410]  }
0x1dc: {  	v21 =	vld [tilespmem:$0x20]  }
0x1dd: {  	v22 =	vld [tilespmem:$0x420]  }
0x1de: {  	v23 =	vld [tilespmem:$0x30]  }
0x1df: {  	v24 =	vld [tilespmem:$0x430]  }
0x1e0: {  	v25 =	vld [tilespmem:$0x40]  }
0x1e1: {  	v26 =	vld [tilespmem:$0x440]  }
0x1e2: {  	v27 =	vld [tilespmem:$0x50]  }
0x1e3: {  	v28 =	vld [tilespmem:$0x450];
	v0 =	vmul.u32 $0x5, v17  }
0x1e4: {  	v29 =	vld [tilespmem:$0x60];
	v2 =	vmul.u32 $0x5, v19  }
0x1e5: {  	v31 =	vld [tilespmem:$0x70];
	v30 =	vmul.u32 $0x5, v21;
	v0 =	vadd.s32 v0, v18  }
0x1e6: {  	v33 =	vld [tilespmem:$0x460];
	v32 =	vmul.u32 $0x5, v23;
	v2 =	vadd.s32 v2, v20;
	v0 =	vadd.s32 $0xFFFFFFFF, v0  }
0x1e7: {  	v36 =	vld [tilespmem:$0x470];
	v35 =	vmul.u32 $0x5, v25;
	v1 =	vadd.s32 v30, v22;
	v34 =	vadd.s32 $0xFFFFFFFF, v2;
	[tilespmem:$0x800] =	vst v0  }
0x1e8: {  	v39 =	vmul.u32 $0x5, v27;
	v38 =	vadd.s32 v32, v24;
	v37 =	vadd.s32 $0xFFFFFFFF, v1;
	[tilespmem:$0x810] =	vst v34  }
0x1e9: {  	v42 =	vmul.u32 $0x5, v29;
	v41 =	vadd.s32 v35, v26;
	v40 =	vadd.s32 $0xFFFFFFFF, v38;
	[tilespmem:$0x820] =	vst v37  }
0x1ea: {  	v45 =	vmul.u32 $0x5, v31;
	v44 =	vadd.s32 v39, v28;
	v43 =	vadd.s32 $0xFFFFFFFF, v41;
	[tilespmem:$0x830] =	vst v40  }
0x1eb: {  	v47 =	vadd.s32 v42, v33;
	v46 =	vadd.s32 $0xFFFFFFFF, v44;
	[tilespmem:$0x840] =	vst v43  }
0x1ec: {  	v49 =	vadd.s32 v45, v36;
	v48 =	vadd.s32 $0xFFFFFFFF, v47;
	[tilespmem:$0x850] =	vst v46  }
0x1ed: {  	v50 =	vadd.s32 $0xFFFFFFFF, v49;
	[tilespmem:$0x860] =	vst v48  }
0x1ee: {  	[tilespmem:$0x870] =	vst v50  }
0x1ef: {  	_ =	swait.ge [sflag:s12], $0x4000  }
0x1f0: {  	[sflag:s12] =	ssyncset.done $0x0  }
0x1f1: {  	s25 =	simm.s32 $0xA00;
	s30 =	simm.s32 $0x10C00;
	[sflag:s12] =	ssyncadd.s32 $0xFFFFC000  }
0x1f2: {  	[tilespmem:s30], [sflag:$0xA] =	stream.indirect.gather [spmem:s1], $0x80, s25, s8, $0xb8;
	[tilespmem:$0x14E58] =	vst v63  }
0x1f3: {  	_ =	swait.ge [sflag:s5], $0x4000  }
0x1f4: {  	[sflag:s5] =	ssyncset.done $0x0  }
0x1f5: {  	s19 =	sadd.s32 $0xFFFFF800, s13;
	s25 =	rddreg [dreg:$0x7];
	[sflag:s5] =	ssyncadd.s32 $0xFFFFC000  }
0x1f6: {  	[hbm4b:s19+s2] =	stream.linear.scatter [tilespmem:s22], [sflag:$0xE], $0x4000, $0x38;
	[tilespmem:$0x14E58] =	vst v63  }
0x1f7: {  	s22 =	rddreg [dreg:$0x6];
	s19 =	sadd.s32 s14, s25  }
0x1f8: {  	[tilespmem:s20], [sflag:$0x4] =	stream.linear.gather [hbm4b:s19+s2], $0x80, $0x38;
	[tilespmem:$0x14E58] =	vst v63  }
0x1f9: {  	s25 =	simm.s32 $0x580;
	s15 =	sadd.s32 s14, s22  }
0x1fa: {  	[tilespmem:s25], [sflag:$0x4] =	stream.linear.gather [hbm4b:s15+s2], $0x80, $0x38;
	[tilespmem:$0x14E58] =	vst v63  }
0x1fb: {  	_ =	swait.ge [sflag:s17], $0x80  }
0x1fc: {  	[sflag:s17] =	ssyncset.done $0x0  }
0x1fd: {  	[sflag:s17] =	ssyncadd.s32 $0xFFFFFF80  }
0x1fe: {  	_ =	swait.ge [sflag:s17], $0x80  }
0x1ff: {  	[sflag:s17] =	ssyncset.done $0x0  }
0x200: {  	[sflag:s17] =	ssyncadd.s32 $0xFFFFFF80  }
0x201: {  	v51 =	vld [tilespmem:$0x80]  }
0x202: {  	v52 =	vld [tilespmem:$0x480]  }
0x203: {  	v53 =	vld [tilespmem:$0x90]  }
0x204: {  	v54 =	vld [tilespmem:$0x490]  }
0x205: {  	v55 =	vld [tilespmem:$0xA0]  }
0x206: {  	v56 =	vld [tilespmem:$0x4A0]  }
0x207: {  	v57 =	vld [tilespmem:$0xB0]  }
0x208: {  	v58 =	vld [tilespmem:$0x4B0]  }
0x209: {  	v59 =	vld [tilespmem:$0xC0]  }
0x20a: {  	v60 =	vld [tilespmem:$0x4C0]  }
0x20b: {  	v61 =	vld [tilespmem:$0xD0]  }
0x20c: {  	v62 =	vld [tilespmem:$0x4D0];
	v0 =	vmul.u32 $0x5, v51  }
0x20d: {  	v63 =	vld [tilespmem:$0xE0];
	v2 =	vmul.u32 $0x5, v53  }
0x20e: {  	v16 =	vld [tilespmem:$0xF0];
	v15 =	vmul.u32 $0x5, v55;
	v0 =	vadd.s32 v0, v52  }
0x20f: {  	v18 =	vld [tilespmem:$0x4E0];
	v17 =	vmul.u32 $0x5, v57;
	v2 =	vadd.s32 v2, v54;
	v0 =	vadd.s32 $0xFFFFFFFF, v0  }
0x210: {  	v21 =	vld [tilespmem:$0x4F0];
	v20 =	vmul.u32 $0x5, v59;
	v1 =	vadd.s32 v15, v56;
	v19 =	vadd.s32 $0xFFFFFFFF, v2;
	[tilespmem:$0x880] =	vst v0  }
0x211: {  	v24 =	vmul.u32 $0x5, v61;
	v23 =	vadd.s32 v17, v58;
	v22 =	vadd.s32 $0xFFFFFFFF, v1;
	[tilespmem:$0x890] =	vst v19  }
0x212: {  	v27 =	vmul.u32 $0x5, v63;
	v26 =	vadd.s32 v20, v60;
	v25 =	vadd.s32 $0xFFFFFFFF, v23;
	[tilespmem:$0x8A0] =	vst v22  }
0x213: {  	v30 =	vmul.u32 $0x5, v16;
	v29 =	vadd.s32 v24, v62;
	v28 =	vadd.s32 $0xFFFFFFFF, v26;
	[tilespmem:$0x8B0] =	vst v25  }
0x214: {  	v32 =	vadd.s32 v27, v18;
	v31 =	vadd.s32 $0xFFFFFFFF, v29;
	[tilespmem:$0x8C0] =	vst v28  }
0x215: {  	v34 =	vadd.s32 v30, v21;
	v33 =	vadd.s32 $0xFFFFFFFF, v32;
	[tilespmem:$0x8D0] =	vst v31  }
0x216: {  	v35 =	vadd.s32 $0xFFFFFFFF, v34;
	[tilespmem:$0x8E0] =	vst v33  }
0x217: {  	[tilespmem:$0x8F0] =	vst v35  }
0x218: {  	_ =	swait.ge [sflag:s6], $0x4000  }
0x219: {  	[sflag:s6] =	ssyncset.done $0x0  }
0x21a: {  	[sflag:s6] =	ssyncadd.s32 $0xFFFFC000  }
0x21b: {  	[tilespmem:s3], [sflag:$0x6] =	stream.indirect.gather [spmem:s1], $0x80, s4, s8, $0xb8;
	[tilespmem:$0x14E58] =	vst v63  }
0x21c: {  	_ =	swait.ge [sflag:s7], $0x4000  }
0x21d: {  	[sflag:s7] =	ssyncset.done $0x0  }
0x21e: {  	s22 =	rddreg [dreg:$0x5];
	[sflag:s7] =	ssyncadd.s32 $0xFFFFC000  }
0x21f: {  	[hbm4b:s13+s2] =	stream.linear.scatter [tilespmem:s30], [sflag:$0xF], $0x4000, $0x38;
	[tilespmem:$0x14E58] =	vst v63  }
0x220: {  	s3 =	rddreg [dreg:$0x4];
	s15 =	sadd.s32 s14, s22  }
0x221: {  	[tilespmem:s26], [sflag:$0x5] =	stream.linear.gather [hbm4b:s15+s2], $0x80, $0x38;
	[tilespmem:$0x14E58] =	vst v63  }
0x222: {  	s22 =	sadd.s32 s14, s3  }
0x223: {  	[tilespmem:s31], [sflag:$0x5] =	stream.linear.gather [hbm4b:s22+s2], $0x80, $0x38;
	[tilespmem:$0x14E58] =	vst v63  }
0x224: {  	_ =	swait.ge [sflag:s18], $0x80  }
0x225: {  	[sflag:s18] =	ssyncset.done $0x0  }
0x226: {  	[sflag:s18] =	ssyncadd.s32 $0xFFFFFF80  }
0x227: {  	_ =	swait.ge [sflag:s18], $0x80  }
0x228: {  	[sflag:s18] =	ssyncset.done $0x0  }
0x229: {  	[sflag:s18] =	ssyncadd.s32 $0xFFFFFF80  }
0x22a: {  	v36 =	vld [tilespmem:$0x100]  }
0x22b: {  	v37 =	vld [tilespmem:$0x500]  }
0x22c: {  	v38 =	vld [tilespmem:$0x110]  }
0x22d: {  	v39 =	vld [tilespmem:$0x510]  }
0x22e: {  	v40 =	vld [tilespmem:$0x120]  }
0x22f: {  	v41 =	vld [tilespmem:$0x520]  }
0x230: {  	v42 =	vld [tilespmem:$0x130]  }
0x231: {  	v43 =	vld [tilespmem:$0x530]  }
0x232: {  	v44 =	vld [tilespmem:$0x140]  }
0x233: {  	v45 =	vld [tilespmem:$0x540]  }
0x234: {  	v46 =	vld [tilespmem:$0x150]  }
0x235: {  	v47 =	vld [tilespmem:$0x550];
	v0 =	vmul.u32 $0x5, v36  }
0x236: {  	v48 =	vld [tilespmem:$0x160];
	v2 =	vmul.u32 $0x5, v38  }
0x237: {  	v50 =	vld [tilespmem:$0x170];
	v49 =	vmul.u32 $0x5, v40;
	v0 =	vadd.s32 v0, v37  }
0x238: {  	v52 =	vld [tilespmem:$0x560];
	v51 =	vmul.u32 $0x5, v42;
	v2 =	vadd.s32 v2, v39;
	v0 =	vadd.s32 $0xFFFFFFFF, v0  }
0x239: {  	v55 =	vld [tilespmem:$0x570];
	v54 =	vmul.u32 $0x5, v44;
	v1 =	vadd.s32 v49, v41;
	v53 =	vadd.s32 $0xFFFFFFFF, v2;
	[tilespmem:$0x900] =	vst v0  }
0x23a: {  	v57 =	vmul.u32 $0x5, v46;
	v56 =	vadd.s32 v51, v43;
	v1 =	vadd.s32 $0xFFFFFFFF, v1;
	[tilespmem:$0x910] =	vst v53  }
0x23b: {  	v59 =	vmul.u32 $0x5, v48;
	v58 =	vadd.s32 v54, v45;
	[tilespmem:$0x920] =	vst v1;
	v0 =	vadd.s32 $0xFFFFFFFF, v56  }
0x23c: {  	v61 =	vmul.u32 $0x5, v50;
	v60 =	vadd.s32 v57, v47;
	v1 =	vadd.s32 $0xFFFFFFFF, v58;
	[tilespmem:$0x930] =	vst v0  }
0x23d: {  	v62 =	vadd.s32 v59, v52;
	[tilespmem:$0x940] =	vst v1;
	v0 =	vadd.s32 $0xFFFFFFFF, v60  }
0x23e: {  	v63 =	vadd.s32 v61, v55;
	v1 =	vadd.s32 $0xFFFFFFFF, v62;
	[tilespmem:$0x950] =	vst v0  }
0x23f: {  	p1 =	sne.s32 s14, $0x3110;
	[tilespmem:$0x960] =	vst v1;
	v0 =	vadd.s32 $0xFFFFFFFF, v63  }
.Ltmp0:
0x240: {  	[tilespmem:$0x970] =	vst v0;
	(pc) =	sbr.rel @p1 .LBB2_2-.Ltmp0, $4  }
0x241: {  	s25 =	simm.s32 $0xC00;
	_ =	swait.ge [sflag:s9], $0x4000  }
0x242: {  	s3 =	simm.s32 $0x4C00;
	s14 =	sadd.s32 $0x50, s14;
	[sflag:s9] =	ssyncset.done $0x0  }
0x243: {  	s30 =	simm.s32 $0x880;
	s13 =	sadd.s32 $0x2800, s13;
	[sflag:s9] =	ssyncadd.s32 $0xFFFFC000  }
0x244: {  	[tilespmem:s21], [sflag:$0x7] =	stream.indirect.gather [spmem:s1], $0x80, s30, s8, $0xb8;
	[tilespmem:$0x14E58] =	vst v63  }
0x245: {  	_ =	swait.ge [sflag:s23], $0x4000  }
0x246: {  	s13 =	sld [smem:$0x7F6]  }
0x247: {  	[sflag:s23] =	ssyncset.done $0x0  }
0x248: {  	[sflag:s23] =	ssyncadd.s32 $0xFFFFC000  }
0x249: {  	[hbm4b:s13+s2] =	stream.linear.scatter [tilespmem:s25], [sflag:$0xB], $0x4000, $0x38;
	[tilespmem:$0x14E58] =	vst v63  }
0x24a: {  	_ =	swait.ge [sflag:s24], $0x80  }
0x24b: {  	[sflag:s24] =	ssyncset.done $0x0  }
0x24c: {  	[sflag:s24] =	ssyncadd.s32 $0xFFFFFF80  }
0x24d: {  	_ =	swait.ge [sflag:s24], $0x80  }
0x24e: {  	[sflag:s24] =	ssyncset.done $0x0  }
0x24f: {  	[sflag:s24] =	ssyncadd.s32 $0xFFFFFF80  }
0x250: {  	v0 =	vld [tilespmem:$0x180]  }
0x251: {  	v1 =	vld [tilespmem:$0x580]  }
0x252: {  	v2 =	vld [tilespmem:$0x190]  }
0x253: {  	v3 =	vld [tilespmem:$0x590]  }
0x254: {  	v4 =	vld [tilespmem:$0x1A0]  }
0x255: {  	v5 =	vld [tilespmem:$0x5A0]  }
0x256: {  	v6 =	vld [tilespmem:$0x1B0]  }
0x257: {  	v7 =	vld [tilespmem:$0x5B0]  }
0x258: {  	v8 =	vld [tilespmem:$0x1C0]  }
0x259: {  	v9 =	vld [tilespmem:$0x5C0]  }
0x25a: {  	v10 =	vld [tilespmem:$0x1D0]  }
0x25b: {  	v11 =	vld [tilespmem:$0x5D0];
	v0 =	vmul.u32 $0x5, v0  }
0x25c: {  	v12 =	vld [tilespmem:$0x1E0];
	v2 =	vmul.u32 $0x5, v2  }
0x25d: {  	v16 =	vld [tilespmem:$0x1F0];
	v15 =	vmul.u32 $0x5, v4;
	v0 =	vadd.s32 v0, v1  }
0x25e: {  	v18 =	vld [tilespmem:$0x5E0];
	v17 =	vmul.u32 $0x5, v6;
	v2 =	vadd.s32 v2, v3;
	v0 =	vadd.s32 $0xFFFFFFFF, v0  }
0x25f: {  	v21 =	vld [tilespmem:$0x5F0];
	v20 =	vmul.u32 $0x5, v8;
	v1 =	vadd.s32 v15, v5;
	v19 =	vadd.s32 $0xFFFFFFFF, v2;
	[tilespmem:$0x980] =	vst v0  }
0x260: {  	v24 =	vmul.u32 $0x5, v10;
	v23 =	vadd.s32 v17, v7;
	v22 =	vadd.s32 $0xFFFFFFFF, v1;
	[tilespmem:$0x990] =	vst v19  }
0x261: {  	v27 =	vmul.u32 $0x5, v12;
	v26 =	vadd.s32 v20, v9;
	v25 =	vadd.s32 $0xFFFFFFFF, v23;
	[tilespmem:$0x9A0] =	vst v22  }
0x262: {  	v30 =	vmul.u32 $0x5, v16;
	v29 =	vadd.s32 v24, v11;
	v28 =	vadd.s32 $0xFFFFFFFF, v26;
	[tilespmem:$0x9B0] =	vst v25  }
0x263: {  	v32 =	vadd.s32 v27, v18;
	v31 =	vadd.s32 $0xFFFFFFFF, v29;
	[tilespmem:$0x9C0] =	vst v28  }
0x264: {  	v34 =	vadd.s32 v30, v21;
	v33 =	vadd.s32 $0xFFFFFFFF, v32;
	[tilespmem:$0x9D0] =	vst v31  }
0x265: {  	v35 =	vadd.s32 $0xFFFFFFFF, v34;
	[tilespmem:$0x9E0] =	vst v33  }
0x266: {  	[tilespmem:$0x9F0] =	vst v35  }
0x267: {  	_ =	swait.ge [sflag:s10], $0x4000  }
0x268: {  	[sflag:s10] =	ssyncset.done $0x0  }
0x269: {  	s4 =	simm.s32 $0x8C00;
	s22 =	simm.s32 $0x900;
	[sflag:s10] =	ssyncadd.s32 $0xFFFFC000  }
0x26a: {  	[tilespmem:s4], [sflag:$0x8] =	stream.indirect.gather [spmem:s1], $0x80, s22, s8, $0xb8;
	[tilespmem:$0x14E58] =	vst v63  }
0x26b: {  	_ =	swait.ge [sflag:s28], $0x4000  }
0x26c: {  	s25 =	sld [smem:$0x7F8]  }
0x26d: {  	[sflag:s28] =	ssyncset.done $0x0  }
0x26e: {  	[sflag:s28] =	ssyncadd.s32 $0xFFFFC000  }
0x26f: {  	[hbm4b:s25+s2] =	stream.linear.scatter [tilespmem:s3], [sflag:$0xC], $0x4000, $0x38;
	[tilespmem:$0x14E58] =	vst v63  }
0x270: {  	_ =	swait.ge [sflag:s29], $0x80  }
0x271: {  	[sflag:s29] =	ssyncset.done $0x0  }
0x272: {  	[sflag:s29] =	ssyncadd.s32 $0xFFFFFF80  }
0x273: {  	_ =	swait.ge [sflag:s29], $0x80  }
0x274: {  	[sflag:s29] =	ssyncset.done $0x0  }
0x275: {  	[sflag:s29] =	ssyncadd.s32 $0xFFFFFF80  }
0x276: {  	v36 =	vld [tilespmem:$0x200]  }
0x277: {  	v37 =	vld [tilespmem:$0x600]  }
0x278: {  	v38 =	vld [tilespmem:$0x210]  }
0x279: {  	v39 =	vld [tilespmem:$0x610]  }
0x27a: {  	v40 =	vld [tilespmem:$0x220]  }
0x27b: {  	v41 =	vld [tilespmem:$0x620]  }
0x27c: {  	v42 =	vld [tilespmem:$0x230]  }
0x27d: {  	v43 =	vld [tilespmem:$0x630]  }
0x27e: {  	v44 =	vld [tilespmem:$0x240]  }
0x27f: {  	v45 =	vld [tilespmem:$0x640]  }
0x280: {  	v46 =	vld [tilespmem:$0x250]  }
0x281: {  	v47 =	vld [tilespmem:$0x650];
	v0 =	vmul.u32 $0x5, v36  }
0x282: {  	v48 =	vld [tilespmem:$0x260];
	v2 =	vmul.u32 $0x5, v38  }
0x283: {  	v50 =	vld [tilespmem:$0x270];
	v49 =	vmul.u32 $0x5, v40;
	v0 =	vadd.s32 v0, v37  }
0x284: {  	v52 =	vld [tilespmem:$0x660];
	v51 =	vmul.u32 $0x5, v42;
	v2 =	vadd.s32 v2, v39;
	v0 =	vadd.s32 $0xFFFFFFFF, v0  }
0x285: {  	v55 =	vld [tilespmem:$0x670];
	v54 =	vmul.u32 $0x5, v44;
	v1 =	vadd.s32 v49, v41;
	v53 =	vadd.s32 $0xFFFFFFFF, v2;
	[tilespmem:$0xA00] =	vst v0  }
0x286: {  	v57 =	vmul.u32 $0x5, v46;
	v56 =	vadd.s32 v51, v43;
	v1 =	vadd.s32 $0xFFFFFFFF, v1;
	[tilespmem:$0xA10] =	vst v53  }
0x287: {  	v59 =	vmul.u32 $0x5, v48;
	v58 =	vadd.s32 v54, v45;
	[tilespmem:$0xA20] =	vst v1;
	v0 =	vadd.s32 $0xFFFFFFFF, v56  }
0x288: {  	v61 =	vmul.u32 $0x5, v50;
	v60 =	vadd.s32 v57, v47;
	v1 =	vadd.s32 $0xFFFFFFFF, v58;
	[tilespmem:$0xA30] =	vst v0  }
0x289: {  	v62 =	vadd.s32 v59, v52;
	[tilespmem:$0xA40] =	vst v1;
	v0 =	vadd.s32 $0xFFFFFFFF, v60  }
0x28a: {  	v63 =	vadd.s32 v61, v55;
	v1 =	vadd.s32 $0xFFFFFFFF, v62;
	[tilespmem:$0xA50] =	vst v0  }
0x28b: {  	[tilespmem:$0xA60] =	vst v1;
	v0 =	vadd.s32 $0xFFFFFFFF, v63  }
0x28c: {  	[tilespmem:$0xA70] =	vst v0  }
0x28d: {  	_ =	swait.ge [sflag:s11], $0x4000  }
0x28e: {  	[sflag:s11] =	ssyncset.done $0x0  }
0x28f: {  	s26 =	simm.s32 $0xCC00;
	s14 =	simm.s32 $0x980;
	[sflag:s11] =	ssyncadd.s32 $0xFFFFC000  }
0x290: {  	[tilespmem:s26], [sflag:$0x9] =	stream.indirect.gather [spmem:s1], $0x80, s14, s8, $0xb8;
	[tilespmem:$0x14E58] =	vst v63  }
0x291: {  	_ =	swait.ge [sflag:s0], $0x4000  }
0x292: {  	s15 =	sld [smem:$0x7F9]  }
0x293: {  	[sflag:s0] =	ssyncset.done $0x0  }
0x294: {  	[sflag:s0] =	ssyncadd.s32 $0xFFFFC000  }
0x295: {  	[hbm4b:s15+s2] =	stream.linear.scatter [tilespmem:s4], [sflag:$0xD], $0x4000, $0x38;
	[tilespmem:$0x14E58] =	vst v63  }
0x296: {  	_ =	swait.ge [sflag:s12], $0x4000  }
0x297: {  	[sflag:s12] =	ssyncset.done $0x0  }
0x298: {  	s19 =	simm.s32 $0x10C00;
	s20 =	simm.s32 $0xA00;
	[sflag:s12] =	ssyncadd.s32 $0xFFFFC000  }
0x299: {  	[tilespmem:s19], [sflag:$0xA] =	stream.indirect.gather [spmem:s1], $0x80, s20, s8, $0xb8;
	[tilespmem:$0x14E58] =	vst v63  }
0x29a: {  	_ =	swait.ge [sflag:s5], $0x4000  }
0x29b: {  	s21 =	sld [smem:$0x7FA]  }
0x29c: {  	[sflag:s5] =	ssyncset.done $0x0  }
0x29d: {  	[sflag:s5] =	ssyncadd.s32 $0xFFFFC000  }
0x29e: {  	[hbm4b:s21+s2] =	stream.linear.scatter [tilespmem:s26], [sflag:$0xE], $0x4000, $0x38;
	[tilespmem:$0x14E58] =	vst v63  }
0x29f: {  	_ =	swait.ge [sflag:s7], $0x4000  }
0x2a0: {  	s22 =	sld [smem:$0x7FB]  }
0x2a1: {  	[sflag:s7] =	ssyncset.done $0x0  }
0x2a2: {  	[sflag:s7] =	ssyncadd.s32 $0xFFFFC000  }
0x2a3: {  	[hbm4b:s22+s2] =	stream.linear.scatter [tilespmem:s19], [sflag:$0xF], $0x4000, $0x38;
	[tilespmem:$0x14E58] =	vst v63  }
0x2a4: {  	_ =	swait.ge [sflag:s6], $0x4000  }
0x2a5: {  	[sflag:s6] =	ssyncset.done $0x0  }
0x2a6: {  	[sflag:s6] =	ssyncadd.s32 $0xFFFFC000  }
0x2a7: {  	_ =	swait.ge [sflag:s9], $0x4000  }
0x2a8: {  	[sflag:s9] =	ssyncset.done $0x0  }
0x2a9: {  	[sflag:s9] =	ssyncadd.s32 $0xFFFFC000  }
0x2aa: {  	_ =	swait.ge [sflag:s10], $0x4000  }
0x2ab: {  	[sflag:s10] =	ssyncset.done $0x0  }
0x2ac: {  	[sflag:s10] =	ssyncadd.s32 $0xFFFFC000  }
0x2ad: {  	_ =	swait.ge [sflag:s11], $0x4000  }
0x2ae: {  	[sflag:s11] =	ssyncset.done $0x0  }
0x2af: {  	[sflag:s11] =	ssyncadd.s32 $0xFFFFC000  }
0x2b0: {  	_ =	swait.ge [sflag:s12], $0x4000  }
0x2b1: {  	s25 =	sld [smem:$0x7EE]  }
0x2b2: {  	s26 =	sld [smem:$0x7FC];
	_ =	sdelay $0x1  }
0x2b3: {  	s4 =	sadd.s32 $0x1, s25  }
0x2b4: {  	p1 =	sne.s32 s4, s26  }
.Ltmp1:
0x2b5: {  	_ = 	snop;
	(pc) =	sbr.rel @p1 .LBB2_1-.Ltmp1, $4  }
0x2b6: {  	s30 =	simm.s32 $0x180;
	s31 =	simm.s32 $0x800  }
0x2b7: {  	s3 =	simm.s32 $0x500;
	s20 =	simm.s32 $0x580;
	s21 =	simm.s32 $0x480  }
0x2b8: {  	s19 =	simm.s32 $0x400;
	s22 =	simm.s32 $0x200;
	[sflag:s12] =	ssyncset.done $0x0  }
0x2b9: {  	[sflag:s12] =	ssyncadd.s32 $0xFFFFC000;
	s25 =	simm.s32 $0x100;
	s26 =	simm.s32 $0x600  }
0x2ba: {  	_ =	sfence.sel $0x180000  }
0x2bb: {  	[bflag:$0x0] =	sbarrier.arrive $0xFFFF  }
0x2bc: {  	_ =	strace $0x90000047  }
0x2bd: {  	[bflag:$0x2] =	sbarrier.arrive $0xFFFF  }
0x2be: {  	s0 =	rddreg [dreg:$0x3]  }
0x2bf: {  	s0 =	sadd.s32 @!p0 $0x100000, s0  }
0x2c0: {  	[sflag:s0] =	ssyncadd.tile.s32 @!p0 $0x1;
	_ =	shalt  }
.Lfunc_end2:
_tile_overlayer_lowered:
.L_overlay_start_2:
0x2c1: {  	(tag) =	ssettag $0x2  }
0x2c2: {  	s0 =	rddreg [dreg:$0x0];
	s2 =	stileid.u32  }
0x2c3: {  	s1 =	rddreg [dreg:$0x1];
	p0 =	sne.s32 s2, $0x0  }
0x2c4: {  	s3 =	rddreg [dreg:$0x2];
	[bflag:$0x3] =	sbarrier.arrive $0xFFFF;
	s2 =	simm.s32 @!p0 $0x1C10  }
0x2c5: {  	[timem:s3], [sflag:s2] =	dma.local @!p0 [hbm:s0], s1  }
0x2c6: {  	s0 =	simm.s32 @!p0 $0x10  }
0x2c7: {  	_ =	swait.ge @!p0 [sflag:s0], s1  }
0x2c8: {  	s1 =	ssub.s32 @!p0 $0x0, s1;
	[sflag:s0] =	ssyncset.done @!p0 $0x0  }
0x2c9: {  	[sflag:s0] =	ssyncadd.s32 @!p0 s1  }
0x2ca: {  	[bflag:$0x3] =	sbarrier.arrive $0xFFFF  }
0x2cb: {  	_ =	shalt  }

</sc_bundles>
